<compile_context>
chip_gen: v7x
topology: tpu7x:2x2x1
jax: 0.10.2.dev20260603
libtpu: 0.0.44.dev20260713+nightly
codegen_flags: <defaults>
</compile_context>

<pallas_src>
import functools

import jax
import jax.numpy as jnp
from jax import lax
from jax.experimental import pallas as pl
from jax.experimental.pallas import tpu as pltpu
from jax.experimental.pallas import tpu_sc as plsc

N_NODES = 10000
N_EDGES = 320000
D_IN = 128
D_OUT = 128
HALF = 64

NC = 2
NS = 16
EDGES_PER_SUBCORE = N_EDGES // NS
CH = 80
NCHUNK = EDGES_PER_SUBCORE // CH
N_PAD = 10240
ROWS_PER_TILE = N_PAD // NS



def _mm_body(a_ref, b_ref, w_ref, o_ref):
    o_ref[...] = (
        jnp.dot(a_ref[0], w_ref[:HALF, :], preferred_element_type=jnp.float32)
        + jnp.dot(b_ref[0], w_ref[HALF:, :], preferred_element_type=jnp.float32)
    )


def _matmul(agg2, W):
    R = 1000
    return pl.pallas_call(
        _mm_body,
        grid=(N_NODES // R,),
        in_specs=[
            pl.BlockSpec((1, R, HALF), lambda i: (0, i, 0)),
            pl.BlockSpec((1, R, HALF), lambda i: (1, i, 0)),
            pl.BlockSpec((D_IN, D_OUT), lambda i: (0, 0)),
        ],
        out_specs=pl.BlockSpec((R, D_OUT), lambda i: (i, 0)),
        out_shape=jax.ShapeDtypeStruct((N_NODES, D_OUT), jnp.float32),
    )(agg2, agg2, W)



@functools.partial(
    pl.kernel,
    mesh=plsc.VectorSubcoreMesh(core_axis_name="c", subcore_axis_name="s"),
    out_type=jax.ShapeDtypeStruct((NC, N_PAD, HALF), jnp.float32),
    scratch_types=[
        pltpu.VMEM((NCHUNK, CH), jnp.int32),
        pltpu.VMEM((NCHUNK, CH), jnp.int32),
        pltpu.VMEM((NCHUNK, CH), jnp.float32),
        pltpu.VMEM((CH, HALF), jnp.float32),
        pltpu.VMEM((CH, HALF), jnp.float32),
        pltpu.VMEM((CH, HALF), jnp.float32),
        pltpu.VMEM((CH, HALF), jnp.float32),
        pltpu.VMEM_SHARED((N_PAD, HALF), jnp.float32),
        pltpu.SemaphoreType.DMA,
        pltpu.SemaphoreType.DMA,
        pltpu.SemaphoreType.DMA,
        pltpu.SemaphoreType.DMA,
    ],
    compiler_params=pltpu.CompilerParams(use_tc_tiling_on_sc=False),
)
def _sc_agg(x_lo, x_hi, ei_h, wgt_h, zero_h, out_h,
            src_v, dst_v, wgt_v, graw0_v, graw1_v, sbuf0_v, sbuf1_v,
            acc_s, gsem0, gsem1, ssem0, ssem1):
    c = lax.axis_index("c")
    s = lax.axis_index("s")

    zc = pltpu.async_copy(
        zero_h, acc_s.at[pl.ds(s * ROWS_PER_TILE, ROWS_PER_TILE)], gsem0)
    sc = pltpu.async_copy(ei_h.at[0, s], src_v, gsem1)
    dc = pltpu.async_copy(ei_h.at[1, s], dst_v, ssem0)
    wc = pltpu.async_copy(wgt_h.at[s], wgt_v, ssem1)
    zc.wait()
    sc.wait()
    dc.wait()
    wc.wait()
    plsc.subcore_barrier()

    def run_edges(x_h):
        bufs = ((graw0_v, sbuf0_v, gsem0, ssem0),
                (graw1_v, sbuf1_v, gsem1, ssem1))

        pltpu.async_copy(x_h.at[src_v.at[0]], graw0_v, gsem0)
        pltpu.async_copy(x_h.at[src_v.at[1]], graw1_v, gsem1)

        def do_pair(i, carry):
            for b in range(2):
                graw_v, sbuf_v, gsem, ssem = bufs[b]
                k = 2 * i + b
                pltpu.make_async_copy(x_h.at[src_v.at[k]], graw_v, gsem).wait()

                @pl.when(i >= 1)
                def _(sbuf_v=sbuf_v, ssem=ssem):
                    pltpu.make_async_copy(
                        sbuf_v, acc_s.at[dst_v.at[0]], ssem).wait()

                def mul_grp(g, carry2, graw_v=graw_v, sbuf_v=sbuf_v, k=k):
                    wv = wgt_v[k, pl.ds(g * 16, 16)]
                    for t in range(16):
                        e = g * 16 + t
                        w = wv[t]
                        for j in range(HALF // 16):
                            sl = pl.ds(j * 16, 16)
                            sbuf_v[e, sl] = graw_v[e, sl] * w
                    return carry2

                lax.fori_loop(0, CH // 16, mul_grp, 0)

                @pl.when(i < NCHUNK // 2 - 1)
                def _(graw_v=graw_v, gsem=gsem, k=k):
                    pltpu.async_copy(x_h.at[src_v.at[k + 2]], graw_v, gsem)

                pltpu.async_copy(sbuf_v, acc_s.at[dst_v.at[k]], ssem, add=True)

            return carry

        lax.fori_loop(0, NCHUNK // 2, do_pair, 0)

        pltpu.make_async_copy(sbuf0_v, acc_s.at[dst_v.at[0]], ssem0).wait()
        pltpu.make_async_copy(sbuf1_v, acc_s.at[dst_v.at[0]], ssem1).wait()

    @pl.when(c == 0)
    def _():
        run_edges(x_lo)

    @pl.when(c == 1)
    def _():
        run_edges(x_hi)

    plsc.subcore_barrier()
    pltpu.sync_copy(
        acc_s.at[pl.ds(s * ROWS_PER_TILE, ROWS_PER_TILE)],
        out_h.at[c, pl.ds(s * ROWS_PER_TILE, ROWS_PER_TILE)],
    )


def kernel(x, edge_index, edge_weight, W):
    ei4 = edge_index.astype(jnp.int32).reshape(2, NS, NCHUNK, CH)
    x_lo = x[:, :HALF]
    x_hi = x[:, HALF:]
    wgt3 = edge_weight.reshape(NS, NCHUNK, CH)
    zeros = jnp.zeros((ROWS_PER_TILE, HALF), jnp.float32)
    agg2 = _sc_agg(x_lo, x_hi, ei4, wgt3, zeros)
    return _matmul(agg2, W)

# --- scband reference (transcript-rebuilt; emitter-appended) ---
"""Pipeline reference for scband-graph-convolution-20298015441173 (READ-ONLY COPY).

The authoritative reference and input builder live on the scoring server;
editing this copy changes nothing except your own understanding.
"""

import jax, jax.numpy as jnp
import numpy as np

N_NODES = 10000
N_EDGES = 320000
D_IN = 128
D_OUT = 128


def glorot_limit(fan_in, fan_out):
    return np.sqrt(6.0 / (fan_in + fan_out))


def setup_inputs(seed: int = 0) -> dict:
    key = jax.random.key(seed)
    k_x, k_ei, k_ew, k_w = jax.random.split(key, 4)
    x = jax.random.normal(k_x, (N_NODES, D_IN), dtype=jnp.float32)
    edge_index = jax.random.randint(k_ei, (2, N_EDGES), 0, N_NODES, dtype=jnp.int64)
    edge_weight = jax.random.uniform(k_ew, (N_EDGES,), dtype=jnp.float32)
    lim = glorot_limit(D_IN, D_OUT)
    W = jax.random.uniform(k_w, (D_IN, D_OUT), minval=-lim, maxval=lim, dtype=jnp.float32)
    return {"x": x, "edge_index": edge_index, "edge_weight": edge_weight, "W": W}


def reference(x, edge_index, edge_weight, W):
    # GraphConvolution with variable_support=True:
    #   pre_sup = x @ W
    #   output  = sparse_support @ pre_sup   (sparse adjacency matmul)
    # Sparse support is given in COO form: edge_index[0]=src (col), edge_index[1]=dst (row),
    # edge_weight = nonzero values.
    pre_sup = jnp.matmul(x, W)
    src = edge_index[0]
    dst = edge_index[1]
    msgs = jnp.take(pre_sup, src, axis=0) * edge_weight[:, None]
    output = jax.ops.segment_sum(msgs, dst, num_segments=x.shape[0])
    return output

if __name__ == "__main__":
    import jax
    _d = setup_inputs()
    print(jax.jit(kernel)(*tuple(_d.values())))

</pallas_src>

<mosaic_0001>
#map = affine_map<(d0, d1) -> (0, 0)>
#map1 = affine_map<(d0, d1) -> (0, 0, 0, 0)>
#map2 = affine_map<(d0, d1) -> (0, 0, 0)>
module attributes {stable_mosaic.version = 14 : i64} {
  func.func @_sc_agg(%arg0: i32, %arg1: i32, %arg2: memref<10000x64xf32, #tpu.memory_space<hbm>>, %arg3: memref<10000x64xf32, #tpu.memory_space<hbm>>, %arg4: memref<2x16x250x80xi32, #tpu.memory_space<hbm>>, %arg5: memref<16x250x80xf32, #tpu.memory_space<hbm>>, %arg6: memref<640x64xf32, #tpu.memory_space<hbm>>, %arg7: memref<2x10240x64xf32, #tpu.memory_space<hbm>>, %arg8: memref<250x80xi32, #tpu.memory_space<vmem>>, %arg9: memref<250x80xi32, #tpu.memory_space<vmem>>, %arg10: memref<250x80xf32, #tpu.memory_space<vmem>>, %arg11: memref<80x64xf32, #tpu.memory_space<vmem>>, %arg12: memref<80x64xf32, #tpu.memory_space<vmem>>, %arg13: memref<80x64xf32, #tpu.memory_space<vmem>>, %arg14: memref<80x64xf32, #tpu.memory_space<vmem>>, %arg15: memref<10240x64xf32, #tpu.memory_space<vmem_shared>>, %arg16: memref<!tpu.dma_semaphore, #tpu.memory_space<semaphore_mem>>, %arg17: memref<!tpu.dma_semaphore, #tpu.memory_space<semaphore_mem>>, %arg18: memref<!tpu.dma_semaphore, #tpu.memory_space<semaphore_mem>>, %arg19: memref<!tpu.dma_semaphore, #tpu.memory_space<semaphore_mem>>) attributes {dimension_semantics = [#tpu.dimension_semantics<core_parallel>, #tpu.dimension_semantics<subcore_parallel>], iteration_bounds = array<i64: 2, 16>, scalar_prefetch = 0 : i64, scratch_operands = 12 : i64, tpu.core_type = #tpu.core_type<sc_vector_subcore>, window_params = [{transform_indices = #map}, {transform_indices = #map}, {transform_indices = #map1}, {transform_indices = #map2}, {transform_indices = #map}, {transform_indices = #map2}]} {
    %mul3A = arith.constant 640 : i32
    %mul3A_0 = arith.muli %arg1, %mul3A : i32
    %dma_start3A = arith.constant 0 : i32
    %dma_start3A_1 = tpu.memref_slice %arg15[%mul3A_0, %dma_start3A] : memref<10240x64xf32, #tpu.memory_space<vmem_shared>> -> memref<640x64xf32, #tpu.memory_space<vmem_shared>>
    tpu.enqueue_dma source(%arg6 : memref<640x64xf32, #tpu.memory_space<hbm>>) target(%dma_start3A_1 : memref<640x64xf32, #tpu.memory_space<vmem_shared>>) target_semaphore(%arg16 : memref<!tpu.dma_semaphore, #tpu.memory_space<semaphore_mem>>)
    %dma_start3A_2 = arith.constant 0 : i32
    %dma_start3A_3 = arith.constant 0 : i32
    %dma_start3A_4 = arith.constant 0 : i32
    %dma_start3A_5 = tpu.memref_slice %arg4[%dma_start3A_2, %arg1, %dma_start3A_3, %dma_start3A_4] : memref<2x16x250x80xi32, #tpu.memory_space<hbm>> -> memref<1x1x250x80xi32, #tpu.memory_space<hbm>>
    %dma_start3A_6 = tpu.memref_squeeze %dma_start3A_5 : memref<1x1x250x80xi32, #tpu.memory_space<hbm>> -> memref<250x80xi32, #tpu.memory_space<hbm>>
    %dma_start3A_7 = arith.constant 0 : i32
    %dma_start3A_8 = arith.constant 0 : i32
    %dma_start3A_9 = tpu.memref_slice %arg4[%dma_start3A_2, %arg1, %dma_start3A_7, %dma_start3A_8] : memref<2x16x250x80xi32, #tpu.memory_space<hbm>> -> memref<1x1x250x80xi32, #tpu.memory_space<hbm>>
    %dma_start3A_10 = tpu.memref_squeeze %dma_start3A_9 : memref<1x1x250x80xi32, #tpu.memory_space<hbm>> -> memref<250x80xi32, #tpu.memory_space<hbm>>
    tpu.enqueue_dma source(%dma_start3A_10 : memref<250x80xi32, #tpu.memory_space<hbm>>) target(%arg8 : memref<250x80xi32, #tpu.memory_space<vmem>>) target_semaphore(%arg17 : memref<!tpu.dma_semaphore, #tpu.memory_space<semaphore_mem>>)
    %dma_start3A_11 = arith.constant 1 : i32
    %dma_start3A_12 = arith.constant 0 : i32
    %dma_start3A_13 = arith.constant 0 : i32
    %dma_start3A_14 = tpu.memref_slice %arg4[%dma_start3A_11, %arg1, %dma_start3A_12, %dma_start3A_13] : memref<2x16x250x80xi32, #tpu.memory_space<hbm>> -> memref<1x1x250x80xi32, #tpu.memory_space<hbm>>
    %dma_start3A_15 = tpu.memref_squeeze %dma_start3A_14 : memref<1x1x250x80xi32, #tpu.memory_space<hbm>> -> memref<250x80xi32, #tpu.memory_space<hbm>>
    %dma_start3A_16 = arith.constant 0 : i32
    %dma_start3A_17 = arith.constant 0 : i32
    %dma_start3A_18 = tpu.memref_slice %arg4[%dma_start3A_11, %arg1, %dma_start3A_16, %dma_start3A_17] : memref<2x16x250x80xi32, #tpu.memory_space<hbm>> -> memref<1x1x250x80xi32, #tpu.memory_space<hbm>>
    %dma_start3A_19 = tpu.memref_squeeze %dma_start3A_18 : memref<1x1x250x80xi32, #tpu.memory_space<hbm>> -> memref<250x80xi32, #tpu.memory_space<hbm>>
    tpu.enqueue_dma source(%dma_start3A_19 : memref<250x80xi32, #tpu.memory_space<hbm>>) target(%arg9 : memref<250x80xi32, #tpu.memory_space<vmem>>) target_semaphore(%arg18 : memref<!tpu.dma_semaphore, #tpu.memory_space<semaphore_mem>>)
    %dma_start3A_20 = arith.constant 0 : i32
    %dma_start3A_21 = arith.constant 0 : i32
    %dma_start3A_22 = tpu.memref_slice %arg5[%arg1, %dma_start3A_20, %dma_start3A_21] : memref<16x250x80xf32, #tpu.memory_space<hbm>> -> memref<1x250x80xf32, #tpu.memory_space<hbm>>
    %dma_start3A_23 = tpu.memref_squeeze %dma_start3A_22 : memref<1x250x80xf32, #tpu.memory_space<hbm>> -> memref<250x80xf32, #tpu.memory_space<hbm>>
    %dma_start3A_24 = arith.constant 0 : i32
    %dma_start3A_25 = arith.constant 0 : i32
    %dma_start3A_26 = tpu.memref_slice %arg5[%arg1, %dma_start3A_24, %dma_start3A_25] : memref<16x250x80xf32, #tpu.memory_space<hbm>> -> memref<1x250x80xf32, #tpu.memory_space<hbm>>
    %dma_start3A_27 = tpu.memref_squeeze %dma_start3A_26 : memref<1x250x80xf32, #tpu.memory_space<hbm>> -> memref<250x80xf32, #tpu.memory_space<hbm>>
    tpu.enqueue_dma source(%dma_start3A_27 : memref<250x80xf32, #tpu.memory_space<hbm>>) target(%arg10 : memref<250x80xf32, #tpu.memory_space<vmem>>) target_semaphore(%arg19 : memref<!tpu.dma_semaphore, #tpu.memory_space<semaphore_mem>>)
    %dma_wait3A = arith.constant 0 : i32
    %dma_wait3A_28 = tpu.memref_slice %arg15[%mul3A_0, %dma_wait3A] : memref<10240x64xf32, #tpu.memory_space<vmem_shared>> -> memref<640x64xf32, #tpu.memory_space<vmem_shared>>
    tpu.wait_dma2 semaphore(%arg16 : memref<!tpu.dma_semaphore, #tpu.memory_space<semaphore_mem>>) src(%arg6 : memref<640x64xf32, #tpu.memory_space<hbm>>) dst(%dma_wait3A_28 : memref<640x64xf32, #tpu.memory_space<vmem_shared>>)
    %dma_wait3A_29 = arith.constant 0 : i32
    %dma_wait3A_30 = arith.constant 0 : i32
    %dma_wait3A_31 = arith.constant 0 : i32
    %dma_wait3A_32 = tpu.memref_slice %arg4[%dma_wait3A_29, %arg1, %dma_wait3A_30, %dma_wait3A_31] : memref<2x16x250x80xi32, #tpu.memory_space<hbm>> -> memref<1x1x250x80xi32, #tpu.memory_space<hbm>>
    %dma_wait3A_33 = tpu.memref_squeeze %dma_wait3A_32 : memref<1x1x250x80xi32, #tpu.memory_space<hbm>> -> memref<250x80xi32, #tpu.memory_space<hbm>>
    %dma_wait3A_34 = arith.constant 0 : i32
    %dma_wait3A_35 = arith.constant 0 : i32
    %dma_wait3A_36 = tpu.memref_slice %arg4[%dma_wait3A_29, %arg1, %dma_wait3A_34, %dma_wait3A_35] : memref<2x16x250x80xi32, #tpu.memory_space<hbm>> -> memref<1x1x250x80xi32, #tpu.memory_space<hbm>>
    %dma_wait3A_37 = tpu.memref_squeeze %dma_wait3A_36 : memref<1x1x250x80xi32, #tpu.memory_space<hbm>> -> memref<250x80xi32, #tpu.memory_space<hbm>>
    tpu.wait_dma2 semaphore(%arg17 : memref<!tpu.dma_semaphore, #tpu.memory_space<semaphore_mem>>) src(%dma_wait3A_37 : memref<250x80xi32, #tpu.memory_space<hbm>>) dst(%arg8 : memref<250x80xi32, #tpu.memory_space<vmem>>)
    %dma_wait3A_38 = arith.constant 1 : i32
    %dma_wait3A_39 = arith.constant 0 : i32
    %dma_wait3A_40 = arith.constant 0 : i32
    %dma_wait3A_41 = tpu.memref_slice %arg4[%dma_wait3A_38, %arg1, %dma_wait3A_39, %dma_wait3A_40] : memref<2x16x250x80xi32, #tpu.memory_space<hbm>> -> memref<1x1x250x80xi32, #tpu.memory_space<hbm>>
    %dma_wait3A_42 = tpu.memref_squeeze %dma_wait3A_41 : memref<1x1x250x80xi32, #tpu.memory_space<hbm>> -> memref<250x80xi32, #tpu.memory_space<hbm>>
    %dma_wait3A_43 = arith.constant 0 : i32
    %dma_wait3A_44 = arith.constant 0 : i32
    %dma_wait3A_45 = tpu.memref_slice %arg4[%dma_wait3A_38, %arg1, %dma_wait3A_43, %dma_wait3A_44] : memref<2x16x250x80xi32, #tpu.memory_space<hbm>> -> memref<1x1x250x80xi32, #tpu.memory_space<hbm>>
    %dma_wait3A_46 = tpu.memref_squeeze %dma_wait3A_45 : memref<1x1x250x80xi32, #tpu.memory_space<hbm>> -> memref<250x80xi32, #tpu.memory_space<hbm>>
    tpu.wait_dma2 semaphore(%arg18 : memref<!tpu.dma_semaphore, #tpu.memory_space<semaphore_mem>>) src(%dma_wait3A_46 : memref<250x80xi32, #tpu.memory_space<hbm>>) dst(%arg9 : memref<250x80xi32, #tpu.memory_space<vmem>>)
    %dma_wait3A_47 = arith.constant 0 : i32
    %dma_wait3A_48 = arith.constant 0 : i32
    %dma_wait3A_49 = tpu.memref_slice %arg5[%arg1, %dma_wait3A_47, %dma_wait3A_48] : memref<16x250x80xf32, #tpu.memory_space<hbm>> -> memref<1x250x80xf32, #tpu.memory_space<hbm>>
    %dma_wait3A_50 = tpu.memref_squeeze %dma_wait3A_49 : memref<1x250x80xf32, #tpu.memory_space<hbm>> -> memref<250x80xf32, #tpu.memory_space<hbm>>
    %dma_wait3A_51 = arith.constant 0 : i32
    %dma_wait3A_52 = arith.constant 0 : i32
    %dma_wait3A_53 = tpu.memref_slice %arg5[%arg1, %dma_wait3A_51, %dma_wait3A_52] : memref<16x250x80xf32, #tpu.memory_space<hbm>> -> memref<1x250x80xf32, #tpu.memory_space<hbm>>
    %dma_wait3A_54 = tpu.memref_squeeze %dma_wait3A_53 : memref<1x250x80xf32, #tpu.memory_space<hbm>> -> memref<250x80xf32, #tpu.memory_space<hbm>>
    tpu.wait_dma2 semaphore(%arg19 : memref<!tpu.dma_semaphore, #tpu.memory_space<semaphore_mem>>) src(%dma_wait3A_54 : memref<250x80xf32, #tpu.memory_space<hbm>>) dst(%arg10 : memref<250x80xf32, #tpu.memory_space<vmem>>)
    %barrier3A = arith.constant 0 : index
    tpu.barrier barrier_id(%barrier3A)
    %eq3A = arith.constant 0 : i32
    %eq3A_55 = arith.cmpi eq, %arg0, %eq3A : i32
    %convert_element_type3A = arith.extui %eq3A_55 : i1 to i32
    %cond3A = arith.constant 0 : i32
    %cond3A_56 = arith.cmpi ne, %convert_element_type3A, %cond3A : i32
    scf.if %cond3A_56 {
      %dma_start3A_67 = arith.constant 0 : i32
      %dma_start3A_68 = arith.constant 0 : i32
      %dma_start3A_69 = tpu.memref_slice %arg8[%dma_start3A_67, %dma_start3A_68] : memref<250x80xi32, #tpu.memory_space<vmem>> -> memref<1x80xi32, #tpu.memory_space<vmem>>
      %dma_start3A_70 = tpu.memref_squeeze %dma_start3A_69 : memref<1x80xi32, #tpu.memory_space<vmem>> -> memref<80xi32, #tpu.memory_space<vmem>>
      %dma_start3A_71 = arith.constant 0 : i32
      %dma_start3A_72 = arith.constant 0 : i32
      %dma_start3A_73 = tpu.memref_slice %arg2[%dma_start3A_71, %dma_start3A_72] : memref<10000x64xf32, #tpu.memory_space<hbm>> -> memref<10000x64xf32, #tpu.memory_space<hbm>>
      tpu.enqueue_indirect_dma source(%dma_start3A_73 : memref<10000x64xf32, #tpu.memory_space<hbm>>) target(%arg11 : memref<80x64xf32, #tpu.memory_space<vmem>>) offsets(%dma_start3A_70 : memref<80xi32, #tpu.memory_space<vmem>>) semaphore(%arg16 : memref<!tpu.dma_semaphore, #tpu.memory_space<semaphore_mem>>)
      %dma_start3A_74 = arith.constant 1 : i32
      %dma_start3A_75 = arith.constant 0 : i32
      %dma_start3A_76 = tpu.memref_slice %arg8[%dma_start3A_74, %dma_start3A_75] : memref<250x80xi32, #tpu.memory_space<vmem>> -> memref<1x80xi32, #tpu.memory_space<vmem>>
      %dma_start3A_77 = tpu.memref_squeeze %dma_start3A_76 : memref<1x80xi32, #tpu.memory_space<vmem>> -> memref<80xi32, #tpu.memory_space<vmem>>
      %dma_start3A_78 = arith.constant 0 : i32
      %dma_start3A_79 = arith.constant 0 : i32
      %dma_start3A_80 = tpu.memref_slice %arg2[%dma_start3A_78, %dma_start3A_79] : memref<10000x64xf32, #tpu.memory_space<hbm>> -> memref<10000x64xf32, #tpu.memory_space<hbm>>
      tpu.enqueue_indirect_dma source(%dma_start3A_80 : memref<10000x64xf32, #tpu.memory_space<hbm>>) target(%arg12 : memref<80x64xf32, #tpu.memory_space<vmem>>) offsets(%dma_start3A_77 : memref<80xi32, #tpu.memory_space<vmem>>) semaphore(%arg17 : memref<!tpu.dma_semaphore, #tpu.memory_space<semaphore_mem>>)
      %scan3A = arith.constant 0 : i32
      %scan3A_81 = arith.constant 0 : i32
      %scan3A_82 = arith.constant 125 : i32
      %scan3A_83 = arith.addi %scan3A_81, %scan3A_82 : i32
      %scan3A_84 = arith.constant 1 : i32
      scf.for %scan3A_100 = %scan3A_81 to %scan3A_83 step %scan3A_84  : i32 {
        %mul3A_101 = arith.constant 2 : i32
        %mul3A_102 = arith.muli %mul3A_101, %scan3A_100 : i32
        %add3A = arith.constant 0 : i32
        %add3A_103 = arith.addi %mul3A_102, %add3A : i32
        %dma_wait3A_104 = arith.constant 0 : i32
        %dma_wait3A_105 = tpu.memref_slice %arg8[%add3A_103, %dma_wait3A_104] : memref<250x80xi32, #tpu.memory_space<vmem>> -> memref<1x80xi32, #tpu.memory_space<vmem>>
        %dma_wait3A_106 = tpu.memref_squeeze %dma_wait3A_105 : memref<1x80xi32, #tpu.memory_space<vmem>> -> memref<80xi32, #tpu.memory_space<vmem>>
        %dma_wait3A_107 = arith.constant 0 : i32
        %dma_wait3A_108 = arith.constant 0 : i32
        %dma_wait3A_109 = tpu.memref_slice %arg2[%dma_wait3A_107, %dma_wait3A_108] : memref<10000x64xf32, #tpu.memory_space<hbm>> -> memref<10000x64xf32, #tpu.memory_space<hbm>>
        tpu.wait_indirect_dma semaphore(%arg16 : memref<!tpu.dma_semaphore, #tpu.memory_space<semaphore_mem>>) src(%dma_wait3A_109 : memref<10000x64xf32, #tpu.memory_space<hbm>>) dst(%arg11 : memref<80x64xf32, #tpu.memory_space<vmem>>)
        %ge3A = arith.constant 1 : i32
        %ge3A_110 = arith.cmpi sge, %scan3A_100, %ge3A : i32
        %convert_element_type3A_111 = arith.extui %ge3A_110 : i1 to i32
        %cond3A_112 = arith.constant 0 : i32
        %cond3A_113 = arith.cmpi ne, %convert_element_type3A_111, %cond3A_112 : i32
        scf.if %cond3A_113 {
          %dma_wait3A_162 = arith.constant 0 : i32
          %dma_wait3A_163 = arith.constant 0 : i32
          %dma_wait3A_164 = tpu.memref_slice %arg9[%dma_wait3A_162, %dma_wait3A_163] : memref<250x80xi32, #tpu.memory_space<vmem>> -> memref<1x80xi32, #tpu.memory_space<vmem>>
          %dma_wait3A_165 = tpu.memref_squeeze %dma_wait3A_164 : memref<1x80xi32, #tpu.memory_space<vmem>> -> memref<80xi32, #tpu.memory_space<vmem>>
          %dma_wait3A_166 = arith.constant 0 : i32
          %dma_wait3A_167 = arith.constant 0 : i32
          %dma_wait3A_168 = tpu.memref_slice %arg15[%dma_wait3A_166, %dma_wait3A_167] : memref<10240x64xf32, #tpu.memory_space<vmem_shared>> -> memref<10240x64xf32, #tpu.memory_space<vmem_shared>>
          tpu.wait_indirect_dma semaphore(%arg18 : memref<!tpu.dma_semaphore, #tpu.memory_space<semaphore_mem>>) src(%arg13 : memref<80x64xf32, #tpu.memory_space<vmem>>) dst(%dma_wait3A_168 : memref<10240x64xf32, #tpu.memory_space<vmem_shared>>)
        } else {
        }
        %scan3A_114 = arith.constant 0 : i32
        %scan3A_115 = arith.constant 0 : i32
        %scan3A_116 = arith.constant 5 : i32
        %scan3A_117 = arith.addi %scan3A_115, %scan3A_116 : i32
        %scan3A_118 = arith.constant 1 : i32
        scf.for %scan3A_162 = %scan3A_115 to %scan3A_117 step %scan3A_118  : i32 {
          %mul3A_163 = arith.constant 16 : i32
          %mul3A_164 = arith.muli %scan3A_162, %mul3A_163 : i32
          %get3A = arith.index_cast %add3A_103 : i32 to index
          %get3A_165 = arith.index_cast %mul3A_164 : i32 to index
          %get3A_166 = tpu.vector_load %arg10[%get3A, %get3A_165] {strides = array<i32>} : memref<250x80xf32, #tpu.memory_space<vmem>>, vector<1x16xf32>,
          %get3A_167 = vector.shape_cast %get3A_166 : vector<1x16xf32> to vector<16xf32>
          %mul3A_168 = arith.constant 16 : i32
          %mul3A_169 = arith.muli %scan3A_162, %mul3A_168 : i32
          %add3A_170 = arith.constant 0 : i32
          %add3A_171 = arith.addi %mul3A_169, %add3A_170 : i32
          %slice3A = vector.extract_strided_slice %get3A_167 {offsets = [0], sizes = [1], strides = [1]} : vector<16xf32> to vector<1xf32>
          %squeeze3A = vector.extract %slice3A[0] : f32 from vector<1xf32>
          %get3A_172 = arith.index_cast %add3A_171 : i32 to index
          %get3A_173 = arith.constant 0 : index
          %get3A_174 = tpu.vector_load %arg11[%get3A_172, %get3A_173] {strides = array<i32>} : memref<80x64xf32, #tpu.memory_space<vmem>>, vector<1x16xf32>,
          %get3A_175 = vector.shape_cast %get3A_174 : vector<1x16xf32> to vector<16xf32>
          %mul3A_176 = vector.broadcast %squeeze3A : f32 to vector<16xf32>
          %mul3A_177 = arith.mulf %get3A_175, %mul3A_176 : vector<16xf32>
          %swap3A = arith.index_cast %add3A_171 : i32 to index
          %swap3A_178 = arith.constant 0 : index
          %swap3A_179 = tpu.vector_load %arg13[%swap3A, %swap3A_178] {strides = array<i32>} : memref<80x64xf32, #tpu.memory_space<vmem>>, vector<1x16xf32>,
          %swap3A_180 = vector.shape_cast %swap3A_179 : vector<1x16xf32> to vector<16xf32>
          %swap3A_181 = vector.shape_cast %mul3A_177 : vector<16xf32> to vector<1x16xf32>
          tpu.vector_store %arg13[%swap3A, %swap3A_178], %swap3A_181 {strides = array<i32>} : memref<80x64xf32, #tpu.memory_space<vmem>>, vector<1x16xf32>,
          %get3A_182 = arith.index_cast %add3A_171 : i32 to index
          %get3A_183 = arith.constant 16 : index
          %get3A_184 = tpu.vector_load %arg11[%get3A_182, %get3A_183] {strides = array<i32>} : memref<80x64xf32, #tpu.memory_space<vmem>>, vector<1x16xf32>,
          %get3A_185 = vector.shape_cast %get3A_184 : vector<1x16xf32> to vector<16xf32>
          %mul3A_186 = vector.broadcast %squeeze3A : f32 to vector<16xf32>
          %mul3A_187 = arith.mulf %get3A_185, %mul3A_186 : vector<16xf32>
          %swap3A_188 = arith.index_cast %add3A_171 : i32 to index
          %swap3A_189 = arith.constant 16 : index
          %swap3A_190 = tpu.vector_load %arg13[%swap3A_188, %swap3A_189] {strides = array<i32>} : memref<80x64xf32, #tpu.memory_space<vmem>>, vector<1x16xf32>,
          %swap3A_191 = vector.shape_cast %swap3A_190 : vector<1x16xf32> to vector<16xf32>
          %swap3A_192 = vector.shape_cast %mul3A_187 : vector<16xf32> to vector<1x16xf32>
          tpu.vector_store %arg13[%swap3A_188, %swap3A_189], %swap3A_192 {strides = array<i32>} : memref<80x64xf32, #tpu.memory_space<vmem>>, vector<1x16xf32>,
          %get3A_193 = arith.index_cast %add3A_171 : i32 to index
          %get3A_194 = arith.constant 32 : index
          %get3A_195 = tpu.vector_load %arg11[%get3A_193, %get3A_194] {strides = array<i32>} : memref<80x64xf32, #tpu.memory_space<vmem>>, vector<1x16xf32>,
          %get3A_196 = vector.shape_cast %get3A_195 : vector<1x16xf32> to vector<16xf32>
          %mul3A_197 = vector.broadcast %squeeze3A : f32 to vector<16xf32>
          %mul3A_198 = arith.mulf %get3A_196, %mul3A_197 : vector<16xf32>
          %swap3A_199 = arith.index_cast %add3A_171 : i32 to index
          %swap3A_200 = arith.constant 32 : index
          %swap3A_201 = tpu.vector_load %arg13[%swap3A_199, %swap3A_200] {strides = array<i32>} : memref<80x64xf32, #tpu.memory_space<vmem>>, vector<1x16xf32>,
          %swap3A_202 = vector.shape_cast %swap3A_201 : vector<1x16xf32> to vector<16xf32>
          %swap3A_203 = vector.shape_cast %mul3A_198 : vector<16xf32> to vector<1x16xf32>
          tpu.vector_store %arg13[%swap3A_199, %swap3A_200], %swap3A_203 {strides = array<i32>} : memref<80x64xf32, #tpu.memory_space<vmem>>, vector<1x16xf32>,
          %get3A_204 = arith.index_cast %add3A_171 : i32 to index
          %get3A_205 = arith.constant 48 : index
          %get3A_206 = tpu.vector_load %arg11[%get3A_204, %get3A_205] {strides = array<i32>} : memref<80x64xf32, #tpu.memory_space<vmem>>, vector<1x16xf32>,
          %get3A_207 = vector.shape_cast %get3A_206 : vector<1x16xf32> to vector<16xf32>
          %mul3A_208 = vector.broadcast %squeeze3A : f32 to vector<16xf32>
          %mul3A_209 = arith.mulf %get3A_207, %mul3A_208 : vector<16xf32>
          %swap3A_210 = arith.index_cast %add3A_171 : i32 to index
          %swap3A_211 = arith.constant 48 : index
          %swap3A_212 = tpu.vector_load %arg13[%swap3A_210, %swap3A_211] {strides = array<i32>} : memref<80x64xf32, #tpu.memory_space<vmem>>, vector<1x16xf32>,
          %swap3A_213 = vector.shape_cast %swap3A_212 : vector<1x16xf32> to vector<16xf32>
          %swap3A_214 = vector.shape_cast %mul3A_209 : vector<16xf32> to vector<1x16xf32>
          tpu.vector_store %arg13[%swap3A_210, %swap3A_211], %swap3A_214 {strides = array<i32>} : memref<80x64xf32, #tpu.memory_space<vmem>>, vector<1x16xf32>,
          %mul3A_215 = arith.constant 16 : i32
          %mul3A_216 = arith.muli %scan3A_162, %mul3A_215 : i32
          %add3A_217 = arith.constant 1 : i32
          %add3A_218 = arith.addi %mul3A_216, %add3A_217 : i32
          %slice3A_219 = vector.extract_strided_slice %get3A_167 {offsets = [1], sizes = [1], strides = [1]} : vector<16xf32> to vector<1xf32>
          %squeeze3A_220 = vector.extract %slice3A_219[0] : f32 from vector<1xf32>
          %get3A_221 = arith.index_cast %add3A_218 : i32 to index
          %get3A_222 = arith.constant 0 : index
          %get3A_223 = tpu.vector_load %arg11[%get3A_221, %get3A_222] {strides = array<i32>} : memref<80x64xf32, #tpu.memory_space<vmem>>, vector<1x16xf32>,
          %get3A_224 = vector.shape_cast %get3A_223 : vector<1x16xf32> to vector<16xf32>
          %mul3A_225 = vector.broadcast %squeeze3A_220 : f32 to vector<16xf32>
          %mul3A_226 = arith.mulf %get3A_224, %mul3A_225 : vector<16xf32>
          %swap3A_227 = arith.index_cast %add3A_218 : i32 to index
          %swap3A_228 = arith.constant 0 : index
          %swap3A_229 = tpu.vector_load %arg13[%swap3A_227, %swap3A_228] {strides = array<i32>} : memref<80x64xf32, #tpu.memory_space<vmem>>, vector<1x16xf32>,
          %swap3A_230 = vector.shape_cast %swap3A_229 : vector<1x16xf32> to vector<16xf32>
          %swap3A_231 = vector.shape_cast %mul3A_226 : vector<16xf32> to vector<1x16xf32>
          tpu.vector_store %arg13[%swap3A_227, %swap3A_228], %swap3A_231 {strides = array<i32>} : memref<80x64xf32, #tpu.memory_space<vmem>>, vector<1x16xf32>,
          %get3A_232 = arith.index_cast %add3A_218 : i32 to index
          %get3A_233 = arith.constant 16 : index
          %get3A_234 = tpu.vector_load %arg11[%get3A_232, %get3A_233] {strides = array<i32>} : memref<80x64xf32, #tpu.memory_space<vmem>>, vector<1x16xf32>,
          %get3A_235 = vector.shape_cast %get3A_234 : vector<1x16xf32> to vector<16xf32>
          %mul3A_236 = vector.broadcast %squeeze3A_220 : f32 to vector<16xf32>
          %mul3A_237 = arith.mulf %get3A_235, %mul3A_236 : vector<16xf32>
          %swap3A_238 = arith.index_cast %add3A_218 : i32 to index
          %swap3A_239 = arith.constant 16 : index
          %swap3A_240 = tpu.vector_load %arg13[%swap3A_238, %swap3A_239] {strides = array<i32>} : memref<80x64xf32, #tpu.memory_space<vmem>>, vector<1x16xf32>,
          %swap3A_241 = vector.shape_cast %swap3A_240 : vector<1x16xf32> to vector<16xf32>
          %swap3A_242 = vector.shape_cast %mul3A_237 : vector<16xf32> to vector<1x16xf32>
          tpu.vector_store %arg13[%swap3A_238, %swap3A_239], %swap3A_242 {strides = array<i32>} : memref<80x64xf32, #tpu.memory_space<vmem>>, vector<1x16xf32>,
          %get3A_243 = arith.index_cast %add3A_218 : i32 to index
          %get3A_244 = arith.constant 32 : index
          %get3A_245 = tpu.vector_load %arg11[%get3A_243, %get3A_244] {strides = array<i32>} : memref<80x64xf32, #tpu.memory_space<vmem>>, vector<1x16xf32>,
          %get3A_246 = vector.shape_cast %get3A_245 : vector<1x16xf32> to vector<16xf32>
          %mul3A_247 = vector.broadcast %squeeze3A_220 : f32 to vector<16xf32>
          %mul3A_248 = arith.mulf %get3A_246, %mul3A_247 : vector<16xf32>
          %swap3A_249 = arith.index_cast %add3A_218 : i32 to index
          %swap3A_250 = arith.constant 32 : index
          %swap3A_251 = tpu.vector_load %arg13[%swap3A_249, %swap3A_250] {strides = array<i32>} : memref<80x64xf32, #tpu.memory_space<vmem>>, vector<1x16xf32>,
          %swap3A_252 = vector.shape_cast %swap3A_251 : vector<1x16xf32> to vector<16xf32>
          %swap3A_253 = vector.shape_cast %mul3A_248 : vector<16xf32> to vector<1x16xf32>
          tpu.vector_store %arg13[%swap3A_249, %swap3A_250], %swap3A_253 {strides = array<i32>} : memref<80x64xf32, #tpu.memory_space<vmem>>, vector<1x16xf32>,
          %get3A_254 = arith.index_cast %add3A_218 : i32 to index
          %get3A_255 = arith.constant 48 : index
          %get3A_256 = tpu.vector_load %arg11[%get3A_254, %get3A_255] {strides = array<i32>} : memref<80x64xf32, #tpu.memory_space<vmem>>, vector<1x16xf32>,
          %get3A_257 = vector.shape_cast %get3A_256 : vector<1x16xf32> to vector<16xf32>
          %mul3A_258 = vector.broadcast %squeeze3A_220 : f32 to vector<16xf32>
          %mul3A_259 = arith.mulf %get3A_257, %mul3A_258 : vector<16xf32>
          %swap3A_260 = arith.index_cast %add3A_218 : i32 to index
          %swap3A_261 = arith.constant 48 : index
          %swap3A_262 = tpu.vector_load %arg13[%swap3A_260, %swap3A_261] {strides = array<i32>} : memref<80x64xf32, #tpu.memory_space<vmem>>, vector<1x16xf32>,
          %swap3A_263 = vector.shape_cast %swap3A_262 : vector<1x16xf32> to vector<16xf32>
          %swap3A_264 = vector.shape_cast %mul3A_259 : vector<16xf32> to vector<1x16xf32>
          tpu.vector_store %arg13[%swap3A_260, %swap3A_261], %swap3A_264 {strides = array<i32>} : memref<80x64xf32, #tpu.memory_space<vmem>>, vector<1x16xf32>,
          %mul3A_265 = arith.constant 16 : i32
          %mul3A_266 = arith.muli %scan3A_162, %mul3A_265 : i32
          %add3A_267 = arith.constant 2 : i32
          %add3A_268 = arith.addi %mul3A_266, %add3A_267 : i32
          %slice3A_269 = vector.extract_strided_slice %get3A_167 {offsets = [2], sizes = [1], strides = [1]} : vector<16xf32> to vector<1xf32>
          %squeeze3A_270 = vector.extract %slice3A_269[0] : f32 from vector<1xf32>
          %get3A_271 = arith.index_cast %add3A_268 : i32 to index
          %get3A_272 = arith.constant 0 : index
          %get3A_273 = tpu.vector_load %arg11[%get3A_271, %get3A_272] {strides = array<i32>} : memref<80x64xf32, #tpu.memory_space<vmem>>, vector<1x16xf32>,
          %get3A_274 = vector.shape_cast %get3A_273 : vector<1x16xf32> to vector<16xf32>
          %mul3A_275 = vector.broadcast %squeeze3A_270 : f32 to vector<16xf32>
          %mul3A_276 = arith.mulf %get3A_274, %mul3A_275 : vector<16xf32>
          %swap3A_277 = arith.index_cast %add3A_268 : i32 to index
          %swap3A_278 = arith.constant 0 : index
          %swap3A_279 = tpu.vector_load %arg13[%swap3A_277, %swap3A_278] {strides = array<i32>} : memref<80x64xf32, #tpu.memory_space<vmem>>, vector<1x16xf32>,
          %swap3A_280 = vector.shape_cast %swap3A_279 : vector<1x16xf32> to vector<16xf32>
          %swap3A_281 = vector.shape_cast %mul3A_276 : vector<16xf32> to vector<1x16xf32>
          tpu.vector_store %arg13[%swap3A_277, %swap3A_278], %swap3A_281 {strides = array<i32>} : memref<80x64xf32, #tpu.memory_space<vmem>>, vector<1x16xf32>,
          %get3A_282 = arith.index_cast %add3A_268 : i32 to index
          %get3A_283 = arith.constant 16 : index
          %get3A_284 = tpu.vector_load %arg11[%get3A_282, %get3A_283] {strides = array<i32>} : memref<80x64xf32, #tpu.memory_space<vmem>>, vector<1x16xf32>,
          %get3A_285 = vector.shape_cast %get3A_284 : vector<1x16xf32> to vector<16xf32>
          %mul3A_286 = vector.broadcast %squeeze3A_270 : f32 to vector<16xf32>
          %mul3A_287 = arith.mulf %get3A_285, %mul3A_286 : vector<16xf32>
          %swap3A_288 = arith.index_cast %add3A_268 : i32 to index
          %swap3A_289 = arith.constant 16 : index
          %swap3A_290 = tpu.vector_load %arg13[%swap3A_288, %swap3A_289] {strides = array<i32>} : memref<80x64xf32, #tpu.memory_space<vmem>>, vector<1x16xf32>,
          %swap3A_291 = vector.shape_cast %swap3A_290 : vector<1x16xf32> to vector<16xf32>
          %swap3A_292 = vector.shape_cast %mul3A_287 : vector<16xf32> to vector<1x16xf32>
          tpu.vector_store %arg13[%swap3A_288, %swap3A_289], %swap3A_292 {strides = array<i32>} : memref<80x64xf32, #tpu.memory_space<vmem>>, vector<1x16xf32>,
          %get3A_293 = arith.index_cast %add3A_268 : i32 to index
          %get3A_294 = arith.constant 32 : index
          %get3A_295 = tpu.vector_load %arg11[%get3A_293, %get3A_294] {strides = array<i32>} : memref<80x64xf32, #tpu.memory_space<vmem>>, vector<1x16xf32>,
          %get3A_296 = vector.shape_cast %get3A_295 : vector<1x16xf32> to vector<16xf32>
          %mul3A_297 = vector.broadcast %squeeze3A_270 : f32 to vector<16xf32>
          %mul3A_298 = arith.mulf %get3A_296, %mul3A_297 : vector<16xf32>
          %swap3A_299 = arith.index_cast %add3A_268 : i32 to index
          %swap3A_300 = arith.constant 32 : index
          %swap3A_301 = tpu.vector_load %arg13[%swap3A_299, %swap3A_300] {strides = array<i32>} : memref<80x64xf32, #tpu.memory_space<vmem>>, vector<1x16xf32>,
          %swap3A_302 = vector.shape_cast %swap3A_301 : vector<1x16xf32> to vector<16xf32>
          %swap3A_303 = vector.shape_cast %mul3A_298 : vector<16xf32> to vector<1x16xf32>
          tpu.vector_store %arg13[%swap3A_299, %swap3A_300], %swap3A_303 {strides = array<i32>} : memref<80x64xf32, #tpu.memory_space<vmem>>, vector<1x16xf32>,
          %get3A_304 = arith.index_cast %add3A_268 : i32 to index
          %get3A_305 = arith.constant 48 : index
          %get3A_306 = tpu.vector_load %arg11[%get3A_304, %get3A_305] {strides = array<i32>} : memref<80x64xf32, #tpu.memory_space<vmem>>, vector<1x16xf32>,
          %get3A_307 = vector.shape_cast %get3A_306 : vector<1x16xf32> to vector<16xf32>
          %mul3A_308 = vector.broadcast %squeeze3A_270 : f32 to vector<16xf32>
          %mul3A_309 = arith.mulf %get3A_307, %mul3A_308 : vector<16xf32>
          %swap3A_310 = arith.index_cast %add3A_268 : i32 to index
          %swap3A_311 = arith.constant 48 : index
          %swap3A_312 = tpu.vector_load %arg13[%swap3A_310, %swap3A_311] {strides = array<i32>} : memref<80x64xf32, #tpu.memory_space<vmem>>, vector<1x16xf32>,
          %swap3A_313 = vector.shape_cast %swap3A_312 : vector<1x16xf32> to vector<16xf32>
          %swap3A_314 = vector.shape_cast %mul3A_309 : vector<16xf32> to vector<1x16xf32>
          tpu.vector_store %arg13[%swap3A_310, %swap3A_311], %swap3A_314 {strides = array<i32>} : memref<80x64xf32, #tpu.memory_space<vmem>>, vector<1x16xf32>,
          %mul3A_315 = arith.constant 16 : i32
          %mul3A_316 = arith.muli %scan3A_162, %mul3A_315 : i32
          %add3A_317 = arith.constant 3 : i32
          %add3A_318 = arith.addi %mul3A_316, %add3A_317 : i32
          %slice3A_319 = vector.extract_strided_slice %get3A_167 {offsets = [3], sizes = [1], strides = [1]} : vector<16xf32> to vector<1xf32>
          %squeeze3A_320 = vector.extract %slice3A_319[0] : f32 from vector<1xf32>
          %get3A_321 = arith.index_cast %add3A_318 : i32 to index
          %get3A_322 = arith.constant 0 : index
          %get3A_323 = tpu.vector_load %arg11[%get3A_321, %get3A_322] {strides = array<i32>} : memref<80x64xf32, #tpu.memory_space<vmem>>, vector<1x16xf32>,
          %get3A_324 = vector.shape_cast %get3A_323 : vector<1x16xf32> to vector<16xf32>
          %mul3A_325 = vector.broadcast %squeeze3A_320 : f32 to vector<16xf32>
          %mul3A_326 = arith.mulf %get3A_324, %mul3A_325 : vector<16xf32>
          %swap3A_327 = arith.index_cast %add3A_318 : i32 to index
          %swap3A_328 = arith.constant 0 : index
          %swap3A_329 = tpu.vector_load %arg13[%swap3A_327, %swap3A_328] {strides = array<i32>} : memref<80x64xf32, #tpu.memory_space<vmem>>, vector<1x16xf32>,
          %swap3A_330 = vector.shape_cast %swap3A_329 : vector<1x16xf32> to vector<16xf32>
          %swap3A_331 = vector.shape_cast %mul3A_326 : vector<16xf32> to vector<1x16xf32>
          tpu.vector_store %arg13[%swap3A_327, %swap3A_328], %swap3A_331 {strides = array<i32>} : memref<80x64xf32, #tpu.memory_space<vmem>>, vector<1x16xf32>,
          %get3A_332 = arith.index_cast %add3A_318 : i32 to index
          %get3A_333 = arith.constant 16 : index
          %get3A_334 = tpu.vector_load %arg11[%get3A_332, %get3A_333] {strides = array<i32>} : memref<80x64xf32, #tpu.memory_space<vmem>>, vector<1x16xf32>,
          %get3A_335 = vector.shape_cast %get3A_334 : vector<1x16xf32> to vector<16xf32>
          %mul3A_336 = vector.broadcast %squeeze3A_320 : f32 to vector<16xf32>
          %mul3A_337 = arith.mulf %get3A_335, %mul3A_336 : vector<16xf32>
          %swap3A_338 = arith.index_cast %add3A_318 : i32 to index
          %swap3A_339 = arith.constant 16 : index
          %swap3A_340 = tpu.vector_load %arg13[%swap3A_338, %swap3A_339] {strides = array<i32>} : memref<80x64xf32, #tpu.memory_space<vmem>>, vector<1x16xf32>,
          %swap3A_341 = vector.shape_cast %swap3A_340 : vector<1x16xf32> to vector<16xf32>
          %swap3A_342 = vector.shape_cast %mul3A_337 : vector<16xf32> to vector<1x16xf32>
          tpu.vector_store %arg13[%swap3A_338, %swap3A_339], %swap3A_342 {strides = array<i32>} : memref<80x64xf32, #tpu.memory_space<vmem>>, vector<1x16xf32>,
          %get3A_343 = arith.index_cast %add3A_318 : i32 to index
          %get3A_344 = arith.constant 32 : index
          %get3A_345 = tpu.vector_load %arg11[%get3A_343, %get3A_344] {strides = array<i32>} : memref<80x64xf32, #tpu.memory_space<vmem>>, vector<1x16xf32>,
          %get3A_346 = vector.shape_cast %get3A_345 : vector<1x16xf32> to vector<16xf32>
          %mul3A_347 = vector.broadcast %squeeze3A_320 : f32 to vector<16xf32>
          %mul3A_348 = arith.mulf %get3A_346, %mul3A_347 : vector<16xf32>
          %swap3A_349 = arith.index_cast %add3A_318 : i32 to index
          %swap3A_350 = arith.constant 32 : index
          %swap3A_351 = tpu.vector_load %arg13[%swap3A_349, %swap3A_350] {strides = array<i32>} : memref<80x64xf32, #tpu.memory_space<vmem>>, vector<1x16xf32>,
          %swap3A_352 = vector.shape_cast %swap3A_351 : vector<1x16xf32> to vector<16xf32>
          %swap3A_353 = vector.shape_cast %mul3A_348 : vector<16xf32> to vector<1x16xf32>
          tpu.vector_store %arg13[%swap3A_349, %swap3A_350], %swap3A_353 {strides = array<i32>} : memref<80x64xf32, #tpu.memory_space<vmem>>, vector<1x16xf32>,
          %get3A_354 = arith.index_cast %add3A_318 : i32 to index
          %get3A_355 = arith.constant 48 : index
          %get3A_356 = tpu.vector_load %arg11[%get3A_354, %get3A_355] {strides = array<i32>} : memref<80x64xf32, #tpu.memory_space<vmem>>, vector<1x16xf32>,
          %get3A_357 = vector.shape_cast %get3A_356 : vector<1x16xf32> to vector<16xf32>
          %mul3A_358 = vector.broadcast %squeeze3A_320 : f32 to vector<16xf32>
          %mul3A_359 = arith.mulf %get3A_357, %mul3A_358 : vector<16xf32>
          %swap3A_360 = arith.index_cast %add3A_318 : i32 to index
          %swap3A_361 = arith.constant 48 : index
          %swap3A_362 = tpu.vector_load %arg13[%swap3A_360, %swap3A_361] {strides = array<i32>} : memref<80x64xf32, #tpu.memory_space<vmem>>, vector<1x16xf32>,
          %swap3A_363 = vector.shape_cast %swap3A_362 : vector<1x16xf32> to vector<16xf32>
          %swap3A_364 = vector.shape_cast %mul3A_359 : vector<16xf32> to vector<1x16xf32>
          tpu.vector_store %arg13[%swap3A_360, %swap3A_361], %swap3A_364 {strides = array<i32>} : memref<80x64xf32, #tpu.memory_space<vmem>>, vector<1x16xf32>,
          %mul3A_365 = arith.constant 16 : i32
          %mul3A_366 = arith.muli %scan3A_162, %mul3A_365 : i32
          %add3A_367 = arith.constant 4 : i32
          %add3A_368 = arith.addi %mul3A_366, %add3A_367 : i32
          %slice3A_369 = vector.extract_strided_slice %get3A_167 {offsets = [4], sizes = [1], strides = [1]} : vector<16xf32> to vector<1xf32>
          %squeeze3A_370 = vector.extract %slice3A_369[0] : f32 from vector<1xf32>
          %get3A_371 = arith.index_cast %add3A_368 : i32 to index
          %get3A_372 = arith.constant 0 : index
          %get3A_373 = tpu.vector_load %arg11[%get3A_371, %get3A_372] {strides = array<i32>} : memref<80x64xf32, #tpu.memory_space<vmem>>, vector<1x16xf32>,
          %get3A_374 = vector.shape_cast %get3A_373 : vector<1x16xf32> to vector<16xf32>
          %mul3A_375 = vector.broadcast %squeeze3A_370 : f32 to vector<16xf32>
          %mul3A_376 = arith.mulf %get3A_374, %mul3A_375 : vector<16xf32>
          %swap3A_377 = arith.index_cast %add3A_368 : i32 to index
          %swap3A_378 = arith.constant 0 : index
          %swap3A_379 = tpu.vector_load %arg13[%swap3A_377, %swap3A_378] {strides = array<i32>} : memref<80x64xf32, #tpu.memory_space<vmem>>, vector<1x16xf32>,
          %swap3A_380 = vector.shape_cast %swap3A_379 : vector<1x16xf32> to vector<16xf32>
          %swap3A_381 = vector.shape_cast %mul3A_376 : vector<16xf32> to vector<1x16xf32>
          tpu.vector_store %arg13[%swap3A_377, %swap3A_378], %swap3A_381 {strides = array<i32>} : memref<80x64xf32, #tpu.memory_space<vmem>>, vector<1x16xf32>,
          %get3A_382 = arith.index_cast %add3A_368 : i32 to index
          %get3A_383 = arith.constant 16 : index
          %get3A_384 = tpu.vector_load %arg11[%get3A_382, %get3A_383] {strides = array<i32>} : memref<80x64xf32, #tpu.memory_space<vmem>>, vector<1x16xf32>,
          %get3A_385 = vector.shape_cast %get3A_384 : vector<1x16xf32> to vector<16xf32>
          %mul3A_386 = vector.broadcast %squeeze3A_370 : f32 to vector<16xf32>
          %mul3A_387 = arith.mulf %get3A_385, %mul3A_386 : vector<16xf32>
          %swap3A_388 = arith.index_cast %add3A_368 : i32 to index
          %swap3A_389 = arith.constant 16 : index
          %swap3A_390 = tpu.vector_load %arg13[%swap3A_388, %swap3A_389] {strides = array<i32>} : memref<80x64xf32, #tpu.memory_space<vmem>>, vector<1x16xf32>,
          %swap3A_391 = vector.shape_cast %swap3A_390 : vector<1x16xf32> to vector<16xf32>
          %swap3A_392 = vector.shape_cast %mul3A_387 : vector<16xf32> to vector<1x16xf32>
          tpu.vector_store %arg13[%swap3A_388, %swap3A_389], %swap3A_392 {strides = array<i32>} : memref<80x64xf32, #tpu.memory_space<vmem>>, vector<1x16xf32>,
          %get3A_393 = arith.index_cast %add3A_368 : i32 to index
          %get3A_394 = arith.constant 32 : index
          %get3A_395 = tpu.vector_load %arg11[%get3A_393, %get3A_394] {strides = array<i32>} : memref<80x64xf32, #tpu.memory_space<vmem>>, vector<1x16xf32>,
          %get3A_396 = vector.shape_cast %get3A_395 : vector<1x16xf32> to vector<16xf32>
          %mul3A_397 = vector.broadcast %squeeze3A_370 : f32 to vector<16xf32>
          %mul3A_398 = arith.mulf %get3A_396, %mul3A_397 : vector<16xf32>
          %swap3A_399 = arith.index_cast %add3A_368 : i32 to index
          %swap3A_400 = arith.constant 32 : index
          %swap3A_401 = tpu.vector_load %arg13[%swap3A_399, %swap3A_400] {strides = array<i32>} : memref<80x64xf32, #tpu.memory_space<vmem>>, vector<1x16xf32>,
          %swap3A_402 = vector.shape_cast %swap3A_401 : vector<1x16xf32> to vector<16xf32>
          %swap3A_403 = vector.shape_cast %mul3A_398 : vector<16xf32> to vector<1x16xf32>
          tpu.vector_store %arg13[%swap3A_399, %swap3A_400], %swap3A_403 {strides = array<i32>} : memref<80x64xf32, #tpu.memory_space<vmem>>, vector<1x16xf32>,
          %get3A_404 = arith.index_cast %add3A_368 : i32 to index
          %get3A_405 = arith.constant 48 : index
          %get3A_406 = tpu.vector_load %arg11[%get3A_404, %get3A_405] {strides = array<i32>} : memref<80x64xf32, #tpu.memory_space<vmem>>, vector<1x16xf32>,
          %get3A_407 = vector.shape_cast %get3A_406 : vector<1x16xf32> to vector<16xf32>
          %mul3A_408 = vector.broadcast %squeeze3A_370 : f32 to vector<16xf32>
          %mul3A_409 = arith.mulf %get3A_407, %mul3A_408 : vector<16xf32>
          %swap3A_410 = arith.index_cast %add3A_368 : i32 to index
          %swap3A_411 = arith.constant 48 : index
          %swap3A_412 = tpu.vector_load %arg13[%swap3A_410, %swap3A_411] {strides = array<i32>} : memref<80x64xf32, #tpu.memory_space<vmem>>, vector<1x16xf32>,
          %swap3A_413 = vector.shape_cast %swap3A_412 : vector<1x16xf32> to vector<16xf32>
          %swap3A_414 = vector.shape_cast %mul3A_409 : vector<16xf32> to vector<1x16xf32>
          tpu.vector_store %arg13[%swap3A_410, %swap3A_411], %swap3A_414 {strides = array<i32>} : memref<80x64xf32, #tpu.memory_space<vmem>>, vector<1x16xf32>,
          %mul3A_415 = arith.constant 16 : i32
          %mul3A_416 = arith.muli %scan3A_162, %mul3A_415 : i32
          %add3A_417 = arith.constant 5 : i32
          %add3A_418 = arith.addi %mul3A_416, %add3A_417 : i32
          %slice3A_419 = vector.extract_strided_slice %get3A_167 {offsets = [5], sizes = [1], strides = [1]} : vector<16xf32> to vector<1xf32>
          %squeeze3A_420 = vector.extract %slice3A_419[0] : f32 from vector<1xf32>
          %get3A_421 = arith.index_cast %add3A_418 : i32 to index
          %get3A_422 = arith.constant 0 : index
          %get3A_423 = tpu.vector_load %arg11[%get3A_421, %get3A_422] {strides = array<i32>} : memref<80x64xf32, #tpu.memory_space<vmem>>, vector<1x16xf32>,
          %get3A_424 = vector.shape_cast %get3A_423 : vector<1x16xf32> to vector<16xf32>
          %mul3A_425 = vector.broadcast %squeeze3A_420 : f32 to vector<16xf32>
          %mul3A_426 = arith.mulf %get3A_424, %mul3A_425 : vector<16xf32>
          %swap3A_427 = arith.index_cast %add3A_418 : i32 to index
          %swap3A_428 = arith.constant 0 : index
          %swap3A_429 = tpu.vector_load %arg13[%swap3A_427, %swap3A_428] {strides = array<i32>} : memref<80x64xf32, #tpu.memory_space<vmem>>, vector<1x16xf32>,
          %swap3A_430 = vector.shape_cast %swap3A_429 : vector<1x16xf32> to vector<16xf32>
          %swap3A_431 = vector.shape_cast %mul3A_426 : vector<16xf32> to vector<1x16xf32>
          tpu.vector_store %arg13[%swap3A_427, %swap3A_428], %swap3A_431 {strides = array<i32>} : memref<80x64xf32, #tpu.memory_space<vmem>>, vector<1x16xf32>,
          %get3A_432 = arith.index_cast %add3A_418 : i32 to index
          %get3A_433 = arith.constant 16 : index
          %get3A_434 = tpu.vector_load %arg11[%get3A_432, %get3A_433] {strides = array<i32>} : memref<80x64xf32, #tpu.memory_space<vmem>>, vector<1x16xf32>,
          %get3A_435 = vector.shape_cast %get3A_434 : vector<1x16xf32> to vector<16xf32>
          %mul3A_436 = vector.broadcast %squeeze3A_420 : f32 to vector<16xf32>
          %mul3A_437 = arith.mulf %get3A_435, %mul3A_436 : vector<16xf32>
          %swap3A_438 = arith.index_cast %add3A_418 : i32 to index
          %swap3A_439 = arith.constant 16 : index
          %swap3A_440 = tpu.vector_load %arg13[%swap3A_438, %swap3A_439] {strides = array<i32>} : memref<80x64xf32, #tpu.memory_space<vmem>>, vector<1x16xf32>,
          %swap3A_441 = vector.shape_cast %swap3A_440 : vector<1x16xf32> to vector<16xf32>
          %swap3A_442 = vector.shape_cast %mul3A_437 : vector<16xf32> to vector<1x16xf32>
          tpu.vector_store %arg13[%swap3A_438, %swap3A_439], %swap3A_442 {strides = array<i32>} : memref<80x64xf32, #tpu.memory_space<vmem>>, vector<1x16xf32>,
          %get3A_443 = arith.index_cast %add3A_418 : i32 to index
          %get3A_444 = arith.constant 32 : index
          %get3A_445 = tpu.vector_load %arg11[%get3A_443, %get3A_444] {strides = array<i32>} : memref<80x64xf32, #tpu.memory_space<vmem>>, vector<1x16xf32>,
          %get3A_446 = vector.shape_cast %get3A_445 : vector<1x16xf32> to vector<16xf32>
          %mul3A_447 = vector.broadcast %squeeze3A_420 : f32 to vector<16xf32>
          %mul3A_448 = arith.mulf %get3A_446, %mul3A_447 : vector<16xf32>
          %swap3A_449 = arith.index_cast %add3A_418 : i32 to index
          %swap3A_450 = arith.constant 32 : index
          %swap3A_451 = tpu.vector_load %arg13[%swap3A_449, %swap3A_450] {strides = array<i32>} : memref<80x64xf32, #tpu.memory_space<vmem>>, vector<1x16xf32>,
          %swap3A_452 = vector.shape_cast %swap3A_451 : vector<1x16xf32> to vector<16xf32>
          %swap3A_453 = vector.shape_cast %mul3A_448 : vector<16xf32> to vector<1x16xf32>
          tpu.vector_store %arg13[%swap3A_449, %swap3A_450], %swap3A_453 {strides = array<i32>} : memref<80x64xf32, #tpu.memory_space<vmem>>, vector<1x16xf32>,
          %get3A_454 = arith.index_cast %add3A_418 : i32 to index
          %get3A_455 = arith.constant 48 : index
          %get3A_456 = tpu.vector_load %arg11[%get3A_454, %get3A_455] {strides = array<i32>} : memref<80x64xf32, #tpu.memory_space<vmem>>, vector<1x16xf32>,
          %get3A_457 = vector.shape_cast %get3A_456 : vector<1x16xf32> to vector<16xf32>
          %mul3A_458 = vector.broadcast %squeeze3A_420 : f32 to vector<16xf32>
          %mul3A_459 = arith.mulf %get3A_457, %mul3A_458 : vector<16xf32>
          %swap3A_460 = arith.index_cast %add3A_418 : i32 to index
          %swap3A_461 = arith.constant 48 : index
          %swap3A_462 = tpu.vector_load %arg13[%swap3A_460, %swap3A_461] {strides = array<i32>} : memref<80x64xf32, #tpu.memory_space<vmem>>, vector<1x16xf32>,
          %swap3A_463 = vector.shape_cast %swap3A_462 : vector<1x16xf32> to vector<16xf32>
          %swap3A_464 = vector.shape_cast %mul3A_459 : vector<16xf32> to vector<1x16xf32>
          tpu.vector_store %arg13[%swap3A_460, %swap3A_461], %swap3A_464 {strides = array<i32>} : memref<80x64xf32, #tpu.memory_space<vmem>>, vector<1x16xf32>,
          %mul3A_465 = arith.constant 16 : i32
          %mul3A_466 = arith.muli %scan3A_162, %mul3A_465 : i32
          %add3A_467 = arith.constant 6 : i32
          %add3A_468 = arith.addi %mul3A_466, %add3A_467 : i32
          %slice3A_469 = vector.extract_strided_slice %get3A_167 {offsets = [6], sizes = [1], strides = [1]} : vector<16xf32> to vector<1xf32>
          %squeeze3A_470 = vector.extract %slice3A_469[0] : f32 from vector<1xf32>
          %get3A_471 = arith.index_cast %add3A_468 : i32 to index
          %get3A_472 = arith.constant 0 : index
          %get3A_473 = tpu.vector_load %arg11[%get3A_471, %get3A_472] {strides = array<i32>} : memref<80x64xf32, #tpu.memory_space<vmem>>, vector<1x16xf32>,
          %get3A_474 = vector.shape_cast %get3A_473 : vector<1x16xf32> to vector<16xf32>
          %mul3A_475 = vector.broadcast %squeeze3A_470 : f32 to vector<16xf32>
          %mul3A_476 = arith.mulf %get3A_474, %mul3A_475 : vector<16xf32>
          %swap3A_477 = arith.index_cast %add3A_468 : i32 to index
          %swap3A_478 = arith.constant 0 : index
          %swap3A_479 = tpu.vector_load %arg13[%swap3A_477, %swap3A_478] {strides = array<i32>} : memref<80x64xf32, #tpu.memory_space<vmem>>, vector<1x16xf32>,
          %swap3A_480 = vector.shape_cast %swap3A_479 : vector<1x16xf32> to vector<16xf32>
          %swap3A_481 = vector.shape_cast %mul3A_476 : vector<16xf32> to vector<1x16xf32>
          tpu.vector_store %arg13[%swap3A_477, %swap3A_478], %swap3A_481 {strides = array<i32>} : memref<80x64xf32, #tpu.memory_space<vmem>>, vector<1x16xf32>,
          %get3A_482 = arith.index_cast %add3A_468 : i32 to index
          %get3A_483 = arith.constant 16 : index
          %get3A_484 = tpu.vector_load %arg11[%get3A_482, %get3A_483] {strides = array<i32>} : memref<80x64xf32, #tpu.memory_space<vmem>>, vector<1x16xf32>,
          %get3A_485 = vector.shape_cast %get3A_484 : vector<1x16xf32> to vector<16xf32>
          %mul3A_486 = vector.broadcast %squeeze3A_470 : f32 to vector<16xf32>
          %mul3A_487 = arith.mulf %get3A_485, %mul3A_486 : vector<16xf32>
          %swap3A_488 = arith.index_cast %add3A_468 : i32 to index
          %swap3A_489 = arith.constant 16 : index
          %swap3A_490 = tpu.vector_load %arg13[%swap3A_488, %swap3A_489] {strides = array<i32>} : memref<80x64xf32, #tpu.memory_space<vmem>>, vector<1x16xf32>,
          %swap3A_491 = vector.shape_cast %swap3A_490 : vector<1x16xf32> to vector<16xf32>
          %swap3A_492 = vector.shape_cast %mul3A_487 : vector<16xf32> to vector<1x16xf32>
          tpu.vector_store %arg13[%swap3A_488, %swap3A_489], %swap3A_492 {strides = array<i32>} : memref<80x64xf32, #tpu.memory_space<vmem>>, vector<1x16xf32>,
          %get3A_493 = arith.index_cast %add3A_468 : i32 to index
          %get3A_494 = arith.constant 32 : index
          %get3A_495 = tpu.vector_load %arg11[%get3A_493, %get3A_494] {strides = array<i32>} : memref<80x64xf32, #tpu.memory_space<vmem>>, vector<1x16xf32>,
          %get3A_496 = vector.shape_cast %get3A_495 : vector<1x16xf32> to vector<16xf32>
          %mul3A_497 = vector.broadcast %squeeze3A_470 : f32 to vector<16xf32>
          %mul3A_498 = arith.mulf %get3A_496, %mul3A_497 : vector<16xf32>
          %swap3A_499 = arith.index_cast %add3A_468 : i32 to index
          %swap3A_500 = arith.constant 32 : index
          %swap3A_501 = tpu.vector_load %arg13[%swap3A_499, %swap3A_500] {strides = array<i32>} : memref<80x64xf32, #tpu.memory_space<vmem>>, vector<1x16xf32>,
          %swap3A_502 = vector.shape_cast %swap3A_501 : vector<1x16xf32> to vector<16xf32>
          %swap3A_503 = vector.shape_cast %mul3A_498 : vector<16xf32> to vector<1x16xf32>
          tpu.vector_store %arg13[%swap3A_499, %swap3A_500], %swap3A_503 {strides = array<i32>} : memref<80x64xf32, #tpu.memory_space<vmem>>, vector<1x16xf32>,
          %get3A_504 = arith.index_cast %add3A_468 : i32 to index
          %get3A_505 = arith.constant 48 : index
          %get3A_506 = tpu.vector_load %arg11[%get3A_504, %get3A_505] {strides = array<i32>} : memref<80x64xf32, #tpu.memory_space<vmem>>, vector<1x16xf32>,
          %get3A_507 = vector.shape_cast %get3A_506 : vector<1x16xf32> to vector<16xf32>
          %mul3A_508 = vector.broadcast %squeeze3A_470 : f32 to vector<16xf32>
          %mul3A_509 = arith.mulf %get3A_507, %mul3A_508 : vector<16xf32>
          %swap3A_510 = arith.index_cast %add3A_468 : i32 to index
          %swap3A_511 = arith.constant 48 : index
          %swap3A_512 = tpu.vector_load %arg13[%swap3A_510, %swap3A_511] {strides = array<i32>} : memref<80x64xf32, #tpu.memory_space<vmem>>, vector<1x16xf32>,
          %swap3A_513 = vector.shape_cast %swap3A_512 : vector<1x16xf32> to vector<16xf32>
          %swap3A_514 = vector.shape_cast %mul3A_509 : vector<16xf32> to vector<1x16xf32>
          tpu.vector_store %arg13[%swap3A_510, %swap3A_511], %swap3A_514 {strides = array<i32>} : memref<80x64xf32, #tpu.memory_space<vmem>>, vector<1x16xf32>,
          %mul3A_515 = arith.constant 16 : i32
          %mul3A_516 = arith.muli %scan3A_162, %mul3A_515 : i32
          %add3A_517 = arith.constant 7 : i32
          %add3A_518 = arith.addi %mul3A_516, %add3A_517 : i32
          %slice3A_519 = vector.extract_strided_slice %get3A_167 {offsets = [7], sizes = [1], strides = [1]} : vector<16xf32> to vector<1xf32>
          %squeeze3A_520 = vector.extract %slice3A_519[0] : f32 from vector<1xf32>
          %get3A_521 = arith.index_cast %add3A_518 : i32 to index
          %get3A_522 = arith.constant 0 : index
          %get3A_523 = tpu.vector_load %arg11[%get3A_521, %get3A_522] {strides = array<i32>} : memref<80x64xf32, #tpu.memory_space<vmem>>, vector<1x16xf32>,
          %get3A_524 = vector.shape_cast %get3A_523 : vector<1x16xf32> to vector<16xf32>
          %mul3A_525 = vector.broadcast %squeeze3A_520 : f32 to vector<16xf32>
          %mul3A_526 = arith.mulf %get3A_524, %mul3A_525 : vector<16xf32>
          %swap3A_527 = arith.index_cast %add3A_518 : i32 to index
          %swap3A_528 = arith.constant 0 : index
          %swap3A_529 = tpu.vector_load %arg13[%swap3A_527, %swap3A_528] {strides = array<i32>} : memref<80x64xf32, #tpu.memory_space<vmem>>, vector<1x16xf32>,
          %swap3A_530 = vector.shape_cast %swap3A_529 : vector<1x16xf32> to vector<16xf32>
          %swap3A_531 = vector.shape_cast %mul3A_526 : vector<16xf32> to vector<1x16xf32>
          tpu.vector_store %arg13[%swap3A_527, %swap3A_528], %swap3A_531 {strides = array<i32>} : memref<80x64xf32, #tpu.memory_space<vmem>>, vector<1x16xf32>,
          %get3A_532 = arith.index_cast %add3A_518 : i32 to index
          %get3A_533 = arith.constant 16 : index
          %get3A_534 = tpu.vector_load %arg11[%get3A_532, %get3A_533] {strides = array<i32>} : memref<80x64xf32, #tpu.memory_space<vmem>>, vector<1x16xf32>,
          %get3A_535 = vector.shape_cast %get3A_534 : vector<1x16xf32> to vector<16xf32>
          %mul3A_536 = vector.broadcast %squeeze3A_520 : f32 to vector<16xf32>
          %mul3A_537 = arith.mulf %get3A_535, %mul3A_536 : vector<16xf32>
          %swap3A_538 = arith.index_cast %add3A_518 : i32 to index
          %swap3A_539 = arith.constant 16 : index
          %swap3A_540 = tpu.vector_load %arg13[%swap3A_538, %swap3A_539] {strides = array<i32>} : memref<80x64xf32, #tpu.memory_space<vmem>>, vector<1x16xf32>,
          %swap3A_541 = vector.shape_cast %swap3A_540 : vector<1x16xf32> to vector<16xf32>
          %swap3A_542 = vector.shape_cast %mul3A_537 : vector<16xf32> to vector<1x16xf32>
          tpu.vector_store %arg13[%swap3A_538, %swap3A_539], %swap3A_542 {strides = array<i32>} : memref<80x64xf32, #tpu.memory_space<vmem>>, vector<1x16xf32>,
          %get3A_543 = arith.index_cast %add3A_518 : i32 to index
          %get3A_544 = arith.constant 32 : index
          %get3A_545 = tpu.vector_load %arg11[%get3A_543, %get3A_544] {strides = array<i32>} : memref<80x64xf32, #tpu.memory_space<vmem>>, vector<1x16xf32>,
          %get3A_546 = vector.shape_cast %get3A_545 : vector<1x16xf32> to vector<16xf32>
          %mul3A_547 = vector.broadcast %squeeze3A_520 : f32 to vector<16xf32>
          %mul3A_548 = arith.mulf %get3A_546, %mul3A_547 : vector<16xf32>
          %swap3A_549 = arith.index_cast %add3A_518 : i32 to index
          %swap3A_550 = arith.constant 32 : index
          %swap3A_551 = tpu.vector_load %arg13[%swap3A_549, %swap3A_550] {strides = array<i32>} : memref<80x64xf32, #tpu.memory_space<vmem>>, vector<1x16xf32>,
          %swap3A_552 = vector.shape_cast %swap3A_551 : vector<1x16xf32> to vector<16xf32>
          %swap3A_553 = vector.shape_cast %mul3A_548 : vector<16xf32> to vector<1x16xf32>
          tpu.vector_store %arg13[%swap3A_549, %swap3A_550], %swap3A_553 {strides = array<i32>} : memref<80x64xf32, #tpu.memory_space<vmem>>, vector<1x16xf32>,
          %get3A_554 = arith.index_cast %add3A_518 : i32 to index
          %get3A_555 = arith.constant 48 : index
          %get3A_556 = tpu.vector_load %arg11[%get3A_554, %get3A_555] {strides = array<i32>} : memref<80x64xf32, #tpu.memory_space<vmem>>, vector<1x16xf32>,
          %get3A_557 = vector.shape_cast %get3A_556 : vector<1x16xf32> to vector<16xf32>
          %mul3A_558 = vector.broadcast %squeeze3A_520 : f32 to vector<16xf32>
          %mul3A_559 = arith.mulf %get3A_557, %mul3A_558 : vector<16xf32>
          %swap3A_560 = arith.index_cast %add3A_518 : i32 to index
          %swap3A_561 = arith.constant 48 : index
          %swap3A_562 = tpu.vector_load %arg13[%swap3A_560, %swap3A_561] {strides = array<i32>} : memref<80x64xf32, #tpu.memory_space<vmem>>, vector<1x16xf32>,
          %swap3A_563 = vector.shape_cast %swap3A_562 : vector<1x16xf32> to vector<16xf32>
          %swap3A_564 = vector.shape_cast %mul3A_559 : vector<16xf32> to vector<1x16xf32>
          tpu.vector_store %arg13[%swap3A_560, %swap3A_561], %swap3A_564 {strides = array<i32>} : memref<80x64xf32, #tpu.memory_space<vmem>>, vector<1x16xf32>,
          %mul3A_565 = arith.constant 16 : i32
          %mul3A_566 = arith.muli %scan3A_162, %mul3A_565 : i32
          %add3A_567 = arith.constant 8 : i32
          %add3A_568 = arith.addi %mul3A_566, %add3A_567 : i32
          %slice3A_569 = vector.extract_strided_slice %get3A_167 {offsets = [8], sizes = [1], strides = [1]} : vector<16xf32> to vector<1xf32>
          %squeeze3A_570 = vector.extract %slice3A_569[0] : f32 from vector<1xf32>
          %get3A_571 = arith.index_cast %add3A_568 : i32 to index
          %get3A_572 = arith.constant 0 : index
          %get3A_573 = tpu.vector_load %arg11[%get3A_571, %get3A_572] {strides = array<i32>} : memref<80x64xf32, #tpu.memory_space<vmem>>, vector<1x16xf32>,
          %get3A_574 = vector.shape_cast %get3A_573 : vector<1x16xf32> to vector<16xf32>
          %mul3A_575 = vector.broadcast %squeeze3A_570 : f32 to vector<16xf32>
          %mul3A_576 = arith.mulf %get3A_574, %mul3A_575 : vector<16xf32>
          %swap3A_577 = arith.index_cast %add3A_568 : i32 to index
          %swap3A_578 = arith.constant 0 : index
          %swap3A_579 = tpu.vector_load %arg13[%swap3A_577, %swap3A_578] {strides = array<i32>} : memref<80x64xf32, #tpu.memory_space<vmem>>, vector<1x16xf32>,
          %swap3A_580 = vector.shape_cast %swap3A_579 : vector<1x16xf32> to vector<16xf32>
          %swap3A_581 = vector.shape_cast %mul3A_576 : vector<16xf32> to vector<1x16xf32>
          tpu.vector_store %arg13[%swap3A_577, %swap3A_578], %swap3A_581 {strides = array<i32>} : memref<80x64xf32, #tpu.memory_space<vmem>>, vector<1x16xf32>,
          %get3A_582 = arith.index_cast %add3A_568 : i32 to index
          %get3A_583 = arith.constant 16 : index
          %get3A_584 = tpu.vector_load %arg11[%get3A_582, %get3A_583] {strides = array<i32>} : memref<80x64xf32, #tpu.memory_space<vmem>>, vector<1x16xf32>,
          %get3A_585 = vector.shape_cast %get3A_584 : vector<1x16xf32> to vector<16xf32>
          %mul3A_586 = vector.broadcast %squeeze3A_570 : f32 to vector<16xf32>
          %mul3A_587 = arith.mulf %get3A_585, %mul3A_586 : vector<16xf32>
          %swap3A_588 = arith.index_cast %add3A_568 : i32 to index
          %swap3A_589 = arith.constant 16 : index
          %swap3A_590 = tpu.vector_load %arg13[%swap3A_588, %swap3A_589] {strides = array<i32>} : memref<80x64xf32, #tpu.memory_space<vmem>>, vector<1x16xf32>,
          %swap3A_591 = vector.shape_cast %swap3A_590 : vector<1x16xf32> to vector<16xf32>
          %swap3A_592 = vector.shape_cast %mul3A_587 : vector<16xf32> to vector<1x16xf32>
          tpu.vector_store %arg13[%swap3A_588, %swap3A_589], %swap3A_592 {strides = array<i32>} : memref<80x64xf32, #tpu.memory_space<vmem>>, vector<1x16xf32>,
          %get3A_593 = arith.index_cast %add3A_568 : i32 to index
          %get3A_594 = arith.constant 32 : index
          %get3A_595 = tpu.vector_load %arg11[%get3A_593, %get3A_594] {strides = array<i32>} : memref<80x64xf32, #tpu.memory_space<vmem>>, vector<1x16xf32>,
          %get3A_596 = vector.shape_cast %get3A_595 : vector<1x16xf32> to vector<16xf32>
          %mul3A_597 = vector.broadcast %squeeze3A_570 : f32 to vector<16xf32>
          %mul3A_598 = arith.mulf %get3A_596, %mul3A_597 : vector<16xf32>
          %swap3A_599 = arith.index_cast %add3A_568 : i32 to index
          %swap3A_600 = arith.constant 32 : index
          %swap3A_601 = tpu.vector_load %arg13[%swap3A_599, %swap3A_600] {strides = array<i32>} : memref<80x64xf32, #tpu.memory_space<vmem>>, vector<1x16xf32>,
          %swap3A_602 = vector.shape_cast %swap3A_601 : vector<1x16xf32> to vector<16xf32>
          %swap3A_603 = vector.shape_cast %mul3A_598 : vector<16xf32> to vector<1x16xf32>
          tpu.vector_store %arg13[%swap3A_599, %swap3A_600], %swap3A_603 {strides = array<i32>} : memref<80x64xf32, #tpu.memory_space<vmem>>, vector<1x16xf32>,
          %get3A_604 = arith.index_cast %add3A_568 : i32 to index
          %get3A_605 = arith.constant 48 : index
          %get3A_606 = tpu.vector_load %arg11[%get3A_604, %get3A_605] {strides = array<i32>} : memref<80x64xf32, #tpu.memory_space<vmem>>, vector<1x16xf32>,
          %get3A_607 = vector.shape_cast %get3A_606 : vector<1x16xf32> to vector<16xf32>
          %mul3A_608 = vector.broadcast %squeeze3A_570 : f32 to vector<16xf32>
          %mul3A_609 = arith.mulf %get3A_607, %mul3A_608 : vector<16xf32>
          %swap3A_610 = arith.index_cast %add3A_568 : i32 to index
          %swap3A_611 = arith.constant 48 : index
          %swap3A_612 = tpu.vector_load %arg13[%swap3A_610, %swap3A_611] {strides = array<i32>} : memref<80x64xf32, #tpu.memory_space<vmem>>, vector<1x16xf32>,
          %swap3A_613 = vector.shape_cast %swap3A_612 : vector<1x16xf32> to vector<16xf32>
          %swap3A_614 = vector.shape_cast %mul3A_609 : vector<16xf32> to vector<1x16xf32>
          tpu.vector_store %arg13[%swap3A_610, %swap3A_611], %swap3A_614 {strides = array<i32>} : memref<80x64xf32, #tpu.memory_space<vmem>>, vector<1x16xf32>,
          %mul3A_615 = arith.constant 16 : i32
          %mul3A_616 = arith.muli %scan3A_162, %mul3A_615 : i32
          %add3A_617 = arith.constant 9 : i32
          %add3A_618 = arith.addi %mul3A_616, %add3A_617 : i32
          %slice3A_619 = vector.extract_strided_slice %get3A_167 {offsets = [9], sizes = [1], strides = [1]} : vector<16xf32> to vector<1xf32>
          %squeeze3A_620 = vector.extract %slice3A_619[0] : f32 from vector<1xf32>
          %get3A_621 = arith.index_cast %add3A_618 : i32 to index
          %get3A_622 = arith.constant 0 : index
          %get3A_623 = tpu.vector_load %arg11[%get3A_621, %get3A_622] {strides = array<i32>} : memref<80x64xf32, #tpu.memory_space<vmem>>, vector<1x16xf32>,
          %get3A_624 = vector.shape_cast %get3A_623 : vector<1x16xf32> to vector<16xf32>
          %mul3A_625 = vector.broadcast %squeeze3A_620 : f32 to vector<16xf32>
          %mul3A_626 = arith.mulf %get3A_624, %mul3A_625 : vector<16xf32>
          %swap3A_627 = arith.index_cast %add3A_618 : i32 to index
          %swap3A_628 = arith.constant 0 : index
          %swap3A_629 = tpu.vector_load %arg13[%swap3A_627, %swap3A_628] {strides = array<i32>} : memref<80x64xf32, #tpu.memory_space<vmem>>, vector<1x16xf32>,
          %swap3A_630 = vector.shape_cast %swap3A_629 : vector<1x16xf32> to vector<16xf32>
          %swap3A_631 = vector.shape_cast %mul3A_626 : vector<16xf32> to vector<1x16xf32>
          tpu.vector_store %arg13[%swap3A_627, %swap3A_628], %swap3A_631 {strides = array<i32>} : memref<80x64xf32, #tpu.memory_space<vmem>>, vector<1x16xf32>,
          %get3A_632 = arith.index_cast %add3A_618 : i32 to index
          %get3A_633 = arith.constant 16 : index
          %get3A_634 = tpu.vector_load %arg11[%get3A_632, %get3A_633] {strides = array<i32>} : memref<80x64xf32, #tpu.memory_space<vmem>>, vector<1x16xf32>,
          %get3A_635 = vector.shape_cast %get3A_634 : vector<1x16xf32> to vector<16xf32>
          %mul3A_636 = vector.broadcast %squeeze3A_620 : f32 to vector<16xf32>
          %mul3A_637 = arith.mulf %get3A_635, %mul3A_636 : vector<16xf32>
          %swap3A_638 = arith.index_cast %add3A_618 : i32 to index
          %swap3A_639 = arith.constant 16 : index
          %swap3A_640 = tpu.vector_load %arg13[%swap3A_638, %swap3A_639] {strides = array<i32>} : memref<80x64xf32, #tpu.memory_space<vmem>>, vector<1x16xf32>,
          %swap3A_641 = vector.shape_cast %swap3A_640 : vector<1x16xf32> to vector<16xf32>
          %swap3A_642 = vector.shape_cast %mul3A_637 : vector<16xf32> to vector<1x16xf32>
          tpu.vector_store %arg13[%swap3A_638, %swap3A_639], %swap3A_642 {strides = array<i32>} : memref<80x64xf32, #tpu.memory_space<vmem>>, vector<1x16xf32>,
          %get3A_643 = arith.index_cast %add3A_618 : i32 to index
          %get3A_644 = arith.constant 32 : index
          %get3A_645 = tpu.vector_load %arg11[%get3A_643, %get3A_644] {strides = array<i32>} : memref<80x64xf32, #tpu.memory_space<vmem>>, vector<1x16xf32>,
          %get3A_646 = vector.shape_cast %get3A_645 : vector<1x16xf32> to vector<16xf32>
          %mul3A_647 = vector.broadcast %squeeze3A_620 : f32 to vector<16xf32>
          %mul3A_648 = arith.mulf %get3A_646, %mul3A_647 : vector<16xf32>
          %swap3A_649 = arith.index_cast %add3A_618 : i32 to index
          %swap3A_650 = arith.constant 32 : index
          %swap3A_651 = tpu.vector_load %arg13[%swap3A_649, %swap3A_650] {strides = array<i32>} : memref<80x64xf32, #tpu.memory_space<vmem>>, vector<1x16xf32>,
          %swap3A_652 = vector.shape_cast %swap3A_651 : vector<1x16xf32> to vector<16xf32>
          %swap3A_653 = vector.shape_cast %mul3A_648 : vector<16xf32> to vector<1x16xf32>
          tpu.vector_store %arg13[%swap3A_649, %swap3A_650], %swap3A_653 {strides = array<i32>} : memref<80x64xf32, #tpu.memory_space<vmem>>, vector<1x16xf32>,
          %get3A_654 = arith.index_cast %add3A_618 : i32 to index
          %get3A_655 = arith.constant 48 : index
          %get3A_656 = tpu.vector_load %arg11[%get3A_654, %get3A_655] {strides = array<i32>} : memref<80x64xf32, #tpu.memory_space<vmem>>, vector<1x16xf32>,
          %get3A_657 = vector.shape_cast %get3A_656 : vector<1x16xf32> to vector<16xf32>
          %mul3A_658 = vector.broadcast %squeeze3A_620 : f32 to vector<16xf32>
          %mul3A_659 = arith.mulf %get3A_657, %mul3A_658 : vector<16xf32>
          %swap3A_660 = arith.index_cast %add3A_618 : i32 to index
          %swap3A_661 = arith.constant 48 : index
          %swap3A_662 = tpu.vector_load %arg13[%swap3A_660, %swap3A_661] {strides = array<i32>} : memref<80x64xf32, #tpu.memory_space<vmem>>, vector<1x16xf32>,
          %swap3A_663 = vector.shape_cast %swap3A_662 : vector<1x16xf32> to vector<16xf32>
          %swap3A_664 = vector.shape_cast %mul3A_659 : vector<16xf32> to vector<1x16xf32>
          tpu.vector_store %arg13[%swap3A_660, %swap3A_661], %swap3A_664 {strides = array<i32>} : memref<80x64xf32, #tpu.memory_space<vmem>>, vector<1x16xf32>,
          %mul3A_665 = arith.constant 16 : i32
          %mul3A_666 = arith.muli %scan3A_162, %mul3A_665 : i32
          %add3A_667 = arith.constant 10 : i32
          %add3A_668 = arith.addi %mul3A_666, %add3A_667 : i32
          %slice3A_669 = vector.extract_strided_slice %get3A_167 {offsets = [10], sizes = [1], strides = [1]} : vector<16xf32> to vector<1xf32>
          %squeeze3A_670 = vector.extract %slice3A_669[0] : f32 from vector<1xf32>
          %get3A_671 = arith.index_cast %add3A_668 : i32 to index
          %get3A_672 = arith.constant 0 : index
          %get3A_673 = tpu.vector_load %arg11[%get3A_671, %get3A_672] {strides = array<i32>} : memref<80x64xf32, #tpu.memory_space<vmem>>, vector<1x16xf32>,
          %get3A_674 = vector.shape_cast %get3A_673 : vector<1x16xf32> to vector<16xf32>
          %mul3A_675 = vector.broadcast %squeeze3A_670 : f32 to vector<16xf32>
          %mul3A_676 = arith.mulf %get3A_674, %mul3A_675 : vector<16xf32>
          %swap3A_677 = arith.index_cast %add3A_668 : i32 to index
          %swap3A_678 = arith.constant 0 : index
          %swap3A_679 = tpu.vector_load %arg13[%swap3A_677, %swap3A_678] {strides = array<i32>} : memref<80x64xf32, #tpu.memory_space<vmem>>, vector<1x16xf32>,
          %swap3A_680 = vector.shape_cast %swap3A_679 : vector<1x16xf32> to vector<16xf32>
          %swap3A_681 = vector.shape_cast %mul3A_676 : vector<16xf32> to vector<1x16xf32>
          tpu.vector_store %arg13[%swap3A_677, %swap3A_678], %swap3A_681 {strides = array<i32>} : memref<80x64xf32, #tpu.memory_space<vmem>>, vector<1x16xf32>,
          %get3A_682 = arith.index_cast %add3A_668 : i32 to index
          %get3A_683 = arith.constant 16 : index
          %get3A_684 = tpu.vector_load %arg11[%get3A_682, %get3A_683] {strides = array<i32>} : memref<80x64xf32, #tpu.memory_space<vmem>>, vector<1x16xf32>,
          %get3A_685 = vector.shape_cast %get3A_684 : vector<1x16xf32> to vector<16xf32>
          %mul3A_686 = vector.broadcast %squeeze3A_670 : f32 to vector<16xf32>
          %mul3A_687 = arith.mulf %get3A_685, %mul3A_686 : vector<16xf32>
          %swap3A_688 = arith.index_cast %add3A_668 : i32 to index
          %swap3A_689 = arith.constant 16 : index
          %swap3A_690 = tpu.vector_load %arg13[%swap3A_688, %swap3A_689] {strides = array<i32>} : memref<80x64xf32, #tpu.memory_space<vmem>>, vector<1x16xf32>,
          %swap3A_691 = vector.shape_cast %swap3A_690 : vector<1x16xf32> to vector<16xf32>
          %swap3A_692 = vector.shape_cast %mul3A_687 : vector<16xf32> to vector<1x16xf32>
          tpu.vector_store %arg13[%swap3A_688, %swap3A_689], %swap3A_692 {strides = array<i32>} : memref<80x64xf32, #tpu.memory_space<vmem>>, vector<1x16xf32>,
          %get3A_693 = arith.index_cast %add3A_668 : i32 to index
          %get3A_694 = arith.constant 32 : index
          %get3A_695 = tpu.vector_load %arg11[%get3A_693, %get3A_694] {strides = array<i32>} : memref<80x64xf32, #tpu.memory_space<vmem>>, vector<1x16xf32>,
          %get3A_696 = vector.shape_cast %get3A_695 : vector<1x16xf32> to vector<16xf32>
          %mul3A_697 = vector.broadcast %squeeze3A_670 : f32 to vector<16xf32>
          %mul3A_698 = arith.mulf %get3A_696, %mul3A_697 : vector<16xf32>
          %swap3A_699 = arith.index_cast %add3A_668 : i32 to index
          %swap3A_700 = arith.constant 32 : index
          %swap3A_701 = tpu.vector_load %arg13[%swap3A_699, %swap3A_700] {strides = array<i32>} : memref<80x64xf32, #tpu.memory_space<vmem>>, vector<1x16xf32>,
          %swap3A_702 = vector.shape_cast %swap3A_701 : vector<1x16xf32> to vector<16xf32>
          %swap3A_703 = vector.shape_cast %mul3A_698 : vector<16xf32> to vector<1x16xf32>
          tpu.vector_store %arg13[%swap3A_699, %swap3A_700], %swap3A_703 {strides = array<i32>} : memref<80x64xf32, #tpu.memory_space<vmem>>, vector<1x16xf32>,
          %get3A_704 = arith.index_cast %add3A_668 : i32 to index
          %get3A_705 = arith.constant 48 : index
          %get3A_706 = tpu.vector_load %arg11[%get3A_704, %get3A_705] {strides = array<i32>} : memref<80x64xf32, #tpu.memory_space<vmem>>, vector<1x16xf32>,
          %get3A_707 = vector.shape_cast %get3A_706 : vector<1x16xf32> to vector<16xf32>
          %mul3A_708 = vector.broadcast %squeeze3A_670 : f32 to vector<16xf32>
          %mul3A_709 = arith.mulf %get3A_707, %mul3A_708 : vector<16xf32>
          %swap3A_710 = arith.index_cast %add3A_668 : i32 to index
          %swap3A_711 = arith.constant 48 : index
          %swap3A_712 = tpu.vector_load %arg13[%swap3A_710, %swap3A_711] {strides = array<i32>} : memref<80x64xf32, #tpu.memory_space<vmem>>, vector<1x16xf32>,
          %swap3A_713 = vector.shape_cast %swap3A_712 : vector<1x16xf32> to vector<16xf32>
          %swap3A_714 = vector.shape_cast %mul3A_709 : vector<16xf32> to vector<1x16xf32>
          tpu.vector_store %arg13[%swap3A_710, %swap3A_711], %swap3A_714 {strides = array<i32>} : memref<80x64xf32, #tpu.memory_space<vmem>>, vector<1x16xf32>,
          %mul3A_715 = arith.constant 16 : i32
          %mul3A_716 = arith.muli %scan3A_162, %mul3A_715 : i32
          %add3A_717 = arith.constant 11 : i32
          %add3A_718 = arith.addi %mul3A_716, %add3A_717 : i32
          %slice3A_719 = vector.extract_strided_slice %get3A_167 {offsets = [11], sizes = [1], strides = [1]} : vector<16xf32> to vector<1xf32>
          %squeeze3A_720 = vector.extract %slice3A_719[0] : f32 from vector<1xf32>
          %get3A_721 = arith.index_cast %add3A_718 : i32 to index
          %get3A_722 = arith.constant 0 : index
          %get3A_723 = tpu.vector_load %arg11[%get3A_721, %get3A_722] {strides = array<i32>} : memref<80x64xf32, #tpu.memory_space<vmem>>, vector<1x16xf32>,
          %get3A_724 = vector.shape_cast %get3A_723 : vector<1x16xf32> to vector<16xf32>
          %mul3A_725 = vector.broadcast %squeeze3A_720 : f32 to vector<16xf32>
          %mul3A_726 = arith.mulf %get3A_724, %mul3A_725 : vector<16xf32>
          %swap3A_727 = arith.index_cast %add3A_718 : i32 to index
          %swap3A_728 = arith.constant 0 : index
          %swap3A_729 = tpu.vector_load %arg13[%swap3A_727, %swap3A_728] {strides = array<i32>} : memref<80x64xf32, #tpu.memory_space<vmem>>, vector<1x16xf32>,
          %swap3A_730 = vector.shape_cast %swap3A_729 : vector<1x16xf32> to vector<16xf32>
          %swap3A_731 = vector.shape_cast %mul3A_726 : vector<16xf32> to vector<1x16xf32>
          tpu.vector_store %arg13[%swap3A_727, %swap3A_728], %swap3A_731 {strides = array<i32>} : memref<80x64xf32, #tpu.memory_space<vmem>>, vector<1x16xf32>,
          %get3A_732 = arith.index_cast %add3A_718 : i32 to index
          %get3A_733 = arith.constant 16 : index
          %get3A_734 = tpu.vector_load %arg11[%get3A_732, %get3A_733] {strides = array<i32>} : memref<80x64xf32, #tpu.memory_space<vmem>>, vector<1x16xf32>,
          %get3A_735 = vector.shape_cast %get3A_734 : vector<1x16xf32> to vector<16xf32>
          %mul3A_736 = vector.broadcast %squeeze3A_720 : f32 to vector<16xf32>
          %mul3A_737 = arith.mulf %get3A_735, %mul3A_736 : vector<16xf32>
          %swap3A_738 = arith.index_cast %add3A_718 : i32 to index
          %swap3A_739 = arith.constant 16 : index
          %swap3A_740 = tpu.vector_load %arg13[%swap3A_738, %swap3A_739] {strides = array<i32>} : memref<80x64xf32, #tpu.memory_space<vmem>>, vector<1x16xf32>,
          %swap3A_741 = vector.shape_cast %swap3A_740 : vector<1x16xf32> to vector<16xf32>
          %swap3A_742 = vector.shape_cast %mul3A_737 : vector<16xf32> to vector<1x16xf32>
          tpu.vector_store %arg13[%swap3A_738, %swap3A_739], %swap3A_742 {strides = array<i32>} : memref<80x64xf32, #tpu.memory_space<vmem>>, vector<1x16xf32>,
          %get3A_743 = arith.index_cast %add3A_718 : i32 to index
          %get3A_744 = arith.constant 32 : index
          %get3A_745 = tpu.vector_load %arg11[%get3A_743, %get3A_744] {strides = array<i32>} : memref<80x64xf32, #tpu.memory_space<vmem>>, vector<1x16xf32>,
          %get3A_746 = vector.shape_cast %get3A_745 : vector<1x16xf32> to vector<16xf32>
          %mul3A_747 = vector.broadcast %squeeze3A_720 : f32 to vector<16xf32>
          %mul3A_748 = arith.mulf %get3A_746, %mul3A_747 : vector<16xf32>
          %swap3A_749 = arith.index_cast %add3A_718 : i32 to index
          %swap3A_750 = arith.constant 32 : index
          %swap3A_751 = tpu.vector_load %arg13[%swap3A_749, %swap3A_750] {strides = array<i32>} : memref<80x64xf32, #tpu.memory_space<vmem>>, vector<1x16xf32>,
          %swap3A_752 = vector.shape_cast %swap3A_751 : vector<1x16xf32> to vector<16xf32>
          %swap3A_753 = vector.shape_cast %mul3A_748 : vector<16xf32> to vector<1x16xf32>
          tpu.vector_store %arg13[%swap3A_749, %swap3A_750], %swap3A_753 {strides = array<i32>} : memref<80x64xf32, #tpu.memory_space<vmem>>, vector<1x16xf32>,
          %get3A_754 = arith.index_cast %add3A_718 : i32 to index
          %get3A_755 = arith.constant 48 : index
          %get3A_756 = tpu.vector_load %arg11[%get3A_754, %get3A_755] {strides = array<i32>} : memref<80x64xf32, #tpu.memory_space<vmem>>, vector<1x16xf32>,
          %get3A_757 = vector.shape_cast %get3A_756 : vector<1x16xf32> to vector<16xf32>
          %mul3A_758 = vector.broadcast %squeeze3A_720 : f32 to vector<16xf32>
          %mul3A_759 = arith.mulf %get3A_757, %mul3A_758 : vector<16xf32>
          %swap3A_760 = arith.index_cast %add3A_718 : i32 to index
          %swap3A_761 = arith.constant 48 : index
          %swap3A_762 = tpu.vector_load %arg13[%swap3A_760, %swap3A_761] {strides = array<i32>} : memref<80x64xf32, #tpu.memory_space<vmem>>, vector<1x16xf32>,
          %swap3A_763 = vector.shape_cast %swap3A_762 : vector<1x16xf32> to vector<16xf32>
          %swap3A_764 = vector.shape_cast %mul3A_759 : vector<16xf32> to vector<1x16xf32>
          tpu.vector_store %arg13[%swap3A_760, %swap3A_761], %swap3A_764 {strides = array<i32>} : memref<80x64xf32, #tpu.memory_space<vmem>>, vector<1x16xf32>,
          %mul3A_765 = arith.constant 16 : i32
          %mul3A_766 = arith.muli %scan3A_162, %mul3A_765 : i32
          %add3A_767 = arith.constant 12 : i32
          %add3A_768 = arith.addi %mul3A_766, %add3A_767 : i32
          %slice3A_769 = vector.extract_strided_slice %get3A_167 {offsets = [12], sizes = [1], strides = [1]} : vector<16xf32> to vector<1xf32>
          %squeeze3A_770 = vector.extract %slice3A_769[0] : f32 from vector<1xf32>
          %get3A_771 = arith.index_cast %add3A_768 : i32 to index
          %get3A_772 = arith.constant 0 : index
          %get3A_773 = tpu.vector_load %arg11[%get3A_771, %get3A_772] {strides = array<i32>} : memref<80x64xf32, #tpu.memory_space<vmem>>, vector<1x16xf32>,
          %get3A_774 = vector.shape_cast %get3A_773 : vector<1x16xf32> to vector<16xf32>
          %mul3A_775 = vector.broadcast %squeeze3A_770 : f32 to vector<16xf32>
          %mul3A_776 = arith.mulf %get3A_774, %mul3A_775 : vector<16xf32>
          %swap3A_777 = arith.index_cast %add3A_768 : i32 to index
          %swap3A_778 = arith.constant 0 : index
          %swap3A_779 = tpu.vector_load %arg13[%swap3A_777, %swap3A_778] {strides = array<i32>} : memref<80x64xf32, #tpu.memory_space<vmem>>, vector<1x16xf32>,
          %swap3A_780 = vector.shape_cast %swap3A_779 : vector<1x16xf32> to vector<16xf32>
          %swap3A_781 = vector.shape_cast %mul3A_776 : vector<16xf32> to vector<1x16xf32>
          tpu.vector_store %arg13[%swap3A_777, %swap3A_778], %swap3A_781 {strides = array<i32>} : memref<80x64xf32, #tpu.memory_space<vmem>>, vector<1x16xf32>,
          %get3A_782 = arith.index_cast %add3A_768 : i32 to index
          %get3A_783 = arith.constant 16 : index
          %get3A_784 = tpu.vector_load %arg11[%get3A_782, %get3A_783] {strides = array<i32>} : memref<80x64xf32, #tpu.memory_space<vmem>>, vector<1x16xf32>,
          %get3A_785 = vector.shape_cast %get3A_784 : vector<1x16xf32> to vector<16xf32>
          %mul3A_786 = vector.broadcast %squeeze3A_770 : f32 to vector<16xf32>
          %mul3A_787 = arith.mulf %get3A_785, %mul3A_786 : vector<16xf32>
          %swap3A_788 = arith.index_cast %add3A_768 : i32 to index
          %swap3A_789 = arith.constant 16 : index
          %swap3A_790 = tpu.vector_load %arg13[%swap3A_788, %swap3A_789] {strides = array<i32>} : memref<80x64xf32, #tpu.memory_space<vmem>>, vector<1x16xf32>,
          %swap3A_791 = vector.shape_cast %swap3A_790 : vector<1x16xf32> to vector<16xf32>
          %swap3A_792 = vector.shape_cast %mul3A_787 : vector<16xf32> to vector<1x16xf32>
          tpu.vector_store %arg13[%swap3A_788, %swap3A_789], %swap3A_792 {strides = array<i32>} : memref<80x64xf32, #tpu.memory_space<vmem>>, vector<1x16xf32>,
          %get3A_793 = arith.index_cast %add3A_768 : i32 to index
          %get3A_794 = arith.constant 32 : index
          %get3A_795 = tpu.vector_load %arg11[%get3A_793, %get3A_794] {strides = array<i32>} : memref<80x64xf32, #tpu.memory_space<vmem>>, vector<1x16xf32>,
          %get3A_796 = vector.shape_cast %get3A_795 : vector<1x16xf32> to vector<16xf32>
          %mul3A_797 = vector.broadcast %squeeze3A_770 : f32 to vector<16xf32>
          %mul3A_798 = arith.mulf %get3A_796, %mul3A_797 : vector<16xf32>
          %swap3A_799 = arith.index_cast %add3A_768 : i32 to index
          %swap3A_800 = arith.constant 32 : index
          %swap3A_801 = tpu.vector_load %arg13[%swap3A_799, %swap3A_800] {strides = array<i32>} : memref<80x64xf32, #tpu.memory_space<vmem>>, vector<1x16xf32>,
          %swap3A_802 = vector.shape_cast %swap3A_801 : vector<1x16xf32> to vector<16xf32>
          %swap3A_803 = vector.shape_cast %mul3A_798 : vector<16xf32> to vector<1x16xf32>
          tpu.vector_store %arg13[%swap3A_799, %swap3A_800], %swap3A_803 {strides = array<i32>} : memref<80x64xf32, #tpu.memory_space<vmem>>, vector<1x16xf32>,
          %get3A_804 = arith.index_cast %add3A_768 : i32 to index
          %get3A_805 = arith.constant 48 : index
          %get3A_806 = tpu.vector_load %arg11[%get3A_804, %get3A_805] {strides = array<i32>} : memref<80x64xf32, #tpu.memory_space<vmem>>, vector<1x16xf32>,
          %get3A_807 = vector.shape_cast %get3A_806 : vector<1x16xf32> to vector<16xf32>
          %mul3A_808 = vector.broadcast %squeeze3A_770 : f32 to vector<16xf32>
          %mul3A_809 = arith.mulf %get3A_807, %mul3A_808 : vector<16xf32>
          %swap3A_810 = arith.index_cast %add3A_768 : i32 to index
          %swap3A_811 = arith.constant 48 : index
          %swap3A_812 = tpu.vector_load %arg13[%swap3A_810, %swap3A_811] {strides = array<i32>} : memref<80x64xf32, #tpu.memory_space<vmem>>, vector<1x16xf32>,
          %swap3A_813 = vector.shape_cast %swap3A_812 : vector<1x16xf32> to vector<16xf32>
          %swap3A_814 = vector.shape_cast %mul3A_809 : vector<16xf32> to vector<1x16xf32>
          tpu.vector_store %arg13[%swap3A_810, %swap3A_811], %swap3A_814 {strides = array<i32>} : memref<80x64xf32, #tpu.memory_space<vmem>>, vector<1x16xf32>,
          %mul3A_815 = arith.constant 16 : i32
          %mul3A_816 = arith.muli %scan3A_162, %mul3A_815 : i32
          %add3A_817 = arith.constant 13 : i32
          %add3A_818 = arith.addi %mul3A_816, %add3A_817 : i32
          %slice3A_819 = vector.extract_strided_slice %get3A_167 {offsets = [13], sizes = [1], strides = [1]} : vector<16xf32> to vector<1xf32>
          %squeeze3A_820 = vector.extract %slice3A_819[0] : f32 from vector<1xf32>
          %get3A_821 = arith.index_cast %add3A_818 : i32 to index
          %get3A_822 = arith.constant 0 : index
          %get3A_823 = tpu.vector_load %arg11[%get3A_821, %get3A_822] {strides = array<i32>} : memref<80x64xf32, #tpu.memory_space<vmem>>, vector<1x16xf32>,
          %get3A_824 = vector.shape_cast %get3A_823 : vector<1x16xf32> to vector<16xf32>
          %mul3A_825 = vector.broadcast %squeeze3A_820 : f32 to vector<16xf32>
          %mul3A_826 = arith.mulf %get3A_824, %mul3A_825 : vector<16xf32>
          %swap3A_827 = arith.index_cast %add3A_818 : i32 to index
          %swap3A_828 = arith.constant 0 : index
          %swap3A_829 = tpu.vector_load %arg13[%swap3A_827, %swap3A_828] {strides = array<i32>} : memref<80x64xf32, #tpu.memory_space<vmem>>, vector<1x16xf32>,
          %swap3A_830 = vector.shape_cast %swap3A_829 : vector<1x16xf32> to vector<16xf32>
          %swap3A_831 = vector.shape_cast %mul3A_826 : vector<16xf32> to vector<1x16xf32>
          tpu.vector_store %arg13[%swap3A_827, %swap3A_828], %swap3A_831 {strides = array<i32>} : memref<80x64xf32, #tpu.memory_space<vmem>>, vector<1x16xf32>,
          %get3A_832 = arith.index_cast %add3A_818 : i32 to index
          %get3A_833 = arith.constant 16 : index
          %get3A_834 = tpu.vector_load %arg11[%get3A_832, %get3A_833] {strides = array<i32>} : memref<80x64xf32, #tpu.memory_space<vmem>>, vector<1x16xf32>,
          %get3A_835 = vector.shape_cast %get3A_834 : vector<1x16xf32> to vector<16xf32>
          %mul3A_836 = vector.broadcast %squeeze3A_820 : f32 to vector<16xf32>
          %mul3A_837 = arith.mulf %get3A_835, %mul3A_836 : vector<16xf32>
          %swap3A_838 = arith.index_cast %add3A_818 : i32 to index
          %swap3A_839 = arith.constant 16 : index
          %swap3A_840 = tpu.vector_load %arg13[%swap3A_838, %swap3A_839] {strides = array<i32>} : memref<80x64xf32, #tpu.memory_space<vmem>>, vector<1x16xf32>,
          %swap3A_841 = vector.shape_cast %swap3A_840 : vector<1x16xf32> to vector<16xf32>
          %swap3A_842 = vector.shape_cast %mul3A_837 : vector<16xf32> to vector<1x16xf32>
          tpu.vector_store %arg13[%swap3A_838, %swap3A_839], %swap3A_842 {strides = array<i32>} : memref<80x64xf32, #tpu.memory_space<vmem>>, vector<1x16xf32>,
          %get3A_843 = arith.index_cast %add3A_818 : i32 to index
          %get3A_844 = arith.constant 32 : index
          %get3A_845 = tpu.vector_load %arg11[%get3A_843, %get3A_844] {strides = array<i32>} : memref<80x64xf32, #tpu.memory_space<vmem>>, vector<1x16xf32>,
          %get3A_846 = vector.shape_cast %get3A_845 : vector<1x16xf32> to vector<16xf32>
          %mul3A_847 = vector.broadcast %squeeze3A_820 : f32 to vector<16xf32>
          %mul3A_848 = arith.mulf %get3A_846, %mul3A_847 : vector<16xf32>
          %swap3A_849 = arith.index_cast %add3A_818 : i32 to index
          %swap3A_850 = arith.constant 32 : index
          %swap3A_851 = tpu.vector_load %arg13[%swap3A_849, %swap3A_850] {strides = array<i32>} : memref<80x64xf32, #tpu.memory_space<vmem>>, vector<1x16xf32>,
          %swap3A_852 = vector.shape_cast %swap3A_851 : vector<1x16xf32> to vector<16xf32>
          %swap3A_853 = vector.shape_cast %mul3A_848 : vector<16xf32> to vector<1x16xf32>
          tpu.vector_store %arg13[%swap3A_849, %swap3A_850], %swap3A_853 {strides = array<i32>} : memref<80x64xf32, #tpu.memory_space<vmem>>, vector<1x16xf32>,
          %get3A_854 = arith.index_cast %add3A_818 : i32 to index
          %get3A_855 = arith.constant 48 : index
          %get3A_856 = tpu.vector_load %arg11[%get3A_854, %get3A_855] {strides = array<i32>} : memref<80x64xf32, #tpu.memory_space<vmem>>, vector<1x16xf32>,
          %get3A_857 = vector.shape_cast %get3A_856 : vector<1x16xf32> to vector<16xf32>
          %mul3A_858 = vector.broadcast %squeeze3A_820 : f32 to vector<16xf32>
          %mul3A_859 = arith.mulf %get3A_857, %mul3A_858 : vector<16xf32>
          %swap3A_860 = arith.index_cast %add3A_818 : i32 to index
          %swap3A_861 = arith.constant 48 : index
          %swap3A_862 = tpu.vector_load %arg13[%swap3A_860, %swap3A_861] {strides = array<i32>} : memref<80x64xf32, #tpu.memory_space<vmem>>, vector<1x16xf32>,
          %swap3A_863 = vector.shape_cast %swap3A_862 : vector<1x16xf32> to vector<16xf32>
          %swap3A_864 = vector.shape_cast %mul3A_859 : vector<16xf32> to vector<1x16xf32>
          tpu.vector_store %arg13[%swap3A_860, %swap3A_861], %swap3A_864 {strides = array<i32>} : memref<80x64xf32, #tpu.memory_space<vmem>>, vector<1x16xf32>,
          %mul3A_865 = arith.constant 16 : i32
          %mul3A_866 = arith.muli %scan3A_162, %mul3A_865 : i32
          %add3A_867 = arith.constant 14 : i32
          %add3A_868 = arith.addi %mul3A_866, %add3A_867 : i32
          %slice3A_869 = vector.extract_strided_slice %get3A_167 {offsets = [14], sizes = [1], strides = [1]} : vector<16xf32> to vector<1xf32>
          %squeeze3A_870 = vector.extract %slice3A_869[0] : f32 from vector<1xf32>
          %get3A_871 = arith.index_cast %add3A_868 : i32 to index
          %get3A_872 = arith.constant 0 : index
          %get3A_873 = tpu.vector_load %arg11[%get3A_871, %get3A_872] {strides = array<i32>} : memref<80x64xf32, #tpu.memory_space<vmem>>, vector<1x16xf32>,
          %get3A_874 = vector.shape_cast %get3A_873 : vector<1x16xf32> to vector<16xf32>
          %mul3A_875 = vector.broadcast %squeeze3A_870 : f32 to vector<16xf32>
          %mul3A_876 = arith.mulf %get3A_874, %mul3A_875 : vector<16xf32>
          %swap3A_877 = arith.index_cast %add3A_868 : i32 to index
          %swap3A_878 = arith.constant 0 : index
          %swap3A_879 = tpu.vector_load %arg13[%swap3A_877, %swap3A_878] {strides = array<i32>} : memref<80x64xf32, #tpu.memory_space<vmem>>, vector<1x16xf32>,
          %swap3A_880 = vector.shape_cast %swap3A_879 : vector<1x16xf32> to vector<16xf32>
          %swap3A_881 = vector.shape_cast %mul3A_876 : vector<16xf32> to vector<1x16xf32>
          tpu.vector_store %arg13[%swap3A_877, %swap3A_878], %swap3A_881 {strides = array<i32>} : memref<80x64xf32, #tpu.memory_space<vmem>>, vector<1x16xf32>,
          %get3A_882 = arith.index_cast %add3A_868 : i32 to index
          %get3A_883 = arith.constant 16 : index
          %get3A_884 = tpu.vector_load %arg11[%get3A_882, %get3A_883] {strides = array<i32>} : memref<80x64xf32, #tpu.memory_space<vmem>>, vector<1x16xf32>,
          %get3A_885 = vector.shape_cast %get3A_884 : vector<1x16xf32> to vector<16xf32>
          %mul3A_886 = vector.broadcast %squeeze3A_870 : f32 to vector<16xf32>
          %mul3A_887 = arith.mulf %get3A_885, %mul3A_886 : vector<16xf32>
          %swap3A_888 = arith.index_cast %add3A_868 : i32 to index
          %swap3A_889 = arith.constant 16 : index
          %swap3A_890 = tpu.vector_load %arg13[%swap3A_888, %swap3A_889] {strides = array<i32>} : memref<80x64xf32, #tpu.memory_space<vmem>>, vector<1x16xf32>,
          %swap3A_891 = vector.shape_cast %swap3A_890 : vector<1x16xf32> to vector<16xf32>
          %swap3A_892 = vector.shape_cast %mul3A_887 : vector<16xf32> to vector<1x16xf32>
          tpu.vector_store %arg13[%swap3A_888, %swap3A_889], %swap3A_892 {strides = array<i32>} : memref<80x64xf32, #tpu.memory_space<vmem>>, vector<1x16xf32>,
          %get3A_893 = arith.index_cast %add3A_868 : i32 to index
          %get3A_894 = arith.constant 32 : index
          %get3A_895 = tpu.vector_load %arg11[%get3A_893, %get3A_894] {strides = array<i32>} : memref<80x64xf32, #tpu.memory_space<vmem>>, vector<1x16xf32>,
          %get3A_896 = vector.shape_cast %get3A_895 : vector<1x16xf32> to vector<16xf32>
          %mul3A_897 = vector.broadcast %squeeze3A_870 : f32 to vector<16xf32>
          %mul3A_898 = arith.mulf %get3A_896, %mul3A_897 : vector<16xf32>
          %swap3A_899 = arith.index_cast %add3A_868 : i32 to index
          %swap3A_900 = arith.constant 32 : index
          %swap3A_901 = tpu.vector_load %arg13[%swap3A_899, %swap3A_900] {strides = array<i32>} : memref<80x64xf32, #tpu.memory_space<vmem>>, vector<1x16xf32>,
          %swap3A_902 = vector.shape_cast %swap3A_901 : vector<1x16xf32> to vector<16xf32>
          %swap3A_903 = vector.shape_cast %mul3A_898 : vector<16xf32> to vector<1x16xf32>
          tpu.vector_store %arg13[%swap3A_899, %swap3A_900], %swap3A_903 {strides = array<i32>} : memref<80x64xf32, #tpu.memory_space<vmem>>, vector<1x16xf32>,
          %get3A_904 = arith.index_cast %add3A_868 : i32 to index
          %get3A_905 = arith.constant 48 : index
          %get3A_906 = tpu.vector_load %arg11[%get3A_904, %get3A_905] {strides = array<i32>} : memref<80x64xf32, #tpu.memory_space<vmem>>, vector<1x16xf32>,
          %get3A_907 = vector.shape_cast %get3A_906 : vector<1x16xf32> to vector<16xf32>
          %mul3A_908 = vector.broadcast %squeeze3A_870 : f32 to vector<16xf32>
          %mul3A_909 = arith.mulf %get3A_907, %mul3A_908 : vector<16xf32>
          %swap3A_910 = arith.index_cast %add3A_868 : i32 to index
          %swap3A_911 = arith.constant 48 : index
          %swap3A_912 = tpu.vector_load %arg13[%swap3A_910, %swap3A_911] {strides = array<i32>} : memref<80x64xf32, #tpu.memory_space<vmem>>, vector<1x16xf32>,
          %swap3A_913 = vector.shape_cast %swap3A_912 : vector<1x16xf32> to vector<16xf32>
          %swap3A_914 = vector.shape_cast %mul3A_909 : vector<16xf32> to vector<1x16xf32>
          tpu.vector_store %arg13[%swap3A_910, %swap3A_911], %swap3A_914 {strides = array<i32>} : memref<80x64xf32, #tpu.memory_space<vmem>>, vector<1x16xf32>,
          %mul3A_915 = arith.constant 16 : i32
          %mul3A_916 = arith.muli %scan3A_162, %mul3A_915 : i32
          %add3A_917 = arith.constant 15 : i32
          %add3A_918 = arith.addi %mul3A_916, %add3A_917 : i32
          %slice3A_919 = vector.extract_strided_slice %get3A_167 {offsets = [15], sizes = [1], strides = [1]} : vector<16xf32> to vector<1xf32>
          %squeeze3A_920 = vector.extract %slice3A_919[0] : f32 from vector<1xf32>
          %get3A_921 = arith.index_cast %add3A_918 : i32 to index
          %get3A_922 = arith.constant 0 : index
          %get3A_923 = tpu.vector_load %arg11[%get3A_921, %get3A_922] {strides = array<i32>} : memref<80x64xf32, #tpu.memory_space<vmem>>, vector<1x16xf32>,
          %get3A_924 = vector.shape_cast %get3A_923 : vector<1x16xf32> to vector<16xf32>
          %mul3A_925 = vector.broadcast %squeeze3A_920 : f32 to vector<16xf32>
          %mul3A_926 = arith.mulf %get3A_924, %mul3A_925 : vector<16xf32>
          %swap3A_927 = arith.index_cast %add3A_918 : i32 to index
          %swap3A_928 = arith.constant 0 : index
          %swap3A_929 = tpu.vector_load %arg13[%swap3A_927, %swap3A_928] {strides = array<i32>} : memref<80x64xf32, #tpu.memory_space<vmem>>, vector<1x16xf32>,
          %swap3A_930 = vector.shape_cast %swap3A_929 : vector<1x16xf32> to vector<16xf32>
          %swap3A_931 = vector.shape_cast %mul3A_926 : vector<16xf32> to vector<1x16xf32>
          tpu.vector_store %arg13[%swap3A_927, %swap3A_928], %swap3A_931 {strides = array<i32>} : memref<80x64xf32, #tpu.memory_space<vmem>>, vector<1x16xf32>,
          %get3A_932 = arith.index_cast %add3A_918 : i32 to index
          %get3A_933 = arith.constant 16 : index
          %get3A_934 = tpu.vector_load %arg11[%get3A_932, %get3A_933] {strides = array<i32>} : memref<80x64xf32, #tpu.memory_space<vmem>>, vector<1x16xf32>,
          %get3A_935 = vector.shape_cast %get3A_934 : vector<1x16xf32> to vector<16xf32>
          %mul3A_936 = vector.broadcast %squeeze3A_920 : f32 to vector<16xf32>
          %mul3A_937 = arith.mulf %get3A_935, %mul3A_936 : vector<16xf32>
          %swap3A_938 = arith.index_cast %add3A_918 : i32 to index
          %swap3A_939 = arith.constant 16 : index
          %swap3A_940 = tpu.vector_load %arg13[%swap3A_938, %swap3A_939] {strides = array<i32>} : memref<80x64xf32, #tpu.memory_space<vmem>>, vector<1x16xf32>,
          %swap3A_941 = vector.shape_cast %swap3A_940 : vector<1x16xf32> to vector<16xf32>
          %swap3A_942 = vector.shape_cast %mul3A_937 : vector<16xf32> to vector<1x16xf32>
          tpu.vector_store %arg13[%swap3A_938, %swap3A_939], %swap3A_942 {strides = array<i32>} : memref<80x64xf32, #tpu.memory_space<vmem>>, vector<1x16xf32>,
          %get3A_943 = arith.index_cast %add3A_918 : i32 to index
          %get3A_944 = arith.constant 32 : index
          %get3A_945 = tpu.vector_load %arg11[%get3A_943, %get3A_944] {strides = array<i32>} : memref<80x64xf32, #tpu.memory_space<vmem>>, vector<1x16xf32>,
          %get3A_946 = vector.shape_cast %get3A_945 : vector<1x16xf32> to vector<16xf32>
          %mul3A_947 = vector.broadcast %squeeze3A_920 : f32 to vector<16xf32>
          %mul3A_948 = arith.mulf %get3A_946, %mul3A_947 : vector<16xf32>
          %swap3A_949 = arith.index_cast %add3A_918 : i32 to index
          %swap3A_950 = arith.constant 32 : index
          %swap3A_951 = tpu.vector_load %arg13[%swap3A_949, %swap3A_950] {strides = array<i32>} : memref<80x64xf32, #tpu.memory_space<vmem>>, vector<1x16xf32>,
          %swap3A_952 = vector.shape_cast %swap3A_951 : vector<1x16xf32> to vector<16xf32>
          %swap3A_953 = vector.shape_cast %mul3A_948 : vector<16xf32> to vector<1x16xf32>
          tpu.vector_store %arg13[%swap3A_949, %swap3A_950], %swap3A_953 {strides = array<i32>} : memref<80x64xf32, #tpu.memory_space<vmem>>, vector<1x16xf32>,
          %get3A_954 = arith.index_cast %add3A_918 : i32 to index
          %get3A_955 = arith.constant 48 : index
          %get3A_956 = tpu.vector_load %arg11[%get3A_954, %get3A_955] {strides = array<i32>} : memref<80x64xf32, #tpu.memory_space<vmem>>, vector<1x16xf32>,
          %get3A_957 = vector.shape_cast %get3A_956 : vector<1x16xf32> to vector<16xf32>
          %mul3A_958 = vector.broadcast %squeeze3A_920 : f32 to vector<16xf32>
          %mul3A_959 = arith.mulf %get3A_957, %mul3A_958 : vector<16xf32>
          %swap3A_960 = arith.index_cast %add3A_918 : i32 to index
          %swap3A_961 = arith.constant 48 : index
          %swap3A_962 = tpu.vector_load %arg13[%swap3A_960, %swap3A_961] {strides = array<i32>} : memref<80x64xf32, #tpu.memory_space<vmem>>, vector<1x16xf32>,
          %swap3A_963 = vector.shape_cast %swap3A_962 : vector<1x16xf32> to vector<16xf32>
          %swap3A_964 = vector.shape_cast %mul3A_959 : vector<16xf32> to vector<1x16xf32>
          tpu.vector_store %arg13[%swap3A_960, %swap3A_961], %swap3A_964 {strides = array<i32>} : memref<80x64xf32, #tpu.memory_space<vmem>>, vector<1x16xf32>,
        }
        %scan3A_119 = arith.constant 5 : i32
        %lt3A = arith.constant 124 : i32
        %lt3A_120 = arith.cmpi slt, %scan3A_100, %lt3A : i32
        %convert_element_type3A_121 = arith.extui %lt3A_120 : i1 to i32
        %cond3A_122 = arith.constant 0 : i32
        %cond3A_123 = arith.cmpi ne, %convert_element_type3A_121, %cond3A_122 : i32
        scf.if %cond3A_123 {
          %add3A_162 = arith.constant 2 : i32
          %add3A_163 = arith.addi %add3A_103, %add3A_162 : i32
          %dma_start3A_164 = arith.constant 0 : i32
          %dma_start3A_165 = tpu.memref_slice %arg8[%add3A_163, %dma_start3A_164] : memref<250x80xi32, #tpu.memory_space<vmem>> -> memref<1x80xi32, #tpu.memory_space<vmem>>
          %dma_start3A_166 = tpu.memref_squeeze %dma_start3A_165 : memref<1x80xi32, #tpu.memory_space<vmem>> -> memref<80xi32, #tpu.memory_space<vmem>>
          %dma_start3A_167 = arith.constant 0 : i32
          %dma_start3A_168 = arith.constant 0 : i32
          %dma_start3A_169 = tpu.memref_slice %arg2[%dma_start3A_167, %dma_start3A_168] : memref<10000x64xf32, #tpu.memory_space<hbm>> -> memref<10000x64xf32, #tpu.memory_space<hbm>>
          tpu.enqueue_indirect_dma source(%dma_start3A_169 : memref<10000x64xf32, #tpu.memory_space<hbm>>) target(%arg11 : memref<80x64xf32, #tpu.memory_space<vmem>>) offsets(%dma_start3A_166 : memref<80xi32, #tpu.memory_space<vmem>>) semaphore(%arg16 : memref<!tpu.dma_semaphore, #tpu.memory_space<semaphore_mem>>)
        } else {
        }
        %dma_start3A_124 = arith.constant 0 : i32
        %dma_start3A_125 = tpu.memref_slice %arg9[%add3A_103, %dma_start3A_124] : memref<250x80xi32, #tpu.memory_space<vmem>> -> memref<1x80xi32, #tpu.memory_space<vmem>>
        %dma_start3A_126 = tpu.memref_squeeze %dma_start3A_125 : memref<1x80xi32, #tpu.memory_space<vmem>> -> memref<80xi32, #tpu.memory_space<vmem>>
        %dma_start3A_127 = arith.constant 0 : i32
        %dma_start3A_128 = arith.constant 0 : i32
        %dma_start3A_129 = tpu.memref_slice %arg15[%dma_start3A_127, %dma_start3A_128] : memref<10240x64xf32, #tpu.memory_space<vmem_shared>> -> memref<10240x64xf32, #tpu.memory_space<vmem_shared>>
        tpu.enqueue_indirect_dma source(%arg13 : memref<80x64xf32, #tpu.memory_space<vmem>>) target(%dma_start3A_129 : memref<10240x64xf32, #tpu.memory_space<vmem_shared>>) offsets(%dma_start3A_126 : memref<80xi32, #tpu.memory_space<vmem>>) semaphore(%arg18 : memref<!tpu.dma_semaphore, #tpu.memory_space<semaphore_mem>>) {add = true}
        %mul3A_130 = arith.constant 2 : i32
        %mul3A_131 = arith.muli %mul3A_130, %scan3A_100 : i32
        %add3A_132 = arith.constant 1 : i32
        %add3A_133 = arith.addi %mul3A_131, %add3A_132 : i32
        %dma_wait3A_134 = arith.constant 0 : i32
        %dma_wait3A_135 = tpu.memref_slice %arg8[%add3A_133, %dma_wait3A_134] : memref<250x80xi32, #tpu.memory_space<vmem>> -> memref<1x80xi32, #tpu.memory_space<vmem>>
        %dma_wait3A_136 = tpu.memref_squeeze %dma_wait3A_135 : memref<1x80xi32, #tpu.memory_space<vmem>> -> memref<80xi32, #tpu.memory_space<vmem>>
        %dma_wait3A_137 = arith.constant 0 : i32
        %dma_wait3A_138 = arith.constant 0 : i32
        %dma_wait3A_139 = tpu.memref_slice %arg2[%dma_wait3A_137, %dma_wait3A_138] : memref<10000x64xf32, #tpu.memory_space<hbm>> -> memref<10000x64xf32, #tpu.memory_space<hbm>>
        tpu.wait_indirect_dma semaphore(%arg17 : memref<!tpu.dma_semaphore, #tpu.memory_space<semaphore_mem>>) src(%dma_wait3A_139 : memref<10000x64xf32, #tpu.memory_space<hbm>>) dst(%arg12 : memref<80x64xf32, #tpu.memory_space<vmem>>)
        %ge3A_140 = arith.constant 1 : i32
        %ge3A_141 = arith.cmpi sge, %scan3A_100, %ge3A_140 : i32
        %convert_element_type3A_142 = arith.extui %ge3A_141 : i1 to i32
        %cond3A_143 = arith.constant 0 : i32
        %cond3A_144 = arith.cmpi ne, %convert_element_type3A_142, %cond3A_143 : i32
        scf.if %cond3A_144 {
          %dma_wait3A_162 = arith.constant 0 : i32
          %dma_wait3A_163 = arith.constant 0 : i32
          %dma_wait3A_164 = tpu.memref_slice %arg9[%dma_wait3A_162, %dma_wait3A_163] : memref<250x80xi32, #tpu.memory_space<vmem>> -> memref<1x80xi32, #tpu.memory_space<vmem>>
          %dma_wait3A_165 = tpu.memref_squeeze %dma_wait3A_164 : memref<1x80xi32, #tpu.memory_space<vmem>> -> memref<80xi32, #tpu.memory_space<vmem>>
          %dma_wait3A_166 = arith.constant 0 : i32
          %dma_wait3A_167 = arith.constant 0 : i32
          %dma_wait3A_168 = tpu.memref_slice %arg15[%dma_wait3A_166, %dma_wait3A_167] : memref<10240x64xf32, #tpu.memory_space<vmem_shared>> -> memref<10240x64xf32, #tpu.memory_space<vmem_shared>>
          tpu.wait_indirect_dma semaphore(%arg19 : memref<!tpu.dma_semaphore, #tpu.memory_space<semaphore_mem>>) src(%arg14 : memref<80x64xf32, #tpu.memory_space<vmem>>) dst(%dma_wait3A_168 : memref<10240x64xf32, #tpu.memory_space<vmem_shared>>)
        } else {
        }
        %scan3A_145 = arith.constant 0 : i32
        %scan3A_146 = arith.constant 0 : i32
        %scan3A_147 = arith.constant 5 : i32
        %scan3A_148 = arith.addi %scan3A_146, %scan3A_147 : i32
        %scan3A_149 = arith.constant 1 : i32
        scf.for %scan3A_162 = %scan3A_146 to %scan3A_148 step %scan3A_149  : i32 {
          %mul3A_163 = arith.constant 16 : i32
          %mul3A_164 = arith.muli %scan3A_162, %mul3A_163 : i32
          %get3A = arith.index_cast %add3A_133 : i32 to index
          %get3A_165 = arith.index_cast %mul3A_164 : i32 to index
          %get3A_166 = tpu.vector_load %arg10[%get3A, %get3A_165] {strides = array<i32>} : memref<250x80xf32, #tpu.memory_space<vmem>>, vector<1x16xf32>,
          %get3A_167 = vector.shape_cast %get3A_166 : vector<1x16xf32> to vector<16xf32>
          %mul3A_168 = arith.constant 16 : i32
          %mul3A_169 = arith.muli %scan3A_162, %mul3A_168 : i32
          %add3A_170 = arith.constant 0 : i32
          %add3A_171 = arith.addi %mul3A_169, %add3A_170 : i32
          %slice3A = vector.extract_strided_slice %get3A_167 {offsets = [0], sizes = [1], strides = [1]} : vector<16xf32> to vector<1xf32>
          %squeeze3A = vector.extract %slice3A[0] : f32 from vector<1xf32>
          %get3A_172 = arith.index_cast %add3A_171 : i32 to index
          %get3A_173 = arith.constant 0 : index
          %get3A_174 = tpu.vector_load %arg12[%get3A_172, %get3A_173] {strides = array<i32>} : memref<80x64xf32, #tpu.memory_space<vmem>>, vector<1x16xf32>,
          %get3A_175 = vector.shape_cast %get3A_174 : vector<1x16xf32> to vector<16xf32>
          %mul3A_176 = vector.broadcast %squeeze3A : f32 to vector<16xf32>
          %mul3A_177 = arith.mulf %get3A_175, %mul3A_176 : vector<16xf32>
          %swap3A = arith.index_cast %add3A_171 : i32 to index
          %swap3A_178 = arith.constant 0 : index
          %swap3A_179 = tpu.vector_load %arg14[%swap3A, %swap3A_178] {strides = array<i32>} : memref<80x64xf32, #tpu.memory_space<vmem>>, vector<1x16xf32>,
          %swap3A_180 = vector.shape_cast %swap3A_179 : vector<1x16xf32> to vector<16xf32>
          %swap3A_181 = vector.shape_cast %mul3A_177 : vector<16xf32> to vector<1x16xf32>
          tpu.vector_store %arg14[%swap3A, %swap3A_178], %swap3A_181 {strides = array<i32>} : memref<80x64xf32, #tpu.memory_space<vmem>>, vector<1x16xf32>,
          %get3A_182 = arith.index_cast %add3A_171 : i32 to index
          %get3A_183 = arith.constant 16 : index
          %get3A_184 = tpu.vector_load %arg12[%get3A_182, %get3A_183] {strides = array<i32>} : memref<80x64xf32, #tpu.memory_space<vmem>>, vector<1x16xf32>,
          %get3A_185 = vector.shape_cast %get3A_184 : vector<1x16xf32> to vector<16xf32>
          %mul3A_186 = vector.broadcast %squeeze3A : f32 to vector<16xf32>
          %mul3A_187 = arith.mulf %get3A_185, %mul3A_186 : vector<16xf32>
          %swap3A_188 = arith.index_cast %add3A_171 : i32 to index
          %swap3A_189 = arith.constant 16 : index
          %swap3A_190 = tpu.vector_load %arg14[%swap3A_188, %swap3A_189] {strides = array<i32>} : memref<80x64xf32, #tpu.memory_space<vmem>>, vector<1x16xf32>,
          %swap3A_191 = vector.shape_cast %swap3A_190 : vector<1x16xf32> to vector<16xf32>
          %swap3A_192 = vector.shape_cast %mul3A_187 : vector<16xf32> to vector<1x16xf32>
          tpu.vector_store %arg14[%swap3A_188, %swap3A_189], %swap3A_192 {strides = array<i32>} : memref<80x64xf32, #tpu.memory_space<vmem>>, vector<1x16xf32>,
          %get3A_193 = arith.index_cast %add3A_171 : i32 to index
          %get3A_194 = arith.constant 32 : index
          %get3A_195 = tpu.vector_load %arg12[%get3A_193, %get3A_194] {strides = array<i32>} : memref<80x64xf32, #tpu.memory_space<vmem>>, vector<1x16xf32>,
          %get3A_196 = vector.shape_cast %get3A_195 : vector<1x16xf32> to vector<16xf32>
          %mul3A_197 = vector.broadcast %squeeze3A : f32 to vector<16xf32>
          %mul3A_198 = arith.mulf %get3A_196, %mul3A_197 : vector<16xf32>
          %swap3A_199 = arith.index_cast %add3A_171 : i32 to index
          %swap3A_200 = arith.constant 32 : index
          %swap3A_201 = tpu.vector_load %arg14[%swap3A_199, %swap3A_200] {strides = array<i32>} : memref<80x64xf32, #tpu.memory_space<vmem>>, vector<1x16xf32>,
          %swap3A_202 = vector.shape_cast %swap3A_201 : vector<1x16xf32> to vector<16xf32>
          %swap3A_203 = vector.shape_cast %mul3A_198 : vector<16xf32> to vector<1x16xf32>
          tpu.vector_store %arg14[%swap3A_199, %swap3A_200], %swap3A_203 {strides = array<i32>} : memref<80x64xf32, #tpu.memory_space<vmem>>, vector<1x16xf32>,
          %get3A_204 = arith.index_cast %add3A_171 : i32 to index
          %get3A_205 = arith.constant 48 : index
          %get3A_206 = tpu.vector_load %arg12[%get3A_204, %get3A_205] {strides = array<i32>} : memref<80x64xf32, #tpu.memory_space<vmem>>, vector<1x16xf32>,
          %get3A_207 = vector.shape_cast %get3A_206 : vector<1x16xf32> to vector<16xf32>
          %mul3A_208 = vector.broadcast %squeeze3A : f32 to vector<16xf32>
          %mul3A_209 = arith.mulf %get3A_207, %mul3A_208 : vector<16xf32>
          %swap3A_210 = arith.index_cast %add3A_171 : i32 to index
          %swap3A_211 = arith.constant 48 : index
          %swap3A_212 = tpu.vector_load %arg14[%swap3A_210, %swap3A_211] {strides = array<i32>} : memref<80x64xf32, #tpu.memory_space<vmem>>, vector<1x16xf32>,
          %swap3A_213 = vector.shape_cast %swap3A_212 : vector<1x16xf32> to vector<16xf32>
          %swap3A_214 = vector.shape_cast %mul3A_209 : vector<16xf32> to vector<1x16xf32>
          tpu.vector_store %arg14[%swap3A_210, %swap3A_211], %swap3A_214 {strides = array<i32>} : memref<80x64xf32, #tpu.memory_space<vmem>>, vector<1x16xf32>,
          %mul3A_215 = arith.constant 16 : i32
          %mul3A_216 = arith.muli %scan3A_162, %mul3A_215 : i32
          %add3A_217 = arith.constant 1 : i32
          %add3A_218 = arith.addi %mul3A_216, %add3A_217 : i32
          %slice3A_219 = vector.extract_strided_slice %get3A_167 {offsets = [1], sizes = [1], strides = [1]} : vector<16xf32> to vector<1xf32>
          %squeeze3A_220 = vector.extract %slice3A_219[0] : f32 from vector<1xf32>
          %get3A_221 = arith.index_cast %add3A_218 : i32 to index
          %get3A_222 = arith.constant 0 : index
          %get3A_223 = tpu.vector_load %arg12[%get3A_221, %get3A_222] {strides = array<i32>} : memref<80x64xf32, #tpu.memory_space<vmem>>, vector<1x16xf32>,
          %get3A_224 = vector.shape_cast %get3A_223 : vector<1x16xf32> to vector<16xf32>
          %mul3A_225 = vector.broadcast %squeeze3A_220 : f32 to vector<16xf32>
          %mul3A_226 = arith.mulf %get3A_224, %mul3A_225 : vector<16xf32>
          %swap3A_227 = arith.index_cast %add3A_218 : i32 to index
          %swap3A_228 = arith.constant 0 : index
          %swap3A_229 = tpu.vector_load %arg14[%swap3A_227, %swap3A_228] {strides = array<i32>} : memref<80x64xf32, #tpu.memory_space<vmem>>, vector<1x16xf32>,
          %swap3A_230 = vector.shape_cast %swap3A_229 : vector<1x16xf32> to vector<16xf32>
          %swap3A_231 = vector.shape_cast %mul3A_226 : vector<16xf32> to vector<1x16xf32>
          tpu.vector_store %arg14[%swap3A_227, %swap3A_228], %swap3A_231 {strides = array<i32>} : memref<80x64xf32, #tpu.memory_space<vmem>>, vector<1x16xf32>,
          %get3A_232 = arith.index_cast %add3A_218 : i32 to index
          %get3A_233 = arith.constant 16 : index
          %get3A_234 = tpu.vector_load %arg12[%get3A_232, %get3A_233] {strides = array<i32>} : memref<80x64xf32, #tpu.memory_space<vmem>>, vector<1x16xf32>,
          %get3A_235 = vector.shape_cast %get3A_234 : vector<1x16xf32> to vector<16xf32>
          %mul3A_236 = vector.broadcast %squeeze3A_220 : f32 to vector<16xf32>
          %mul3A_237 = arith.mulf %get3A_235, %mul3A_236 : vector<16xf32>
          %swap3A_238 = arith.index_cast %add3A_218 : i32 to index
          %swap3A_239 = arith.constant 16 : index
          %swap3A_240 = tpu.vector_load %arg14[%swap3A_238, %swap3A_239] {strides = array<i32>} : memref<80x64xf32, #tpu.memory_space<vmem>>, vector<1x16xf32>,
          %swap3A_241 = vector.shape_cast %swap3A_240 : vector<1x16xf32> to vector<16xf32>
          %swap3A_242 = vector.shape_cast %mul3A_237 : vector<16xf32> to vector<1x16xf32>
          tpu.vector_store %arg14[%swap3A_238, %swap3A_239], %swap3A_242 {strides = array<i32>} : memref<80x64xf32, #tpu.memory_space<vmem>>, vector<1x16xf32>,
          %get3A_243 = arith.index_cast %add3A_218 : i32 to index
          %get3A_244 = arith.constant 32 : index
          %get3A_245 = tpu.vector_load %arg12[%get3A_243, %get3A_244] {strides = array<i32>} : memref<80x64xf32, #tpu.memory_space<vmem>>, vector<1x16xf32>,
          %get3A_246 = vector.shape_cast %get3A_245 : vector<1x16xf32> to vector<16xf32>
          %mul3A_247 = vector.broadcast %squeeze3A_220 : f32 to vector<16xf32>
          %mul3A_248 = arith.mulf %get3A_246, %mul3A_247 : vector<16xf32>
          %swap3A_249 = arith.index_cast %add3A_218 : i32 to index
          %swap3A_250 = arith.constant 32 : index
          %swap3A_251 = tpu.vector_load %arg14[%swap3A_249, %swap3A_250] {strides = array<i32>} : memref<80x64xf32, #tpu.memory_space<vmem>>, vector<1x16xf32>,
          %swap3A_252 = vector.shape_cast %swap3A_251 : vector<1x16xf32> to vector<16xf32>
          %swap3A_253 = vector.shape_cast %mul3A_248 : vector<16xf32> to vector<1x16xf32>
          tpu.vector_store %arg14[%swap3A_249, %swap3A_250], %swap3A_253 {strides = array<i32>} : memref<80x64xf32, #tpu.memory_space<vmem>>, vector<1x16xf32>,
          %get3A_254 = arith.index_cast %add3A_218 : i32 to index
          %get3A_255 = arith.constant 48 : index
          %get3A_256 = tpu.vector_load %arg12[%get3A_254, %get3A_255] {strides = array<i32>} : memref<80x64xf32, #tpu.memory_space<vmem>>, vector<1x16xf32>,
          %get3A_257 = vector.shape_cast %get3A_256 : vector<1x16xf32> to vector<16xf32>
          %mul3A_258 = vector.broadcast %squeeze3A_220 : f32 to vector<16xf32>
          %mul3A_259 = arith.mulf %get3A_257, %mul3A_258 : vector<16xf32>
          %swap3A_260 = arith.index_cast %add3A_218 : i32 to index
          %swap3A_261 = arith.constant 48 : index
          %swap3A_262 = tpu.vector_load %arg14[%swap3A_260, %swap3A_261] {strides = array<i32>} : memref<80x64xf32, #tpu.memory_space<vmem>>, vector<1x16xf32>,
          %swap3A_263 = vector.shape_cast %swap3A_262 : vector<1x16xf32> to vector<16xf32>
          %swap3A_264 = vector.shape_cast %mul3A_259 : vector<16xf32> to vector<1x16xf32>
          tpu.vector_store %arg14[%swap3A_260, %swap3A_261], %swap3A_264 {strides = array<i32>} : memref<80x64xf32, #tpu.memory_space<vmem>>, vector<1x16xf32>,
          %mul3A_265 = arith.constant 16 : i32
          %mul3A_266 = arith.muli %scan3A_162, %mul3A_265 : i32
          %add3A_267 = arith.constant 2 : i32
          %add3A_268 = arith.addi %mul3A_266, %add3A_267 : i32
          %slice3A_269 = vector.extract_strided_slice %get3A_167 {offsets = [2], sizes = [1], strides = [1]} : vector<16xf32> to vector<1xf32>
          %squeeze3A_270 = vector.extract %slice3A_269[0] : f32 from vector<1xf32>
          %get3A_271 = arith.index_cast %add3A_268 : i32 to index
          %get3A_272 = arith.constant 0 : index
          %get3A_273 = tpu.vector_load %arg12[%get3A_271, %get3A_272] {strides = array<i32>} : memref<80x64xf32, #tpu.memory_space<vmem>>, vector<1x16xf32>,
          %get3A_274 = vector.shape_cast %get3A_273 : vector<1x16xf32> to vector<16xf32>
          %mul3A_275 = vector.broadcast %squeeze3A_270 : f32 to vector<16xf32>
          %mul3A_276 = arith.mulf %get3A_274, %mul3A_275 : vector<16xf32>
          %swap3A_277 = arith.index_cast %add3A_268 : i32 to index
          %swap3A_278 = arith.constant 0 : index
          %swap3A_279 = tpu.vector_load %arg14[%swap3A_277, %swap3A_278] {strides = array<i32>} : memref<80x64xf32, #tpu.memory_space<vmem>>, vector<1x16xf32>,
          %swap3A_280 = vector.shape_cast %swap3A_279 : vector<1x16xf32> to vector<16xf32>
          %swap3A_281 = vector.shape_cast %mul3A_276 : vector<16xf32> to vector<1x16xf32>
          tpu.vector_store %arg14[%swap3A_277, %swap3A_278], %swap3A_281 {strides = array<i32>} : memref<80x64xf32, #tpu.memory_space<vmem>>, vector<1x16xf32>,
          %get3A_282 = arith.index_cast %add3A_268 : i32 to index
          %get3A_283 = arith.constant 16 : index
          %get3A_284 = tpu.vector_load %arg12[%get3A_282, %get3A_283] {strides = array<i32>} : memref<80x64xf32, #tpu.memory_space<vmem>>, vector<1x16xf32>,
          %get3A_285 = vector.shape_cast %get3A_284 : vector<1x16xf32> to vector<16xf32>
          %mul3A_286 = vector.broadcast %squeeze3A_270 : f32 to vector<16xf32>
          %mul3A_287 = arith.mulf %get3A_285, %mul3A_286 : vector<16xf32>
          %swap3A_288 = arith.index_cast %add3A_268 : i32 to index
          %swap3A_289 = arith.constant 16 : index
          %swap3A_290 = tpu.vector_load %arg14[%swap3A_288, %swap3A_289] {strides = array<i32>} : memref<80x64xf32, #tpu.memory_space<vmem>>, vector<1x16xf32>,
          %swap3A_291 = vector.shape_cast %swap3A_290 : vector<1x16xf32> to vector<16xf32>
          %swap3A_292 = vector.shape_cast %mul3A_287 : vector<16xf32> to vector<1x16xf32>
          tpu.vector_store %arg14[%swap3A_288, %swap3A_289], %swap3A_292 {strides = array<i32>} : memref<80x64xf32, #tpu.memory_space<vmem>>, vector<1x16xf32>,
          %get3A_293 = arith.index_cast %add3A_268 : i32 to index
          %get3A_294 = arith.constant 32 : index
          %get3A_295 = tpu.vector_load %arg12[%get3A_293, %get3A_294] {strides = array<i32>} : memref<80x64xf32, #tpu.memory_space<vmem>>, vector<1x16xf32>,
          %get3A_296 = vector.shape_cast %get3A_295 : vector<1x16xf32> to vector<16xf32>
          %mul3A_297 = vector.broadcast %squeeze3A_270 : f32 to vector<16xf32>
          %mul3A_298 = arith.mulf %get3A_296, %mul3A_297 : vector<16xf32>
          %swap3A_299 = arith.index_cast %add3A_268 : i32 to index
          %swap3A_300 = arith.constant 32 : index
          %swap3A_301 = tpu.vector_load %arg14[%swap3A_299, %swap3A_300] {strides = array<i32>} : memref<80x64xf32, #tpu.memory_space<vmem>>, vector<1x16xf32>,
          %swap3A_302 = vector.shape_cast %swap3A_301 : vector<1x16xf32> to vector<16xf32>
          %swap3A_303 = vector.shape_cast %mul3A_298 : vector<16xf32> to vector<1x16xf32>
          tpu.vector_store %arg14[%swap3A_299, %swap3A_300], %swap3A_303 {strides = array<i32>} : memref<80x64xf32, #tpu.memory_space<vmem>>, vector<1x16xf32>,
          %get3A_304 = arith.index_cast %add3A_268 : i32 to index
          %get3A_305 = arith.constant 48 : index
          %get3A_306 = tpu.vector_load %arg12[%get3A_304, %get3A_305] {strides = array<i32>} : memref<80x64xf32, #tpu.memory_space<vmem>>, vector<1x16xf32>,
          %get3A_307 = vector.shape_cast %get3A_306 : vector<1x16xf32> to vector<16xf32>
          %mul3A_308 = vector.broadcast %squeeze3A_270 : f32 to vector<16xf32>
          %mul3A_309 = arith.mulf %get3A_307, %mul3A_308 : vector<16xf32>
          %swap3A_310 = arith.index_cast %add3A_268 : i32 to index
          %swap3A_311 = arith.constant 48 : index
          %swap3A_312 = tpu.vector_load %arg14[%swap3A_310, %swap3A_311] {strides = array<i32>} : memref<80x64xf32, #tpu.memory_space<vmem>>, vector<1x16xf32>,
          %swap3A_313 = vector.shape_cast %swap3A_312 : vector<1x16xf32> to vector<16xf32>
          %swap3A_314 = vector.shape_cast %mul3A_309 : vector<16xf32> to vector<1x16xf32>
          tpu.vector_store %arg14[%swap3A_310, %swap3A_311], %swap3A_314 {strides = array<i32>} : memref<80x64xf32, #tpu.memory_space<vmem>>, vector<1x16xf32>,
          %mul3A_315 = arith.constant 16 : i32
          %mul3A_316 = arith.muli %scan3A_162, %mul3A_315 : i32
          %add3A_317 = arith.constant 3 : i32
          %add3A_318 = arith.addi %mul3A_316, %add3A_317 : i32
          %slice3A_319 = vector.extract_strided_slice %get3A_167 {offsets = [3], sizes = [1], strides = [1]} : vector<16xf32> to vector<1xf32>
          %squeeze3A_320 = vector.extract %slice3A_319[0] : f32 from vector<1xf32>
          %get3A_321 = arith.index_cast %add3A_318 : i32 to index
          %get3A_322 = arith.constant 0 : index
          %get3A_323 = tpu.vector_load %arg12[%get3A_321, %get3A_322] {strides = array<i32>} : memref<80x64xf32, #tpu.memory_space<vmem>>, vector<1x16xf32>,
          %get3A_324 = vector.shape_cast %get3A_323 : vector<1x16xf32> to vector<16xf32>
          %mul3A_325 = vector.broadcast %squeeze3A_320 : f32 to vector<16xf32>
          %mul3A_326 = arith.mulf %get3A_324, %mul3A_325 : vector<16xf32>
          %swap3A_327 = arith.index_cast %add3A_318 : i32 to index
          %swap3A_328 = arith.constant 0 : index
          %swap3A_329 = tpu.vector_load %arg14[%swap3A_327, %swap3A_328] {strides = array<i32>} : memref<80x64xf32, #tpu.memory_space<vmem>>, vector<1x16xf32>,
          %swap3A_330 = vector.shape_cast %swap3A_329 : vector<1x16xf32> to vector<16xf32>
          %swap3A_331 = vector.shape_cast %mul3A_326 : vector<16xf32> to vector<1x16xf32>
          tpu.vector_store %arg14[%swap3A_327, %swap3A_328], %swap3A_331 {strides = array<i32>} : memref<80x64xf32, #tpu.memory_space<vmem>>, vector<1x16xf32>,
          %get3A_332 = arith.index_cast %add3A_318 : i32 to index
          %get3A_333 = arith.constant 16 : index
          %get3A_334 = tpu.vector_load %arg12[%get3A_332, %get3A_333] {strides = array<i32>} : memref<80x64xf32, #tpu.memory_space<vmem>>, vector<1x16xf32>,
          %get3A_335 = vector.shape_cast %get3A_334 : vector<1x16xf32> to vector<16xf32>
          %mul3A_336 = vector.broadcast %squeeze3A_320 : f32 to vector<16xf32>
          %mul3A_337 = arith.mulf %get3A_335, %mul3A_336 : vector<16xf32>
          %swap3A_338 = arith.index_cast %add3A_318 : i32 to index
          %swap3A_339 = arith.constant 16 : index
          %swap3A_340 = tpu.vector_load %arg14[%swap3A_338, %swap3A_339] {strides = array<i32>} : memref<80x64xf32, #tpu.memory_space<vmem>>, vector<1x16xf32>,
          %swap3A_341 = vector.shape_cast %swap3A_340 : vector<1x16xf32> to vector<16xf32>
          %swap3A_342 = vector.shape_cast %mul3A_337 : vector<16xf32> to vector<1x16xf32>
          tpu.vector_store %arg14[%swap3A_338, %swap3A_339], %swap3A_342 {strides = array<i32>} : memref<80x64xf32, #tpu.memory_space<vmem>>, vector<1x16xf32>,
          %get3A_343 = arith.index_cast %add3A_318 : i32 to index
          %get3A_344 = arith.constant 32 : index
          %get3A_345 = tpu.vector_load %arg12[%get3A_343, %get3A_344] {strides = array<i32>} : memref<80x64xf32, #tpu.memory_space<vmem>>, vector<1x16xf32>,
          %get3A_346 = vector.shape_cast %get3A_345 : vector<1x16xf32> to vector<16xf32>
          %mul3A_347 = vector.broadcast %squeeze3A_320 : f32 to vector<16xf32>
          %mul3A_348 = arith.mulf %get3A_346, %mul3A_347 : vector<16xf32>
          %swap3A_349 = arith.index_cast %add3A_318 : i32 to index
          %swap3A_350 = arith.constant 32 : index
          %swap3A_351 = tpu.vector_load %arg14[%swap3A_349, %swap3A_350] {strides = array<i32>} : memref<80x64xf32, #tpu.memory_space<vmem>>, vector<1x16xf32>,
          %swap3A_352 = vector.shape_cast %swap3A_351 : vector<1x16xf32> to vector<16xf32>
          %swap3A_353 = vector.shape_cast %mul3A_348 : vector<16xf32> to vector<1x16xf32>
          tpu.vector_store %arg14[%swap3A_349, %swap3A_350], %swap3A_353 {strides = array<i32>} : memref<80x64xf32, #tpu.memory_space<vmem>>, vector<1x16xf32>,
          %get3A_354 = arith.index_cast %add3A_318 : i32 to index
          %get3A_355 = arith.constant 48 : index
          %get3A_356 = tpu.vector_load %arg12[%get3A_354, %get3A_355] {strides = array<i32>} : memref<80x64xf32, #tpu.memory_space<vmem>>, vector<1x16xf32>,
          %get3A_357 = vector.shape_cast %get3A_356 : vector<1x16xf32> to vector<16xf32>
          %mul3A_358 = vector.broadcast %squeeze3A_320 : f32 to vector<16xf32>
          %mul3A_359 = arith.mulf %get3A_357, %mul3A_358 : vector<16xf32>
          %swap3A_360 = arith.index_cast %add3A_318 : i32 to index
          %swap3A_361 = arith.constant 48 : index
          %swap3A_362 = tpu.vector_load %arg14[%swap3A_360, %swap3A_361] {strides = array<i32>} : memref<80x64xf32, #tpu.memory_space<vmem>>, vector<1x16xf32>,
          %swap3A_363 = vector.shape_cast %swap3A_362 : vector<1x16xf32> to vector<16xf32>
          %swap3A_364 = vector.shape_cast %mul3A_359 : vector<16xf32> to vector<1x16xf32>
          tpu.vector_store %arg14[%swap3A_360, %swap3A_361], %swap3A_364 {strides = array<i32>} : memref<80x64xf32, #tpu.memory_space<vmem>>, vector<1x16xf32>,
          %mul3A_365 = arith.constant 16 : i32
          %mul3A_366 = arith.muli %scan3A_162, %mul3A_365 : i32
          %add3A_367 = arith.constant 4 : i32
          %add3A_368 = arith.addi %mul3A_366, %add3A_367 : i32
          %slice3A_369 = vector.extract_strided_slice %get3A_167 {offsets = [4], sizes = [1], strides = [1]} : vector<16xf32> to vector<1xf32>
          %squeeze3A_370 = vector.extract %slice3A_369[0] : f32 from vector<1xf32>
          %get3A_371 = arith.index_cast %add3A_368 : i32 to index
          %get3A_372 = arith.constant 0 : index
          %get3A_373 = tpu.vector_load %arg12[%get3A_371, %get3A_372] {strides = array<i32>} : memref<80x64xf32, #tpu.memory_space<vmem>>, vector<1x16xf32>,
          %get3A_374 = vector.shape_cast %get3A_373 : vector<1x16xf32> to vector<16xf32>
          %mul3A_375 = vector.broadcast %squeeze3A_370 : f32 to vector<16xf32>
          %mul3A_376 = arith.mulf %get3A_374, %mul3A_375 : vector<16xf32>
          %swap3A_377 = arith.index_cast %add3A_368 : i32 to index
          %swap3A_378 = arith.constant 0 : index
          %swap3A_379 = tpu.vector_load %arg14[%swap3A_377, %swap3A_378] {strides = array<i32>} : memref<80x64xf32, #tpu.memory_space<vmem>>, vector<1x16xf32>,
          %swap3A_380 = vector.shape_cast %swap3A_379 : vector<1x16xf32> to vector<16xf32>
          %swap3A_381 = vector.shape_cast %mul3A_376 : vector<16xf32> to vector<1x16xf32>
          tpu.vector_store %arg14[%swap3A_377, %swap3A_378], %swap3A_381 {strides = array<i32>} : memref<80x64xf32, #tpu.memory_space<vmem>>, vector<1x16xf32>,
          %get3A_382 = arith.index_cast %add3A_368 : i32 to index
          %get3A_383 = arith.constant 16 : index
          %get3A_384 = tpu.vector_load %arg12[%get3A_382, %get3A_383] {strides = array<i32>} : memref<80x64xf32, #tpu.memory_space<vmem>>, vector<1x16xf32>,
          %get3A_385 = vector.shape_cast %get3A_384 : vector<1x16xf32> to vector<16xf32>
          %mul3A_386 = vector.broadcast %squeeze3A_370 : f32 to vector<16xf32>
          %mul3A_387 = arith.mulf %get3A_385, %mul3A_386 : vector<16xf32>
          %swap3A_388 = arith.index_cast %add3A_368 : i32 to index
          %swap3A_389 = arith.constant 16 : index
          %swap3A_390 = tpu.vector_load %arg14[%swap3A_388, %swap3A_389] {strides = array<i32>} : memref<80x64xf32, #tpu.memory_space<vmem>>, vector<1x16xf32>,
          %swap3A_391 = vector.shape_cast %swap3A_390 : vector<1x16xf32> to vector<16xf32>
          %swap3A_392 = vector.shape_cast %mul3A_387 : vector<16xf32> to vector<1x16xf32>
          tpu.vector_store %arg14[%swap3A_388, %swap3A_389], %swap3A_392 {strides = array<i32>} : memref<80x64xf32, #tpu.memory_space<vmem>>, vector<1x16xf32>,
          %get3A_393 = arith.index_cast %add3A_368 : i32 to index
          %get3A_394 = arith.constant 32 : index
          %get3A_395 = tpu.vector_load %arg12[%get3A_393, %get3A_394] {strides = array<i32>} : memref<80x64xf32, #tpu.memory_space<vmem>>, vector<1x16xf32>,
          %get3A_396 = vector.shape_cast %get3A_395 : vector<1x16xf32> to vector<16xf32>
          %mul3A_397 = vector.broadcast %squeeze3A_370 : f32 to vector<16xf32>
          %mul3A_398 = arith.mulf %get3A_396, %mul3A_397 : vector<16xf32>
          %swap3A_399 = arith.index_cast %add3A_368 : i32 to index
          %swap3A_400 = arith.constant 32 : index
          %swap3A_401 = tpu.vector_load %arg14[%swap3A_399, %swap3A_400] {strides = array<i32>} : memref<80x64xf32, #tpu.memory_space<vmem>>, vector<1x16xf32>,
          %swap3A_402 = vector.shape_cast %swap3A_401 : vector<1x16xf32> to vector<16xf32>
          %swap3A_403 = vector.shape_cast %mul3A_398 : vector<16xf32> to vector<1x16xf32>
          tpu.vector_store %arg14[%swap3A_399, %swap3A_400], %swap3A_403 {strides = array<i32>} : memref<80x64xf32, #tpu.memory_space<vmem>>, vector<1x16xf32>,
          %get3A_404 = arith.index_cast %add3A_368 : i32 to index
          %get3A_405 = arith.constant 48 : index
          %get3A_406 = tpu.vector_load %arg12[%get3A_404, %get3A_405] {strides = array<i32>} : memref<80x64xf32, #tpu.memory_space<vmem>>, vector<1x16xf32>,
          %get3A_407 = vector.shape_cast %get3A_406 : vector<1x16xf32> to vector<16xf32>
          %mul3A_408 = vector.broadcast %squeeze3A_370 : f32 to vector<16xf32>
          %mul3A_409 = arith.mulf %get3A_407, %mul3A_408 : vector<16xf32>
          %swap3A_410 = arith.index_cast %add3A_368 : i32 to index
          %swap3A_411 = arith.constant 48 : index
          %swap3A_412 = tpu.vector_load %arg14[%swap3A_410, %swap3A_411] {strides = array<i32>} : memref<80x64xf32, #tpu.memory_space<vmem>>, vector<1x16xf32>,
          %swap3A_413 = vector.shape_cast %swap3A_412 : vector<1x16xf32> to vector<16xf32>
          %swap3A_414 = vector.shape_cast %mul3A_409 : vector<16xf32> to vector<1x16xf32>
          tpu.vector_store %arg14[%swap3A_410, %swap3A_411], %swap3A_414 {strides = array<i32>} : memref<80x64xf32, #tpu.memory_space<vmem>>, vector<1x16xf32>,
          %mul3A_415 = arith.constant 16 : i32
          %mul3A_416 = arith.muli %scan3A_162, %mul3A_415 : i32
          %add3A_417 = arith.constant 5 : i32
          %add3A_418 = arith.addi %mul3A_416, %add3A_417 : i32
          %slice3A_419 = vector.extract_strided_slice %get3A_167 {offsets = [5], sizes = [1], strides = [1]} : vector<16xf32> to vector<1xf32>
          %squeeze3A_420 = vector.extract %slice3A_419[0] : f32 from vector<1xf32>
          %get3A_421 = arith.index_cast %add3A_418 : i32 to index
          %get3A_422 = arith.constant 0 : index
          %get3A_423 = tpu.vector_load %arg12[%get3A_421, %get3A_422] {strides = array<i32>} : memref<80x64xf32, #tpu.memory_space<vmem>>, vector<1x16xf32>,
          %get3A_424 = vector.shape_cast %get3A_423 : vector<1x16xf32> to vector<16xf32>
          %mul3A_425 = vector.broadcast %squeeze3A_420 : f32 to vector<16xf32>
          %mul3A_426 = arith.mulf %get3A_424, %mul3A_425 : vector<16xf32>
          %swap3A_427 = arith.index_cast %add3A_418 : i32 to index
          %swap3A_428 = arith.constant 0 : index
          %swap3A_429 = tpu.vector_load %arg14[%swap3A_427, %swap3A_428] {strides = array<i32>} : memref<80x64xf32, #tpu.memory_space<vmem>>, vector<1x16xf32>,
          %swap3A_430 = vector.shape_cast %swap3A_429 : vector<1x16xf32> to vector<16xf32>
          %swap3A_431 = vector.shape_cast %mul3A_426 : vector<16xf32> to vector<1x16xf32>
          tpu.vector_store %arg14[%swap3A_427, %swap3A_428], %swap3A_431 {strides = array<i32>} : memref<80x64xf32, #tpu.memory_space<vmem>>, vector<1x16xf32>,
          %get3A_432 = arith.index_cast %add3A_418 : i32 to index
          %get3A_433 = arith.constant 16 : index
          %get3A_434 = tpu.vector_load %arg12[%get3A_432, %get3A_433] {strides = array<i32>} : memref<80x64xf32, #tpu.memory_space<vmem>>, vector<1x16xf32>,
          %get3A_435 = vector.shape_cast %get3A_434 : vector<1x16xf32> to vector<16xf32>
          %mul3A_436 = vector.broadcast %squeeze3A_420 : f32 to vector<16xf32>
          %mul3A_437 = arith.mulf %get3A_435, %mul3A_436 : vector<16xf32>
          %swap3A_438 = arith.index_cast %add3A_418 : i32 to index
          %swap3A_439 = arith.constant 16 : index
          %swap3A_440 = tpu.vector_load %arg14[%swap3A_438, %swap3A_439] {strides = array<i32>} : memref<80x64xf32, #tpu.memory_space<vmem>>, vector<1x16xf32>,
          %swap3A_441 = vector.shape_cast %swap3A_440 : vector<1x16xf32> to vector<16xf32>
          %swap3A_442 = vector.shape_cast %mul3A_437 : vector<16xf32> to vector<1x16xf32>
          tpu.vector_store %arg14[%swap3A_438, %swap3A_439], %swap3A_442 {strides = array<i32>} : memref<80x64xf32, #tpu.memory_space<vmem>>, vector<1x16xf32>,
          %get3A_443 = arith.index_cast %add3A_418 : i32 to index
          %get3A_444 = arith.constant 32 : index
          %get3A_445 = tpu.vector_load %arg12[%get3A_443, %get3A_444] {strides = array<i32>} : memref<80x64xf32, #tpu.memory_space<vmem>>, vector<1x16xf32>,
          %get3A_446 = vector.shape_cast %get3A_445 : vector<1x16xf32> to vector<16xf32>
          %mul3A_447 = vector.broadcast %squeeze3A_420 : f32 to vector<16xf32>
          %mul3A_448 = arith.mulf %get3A_446, %mul3A_447 : vector<16xf32>
          %swap3A_449 = arith.index_cast %add3A_418 : i32 to index
          %swap3A_450 = arith.constant 32 : index
          %swap3A_451 = tpu.vector_load %arg14[%swap3A_449, %swap3A_450] {strides = array<i32>} : memref<80x64xf32, #tpu.memory_space<vmem>>, vector<1x16xf32>,
          %swap3A_452 = vector.shape_cast %swap3A_451 : vector<1x16xf32> to vector<16xf32>
          %swap3A_453 = vector.shape_cast %mul3A_448 : vector<16xf32> to vector<1x16xf32>
          tpu.vector_store %arg14[%swap3A_449, %swap3A_450], %swap3A_453 {strides = array<i32>} : memref<80x64xf32, #tpu.memory_space<vmem>>, vector<1x16xf32>,
          %get3A_454 = arith.index_cast %add3A_418 : i32 to index
          %get3A_455 = arith.constant 48 : index
          %get3A_456 = tpu.vector_load %arg12[%get3A_454, %get3A_455] {strides = array<i32>} : memref<80x64xf32, #tpu.memory_space<vmem>>, vector<1x16xf32>,
          %get3A_457 = vector.shape_cast %get3A_456 : vector<1x16xf32> to vector<16xf32>
          %mul3A_458 = vector.broadcast %squeeze3A_420 : f32 to vector<16xf32>
          %mul3A_459 = arith.mulf %get3A_457, %mul3A_458 : vector<16xf32>
          %swap3A_460 = arith.index_cast %add3A_418 : i32 to index
          %swap3A_461 = arith.constant 48 : index
          %swap3A_462 = tpu.vector_load %arg14[%swap3A_460, %swap3A_461] {strides = array<i32>} : memref<80x64xf32, #tpu.memory_space<vmem>>, vector<1x16xf32>,
          %swap3A_463 = vector.shape_cast %swap3A_462 : vector<1x16xf32> to vector<16xf32>
          %swap3A_464 = vector.shape_cast %mul3A_459 : vector<16xf32> to vector<1x16xf32>
          tpu.vector_store %arg14[%swap3A_460, %swap3A_461], %swap3A_464 {strides = array<i32>} : memref<80x64xf32, #tpu.memory_space<vmem>>, vector<1x16xf32>,
          %mul3A_465 = arith.constant 16 : i32
          %mul3A_466 = arith.muli %scan3A_162, %mul3A_465 : i32
          %add3A_467 = arith.constant 6 : i32
          %add3A_468 = arith.addi %mul3A_466, %add3A_467 : i32
          %slice3A_469 = vector.extract_strided_slice %get3A_167 {offsets = [6], sizes = [1], strides = [1]} : vector<16xf32> to vector<1xf32>
          %squeeze3A_470 = vector.extract %slice3A_469[0] : f32 from vector<1xf32>
          %get3A_471 = arith.index_cast %add3A_468 : i32 to index
          %get3A_472 = arith.constant 0 : index
          %get3A_473 = tpu.vector_load %arg12[%get3A_471, %get3A_472] {strides = array<i32>} : memref<80x64xf32, #tpu.memory_space<vmem>>, vector<1x16xf32>,
          %get3A_474 = vector.shape_cast %get3A_473 : vector<1x16xf32> to vector<16xf32>
          %mul3A_475 = vector.broadcast %squeeze3A_470 : f32 to vector<16xf32>
          %mul3A_476 = arith.mulf %get3A_474, %mul3A_475 : vector<16xf32>
          %swap3A_477 = arith.index_cast %add3A_468 : i32 to index
          %swap3A_478 = arith.constant 0 : index
          %swap3A_479 = tpu.vector_load %arg14[%swap3A_477, %swap3A_478] {strides = array<i32>} : memref<80x64xf32, #tpu.memory_space<vmem>>, vector<1x16xf32>,
          %swap3A_480 = vector.shape_cast %swap3A_479 : vector<1x16xf32> to vector<16xf32>
          %swap3A_481 = vector.shape_cast %mul3A_476 : vector<16xf32> to vector<1x16xf32>
          tpu.vector_store %arg14[%swap3A_477, %swap3A_478], %swap3A_481 {strides = array<i32>} : memref<80x64xf32, #tpu.memory_space<vmem>>, vector<1x16xf32>,
          %get3A_482 = arith.index_cast %add3A_468 : i32 to index
          %get3A_483 = arith.constant 16 : index
          %get3A_484 = tpu.vector_load %arg12[%get3A_482, %get3A_483] {strides = array<i32>} : memref<80x64xf32, #tpu.memory_space<vmem>>, vector<1x16xf32>,
          %get3A_485 = vector.shape_cast %get3A_484 : vector<1x16xf32> to vector<16xf32>
          %mul3A_486 = vector.broadcast %squeeze3A_470 : f32 to vector<16xf32>
          %mul3A_487 = arith.mulf %get3A_485, %mul3A_486 : vector<16xf32>
          %swap3A_488 = arith.index_cast %add3A_468 : i32 to index
          %swap3A_489 = arith.constant 16 : index
          %swap3A_490 = tpu.vector_load %arg14[%swap3A_488, %swap3A_489] {strides = array<i32>} : memref<80x64xf32, #tpu.memory_space<vmem>>, vector<1x16xf32>,
          %swap3A_491 = vector.shape_cast %swap3A_490 : vector<1x16xf32> to vector<16xf32>
          %swap3A_492 = vector.shape_cast %mul3A_487 : vector<16xf32> to vector<1x16xf32>
          tpu.vector_store %arg14[%swap3A_488, %swap3A_489], %swap3A_492 {strides = array<i32>} : memref<80x64xf32, #tpu.memory_space<vmem>>, vector<1x16xf32>,
          %get3A_493 = arith.index_cast %add3A_468 : i32 to index
          %get3A_494 = arith.constant 32 : index
          %get3A_495 = tpu.vector_load %arg12[%get3A_493, %get3A_494] {strides = array<i32>} : memref<80x64xf32, #tpu.memory_space<vmem>>, vector<1x16xf32>,
          %get3A_496 = vector.shape_cast %get3A_495 : vector<1x16xf32> to vector<16xf32>
          %mul3A_497 = vector.broadcast %squeeze3A_470 : f32 to vector<16xf32>
          %mul3A_498 = arith.mulf %get3A_496, %mul3A_497 : vector<16xf32>
          %swap3A_499 = arith.index_cast %add3A_468 : i32 to index
          %swap3A_500 = arith.constant 32 : index
          %swap3A_501 = tpu.vector_load %arg14[%swap3A_499, %swap3A_500] {strides = array<i32>} : memref<80x64xf32, #tpu.memory_space<vmem>>, vector<1x16xf32>,
          %swap3A_502 = vector.shape_cast %swap3A_501 : vector<1x16xf32> to vector<16xf32>
          %swap3A_503 = vector.shape_cast %mul3A_498 : vector<16xf32> to vector<1x16xf32>
          tpu.vector_store %arg14[%swap3A_499, %swap3A_500], %swap3A_503 {strides = array<i32>} : memref<80x64xf32, #tpu.memory_space<vmem>>, vector<1x16xf32>,
          %get3A_504 = arith.index_cast %add3A_468 : i32 to index
          %get3A_505 = arith.constant 48 : index
          %get3A_506 = tpu.vector_load %arg12[%get3A_504, %get3A_505] {strides = array<i32>} : memref<80x64xf32, #tpu.memory_space<vmem>>, vector<1x16xf32>,
          %get3A_507 = vector.shape_cast %get3A_506 : vector<1x16xf32> to vector<16xf32>
          %mul3A_508 = vector.broadcast %squeeze3A_470 : f32 to vector<16xf32>
          %mul3A_509 = arith.mulf %get3A_507, %mul3A_508 : vector<16xf32>
          %swap3A_510 = arith.index_cast %add3A_468 : i32 to index
          %swap3A_511 = arith.constant 48 : index
          %swap3A_512 = tpu.vector_load %arg14[%swap3A_510, %swap3A_511] {strides = array<i32>} : memref<80x64xf32, #tpu.memory_space<vmem>>, vector<1x16xf32>,
          %swap3A_513 = vector.shape_cast %swap3A_512 : vector<1x16xf32> to vector<16xf32>
          %swap3A_514 = vector.shape_cast %mul3A_509 : vector<16xf32> to vector<1x16xf32>
          tpu.vector_store %arg14[%swap3A_510, %swap3A_511], %swap3A_514 {strides = array<i32>} : memref<80x64xf32, #tpu.memory_space<vmem>>, vector<1x16xf32>,
          %mul3A_515 = arith.constant 16 : i32
          %mul3A_516 = arith.muli %scan3A_162, %mul3A_515 : i32
          %add3A_517 = arith.constant 7 : i32
          %add3A_518 = arith.addi %mul3A_516, %add3A_517 : i32
          %slice3A_519 = vector.extract_strided_slice %get3A_167 {offsets = [7], sizes = [1], strides = [1]} : vector<16xf32> to vector<1xf32>
          %squeeze3A_520 = vector.extract %slice3A_519[0] : f32 from vector<1xf32>
          %get3A_521 = arith.index_cast %add3A_518 : i32 to index
          %get3A_522 = arith.constant 0 : index
          %get3A_523 = tpu.vector_load %arg12[%get3A_521, %get3A_522] {strides = array<i32>} : memref<80x64xf32, #tpu.memory_space<vmem>>, vector<1x16xf32>,
          %get3A_524 = vector.shape_cast %get3A_523 : vector<1x16xf32> to vector<16xf32>
          %mul3A_525 = vector.broadcast %squeeze3A_520 : f32 to vector<16xf32>
          %mul3A_526 = arith.mulf %get3A_524, %mul3A_525 : vector<16xf32>
          %swap3A_527 = arith.index_cast %add3A_518 : i32 to index
          %swap3A_528 = arith.constant 0 : index
          %swap3A_529 = tpu.vector_load %arg14[%swap3A_527, %swap3A_528] {strides = array<i32>} : memref<80x64xf32, #tpu.memory_space<vmem>>, vector<1x16xf32>,
          %swap3A_530 = vector.shape_cast %swap3A_529 : vector<1x16xf32> to vector<16xf32>
          %swap3A_531 = vector.shape_cast %mul3A_526 : vector<16xf32> to vector<1x16xf32>
          tpu.vector_store %arg14[%swap3A_527, %swap3A_528], %swap3A_531 {strides = array<i32>} : memref<80x64xf32, #tpu.memory_space<vmem>>, vector<1x16xf32>,
          %get3A_532 = arith.index_cast %add3A_518 : i32 to index
          %get3A_533 = arith.constant 16 : index
          %get3A_534 = tpu.vector_load %arg12[%get3A_532, %get3A_533] {strides = array<i32>} : memref<80x64xf32, #tpu.memory_space<vmem>>, vector<1x16xf32>,
          %get3A_535 = vector.shape_cast %get3A_534 : vector<1x16xf32> to vector<16xf32>
          %mul3A_536 = vector.broadcast %squeeze3A_520 : f32 to vector<16xf32>
          %mul3A_537 = arith.mulf %get3A_535, %mul3A_536 : vector<16xf32>
          %swap3A_538 = arith.index_cast %add3A_518 : i32 to index
          %swap3A_539 = arith.constant 16 : index
          %swap3A_540 = tpu.vector_load %arg14[%swap3A_538, %swap3A_539] {strides = array<i32>} : memref<80x64xf32, #tpu.memory_space<vmem>>, vector<1x16xf32>,
          %swap3A_541 = vector.shape_cast %swap3A_540 : vector<1x16xf32> to vector<16xf32>
          %swap3A_542 = vector.shape_cast %mul3A_537 : vector<16xf32> to vector<1x16xf32>
          tpu.vector_store %arg14[%swap3A_538, %swap3A_539], %swap3A_542 {strides = array<i32>} : memref<80x64xf32, #tpu.memory_space<vmem>>, vector<1x16xf32>,
          %get3A_543 = arith.index_cast %add3A_518 : i32 to index
          %get3A_544 = arith.constant 32 : index
          %get3A_545 = tpu.vector_load %arg12[%get3A_543, %get3A_544] {strides = array<i32>} : memref<80x64xf32, #tpu.memory_space<vmem>>, vector<1x16xf32>,
          %get3A_546 = vector.shape_cast %get3A_545 : vector<1x16xf32> to vector<16xf32>
          %mul3A_547 = vector.broadcast %squeeze3A_520 : f32 to vector<16xf32>
          %mul3A_548 = arith.mulf %get3A_546, %mul3A_547 : vector<16xf32>
          %swap3A_549 = arith.index_cast %add3A_518 : i32 to index
          %swap3A_550 = arith.constant 32 : index
          %swap3A_551 = tpu.vector_load %arg14[%swap3A_549, %swap3A_550] {strides = array<i32>} : memref<80x64xf32, #tpu.memory_space<vmem>>, vector<1x16xf32>,
          %swap3A_552 = vector.shape_cast %swap3A_551 : vector<1x16xf32> to vector<16xf32>
          %swap3A_553 = vector.shape_cast %mul3A_548 : vector<16xf32> to vector<1x16xf32>
          tpu.vector_store %arg14[%swap3A_549, %swap3A_550], %swap3A_553 {strides = array<i32>} : memref<80x64xf32, #tpu.memory_space<vmem>>, vector<1x16xf32>,
          %get3A_554 = arith.index_cast %add3A_518 : i32 to index
          %get3A_555 = arith.constant 48 : index
          %get3A_556 = tpu.vector_load %arg12[%get3A_554, %get3A_555] {strides = array<i32>} : memref<80x64xf32, #tpu.memory_space<vmem>>, vector<1x16xf32>,
          %get3A_557 = vector.shape_cast %get3A_556 : vector<1x16xf32> to vector<16xf32>
          %mul3A_558 = vector.broadcast %squeeze3A_520 : f32 to vector<16xf32>
          %mul3A_559 = arith.mulf %get3A_557, %mul3A_558 : vector<16xf32>
          %swap3A_560 = arith.index_cast %add3A_518 : i32 to index
          %swap3A_561 = arith.constant 48 : index
          %swap3A_562 = tpu.vector_load %arg14[%swap3A_560, %swap3A_561] {strides = array<i32>} : memref<80x64xf32, #tpu.memory_space<vmem>>, vector<1x16xf32>,
          %swap3A_563 = vector.shape_cast %swap3A_562 : vector<1x16xf32> to vector<16xf32>
          %swap3A_564 = vector.shape_cast %mul3A_559 : vector<16xf32> to vector<1x16xf32>
          tpu.vector_store %arg14[%swap3A_560, %swap3A_561], %swap3A_564 {strides = array<i32>} : memref<80x64xf32, #tpu.memory_space<vmem>>, vector<1x16xf32>,
          %mul3A_565 = arith.constant 16 : i32
          %mul3A_566 = arith.muli %scan3A_162, %mul3A_565 : i32
          %add3A_567 = arith.constant 8 : i32
          %add3A_568 = arith.addi %mul3A_566, %add3A_567 : i32
          %slice3A_569 = vector.extract_strided_slice %get3A_167 {offsets = [8], sizes = [1], strides = [1]} : vector<16xf32> to vector<1xf32>
          %squeeze3A_570 = vector.extract %slice3A_569[0] : f32 from vector<1xf32>
          %get3A_571 = arith.index_cast %add3A_568 : i32 to index
          %get3A_572 = arith.constant 0 : index
          %get3A_573 = tpu.vector_load %arg12[%get3A_571, %get3A_572] {strides = array<i32>} : memref<80x64xf32, #tpu.memory_space<vmem>>, vector<1x16xf32>,
          %get3A_574 = vector.shape_cast %get3A_573 : vector<1x16xf32> to vector<16xf32>
          %mul3A_575 = vector.broadcast %squeeze3A_570 : f32 to vector<16xf32>
          %mul3A_576 = arith.mulf %get3A_574, %mul3A_575 : vector<16xf32>
          %swap3A_577 = arith.index_cast %add3A_568 : i32 to index
          %swap3A_578 = arith.constant 0 : index
          %swap3A_579 = tpu.vector_load %arg14[%swap3A_577, %swap3A_578] {strides = array<i32>} : memref<80x64xf32, #tpu.memory_space<vmem>>, vector<1x16xf32>,
          %swap3A_580 = vector.shape_cast %swap3A_579 : vector<1x16xf32> to vector<16xf32>
          %swap3A_581 = vector.shape_cast %mul3A_576 : vector<16xf32> to vector<1x16xf32>
          tpu.vector_store %arg14[%swap3A_577, %swap3A_578], %swap3A_581 {strides = array<i32>} : memref<80x64xf32, #tpu.memory_space<vmem>>, vector<1x16xf32>,
          %get3A_582 = arith.index_cast %add3A_568 : i32 to index
          %get3A_583 = arith.constant 16 : index
          %get3A_584 = tpu.vector_load %arg12[%get3A_582, %get3A_583] {strides = array<i32>} : memref<80x64xf32, #tpu.memory_space<vmem>>, vector<1x16xf32>,
          %get3A_585 = vector.shape_cast %get3A_584 : vector<1x16xf32> to vector<16xf32>
          %mul3A_586 = vector.broadcast %squeeze3A_570 : f32 to vector<16xf32>
          %mul3A_587 = arith.mulf %get3A_585, %mul3A_586 : vector<16xf32>
          %swap3A_588 = arith.index_cast %add3A_568 : i32 to index
          %swap3A_589 = arith.constant 16 : index
          %swap3A_590 = tpu.vector_load %arg14[%swap3A_588, %swap3A_589] {strides = array<i32>} : memref<80x64xf32, #tpu.memory_space<vmem>>, vector<1x16xf32>,
          %swap3A_591 = vector.shape_cast %swap3A_590 : vector<1x16xf32> to vector<16xf32>
          %swap3A_592 = vector.shape_cast %mul3A_587 : vector<16xf32> to vector<1x16xf32>
          tpu.vector_store %arg14[%swap3A_588, %swap3A_589], %swap3A_592 {strides = array<i32>} : memref<80x64xf32, #tpu.memory_space<vmem>>, vector<1x16xf32>,
          %get3A_593 = arith.index_cast %add3A_568 : i32 to index
          %get3A_594 = arith.constant 32 : index
          %get3A_595 = tpu.vector_load %arg12[%get3A_593, %get3A_594] {strides = array<i32>} : memref<80x64xf32, #tpu.memory_space<vmem>>, vector<1x16xf32>,
          %get3A_596 = vector.shape_cast %get3A_595 : vector<1x16xf32> to vector<16xf32>
          %mul3A_597 = vector.broadcast %squeeze3A_570 : f32 to vector<16xf32>
          %mul3A_598 = arith.mulf %get3A_596, %mul3A_597 : vector<16xf32>
          %swap3A_599 = arith.index_cast %add3A_568 : i32 to index
          %swap3A_600 = arith.constant 32 : index
          %swap3A_601 = tpu.vector_load %arg14[%swap3A_599, %swap3A_600] {strides = array<i32>} : memref<80x64xf32, #tpu.memory_space<vmem>>, vector<1x16xf32>,
          %swap3A_602 = vector.shape_cast %swap3A_601 : vector<1x16xf32> to vector<16xf32>
          %swap3A_603 = vector.shape_cast %mul3A_598 : vector<16xf32> to vector<1x16xf32>
          tpu.vector_store %arg14[%swap3A_599, %swap3A_600], %swap3A_603 {strides = array<i32>} : memref<80x64xf32, #tpu.memory_space<vmem>>, vector<1x16xf32>,
          %get3A_604 = arith.index_cast %add3A_568 : i32 to index
          %get3A_605 = arith.constant 48 : index
          %get3A_606 = tpu.vector_load %arg12[%get3A_604, %get3A_605] {strides = array<i32>} : memref<80x64xf32, #tpu.memory_space<vmem>>, vector<1x16xf32>,
          %get3A_607 = vector.shape_cast %get3A_606 : vector<1x16xf32> to vector<16xf32>
          %mul3A_608 = vector.broadcast %squeeze3A_570 : f32 to vector<16xf32>
          %mul3A_609 = arith.mulf %get3A_607, %mul3A_608 : vector<16xf32>
          %swap3A_610 = arith.index_cast %add3A_568 : i32 to index
          %swap3A_611 = arith.constant 48 : index
          %swap3A_612 = tpu.vector_load %arg14[%swap3A_610, %swap3A_611] {strides = array<i32>} : memref<80x64xf32, #tpu.memory_space<vmem>>, vector<1x16xf32>,
          %swap3A_613 = vector.shape_cast %swap3A_612 : vector<1x16xf32> to vector<16xf32>
          %swap3A_614 = vector.shape_cast %mul3A_609 : vector<16xf32> to vector<1x16xf32>
          tpu.vector_store %arg14[%swap3A_610, %swap3A_611], %swap3A_614 {strides = array<i32>} : memref<80x64xf32, #tpu.memory_space<vmem>>, vector<1x16xf32>,
          %mul3A_615 = arith.constant 16 : i32
          %mul3A_616 = arith.muli %scan3A_162, %mul3A_615 : i32
          %add3A_617 = arith.constant 9 : i32
          %add3A_618 = arith.addi %mul3A_616, %add3A_617 : i32
          %slice3A_619 = vector.extract_strided_slice %get3A_167 {offsets = [9], sizes = [1], strides = [1]} : vector<16xf32> to vector<1xf32>
          %squeeze3A_620 = vector.extract %slice3A_619[0] : f32 from vector<1xf32>
          %get3A_621 = arith.index_cast %add3A_618 : i32 to index
          %get3A_622 = arith.constant 0 : index
          %get3A_623 = tpu.vector_load %arg12[%get3A_621, %get3A_622] {strides = array<i32>} : memref<80x64xf32, #tpu.memory_space<vmem>>, vector<1x16xf32>,
          %get3A_624 = vector.shape_cast %get3A_623 : vector<1x16xf32> to vector<16xf32>
          %mul3A_625 = vector.broadcast %squeeze3A_620 : f32 to vector<16xf32>
          %mul3A_626 = arith.mulf %get3A_624, %mul3A_625 : vector<16xf32>
          %swap3A_627 = arith.index_cast %add3A_618 : i32 to index
          %swap3A_628 = arith.constant 0 : index
          %swap3A_629 = tpu.vector_load %arg14[%swap3A_627, %swap3A_628] {strides = array<i32>} : memref<80x64xf32, #tpu.memory_space<vmem>>, vector<1x16xf32>,
          %swap3A_630 = vector.shape_cast %swap3A_629 : vector<1x16xf32> to vector<16xf32>
          %swap3A_631 = vector.shape_cast %mul3A_626 : vector<16xf32> to vector<1x16xf32>
          tpu.vector_store %arg14[%swap3A_627, %swap3A_628], %swap3A_631 {strides = array<i32>} : memref<80x64xf32, #tpu.memory_space<vmem>>, vector<1x16xf32>,
          %get3A_632 = arith.index_cast %add3A_618 : i32 to index
          %get3A_633 = arith.constant 16 : index
          %get3A_634 = tpu.vector_load %arg12[%get3A_632, %get3A_633] {strides = array<i32>} : memref<80x64xf32, #tpu.memory_space<vmem>>, vector<1x16xf32>,
          %get3A_635 = vector.shape_cast %get3A_634 : vector<1x16xf32> to vector<16xf32>
          %mul3A_636 = vector.broadcast %squeeze3A_620 : f32 to vector<16xf32>
          %mul3A_637 = arith.mulf %get3A_635, %mul3A_636 : vector<16xf32>
          %swap3A_638 = arith.index_cast %add3A_618 : i32 to index
          %swap3A_639 = arith.constant 16 : index
          %swap3A_640 = tpu.vector_load %arg14[%swap3A_638, %swap3A_639] {strides = array<i32>} : memref<80x64xf32, #tpu.memory_space<vmem>>, vector<1x16xf32>,
          %swap3A_641 = vector.shape_cast %swap3A_640 : vector<1x16xf32> to vector<16xf32>
          %swap3A_642 = vector.shape_cast %mul3A_637 : vector<16xf32> to vector<1x16xf32>
          tpu.vector_store %arg14[%swap3A_638, %swap3A_639], %swap3A_642 {strides = array<i32>} : memref<80x64xf32, #tpu.memory_space<vmem>>, vector<1x16xf32>,
          %get3A_643 = arith.index_cast %add3A_618 : i32 to index
          %get3A_644 = arith.constant 32 : index
          %get3A_645 = tpu.vector_load %arg12[%get3A_643, %get3A_644] {strides = array<i32>} : memref<80x64xf32, #tpu.memory_space<vmem>>, vector<1x16xf32>,
          %get3A_646 = vector.shape_cast %get3A_645 : vector<1x16xf32> to vector<16xf32>
          %mul3A_647 = vector.broadcast %squeeze3A_620 : f32 to vector<16xf32>
          %mul3A_648 = arith.mulf %get3A_646, %mul3A_647 : vector<16xf32>
          %swap3A_649 = arith.index_cast %add3A_618 : i32 to index
          %swap3A_650 = arith.constant 32 : index
          %swap3A_651 = tpu.vector_load %arg14[%swap3A_649, %swap3A_650] {strides = array<i32>} : memref<80x64xf32, #tpu.memory_space<vmem>>, vector<1x16xf32>,
          %swap3A_652 = vector.shape_cast %swap3A_651 : vector<1x16xf32> to vector<16xf32>
          %swap3A_653 = vector.shape_cast %mul3A_648 : vector<16xf32> to vector<1x16xf32>
          tpu.vector_store %arg14[%swap3A_649, %swap3A_650], %swap3A_653 {strides = array<i32>} : memref<80x64xf32, #tpu.memory_space<vmem>>, vector<1x16xf32>,
          %get3A_654 = arith.index_cast %add3A_618 : i32 to index
          %get3A_655 = arith.constant 48 : index
          %get3A_656 = tpu.vector_load %arg12[%get3A_654, %get3A_655] {strides = array<i32>} : memref<80x64xf32, #tpu.memory_space<vmem>>, vector<1x16xf32>,
          %get3A_657 = vector.shape_cast %get3A_656 : vector<1x16xf32> to vector<16xf32>
          %mul3A_658 = vector.broadcast %squeeze3A_620 : f32 to vector<16xf32>
          %mul3A_659 = arith.mulf %get3A_657, %mul3A_658 : vector<16xf32>
          %swap3A_660 = arith.index_cast %add3A_618 : i32 to index
          %swap3A_661 = arith.constant 48 : index
          %swap3A_662 = tpu.vector_load %arg14[%swap3A_660, %swap3A_661] {strides = array<i32>} : memref<80x64xf32, #tpu.memory_space<vmem>>, vector<1x16xf32>,
          %swap3A_663 = vector.shape_cast %swap3A_662 : vector<1x16xf32> to vector<16xf32>
          %swap3A_664 = vector.shape_cast %mul3A_659 : vector<16xf32> to vector<1x16xf32>
          tpu.vector_store %arg14[%swap3A_660, %swap3A_661], %swap3A_664 {strides = array<i32>} : memref<80x64xf32, #tpu.memory_space<vmem>>, vector<1x16xf32>,
          %mul3A_665 = arith.constant 16 : i32
          %mul3A_666 = arith.muli %scan3A_162, %mul3A_665 : i32
          %add3A_667 = arith.constant 10 : i32
          %add3A_668 = arith.addi %mul3A_666, %add3A_667 : i32
          %slice3A_669 = vector.extract_strided_slice %get3A_167 {offsets = [10], sizes = [1], strides = [1]} : vector<16xf32> to vector<1xf32>
          %squeeze3A_670 = vector.extract %slice3A_669[0] : f32 from vector<1xf32>
          %get3A_671 = arith.index_cast %add3A_668 : i32 to index
          %get3A_672 = arith.constant 0 : index
          %get3A_673 = tpu.vector_load %arg12[%get3A_671, %get3A_672] {strides = array<i32>} : memref<80x64xf32, #tpu.memory_space<vmem>>, vector<1x16xf32>,
          %get3A_674 = vector.shape_cast %get3A_673 : vector<1x16xf32> to vector<16xf32>
          %mul3A_675 = vector.broadcast %squeeze3A_670 : f32 to vector<16xf32>
          %mul3A_676 = arith.mulf %get3A_674, %mul3A_675 : vector<16xf32>
          %swap3A_677 = arith.index_cast %add3A_668 : i32 to index
          %swap3A_678 = arith.constant 0 : index
          %swap3A_679 = tpu.vector_load %arg14[%swap3A_677, %swap3A_678] {strides = array<i32>} : memref<80x64xf32, #tpu.memory_space<vmem>>, vector<1x16xf32>,
          %swap3A_680 = vector.shape_cast %swap3A_679 : vector<1x16xf32> to vector<16xf32>
          %swap3A_681 = vector.shape_cast %mul3A_676 : vector<16xf32> to vector<1x16xf32>
          tpu.vector_store %arg14[%swap3A_677, %swap3A_678], %swap3A_681 {strides = array<i32>} : memref<80x64xf32, #tpu.memory_space<vmem>>, vector<1x16xf32>,
          %get3A_682 = arith.index_cast %add3A_668 : i32 to index
          %get3A_683 = arith.constant 16 : index
          %get3A_684 = tpu.vector_load %arg12[%get3A_682, %get3A_683] {strides = array<i32>} : memref<80x64xf32, #tpu.memory_space<vmem>>, vector<1x16xf32>,
          %get3A_685 = vector.shape_cast %get3A_684 : vector<1x16xf32> to vector<16xf32>
          %mul3A_686 = vector.broadcast %squeeze3A_670 : f32 to vector<16xf32>
          %mul3A_687 = arith.mulf %get3A_685, %mul3A_686 : vector<16xf32>
          %swap3A_688 = arith.index_cast %add3A_668 : i32 to index
          %swap3A_689 = arith.constant 16 : index
          %swap3A_690 = tpu.vector_load %arg14[%swap3A_688, %swap3A_689] {strides = array<i32>} : memref<80x64xf32, #tpu.memory_space<vmem>>, vector<1x16xf32>,
          %swap3A_691 = vector.shape_cast %swap3A_690 : vector<1x16xf32> to vector<16xf32>
          %swap3A_692 = vector.shape_cast %mul3A_687 : vector<16xf32> to vector<1x16xf32>
          tpu.vector_store %arg14[%swap3A_688, %swap3A_689], %swap3A_692 {strides = array<i32>} : memref<80x64xf32, #tpu.memory_space<vmem>>, vector<1x16xf32>,
          %get3A_693 = arith.index_cast %add3A_668 : i32 to index
          %get3A_694 = arith.constant 32 : index
          %get3A_695 = tpu.vector_load %arg12[%get3A_693, %get3A_694] {strides = array<i32>} : memref<80x64xf32, #tpu.memory_space<vmem>>, vector<1x16xf32>,
          %get3A_696 = vector.shape_cast %get3A_695 : vector<1x16xf32> to vector<16xf32>
          %mul3A_697 = vector.broadcast %squeeze3A_670 : f32 to vector<16xf32>
          %mul3A_698 = arith.mulf %get3A_696, %mul3A_697 : vector<16xf32>
          %swap3A_699 = arith.index_cast %add3A_668 : i32 to index
          %swap3A_700 = arith.constant 32 : index
          %swap3A_701 = tpu.vector_load %arg14[%swap3A_699, %swap3A_700] {strides = array<i32>} : memref<80x64xf32, #tpu.memory_space<vmem>>, vector<1x16xf32>,
          %swap3A_702 = vector.shape_cast %swap3A_701 : vector<1x16xf32> to vector<16xf32>
          %swap3A_703 = vector.shape_cast %mul3A_698 : vector<16xf32> to vector<1x16xf32>
          tpu.vector_store %arg14[%swap3A_699, %swap3A_700], %swap3A_703 {strides = array<i32>} : memref<80x64xf32, #tpu.memory_space<vmem>>, vector<1x16xf32>,
          %get3A_704 = arith.index_cast %add3A_668 : i32 to index
          %get3A_705 = arith.constant 48 : index
          %get3A_706 = tpu.vector_load %arg12[%get3A_704, %get3A_705] {strides = array<i32>} : memref<80x64xf32, #tpu.memory_space<vmem>>, vector<1x16xf32>,
          %get3A_707 = vector.shape_cast %get3A_706 : vector<1x16xf32> to vector<16xf32>
          %mul3A_708 = vector.broadcast %squeeze3A_670 : f32 to vector<16xf32>
          %mul3A_709 = arith.mulf %get3A_707, %mul3A_708 : vector<16xf32>
          %swap3A_710 = arith.index_cast %add3A_668 : i32 to index
          %swap3A_711 = arith.constant 48 : index
          %swap3A_712 = tpu.vector_load %arg14[%swap3A_710, %swap3A_711] {strides = array<i32>} : memref<80x64xf32, #tpu.memory_space<vmem>>, vector<1x16xf32>,
          %swap3A_713 = vector.shape_cast %swap3A_712 : vector<1x16xf32> to vector<16xf32>
          %swap3A_714 = vector.shape_cast %mul3A_709 : vector<16xf32> to vector<1x16xf32>
          tpu.vector_store %arg14[%swap3A_710, %swap3A_711], %swap3A_714 {strides = array<i32>} : memref<80x64xf32, #tpu.memory_space<vmem>>, vector<1x16xf32>,
          %mul3A_715 = arith.constant 16 : i32
          %mul3A_716 = arith.muli %scan3A_162, %mul3A_715 : i32
          %add3A_717 = arith.constant 11 : i32
          %add3A_718 = arith.addi %mul3A_716, %add3A_717 : i32
          %slice3A_719 = vector.extract_strided_slice %get3A_167 {offsets = [11], sizes = [1], strides = [1]} : vector<16xf32> to vector<1xf32>
          %squeeze3A_720 = vector.extract %slice3A_719[0] : f32 from vector<1xf32>
          %get3A_721 = arith.index_cast %add3A_718 : i32 to index
          %get3A_722 = arith.constant 0 : index
          %get3A_723 = tpu.vector_load %arg12[%get3A_721, %get3A_722] {strides = array<i32>} : memref<80x64xf32, #tpu.memory_space<vmem>>, vector<1x16xf32>,
          %get3A_724 = vector.shape_cast %get3A_723 : vector<1x16xf32> to vector<16xf32>
          %mul3A_725 = vector.broadcast %squeeze3A_720 : f32 to vector<16xf32>
          %mul3A_726 = arith.mulf %get3A_724, %mul3A_725 : vector<16xf32>
          %swap3A_727 = arith.index_cast %add3A_718 : i32 to index
          %swap3A_728 = arith.constant 0 : index
          %swap3A_729 = tpu.vector_load %arg14[%swap3A_727, %swap3A_728] {strides = array<i32>} : memref<80x64xf32, #tpu.memory_space<vmem>>, vector<1x16xf32>,
          %swap3A_730 = vector.shape_cast %swap3A_729 : vector<1x16xf32> to vector<16xf32>
          %swap3A_731 = vector.shape_cast %mul3A_726 : vector<16xf32> to vector<1x16xf32>
          tpu.vector_store %arg14[%swap3A_727, %swap3A_728], %swap3A_731 {strides = array<i32>} : memref<80x64xf32, #tpu.memory_space<vmem>>, vector<1x16xf32>,
          %get3A_732 = arith.index_cast %add3A_718 : i32 to index
          %get3A_733 = arith.constant 16 : index
          %get3A_734 = tpu.vector_load %arg12[%get3A_732, %get3A_733] {strides = array<i32>} : memref<80x64xf32, #tpu.memory_space<vmem>>, vector<1x16xf32>,
          %get3A_735 = vector.shape_cast %get3A_734 : vector<1x16xf32> to vector<16xf32>
          %mul3A_736 = vector.broadcast %squeeze3A_720 : f32 to vector<16xf32>
          %mul3A_737 = arith.mulf %get3A_735, %mul3A_736 : vector<16xf32>
          %swap3A_738 = arith.index_cast %add3A_718 : i32 to index
          %swap3A_739 = arith.constant 16 : index
          %swap3A_740 = tpu.vector_load %arg14[%swap3A_738, %swap3A_739] {strides = array<i32>} : memref<80x64xf32, #tpu.memory_space<vmem>>, vector<1x16xf32>,
          %swap3A_741 = vector.shape_cast %swap3A_740 : vector<1x16xf32> to vector<16xf32>
          %swap3A_742 = vector.shape_cast %mul3A_737 : vector<16xf32> to vector<1x16xf32>
          tpu.vector_store %arg14[%swap3A_738, %swap3A_739], %swap3A_742 {strides = array<i32>} : memref<80x64xf32, #tpu.memory_space<vmem>>, vector<1x16xf32>,
          %get3A_743 = arith.index_cast %add3A_718 : i32 to index
          %get3A_744 = arith.constant 32 : index
          %get3A_745 = tpu.vector_load %arg12[%get3A_743, %get3A_744] {strides = array<i32>} : memref<80x64xf32, #tpu.memory_space<vmem>>, vector<1x16xf32>,
          %get3A_746 = vector.shape_cast %get3A_745 : vector<1x16xf32> to vector<16xf32>
          %mul3A_747 = vector.broadcast %squeeze3A_720 : f32 to vector<16xf32>
          %mul3A_748 = arith.mulf %get3A_746, %mul3A_747 : vector<16xf32>
          %swap3A_749 = arith.index_cast %add3A_718 : i32 to index
          %swap3A_750 = arith.constant 32 : index
          %swap3A_751 = tpu.vector_load %arg14[%swap3A_749, %swap3A_750] {strides = array<i32>} : memref<80x64xf32, #tpu.memory_space<vmem>>, vector<1x16xf32>,
          %swap3A_752 = vector.shape_cast %swap3A_751 : vector<1x16xf32> to vector<16xf32>
          %swap3A_753 = vector.shape_cast %mul3A_748 : vector<16xf32> to vector<1x16xf32>
          tpu.vector_store %arg14[%swap3A_749, %swap3A_750], %swap3A_753 {strides = array<i32>} : memref<80x64xf32, #tpu.memory_space<vmem>>, vector<1x16xf32>,
          %get3A_754 = arith.index_cast %add3A_718 : i32 to index
          %get3A_755 = arith.constant 48 : index
          %get3A_756 = tpu.vector_load %arg12[%get3A_754, %get3A_755] {strides = array<i32>} : memref<80x64xf32, #tpu.memory_space<vmem>>, vector<1x16xf32>,
          %get3A_757 = vector.shape_cast %get3A_756 : vector<1x16xf32> to vector<16xf32>
          %mul3A_758 = vector.broadcast %squeeze3A_720 : f32 to vector<16xf32>
          %mul3A_759 = arith.mulf %get3A_757, %mul3A_758 : vector<16xf32>
          %swap3A_760 = arith.index_cast %add3A_718 : i32 to index
          %swap3A_761 = arith.constant 48 : index
          %swap3A_762 = tpu.vector_load %arg14[%swap3A_760, %swap3A_761] {strides = array<i32>} : memref<80x64xf32, #tpu.memory_space<vmem>>, vector<1x16xf32>,
          %swap3A_763 = vector.shape_cast %swap3A_762 : vector<1x16xf32> to vector<16xf32>
          %swap3A_764 = vector.shape_cast %mul3A_759 : vector<16xf32> to vector<1x16xf32>
          tpu.vector_store %arg14[%swap3A_760, %swap3A_761], %swap3A_764 {strides = array<i32>} : memref<80x64xf32, #tpu.memory_space<vmem>>, vector<1x16xf32>,
          %mul3A_765 = arith.constant 16 : i32
          %mul3A_766 = arith.muli %scan3A_162, %mul3A_765 : i32
          %add3A_767 = arith.constant 12 : i32
          %add3A_768 = arith.addi %mul3A_766, %add3A_767 : i32
          %slice3A_769 = vector.extract_strided_slice %get3A_167 {offsets = [12], sizes = [1], strides = [1]} : vector<16xf32> to vector<1xf32>
          %squeeze3A_770 = vector.extract %slice3A_769[0] : f32 from vector<1xf32>
          %get3A_771 = arith.index_cast %add3A_768 : i32 to index
          %get3A_772 = arith.constant 0 : index
          %get3A_773 = tpu.vector_load %arg12[%get3A_771, %get3A_772] {strides = array<i32>} : memref<80x64xf32, #tpu.memory_space<vmem>>, vector<1x16xf32>,
          %get3A_774 = vector.shape_cast %get3A_773 : vector<1x16xf32> to vector<16xf32>
          %mul3A_775 = vector.broadcast %squeeze3A_770 : f32 to vector<16xf32>
          %mul3A_776 = arith.mulf %get3A_774, %mul3A_775 : vector<16xf32>
          %swap3A_777 = arith.index_cast %add3A_768 : i32 to index
          %swap3A_778 = arith.constant 0 : index
          %swap3A_779 = tpu.vector_load %arg14[%swap3A_777, %swap3A_778] {strides = array<i32>} : memref<80x64xf32, #tpu.memory_space<vmem>>, vector<1x16xf32>,
          %swap3A_780 = vector.shape_cast %swap3A_779 : vector<1x16xf32> to vector<16xf32>
          %swap3A_781 = vector.shape_cast %mul3A_776 : vector<16xf32> to vector<1x16xf32>
          tpu.vector_store %arg14[%swap3A_777, %swap3A_778], %swap3A_781 {strides = array<i32>} : memref<80x64xf32, #tpu.memory_space<vmem>>, vector<1x16xf32>,
          %get3A_782 = arith.index_cast %add3A_768 : i32 to index
          %get3A_783 = arith.constant 16 : index
          %get3A_784 = tpu.vector_load %arg12[%get3A_782, %get3A_783] {strides = array<i32>} : memref<80x64xf32, #tpu.memory_space<vmem>>, vector<1x16xf32>,
          %get3A_785 = vector.shape_cast %get3A_784 : vector<1x16xf32> to vector<16xf32>
          %mul3A_786 = vector.broadcast %squeeze3A_770 : f32 to vector<16xf32>
          %mul3A_787 = arith.mulf %get3A_785, %mul3A_786 : vector<16xf32>
          %swap3A_788 = arith.index_cast %add3A_768 : i32 to index
          %swap3A_789 = arith.constant 16 : index
          %swap3A_790 = tpu.vector_load %arg14[%swap3A_788, %swap3A_789] {strides = array<i32>} : memref<80x64xf32, #tpu.memory_space<vmem>>, vector<1x16xf32>,
          %swap3A_791 = vector.shape_cast %swap3A_790 : vector<1x16xf32> to vector<16xf32>
          %swap3A_792 = vector.shape_cast %mul3A_787 : vector<16xf32> to vector<1x16xf32>
          tpu.vector_store %arg14[%swap3A_788, %swap3A_789], %swap3A_792 {strides = array<i32>} : memref<80x64xf32, #tpu.memory_space<vmem>>, vector<1x16xf32>,
          %get3A_793 = arith.index_cast %add3A_768 : i32 to index
          %get3A_794 = arith.constant 32 : index
          %get3A_795 = tpu.vector_load %arg12[%get3A_793, %get3A_794] {strides = array<i32>} : memref<80x64xf32, #tpu.memory_space<vmem>>, vector<1x16xf32>,
          %get3A_796 = vector.shape_cast %get3A_795 : vector<1x16xf32> to vector<16xf32>
          %mul3A_797 = vector.broadcast %squeeze3A_770 : f32 to vector<16xf32>
          %mul3A_798 = arith.mulf %get3A_796, %mul3A_797 : vector<16xf32>
          %swap3A_799 = arith.index_cast %add3A_768 : i32 to index
          %swap3A_800 = arith.constant 32 : index
          %swap3A_801 = tpu.vector_load %arg14[%swap3A_799, %swap3A_800] {strides = array<i32>} : memref<80x64xf32, #tpu.memory_space<vmem>>, vector<1x16xf32>,
          %swap3A_802 = vector.shape_cast %swap3A_801 : vector<1x16xf32> to vector<16xf32>
          %swap3A_803 = vector.shape_cast %mul3A_798 : vector<16xf32> to vector<1x16xf32>
          tpu.vector_store %arg14[%swap3A_799, %swap3A_800], %swap3A_803 {strides = array<i32>} : memref<80x64xf32, #tpu.memory_space<vmem>>, vector<1x16xf32>,
          %get3A_804 = arith.index_cast %add3A_768 : i32 to index
          %get3A_805 = arith.constant 48 : index
          %get3A_806 = tpu.vector_load %arg12[%get3A_804, %get3A_805] {strides = array<i32>} : memref<80x64xf32, #tpu.memory_space<vmem>>, vector<1x16xf32>,
          %get3A_807 = vector.shape_cast %get3A_806 : vector<1x16xf32> to vector<16xf32>
          %mul3A_808 = vector.broadcast %squeeze3A_770 : f32 to vector<16xf32>
          %mul3A_809 = arith.mulf %get3A_807, %mul3A_808 : vector<16xf32>
          %swap3A_810 = arith.index_cast %add3A_768 : i32 to index
          %swap3A_811 = arith.constant 48 : index
          %swap3A_812 = tpu.vector_load %arg14[%swap3A_810, %swap3A_811] {strides = array<i32>} : memref<80x64xf32, #tpu.memory_space<vmem>>, vector<1x16xf32>,
          %swap3A_813 = vector.shape_cast %swap3A_812 : vector<1x16xf32> to vector<16xf32>
          %swap3A_814 = vector.shape_cast %mul3A_809 : vector<16xf32> to vector<1x16xf32>
          tpu.vector_store %arg14[%swap3A_810, %swap3A_811], %swap3A_814 {strides = array<i32>} : memref<80x64xf32, #tpu.memory_space<vmem>>, vector<1x16xf32>,
          %mul3A_815 = arith.constant 16 : i32
          %mul3A_816 = arith.muli %scan3A_162, %mul3A_815 : i32
          %add3A_817 = arith.constant 13 : i32
          %add3A_818 = arith.addi %mul3A_816, %add3A_817 : i32
          %slice3A_819 = vector.extract_strided_slice %get3A_167 {offsets = [13], sizes = [1], strides = [1]} : vector<16xf32> to vector<1xf32>
          %squeeze3A_820 = vector.extract %slice3A_819[0] : f32 from vector<1xf32>
          %get3A_821 = arith.index_cast %add3A_818 : i32 to index
          %get3A_822 = arith.constant 0 : index
          %get3A_823 = tpu.vector_load %arg12[%get3A_821, %get3A_822] {strides = array<i32>} : memref<80x64xf32, #tpu.memory_space<vmem>>, vector<1x16xf32>,
          %get3A_824 = vector.shape_cast %get3A_823 : vector<1x16xf32> to vector<16xf32>
          %mul3A_825 = vector.broadcast %squeeze3A_820 : f32 to vector<16xf32>
          %mul3A_826 = arith.mulf %get3A_824, %mul3A_825 : vector<16xf32>
          %swap3A_827 = arith.index_cast %add3A_818 : i32 to index
          %swap3A_828 = arith.constant 0 : index
          %swap3A_829 = tpu.vector_load %arg14[%swap3A_827, %swap3A_828] {strides = array<i32>} : memref<80x64xf32, #tpu.memory_space<vmem>>, vector<1x16xf32>,
          %swap3A_830 = vector.shape_cast %swap3A_829 : vector<1x16xf32> to vector<16xf32>
          %swap3A_831 = vector.shape_cast %mul3A_826 : vector<16xf32> to vector<1x16xf32>
          tpu.vector_store %arg14[%swap3A_827, %swap3A_828], %swap3A_831 {strides = array<i32>} : memref<80x64xf32, #tpu.memory_space<vmem>>, vector<1x16xf32>,
          %get3A_832 = arith.index_cast %add3A_818 : i32 to index
          %get3A_833 = arith.constant 16 : index
          %get3A_834 = tpu.vector_load %arg12[%get3A_832, %get3A_833] {strides = array<i32>} : memref<80x64xf32, #tpu.memory_space<vmem>>, vector<1x16xf32>,
          %get3A_835 = vector.shape_cast %get3A_834 : vector<1x16xf32> to vector<16xf32>
          %mul3A_836 = vector.broadcast %squeeze3A_820 : f32 to vector<16xf32>
          %mul3A_837 = arith.mulf %get3A_835, %mul3A_836 : vector<16xf32>
          %swap3A_838 = arith.index_cast %add3A_818 : i32 to index
          %swap3A_839 = arith.constant 16 : index
          %swap3A_840 = tpu.vector_load %arg14[%swap3A_838, %swap3A_839] {strides = array<i32>} : memref<80x64xf32, #tpu.memory_space<vmem>>, vector<1x16xf32>,
          %swap3A_841 = vector.shape_cast %swap3A_840 : vector<1x16xf32> to vector<16xf32>
          %swap3A_842 = vector.shape_cast %mul3A_837 : vector<16xf32> to vector<1x16xf32>
          tpu.vector_store %arg14[%swap3A_838, %swap3A_839], %swap3A_842 {strides = array<i32>} : memref<80x64xf32, #tpu.memory_space<vmem>>, vector<1x16xf32>,
          %get3A_843 = arith.index_cast %add3A_818 : i32 to index
          %get3A_844 = arith.constant 32 : index
          %get3A_845 = tpu.vector_load %arg12[%get3A_843, %get3A_844] {strides = array<i32>} : memref<80x64xf32, #tpu.memory_space<vmem>>, vector<1x16xf32>,
          %get3A_846 = vector.shape_cast %get3A_845 : vector<1x16xf32> to vector<16xf32>
          %mul3A_847 = vector.broadcast %squeeze3A_820 : f32 to vector<16xf32>
          %mul3A_848 = arith.mulf %get3A_846, %mul3A_847 : vector<16xf32>
          %swap3A_849 = arith.index_cast %add3A_818 : i32 to index
          %swap3A_850 = arith.constant 32 : index
          %swap3A_851 = tpu.vector_load %arg14[%swap3A_849, %swap3A_850] {strides = array<i32>} : memref<80x64xf32, #tpu.memory_space<vmem>>, vector<1x16xf32>,
          %swap3A_852 = vector.shape_cast %swap3A_851 : vector<1x16xf32> to vector<16xf32>
          %swap3A_853 = vector.shape_cast %mul3A_848 : vector<16xf32> to vector<1x16xf32>
          tpu.vector_store %arg14[%swap3A_849, %swap3A_850], %swap3A_853 {strides = array<i32>} : memref<80x64xf32, #tpu.memory_space<vmem>>, vector<1x16xf32>,
          %get3A_854 = arith.index_cast %add3A_818 : i32 to index
          %get3A_855 = arith.constant 48 : index
          %get3A_856 = tpu.vector_load %arg12[%get3A_854, %get3A_855] {strides = array<i32>} : memref<80x64xf32, #tpu.memory_space<vmem>>, vector<1x16xf32>,
          %get3A_857 = vector.shape_cast %get3A_856 : vector<1x16xf32> to vector<16xf32>
          %mul3A_858 = vector.broadcast %squeeze3A_820 : f32 to vector<16xf32>
          %mul3A_859 = arith.mulf %get3A_857, %mul3A_858 : vector<16xf32>
          %swap3A_860 = arith.index_cast %add3A_818 : i32 to index
          %swap3A_861 = arith.constant 48 : index
          %swap3A_862 = tpu.vector_load %arg14[%swap3A_860, %swap3A_861] {strides = array<i32>} : memref<80x64xf32, #tpu.memory_space<vmem>>, vector<1x16xf32>,
          %swap3A_863 = vector.shape_cast %swap3A_862 : vector<1x16xf32> to vector<16xf32>
          %swap3A_864 = vector.shape_cast %mul3A_859 : vector<16xf32> to vector<1x16xf32>
          tpu.vector_store %arg14[%swap3A_860, %swap3A_861], %swap3A_864 {strides = array<i32>} : memref<80x64xf32, #tpu.memory_space<vmem>>, vector<1x16xf32>,
          %mul3A_865 = arith.constant 16 : i32
          %mul3A_866 = arith.muli %scan3A_162, %mul3A_865 : i32
          %add3A_867 = arith.constant 14 : i32
          %add3A_868 = arith.addi %mul3A_866, %add3A_867 : i32
          %slice3A_869 = vector.extract_strided_slice %get3A_167 {offsets = [14], sizes = [1], strides = [1]} : vector<16xf32> to vector<1xf32>
          %squeeze3A_870 = vector.extract %slice3A_869[0] : f32 from vector<1xf32>
          %get3A_871 = arith.index_cast %add3A_868 : i32 to index
          %get3A_872 = arith.constant 0 : index
          %get3A_873 = tpu.vector_load %arg12[%get3A_871, %get3A_872] {strides = array<i32>} : memref<80x64xf32, #tpu.memory_space<vmem>>, vector<1x16xf32>,
          %get3A_874 = vector.shape_cast %get3A_873 : vector<1x16xf32> to vector<16xf32>
          %mul3A_875 = vector.broadcast %squeeze3A_870 : f32 to vector<16xf32>
          %mul3A_876 = arith.mulf %get3A_874, %mul3A_875 : vector<16xf32>
          %swap3A_877 = arith.index_cast %add3A_868 : i32 to index
          %swap3A_878 = arith.constant 0 : index
          %swap3A_879 = tpu.vector_load %arg14[%swap3A_877, %swap3A_878] {strides = array<i32>} : memref<80x64xf32, #tpu.memory_space<vmem>>, vector<1x16xf32>,
          %swap3A_880 = vector.shape_cast %swap3A_879 : vector<1x16xf32> to vector<16xf32>
          %swap3A_881 = vector.shape_cast %mul3A_876 : vector<16xf32> to vector<1x16xf32>
          tpu.vector_store %arg14[%swap3A_877, %swap3A_878], %swap3A_881 {strides = array<i32>} : memref<80x64xf32, #tpu.memory_space<vmem>>, vector<1x16xf32>,
          %get3A_882 = arith.index_cast %add3A_868 : i32 to index
          %get3A_883 = arith.constant 16 : index
          %get3A_884 = tpu.vector_load %arg12[%get3A_882, %get3A_883] {strides = array<i32>} : memref<80x64xf32, #tpu.memory_space<vmem>>, vector<1x16xf32>,
          %get3A_885 = vector.shape_cast %get3A_884 : vector<1x16xf32> to vector<16xf32>
          %mul3A_886 = vector.broadcast %squeeze3A_870 : f32 to vector<16xf32>
          %mul3A_887 = arith.mulf %get3A_885, %mul3A_886 : vector<16xf32>
          %swap3A_888 = arith.index_cast %add3A_868 : i32 to index
          %swap3A_889 = arith.constant 16 : index
          %swap3A_890 = tpu.vector_load %arg14[%swap3A_888, %swap3A_889] {strides = array<i32>} : memref<80x64xf32, #tpu.memory_space<vmem>>, vector<1x16xf32>,
          %swap3A_891 = vector.shape_cast %swap3A_890 : vector<1x16xf32> to vector<16xf32>
          %swap3A_892 = vector.shape_cast %mul3A_887 : vector<16xf32> to vector<1x16xf32>
          tpu.vector_store %arg14[%swap3A_888, %swap3A_889], %swap3A_892 {strides = array<i32>} : memref<80x64xf32, #tpu.memory_space<vmem>>, vector<1x16xf32>,
          %get3A_893 = arith.index_cast %add3A_868 : i32 to index
          %get3A_894 = arith.constant 32 : index
          %get3A_895 = tpu.vector_load %arg12[%get3A_893, %get3A_894] {strides = array<i32>} : memref<80x64xf32, #tpu.memory_space<vmem>>, vector<1x16xf32>,
          %get3A_896 = vector.shape_cast %get3A_895 : vector<1x16xf32> to vector<16xf32>
          %mul3A_897 = vector.broadcast %squeeze3A_870 : f32 to vector<16xf32>
          %mul3A_898 = arith.mulf %get3A_896, %mul3A_897 : vector<16xf32>
          %swap3A_899 = arith.index_cast %add3A_868 : i32 to index
          %swap3A_900 = arith.constant 32 : index
          %swap3A_901 = tpu.vector_load %arg14[%swap3A_899, %swap3A_900] {strides = array<i32>} : memref<80x64xf32, #tpu.memory_space<vmem>>, vector<1x16xf32>,
          %swap3A_902 = vector.shape_cast %swap3A_901 : vector<1x16xf32> to vector<16xf32>
          %swap3A_903 = vector.shape_cast %mul3A_898 : vector<16xf32> to vector<1x16xf32>
          tpu.vector_store %arg14[%swap3A_899, %swap3A_900], %swap3A_903 {strides = array<i32>} : memref<80x64xf32, #tpu.memory_space<vmem>>, vector<1x16xf32>,
          %get3A_904 = arith.index_cast %add3A_868 : i32 to index
          %get3A_905 = arith.constant 48 : index
          %get3A_906 = tpu.vector_load %arg12[%get3A_904, %get3A_905] {strides = array<i32>} : memref<80x64xf32, #tpu.memory_space<vmem>>, vector<1x16xf32>,
          %get3A_907 = vector.shape_cast %get3A_906 : vector<1x16xf32> to vector<16xf32>
          %mul3A_908 = vector.broadcast %squeeze3A_870 : f32 to vector<16xf32>
          %mul3A_909 = arith.mulf %get3A_907, %mul3A_908 : vector<16xf32>
          %swap3A_910 = arith.index_cast %add3A_868 : i32 to index
          %swap3A_911 = arith.constant 48 : index
          %swap3A_912 = tpu.vector_load %arg14[%swap3A_910, %swap3A_911] {strides = array<i32>} : memref<80x64xf32, #tpu.memory_space<vmem>>, vector<1x16xf32>,
          %swap3A_913 = vector.shape_cast %swap3A_912 : vector<1x16xf32> to vector<16xf32>
          %swap3A_914 = vector.shape_cast %mul3A_909 : vector<16xf32> to vector<1x16xf32>
          tpu.vector_store %arg14[%swap3A_910, %swap3A_911], %swap3A_914 {strides = array<i32>} : memref<80x64xf32, #tpu.memory_space<vmem>>, vector<1x16xf32>,
          %mul3A_915 = arith.constant 16 : i32
          %mul3A_916 = arith.muli %scan3A_162, %mul3A_915 : i32
          %add3A_917 = arith.constant 15 : i32
          %add3A_918 = arith.addi %mul3A_916, %add3A_917 : i32
          %slice3A_919 = vector.extract_strided_slice %get3A_167 {offsets = [15], sizes = [1], strides = [1]} : vector<16xf32> to vector<1xf32>
          %squeeze3A_920 = vector.extract %slice3A_919[0] : f32 from vector<1xf32>
          %get3A_921 = arith.index_cast %add3A_918 : i32 to index
          %get3A_922 = arith.constant 0 : index
          %get3A_923 = tpu.vector_load %arg12[%get3A_921, %get3A_922] {strides = array<i32>} : memref<80x64xf32, #tpu.memory_space<vmem>>, vector<1x16xf32>,
          %get3A_924 = vector.shape_cast %get3A_923 : vector<1x16xf32> to vector<16xf32>
          %mul3A_925 = vector.broadcast %squeeze3A_920 : f32 to vector<16xf32>
          %mul3A_926 = arith.mulf %get3A_924, %mul3A_925 : vector<16xf32>
          %swap3A_927 = arith.index_cast %add3A_918 : i32 to index
          %swap3A_928 = arith.constant 0 : index
          %swap3A_929 = tpu.vector_load %arg14[%swap3A_927, %swap3A_928] {strides = array<i32>} : memref<80x64xf32, #tpu.memory_space<vmem>>, vector<1x16xf32>,
          %swap3A_930 = vector.shape_cast %swap3A_929 : vector<1x16xf32> to vector<16xf32>
          %swap3A_931 = vector.shape_cast %mul3A_926 : vector<16xf32> to vector<1x16xf32>
          tpu.vector_store %arg14[%swap3A_927, %swap3A_928], %swap3A_931 {strides = array<i32>} : memref<80x64xf32, #tpu.memory_space<vmem>>, vector<1x16xf32>,
          %get3A_932 = arith.index_cast %add3A_918 : i32 to index
          %get3A_933 = arith.constant 16 : index
          %get3A_934 = tpu.vector_load %arg12[%get3A_932, %get3A_933] {strides = array<i32>} : memref<80x64xf32, #tpu.memory_space<vmem>>, vector<1x16xf32>,
          %get3A_935 = vector.shape_cast %get3A_934 : vector<1x16xf32> to vector<16xf32>
          %mul3A_936 = vector.broadcast %squeeze3A_920 : f32 to vector<16xf32>
          %mul3A_937 = arith.mulf %get3A_935, %mul3A_936 : vector<16xf32>
          %swap3A_938 = arith.index_cast %add3A_918 : i32 to index
          %swap3A_939 = arith.constant 16 : index
          %swap3A_940 = tpu.vector_load %arg14[%swap3A_938, %swap3A_939] {strides = array<i32>} : memref<80x64xf32, #tpu.memory_space<vmem>>, vector<1x16xf32>,
          %swap3A_941 = vector.shape_cast %swap3A_940 : vector<1x16xf32> to vector<16xf32>
          %swap3A_942 = vector.shape_cast %mul3A_937 : vector<16xf32> to vector<1x16xf32>
          tpu.vector_store %arg14[%swap3A_938, %swap3A_939], %swap3A_942 {strides = array<i32>} : memref<80x64xf32, #tpu.memory_space<vmem>>, vector<1x16xf32>,
          %get3A_943 = arith.index_cast %add3A_918 : i32 to index
          %get3A_944 = arith.constant 32 : index
          %get3A_945 = tpu.vector_load %arg12[%get3A_943, %get3A_944] {strides = array<i32>} : memref<80x64xf32, #tpu.memory_space<vmem>>, vector<1x16xf32>,
          %get3A_946 = vector.shape_cast %get3A_945 : vector<1x16xf32> to vector<16xf32>
          %mul3A_947 = vector.broadcast %squeeze3A_920 : f32 to vector<16xf32>
          %mul3A_948 = arith.mulf %get3A_946, %mul3A_947 : vector<16xf32>
          %swap3A_949 = arith.index_cast %add3A_918 : i32 to index
          %swap3A_950 = arith.constant 32 : index
          %swap3A_951 = tpu.vector_load %arg14[%swap3A_949, %swap3A_950] {strides = array<i32>} : memref<80x64xf32, #tpu.memory_space<vmem>>, vector<1x16xf32>,
          %swap3A_952 = vector.shape_cast %swap3A_951 : vector<1x16xf32> to vector<16xf32>
          %swap3A_953 = vector.shape_cast %mul3A_948 : vector<16xf32> to vector<1x16xf32>
          tpu.vector_store %arg14[%swap3A_949, %swap3A_950], %swap3A_953 {strides = array<i32>} : memref<80x64xf32, #tpu.memory_space<vmem>>, vector<1x16xf32>,
          %get3A_954 = arith.index_cast %add3A_918 : i32 to index
          %get3A_955 = arith.constant 48 : index
          %get3A_956 = tpu.vector_load %arg12[%get3A_954, %get3A_955] {strides = array<i32>} : memref<80x64xf32, #tpu.memory_space<vmem>>, vector<1x16xf32>,
          %get3A_957 = vector.shape_cast %get3A_956 : vector<1x16xf32> to vector<16xf32>
          %mul3A_958 = vector.broadcast %squeeze3A_920 : f32 to vector<16xf32>
          %mul3A_959 = arith.mulf %get3A_957, %mul3A_958 : vector<16xf32>
          %swap3A_960 = arith.index_cast %add3A_918 : i32 to index
          %swap3A_961 = arith.constant 48 : index
          %swap3A_962 = tpu.vector_load %arg14[%swap3A_960, %swap3A_961] {strides = array<i32>} : memref<80x64xf32, #tpu.memory_space<vmem>>, vector<1x16xf32>,
          %swap3A_963 = vector.shape_cast %swap3A_962 : vector<1x16xf32> to vector<16xf32>
          %swap3A_964 = vector.shape_cast %mul3A_959 : vector<16xf32> to vector<1x16xf32>
          tpu.vector_store %arg14[%swap3A_960, %swap3A_961], %swap3A_964 {strides = array<i32>} : memref<80x64xf32, #tpu.memory_space<vmem>>, vector<1x16xf32>,
        }
        %scan3A_150 = arith.constant 5 : i32
        %lt3A_151 = arith.constant 124 : i32
        %lt3A_152 = arith.cmpi slt, %scan3A_100, %lt3A_151 : i32
        %convert_element_type3A_153 = arith.extui %lt3A_152 : i1 to i32
        %cond3A_154 = arith.constant 0 : i32
        %cond3A_155 = arith.cmpi ne, %convert_element_type3A_153, %cond3A_154 : i32
        scf.if %cond3A_155 {
          %add3A_162 = arith.constant 2 : i32
          %add3A_163 = arith.addi %add3A_133, %add3A_162 : i32
          %dma_start3A_164 = arith.constant 0 : i32
          %dma_start3A_165 = tpu.memref_slice %arg8[%add3A_163, %dma_start3A_164] : memref<250x80xi32, #tpu.memory_space<vmem>> -> memref<1x80xi32, #tpu.memory_space<vmem>>
          %dma_start3A_166 = tpu.memref_squeeze %dma_start3A_165 : memref<1x80xi32, #tpu.memory_space<vmem>> -> memref<80xi32, #tpu.memory_space<vmem>>
          %dma_start3A_167 = arith.constant 0 : i32
          %dma_start3A_168 = arith.constant 0 : i32
          %dma_start3A_169 = tpu.memref_slice %arg2[%dma_start3A_167, %dma_start3A_168] : memref<10000x64xf32, #tpu.memory_space<hbm>> -> memref<10000x64xf32, #tpu.memory_space<hbm>>
          tpu.enqueue_indirect_dma source(%dma_start3A_169 : memref<10000x64xf32, #tpu.memory_space<hbm>>) target(%arg12 : memref<80x64xf32, #tpu.memory_space<vmem>>) offsets(%dma_start3A_166 : memref<80xi32, #tpu.memory_space<vmem>>) semaphore(%arg17 : memref<!tpu.dma_semaphore, #tpu.memory_space<semaphore_mem>>)
        } else {
        }
        %dma_start3A_156 = arith.constant 0 : i32
        %dma_start3A_157 = tpu.memref_slice %arg9[%add3A_133, %dma_start3A_156] : memref<250x80xi32, #tpu.memory_space<vmem>> -> memref<1x80xi32, #tpu.memory_space<vmem>>
        %dma_start3A_158 = tpu.memref_squeeze %dma_start3A_157 : memref<1x80xi32, #tpu.memory_space<vmem>> -> memref<80xi32, #tpu.memory_space<vmem>>
        %dma_start3A_159 = arith.constant 0 : i32
        %dma_start3A_160 = arith.constant 0 : i32
        %dma_start3A_161 = tpu.memref_slice %arg15[%dma_start3A_159, %dma_start3A_160] : memref<10240x64xf32, #tpu.memory_space<vmem_shared>> -> memref<10240x64xf32, #tpu.memory_space<vmem_shared>>
        tpu.enqueue_indirect_dma source(%arg14 : memref<80x64xf32, #tpu.memory_space<vmem>>) target(%dma_start3A_161 : memref<10240x64xf32, #tpu.memory_space<vmem_shared>>) offsets(%dma_start3A_158 : memref<80xi32, #tpu.memory_space<vmem>>) semaphore(%arg19 : memref<!tpu.dma_semaphore, #tpu.memory_space<semaphore_mem>>) {add = true}
      }
      %scan3A_85 = arith.constant 125 : i32
      %dma_wait3A_86 = arith.constant 0 : i32
      %dma_wait3A_87 = arith.constant 0 : i32
      %dma_wait3A_88 = tpu.memref_slice %arg9[%dma_wait3A_86, %dma_wait3A_87] : memref<250x80xi32, #tpu.memory_space<vmem>> -> memref<1x80xi32, #tpu.memory_space<vmem>>
      %dma_wait3A_89 = tpu.memref_squeeze %dma_wait3A_88 : memref<1x80xi32, #tpu.memory_space<vmem>> -> memref<80xi32, #tpu.memory_space<vmem>>
      %dma_wait3A_90 = arith.constant 0 : i32
      %dma_wait3A_91 = arith.constant 0 : i32
      %dma_wait3A_92 = tpu.memref_slice %arg15[%dma_wait3A_90, %dma_wait3A_91] : memref<10240x64xf32, #tpu.memory_space<vmem_shared>> -> memref<10240x64xf32, #tpu.memory_space<vmem_shared>>
      tpu.wait_indirect_dma semaphore(%arg18 : memref<!tpu.dma_semaphore, #tpu.memory_space<semaphore_mem>>) src(%arg13 : memref<80x64xf32, #tpu.memory_space<vmem>>) dst(%dma_wait3A_92 : memref<10240x64xf32, #tpu.memory_space<vmem_shared>>)
      %dma_wait3A_93 = arith.constant 0 : i32
      %dma_wait3A_94 = arith.constant 0 : i32
      %dma_wait3A_95 = tpu.memref_slice %arg9[%dma_wait3A_93, %dma_wait3A_94] : memref<250x80xi32, #tpu.memory_space<vmem>> -> memref<1x80xi32, #tpu.memory_space<vmem>>
      %dma_wait3A_96 = tpu.memref_squeeze %dma_wait3A_95 : memref<1x80xi32, #tpu.memory_space<vmem>> -> memref<80xi32, #tpu.memory_space<vmem>>
      %dma_wait3A_97 = arith.constant 0 : i32
      %dma_wait3A_98 = arith.constant 0 : i32
      %dma_wait3A_99 = tpu.memref_slice %arg15[%dma_wait3A_97, %dma_wait3A_98] : memref<10240x64xf32, #tpu.memory_space<vmem_shared>> -> memref<10240x64xf32, #tpu.memory_space<vmem_shared>>
      tpu.wait_indirect_dma semaphore(%arg19 : memref<!tpu.dma_semaphore, #tpu.memory_space<semaphore_mem>>) src(%arg14 : memref<80x64xf32, #tpu.memory_space<vmem>>) dst(%dma_wait3A_99 : memref<10240x64xf32, #tpu.memory_space<vmem_shared>>)
    } else {
    }
    %eq3A_57 = arith.constant 1 : i32
    %eq3A_58 = arith.cmpi eq, %arg0, %eq3A_57 : i32
    %convert_element_type3A_59 = arith.extui %eq3A_58 : i1 to i32
    %cond3A_60 = arith.constant 0 : i32
    %cond3A_61 = arith.cmpi ne, %convert_element_type3A_59, %cond3A_60 : i32
    scf.if %cond3A_61 {
      %dma_start3A_67 = arith.constant 0 : i32
      %dma_start3A_68 = arith.constant 0 : i32
      %dma_start3A_69 = tpu.memref_slice %arg8[%dma_start3A_67, %dma_start3A_68] : memref<250x80xi32, #tpu.memory_space<vmem>> -> memref<1x80xi32, #tpu.memory_space<vmem>>
      %dma_start3A_70 = tpu.memref_squeeze %dma_start3A_69 : memref<1x80xi32, #tpu.memory_space<vmem>> -> memref<80xi32, #tpu.memory_space<vmem>>
      %dma_start3A_71 = arith.constant 0 : i32
      %dma_start3A_72 = arith.constant 0 : i32
      %dma_start3A_73 = tpu.memref_slice %arg3[%dma_start3A_71, %dma_start3A_72] : memref<10000x64xf32, #tpu.memory_space<hbm>> -> memref<10000x64xf32, #tpu.memory_space<hbm>>
      tpu.enqueue_indirect_dma source(%dma_start3A_73 : memref<10000x64xf32, #tpu.memory_space<hbm>>) target(%arg11 : memref<80x64xf32, #tpu.memory_space<vmem>>) offsets(%dma_start3A_70 : memref<80xi32, #tpu.memory_space<vmem>>) semaphore(%arg16 : memref<!tpu.dma_semaphore, #tpu.memory_space<semaphore_mem>>)
      %dma_start3A_74 = arith.constant 1 : i32
      %dma_start3A_75 = arith.constant 0 : i32
      %dma_start3A_76 = tpu.memref_slice %arg8[%dma_start3A_74, %dma_start3A_75] : memref<250x80xi32, #tpu.memory_space<vmem>> -> memref<1x80xi32, #tpu.memory_space<vmem>>
      %dma_start3A_77 = tpu.memref_squeeze %dma_start3A_76 : memref<1x80xi32, #tpu.memory_space<vmem>> -> memref<80xi32, #tpu.memory_space<vmem>>
      %dma_start3A_78 = arith.constant 0 : i32
      %dma_start3A_79 = arith.constant 0 : i32
      %dma_start3A_80 = tpu.memref_slice %arg3[%dma_start3A_78, %dma_start3A_79] : memref<10000x64xf32, #tpu.memory_space<hbm>> -> memref<10000x64xf32, #tpu.memory_space<hbm>>
      tpu.enqueue_indirect_dma source(%dma_start3A_80 : memref<10000x64xf32, #tpu.memory_space<hbm>>) target(%arg12 : memref<80x64xf32, #tpu.memory_space<vmem>>) offsets(%dma_start3A_77 : memref<80xi32, #tpu.memory_space<vmem>>) semaphore(%arg17 : memref<!tpu.dma_semaphore, #tpu.memory_space<semaphore_mem>>)
      %scan3A = arith.constant 0 : i32
      %scan3A_81 = arith.constant 0 : i32
      %scan3A_82 = arith.constant 125 : i32
      %scan3A_83 = arith.addi %scan3A_81, %scan3A_82 : i32
      %scan3A_84 = arith.constant 1 : i32
      scf.for %scan3A_100 = %scan3A_81 to %scan3A_83 step %scan3A_84  : i32 {
        %mul3A_101 = arith.constant 2 : i32
        %mul3A_102 = arith.muli %mul3A_101, %scan3A_100 : i32
        %add3A = arith.constant 0 : i32
        %add3A_103 = arith.addi %mul3A_102, %add3A : i32
        %dma_wait3A_104 = arith.constant 0 : i32
        %dma_wait3A_105 = tpu.memref_slice %arg8[%add3A_103, %dma_wait3A_104] : memref<250x80xi32, #tpu.memory_space<vmem>> -> memref<1x80xi32, #tpu.memory_space<vmem>>
        %dma_wait3A_106 = tpu.memref_squeeze %dma_wait3A_105 : memref<1x80xi32, #tpu.memory_space<vmem>> -> memref<80xi32, #tpu.memory_space<vmem>>
        %dma_wait3A_107 = arith.constant 0 : i32
        %dma_wait3A_108 = arith.constant 0 : i32
        %dma_wait3A_109 = tpu.memref_slice %arg3[%dma_wait3A_107, %dma_wait3A_108] : memref<10000x64xf32, #tpu.memory_space<hbm>> -> memref<10000x64xf32, #tpu.memory_space<hbm>>
        tpu.wait_indirect_dma semaphore(%arg16 : memref<!tpu.dma_semaphore, #tpu.memory_space<semaphore_mem>>) src(%dma_wait3A_109 : memref<10000x64xf32, #tpu.memory_space<hbm>>) dst(%arg11 : memref<80x64xf32, #tpu.memory_space<vmem>>)
        %ge3A = arith.constant 1 : i32
        %ge3A_110 = arith.cmpi sge, %scan3A_100, %ge3A : i32
        %convert_element_type3A_111 = arith.extui %ge3A_110 : i1 to i32
        %cond3A_112 = arith.constant 0 : i32
        %cond3A_113 = arith.cmpi ne, %convert_element_type3A_111, %cond3A_112 : i32
        scf.if %cond3A_113 {
          %dma_wait3A_162 = arith.constant 0 : i32
          %dma_wait3A_163 = arith.constant 0 : i32
          %dma_wait3A_164 = tpu.memref_slice %arg9[%dma_wait3A_162, %dma_wait3A_163] : memref<250x80xi32, #tpu.memory_space<vmem>> -> memref<1x80xi32, #tpu.memory_space<vmem>>
          %dma_wait3A_165 = tpu.memref_squeeze %dma_wait3A_164 : memref<1x80xi32, #tpu.memory_space<vmem>> -> memref<80xi32, #tpu.memory_space<vmem>>
          %dma_wait3A_166 = arith.constant 0 : i32
          %dma_wait3A_167 = arith.constant 0 : i32
          %dma_wait3A_168 = tpu.memref_slice %arg15[%dma_wait3A_166, %dma_wait3A_167] : memref<10240x64xf32, #tpu.memory_space<vmem_shared>> -> memref<10240x64xf32, #tpu.memory_space<vmem_shared>>
          tpu.wait_indirect_dma semaphore(%arg18 : memref<!tpu.dma_semaphore, #tpu.memory_space<semaphore_mem>>) src(%arg13 : memref<80x64xf32, #tpu.memory_space<vmem>>) dst(%dma_wait3A_168 : memref<10240x64xf32, #tpu.memory_space<vmem_shared>>)
        } else {
        }
        %scan3A_114 = arith.constant 0 : i32
        %scan3A_115 = arith.constant 0 : i32
        %scan3A_116 = arith.constant 5 : i32
        %scan3A_117 = arith.addi %scan3A_115, %scan3A_116 : i32
        %scan3A_118 = arith.constant 1 : i32
        scf.for %scan3A_162 = %scan3A_115 to %scan3A_117 step %scan3A_118  : i32 {
          %mul3A_163 = arith.constant 16 : i32
          %mul3A_164 = arith.muli %scan3A_162, %mul3A_163 : i32
          %get3A = arith.index_cast %add3A_103 : i32 to index
          %get3A_165 = arith.index_cast %mul3A_164 : i32 to index
          %get3A_166 = tpu.vector_load %arg10[%get3A, %get3A_165] {strides = array<i32>} : memref<250x80xf32, #tpu.memory_space<vmem>>, vector<1x16xf32>,
          %get3A_167 = vector.shape_cast %get3A_166 : vector<1x16xf32> to vector<16xf32>
          %mul3A_168 = arith.constant 16 : i32
          %mul3A_169 = arith.muli %scan3A_162, %mul3A_168 : i32
          %add3A_170 = arith.constant 0 : i32
          %add3A_171 = arith.addi %mul3A_169, %add3A_170 : i32
          %slice3A = vector.extract_strided_slice %get3A_167 {offsets = [0], sizes = [1], strides = [1]} : vector<16xf32> to vector<1xf32>
          %squeeze3A = vector.extract %slice3A[0] : f32 from vector<1xf32>
          %get3A_172 = arith.index_cast %add3A_171 : i32 to index
          %get3A_173 = arith.constant 0 : index
          %get3A_174 = tpu.vector_load %arg11[%get3A_172, %get3A_173] {strides = array<i32>} : memref<80x64xf32, #tpu.memory_space<vmem>>, vector<1x16xf32>,
          %get3A_175 = vector.shape_cast %get3A_174 : vector<1x16xf32> to vector<16xf32>
          %mul3A_176 = vector.broadcast %squeeze3A : f32 to vector<16xf32>
          %mul3A_177 = arith.mulf %get3A_175, %mul3A_176 : vector<16xf32>
          %swap3A = arith.index_cast %add3A_171 : i32 to index
          %swap3A_178 = arith.constant 0 : index
          %swap3A_179 = tpu.vector_load %arg13[%swap3A, %swap3A_178] {strides = array<i32>} : memref<80x64xf32, #tpu.memory_space<vmem>>, vector<1x16xf32>,
          %swap3A_180 = vector.shape_cast %swap3A_179 : vector<1x16xf32> to vector<16xf32>
          %swap3A_181 = vector.shape_cast %mul3A_177 : vector<16xf32> to vector<1x16xf32>
          tpu.vector_store %arg13[%swap3A, %swap3A_178], %swap3A_181 {strides = array<i32>} : memref<80x64xf32, #tpu.memory_space<vmem>>, vector<1x16xf32>,
          %get3A_182 = arith.index_cast %add3A_171 : i32 to index
          %get3A_183 = arith.constant 16 : index
          %get3A_184 = tpu.vector_load %arg11[%get3A_182, %get3A_183] {strides = array<i32>} : memref<80x64xf32, #tpu.memory_space<vmem>>, vector<1x16xf32>,
          %get3A_185 = vector.shape_cast %get3A_184 : vector<1x16xf32> to vector<16xf32>
          %mul3A_186 = vector.broadcast %squeeze3A : f32 to vector<16xf32>
          %mul3A_187 = arith.mulf %get3A_185, %mul3A_186 : vector<16xf32>
          %swap3A_188 = arith.index_cast %add3A_171 : i32 to index
          %swap3A_189 = arith.constant 16 : index
          %swap3A_190 = tpu.vector_load %arg13[%swap3A_188, %swap3A_189] {strides = array<i32>} : memref<80x64xf32, #tpu.memory_space<vmem>>, vector<1x16xf32>,
          %swap3A_191 = vector.shape_cast %swap3A_190 : vector<1x16xf32> to vector<16xf32>
          %swap3A_192 = vector.shape_cast %mul3A_187 : vector<16xf32> to vector<1x16xf32>
          tpu.vector_store %arg13[%swap3A_188, %swap3A_189], %swap3A_192 {strides = array<i32>} : memref<80x64xf32, #tpu.memory_space<vmem>>, vector<1x16xf32>,
          %get3A_193 = arith.index_cast %add3A_171 : i32 to index
          %get3A_194 = arith.constant 32 : index
          %get3A_195 = tpu.vector_load %arg11[%get3A_193, %get3A_194] {strides = array<i32>} : memref<80x64xf32, #tpu.memory_space<vmem>>, vector<1x16xf32>,
          %get3A_196 = vector.shape_cast %get3A_195 : vector<1x16xf32> to vector<16xf32>
          %mul3A_197 = vector.broadcast %squeeze3A : f32 to vector<16xf32>
          %mul3A_198 = arith.mulf %get3A_196, %mul3A_197 : vector<16xf32>
          %swap3A_199 = arith.index_cast %add3A_171 : i32 to index
          %swap3A_200 = arith.constant 32 : index
          %swap3A_201 = tpu.vector_load %arg13[%swap3A_199, %swap3A_200] {strides = array<i32>} : memref<80x64xf32, #tpu.memory_space<vmem>>, vector<1x16xf32>,
          %swap3A_202 = vector.shape_cast %swap3A_201 : vector<1x16xf32> to vector<16xf32>
          %swap3A_203 = vector.shape_cast %mul3A_198 : vector<16xf32> to vector<1x16xf32>
          tpu.vector_store %arg13[%swap3A_199, %swap3A_200], %swap3A_203 {strides = array<i32>} : memref<80x64xf32, #tpu.memory_space<vmem>>, vector<1x16xf32>,
          %get3A_204 = arith.index_cast %add3A_171 : i32 to index
          %get3A_205 = arith.constant 48 : index
          %get3A_206 = tpu.vector_load %arg11[%get3A_204, %get3A_205] {strides = array<i32>} : memref<80x64xf32, #tpu.memory_space<vmem>>, vector<1x16xf32>,
          %get3A_207 = vector.shape_cast %get3A_206 : vector<1x16xf32> to vector<16xf32>
          %mul3A_208 = vector.broadcast %squeeze3A : f32 to vector<16xf32>
          %mul3A_209 = arith.mulf %get3A_207, %mul3A_208 : vector<16xf32>
          %swap3A_210 = arith.index_cast %add3A_171 : i32 to index
          %swap3A_211 = arith.constant 48 : index
          %swap3A_212 = tpu.vector_load %arg13[%swap3A_210, %swap3A_211] {strides = array<i32>} : memref<80x64xf32, #tpu.memory_space<vmem>>, vector<1x16xf32>,
          %swap3A_213 = vector.shape_cast %swap3A_212 : vector<1x16xf32> to vector<16xf32>
          %swap3A_214 = vector.shape_cast %mul3A_209 : vector<16xf32> to vector<1x16xf32>
          tpu.vector_store %arg13[%swap3A_210, %swap3A_211], %swap3A_214 {strides = array<i32>} : memref<80x64xf32, #tpu.memory_space<vmem>>, vector<1x16xf32>,
          %mul3A_215 = arith.constant 16 : i32
          %mul3A_216 = arith.muli %scan3A_162, %mul3A_215 : i32
          %add3A_217 = arith.constant 1 : i32
          %add3A_218 = arith.addi %mul3A_216, %add3A_217 : i32
          %slice3A_219 = vector.extract_strided_slice %get3A_167 {offsets = [1], sizes = [1], strides = [1]} : vector<16xf32> to vector<1xf32>
          %squeeze3A_220 = vector.extract %slice3A_219[0] : f32 from vector<1xf32>
          %get3A_221 = arith.index_cast %add3A_218 : i32 to index
          %get3A_222 = arith.constant 0 : index
          %get3A_223 = tpu.vector_load %arg11[%get3A_221, %get3A_222] {strides = array<i32>} : memref<80x64xf32, #tpu.memory_space<vmem>>, vector<1x16xf32>,
          %get3A_224 = vector.shape_cast %get3A_223 : vector<1x16xf32> to vector<16xf32>
          %mul3A_225 = vector.broadcast %squeeze3A_220 : f32 to vector<16xf32>
          %mul3A_226 = arith.mulf %get3A_224, %mul3A_225 : vector<16xf32>
          %swap3A_227 = arith.index_cast %add3A_218 : i32 to index
          %swap3A_228 = arith.constant 0 : index
          %swap3A_229 = tpu.vector_load %arg13[%swap3A_227, %swap3A_228] {strides = array<i32>} : memref<80x64xf32, #tpu.memory_space<vmem>>, vector<1x16xf32>,
          %swap3A_230 = vector.shape_cast %swap3A_229 : vector<1x16xf32> to vector<16xf32>
          %swap3A_231 = vector.shape_cast %mul3A_226 : vector<16xf32> to vector<1x16xf32>
          tpu.vector_store %arg13[%swap3A_227, %swap3A_228], %swap3A_231 {strides = array<i32>} : memref<80x64xf32, #tpu.memory_space<vmem>>, vector<1x16xf32>,
          %get3A_232 = arith.index_cast %add3A_218 : i32 to index
          %get3A_233 = arith.constant 16 : index
          %get3A_234 = tpu.vector_load %arg11[%get3A_232, %get3A_233] {strides = array<i32>} : memref<80x64xf32, #tpu.memory_space<vmem>>, vector<1x16xf32>,
          %get3A_235 = vector.shape_cast %get3A_234 : vector<1x16xf32> to vector<16xf32>
          %mul3A_236 = vector.broadcast %squeeze3A_220 : f32 to vector<16xf32>
          %mul3A_237 = arith.mulf %get3A_235, %mul3A_236 : vector<16xf32>
          %swap3A_238 = arith.index_cast %add3A_218 : i32 to index
          %swap3A_239 = arith.constant 16 : index
          %swap3A_240 = tpu.vector_load %arg13[%swap3A_238, %swap3A_239] {strides = array<i32>} : memref<80x64xf32, #tpu.memory_space<vmem>>, vector<1x16xf32>,
          %swap3A_241 = vector.shape_cast %swap3A_240 : vector<1x16xf32> to vector<16xf32>
          %swap3A_242 = vector.shape_cast %mul3A_237 : vector<16xf32> to vector<1x16xf32>
          tpu.vector_store %arg13[%swap3A_238, %swap3A_239], %swap3A_242 {strides = array<i32>} : memref<80x64xf32, #tpu.memory_space<vmem>>, vector<1x16xf32>,
          %get3A_243 = arith.index_cast %add3A_218 : i32 to index
          %get3A_244 = arith.constant 32 : index
          %get3A_245 = tpu.vector_load %arg11[%get3A_243, %get3A_244] {strides = array<i32>} : memref<80x64xf32, #tpu.memory_space<vmem>>, vector<1x16xf32>,
          %get3A_246 = vector.shape_cast %get3A_245 : vector<1x16xf32> to vector<16xf32>
          %mul3A_247 = vector.broadcast %squeeze3A_220 : f32 to vector<16xf32>
          %mul3A_248 = arith.mulf %get3A_246, %mul3A_247 : vector<16xf32>
          %swap3A_249 = arith.index_cast %add3A_218 : i32 to index
          %swap3A_250 = arith.constant 32 : index
          %swap3A_251 = tpu.vector_load %arg13[%swap3A_249, %swap3A_250] {strides = array<i32>} : memref<80x64xf32, #tpu.memory_space<vmem>>, vector<1x16xf32>,
          %swap3A_252 = vector.shape_cast %swap3A_251 : vector<1x16xf32> to vector<16xf32>
          %swap3A_253 = vector.shape_cast %mul3A_248 : vector<16xf32> to vector<1x16xf32>
          tpu.vector_store %arg13[%swap3A_249, %swap3A_250], %swap3A_253 {strides = array<i32>} : memref<80x64xf32, #tpu.memory_space<vmem>>, vector<1x16xf32>,
          %get3A_254 = arith.index_cast %add3A_218 : i32 to index
          %get3A_255 = arith.constant 48 : index
          %get3A_256 = tpu.vector_load %arg11[%get3A_254, %get3A_255] {strides = array<i32>} : memref<80x64xf32, #tpu.memory_space<vmem>>, vector<1x16xf32>,
          %get3A_257 = vector.shape_cast %get3A_256 : vector<1x16xf32> to vector<16xf32>
          %mul3A_258 = vector.broadcast %squeeze3A_220 : f32 to vector<16xf32>
          %mul3A_259 = arith.mulf %get3A_257, %mul3A_258 : vector<16xf32>
          %swap3A_260 = arith.index_cast %add3A_218 : i32 to index
          %swap3A_261 = arith.constant 48 : index
          %swap3A_262 = tpu.vector_load %arg13[%swap3A_260, %swap3A_261] {strides = array<i32>} : memref<80x64xf32, #tpu.memory_space<vmem>>, vector<1x16xf32>,
          %swap3A_263 = vector.shape_cast %swap3A_262 : vector<1x16xf32> to vector<16xf32>
          %swap3A_264 = vector.shape_cast %mul3A_259 : vector<16xf32> to vector<1x16xf32>
          tpu.vector_store %arg13[%swap3A_260, %swap3A_261], %swap3A_264 {strides = array<i32>} : memref<80x64xf32, #tpu.memory_space<vmem>>, vector<1x16xf32>,
          %mul3A_265 = arith.constant 16 : i32
          %mul3A_266 = arith.muli %scan3A_162, %mul3A_265 : i32
          %add3A_267 = arith.constant 2 : i32
          %add3A_268 = arith.addi %mul3A_266, %add3A_267 : i32
          %slice3A_269 = vector.extract_strided_slice %get3A_167 {offsets = [2], sizes = [1], strides = [1]} : vector<16xf32> to vector<1xf32>
          %squeeze3A_270 = vector.extract %slice3A_269[0] : f32 from vector<1xf32>
          %get3A_271 = arith.index_cast %add3A_268 : i32 to index
          %get3A_272 = arith.constant 0 : index
          %get3A_273 = tpu.vector_load %arg11[%get3A_271, %get3A_272] {strides = array<i32>} : memref<80x64xf32, #tpu.memory_space<vmem>>, vector<1x16xf32>,
          %get3A_274 = vector.shape_cast %get3A_273 : vector<1x16xf32> to vector<16xf32>
          %mul3A_275 = vector.broadcast %squeeze3A_270 : f32 to vector<16xf32>
          %mul3A_276 = arith.mulf %get3A_274, %mul3A_275 : vector<16xf32>
          %swap3A_277 = arith.index_cast %add3A_268 : i32 to index
          %swap3A_278 = arith.constant 0 : index
          %swap3A_279 = tpu.vector_load %arg13[%swap3A_277, %swap3A_278] {strides = array<i32>} : memref<80x64xf32, #tpu.memory_space<vmem>>, vector<1x16xf32>,
          %swap3A_280 = vector.shape_cast %swap3A_279 : vector<1x16xf32> to vector<16xf32>
          %swap3A_281 = vector.shape_cast %mul3A_276 : vector<16xf32> to vector<1x16xf32>
          tpu.vector_store %arg13[%swap3A_277, %swap3A_278], %swap3A_281 {strides = array<i32>} : memref<80x64xf32, #tpu.memory_space<vmem>>, vector<1x16xf32>,
          %get3A_282 = arith.index_cast %add3A_268 : i32 to index
          %get3A_283 = arith.constant 16 : index
          %get3A_284 = tpu.vector_load %arg11[%get3A_282, %get3A_283] {strides = array<i32>} : memref<80x64xf32, #tpu.memory_space<vmem>>, vector<1x16xf32>,
          %get3A_285 = vector.shape_cast %get3A_284 : vector<1x16xf32> to vector<16xf32>
          %mul3A_286 = vector.broadcast %squeeze3A_270 : f32 to vector<16xf32>
          %mul3A_287 = arith.mulf %get3A_285, %mul3A_286 : vector<16xf32>
          %swap3A_288 = arith.index_cast %add3A_268 : i32 to index
          %swap3A_289 = arith.constant 16 : index
          %swap3A_290 = tpu.vector_load %arg13[%swap3A_288, %swap3A_289] {strides = array<i32>} : memref<80x64xf32, #tpu.memory_space<vmem>>, vector<1x16xf32>,
          %swap3A_291 = vector.shape_cast %swap3A_290 : vector<1x16xf32> to vector<16xf32>
          %swap3A_292 = vector.shape_cast %mul3A_287 : vector<16xf32> to vector<1x16xf32>
          tpu.vector_store %arg13[%swap3A_288, %swap3A_289], %swap3A_292 {strides = array<i32>} : memref<80x64xf32, #tpu.memory_space<vmem>>, vector<1x16xf32>,
          %get3A_293 = arith.index_cast %add3A_268 : i32 to index
          %get3A_294 = arith.constant 32 : index
          %get3A_295 = tpu.vector_load %arg11[%get3A_293, %get3A_294] {strides = array<i32>} : memref<80x64xf32, #tpu.memory_space<vmem>>, vector<1x16xf32>,
          %get3A_296 = vector.shape_cast %get3A_295 : vector<1x16xf32> to vector<16xf32>
          %mul3A_297 = vector.broadcast %squeeze3A_270 : f32 to vector<16xf32>
          %mul3A_298 = arith.mulf %get3A_296, %mul3A_297 : vector<16xf32>
          %swap3A_299 = arith.index_cast %add3A_268 : i32 to index
          %swap3A_300 = arith.constant 32 : index
          %swap3A_301 = tpu.vector_load %arg13[%swap3A_299, %swap3A_300] {strides = array<i32>} : memref<80x64xf32, #tpu.memory_space<vmem>>, vector<1x16xf32>,
          %swap3A_302 = vector.shape_cast %swap3A_301 : vector<1x16xf32> to vector<16xf32>
          %swap3A_303 = vector.shape_cast %mul3A_298 : vector<16xf32> to vector<1x16xf32>
          tpu.vector_store %arg13[%swap3A_299, %swap3A_300], %swap3A_303 {strides = array<i32>} : memref<80x64xf32, #tpu.memory_space<vmem>>, vector<1x16xf32>,
          %get3A_304 = arith.index_cast %add3A_268 : i32 to index
          %get3A_305 = arith.constant 48 : index
          %get3A_306 = tpu.vector_load %arg11[%get3A_304, %get3A_305] {strides = array<i32>} : memref<80x64xf32, #tpu.memory_space<vmem>>, vector<1x16xf32>,
          %get3A_307 = vector.shape_cast %get3A_306 : vector<1x16xf32> to vector<16xf32>
          %mul3A_308 = vector.broadcast %squeeze3A_270 : f32 to vector<16xf32>
          %mul3A_309 = arith.mulf %get3A_307, %mul3A_308 : vector<16xf32>
          %swap3A_310 = arith.index_cast %add3A_268 : i32 to index
          %swap3A_311 = arith.constant 48 : index
          %swap3A_312 = tpu.vector_load %arg13[%swap3A_310, %swap3A_311] {strides = array<i32>} : memref<80x64xf32, #tpu.memory_space<vmem>>, vector<1x16xf32>,
          %swap3A_313 = vector.shape_cast %swap3A_312 : vector<1x16xf32> to vector<16xf32>
          %swap3A_314 = vector.shape_cast %mul3A_309 : vector<16xf32> to vector<1x16xf32>
          tpu.vector_store %arg13[%swap3A_310, %swap3A_311], %swap3A_314 {strides = array<i32>} : memref<80x64xf32, #tpu.memory_space<vmem>>, vector<1x16xf32>,
          %mul3A_315 = arith.constant 16 : i32
          %mul3A_316 = arith.muli %scan3A_162, %mul3A_315 : i32
          %add3A_317 = arith.constant 3 : i32
          %add3A_318 = arith.addi %mul3A_316, %add3A_317 : i32
          %slice3A_319 = vector.extract_strided_slice %get3A_167 {offsets = [3], sizes = [1], strides = [1]} : vector<16xf32> to vector<1xf32>
          %squeeze3A_320 = vector.extract %slice3A_319[0] : f32 from vector<1xf32>
          %get3A_321 = arith.index_cast %add3A_318 : i32 to index
          %get3A_322 = arith.constant 0 : index
          %get3A_323 = tpu.vector_load %arg11[%get3A_321, %get3A_322] {strides = array<i32>} : memref<80x64xf32, #tpu.memory_space<vmem>>, vector<1x16xf32>,
          %get3A_324 = vector.shape_cast %get3A_323 : vector<1x16xf32> to vector<16xf32>
          %mul3A_325 = vector.broadcast %squeeze3A_320 : f32 to vector<16xf32>
          %mul3A_326 = arith.mulf %get3A_324, %mul3A_325 : vector<16xf32>
          %swap3A_327 = arith.index_cast %add3A_318 : i32 to index
          %swap3A_328 = arith.constant 0 : index
          %swap3A_329 = tpu.vector_load %arg13[%swap3A_327, %swap3A_328] {strides = array<i32>} : memref<80x64xf32, #tpu.memory_space<vmem>>, vector<1x16xf32>,
          %swap3A_330 = vector.shape_cast %swap3A_329 : vector<1x16xf32> to vector<16xf32>
          %swap3A_331 = vector.shape_cast %mul3A_326 : vector<16xf32> to vector<1x16xf32>
          tpu.vector_store %arg13[%swap3A_327, %swap3A_328], %swap3A_331 {strides = array<i32>} : memref<80x64xf32, #tpu.memory_space<vmem>>, vector<1x16xf32>,
          %get3A_332 = arith.index_cast %add3A_318 : i32 to index
          %get3A_333 = arith.constant 16 : index
          %get3A_334 = tpu.vector_load %arg11[%get3A_332, %get3A_333] {strides = array<i32>} : memref<80x64xf32, #tpu.memory_space<vmem>>, vector<1x16xf32>,
          %get3A_335 = vector.shape_cast %get3A_334 : vector<1x16xf32> to vector<16xf32>
          %mul3A_336 = vector.broadcast %squeeze3A_320 : f32 to vector<16xf32>
          %mul3A_337 = arith.mulf %get3A_335, %mul3A_336 : vector<16xf32>
          %swap3A_338 = arith.index_cast %add3A_318 : i32 to index
          %swap3A_339 = arith.constant 16 : index
          %swap3A_340 = tpu.vector_load %arg13[%swap3A_338, %swap3A_339] {strides = array<i32>} : memref<80x64xf32, #tpu.memory_space<vmem>>, vector<1x16xf32>,
          %swap3A_341 = vector.shape_cast %swap3A_340 : vector<1x16xf32> to vector<16xf32>
          %swap3A_342 = vector.shape_cast %mul3A_337 : vector<16xf32> to vector<1x16xf32>
          tpu.vector_store %arg13[%swap3A_338, %swap3A_339], %swap3A_342 {strides = array<i32>} : memref<80x64xf32, #tpu.memory_space<vmem>>, vector<1x16xf32>,
          %get3A_343 = arith.index_cast %add3A_318 : i32 to index
          %get3A_344 = arith.constant 32 : index
          %get3A_345 = tpu.vector_load %arg11[%get3A_343, %get3A_344] {strides = array<i32>} : memref<80x64xf32, #tpu.memory_space<vmem>>, vector<1x16xf32>,
          %get3A_346 = vector.shape_cast %get3A_345 : vector<1x16xf32> to vector<16xf32>
          %mul3A_347 = vector.broadcast %squeeze3A_320 : f32 to vector<16xf32>
          %mul3A_348 = arith.mulf %get3A_346, %mul3A_347 : vector<16xf32>
          %swap3A_349 = arith.index_cast %add3A_318 : i32 to index
          %swap3A_350 = arith.constant 32 : index
          %swap3A_351 = tpu.vector_load %arg13[%swap3A_349, %swap3A_350] {strides = array<i32>} : memref<80x64xf32, #tpu.memory_space<vmem>>, vector<1x16xf32>,
          %swap3A_352 = vector.shape_cast %swap3A_351 : vector<1x16xf32> to vector<16xf32>
          %swap3A_353 = vector.shape_cast %mul3A_348 : vector<16xf32> to vector<1x16xf32>
          tpu.vector_store %arg13[%swap3A_349, %swap3A_350], %swap3A_353 {strides = array<i32>} : memref<80x64xf32, #tpu.memory_space<vmem>>, vector<1x16xf32>,
          %get3A_354 = arith.index_cast %add3A_318 : i32 to index
          %get3A_355 = arith.constant 48 : index
          %get3A_356 = tpu.vector_load %arg11[%get3A_354, %get3A_355] {strides = array<i32>} : memref<80x64xf32, #tpu.memory_space<vmem>>, vector<1x16xf32>,
          %get3A_357 = vector.shape_cast %get3A_356 : vector<1x16xf32> to vector<16xf32>
          %mul3A_358 = vector.broadcast %squeeze3A_320 : f32 to vector<16xf32>
          %mul3A_359 = arith.mulf %get3A_357, %mul3A_358 : vector<16xf32>
          %swap3A_360 = arith.index_cast %add3A_318 : i32 to index
          %swap3A_361 = arith.constant 48 : index
          %swap3A_362 = tpu.vector_load %arg13[%swap3A_360, %swap3A_361] {strides = array<i32>} : memref<80x64xf32, #tpu.memory_space<vmem>>, vector<1x16xf32>,
          %swap3A_363 = vector.shape_cast %swap3A_362 : vector<1x16xf32> to vector<16xf32>
          %swap3A_364 = vector.shape_cast %mul3A_359 : vector<16xf32> to vector<1x16xf32>
          tpu.vector_store %arg13[%swap3A_360, %swap3A_361], %swap3A_364 {strides = array<i32>} : memref<80x64xf32, #tpu.memory_space<vmem>>, vector<1x16xf32>,
          %mul3A_365 = arith.constant 16 : i32
          %mul3A_366 = arith.muli %scan3A_162, %mul3A_365 : i32
          %add3A_367 = arith.constant 4 : i32
          %add3A_368 = arith.addi %mul3A_366, %add3A_367 : i32
          %slice3A_369 = vector.extract_strided_slice %get3A_167 {offsets = [4], sizes = [1], strides = [1]} : vector<16xf32> to vector<1xf32>
          %squeeze3A_370 = vector.extract %slice3A_369[0] : f32 from vector<1xf32>
          %get3A_371 = arith.index_cast %add3A_368 : i32 to index
          %get3A_372 = arith.constant 0 : index
          %get3A_373 = tpu.vector_load %arg11[%get3A_371, %get3A_372] {strides = array<i32>} : memref<80x64xf32, #tpu.memory_space<vmem>>, vector<1x16xf32>,
          %get3A_374 = vector.shape_cast %get3A_373 : vector<1x16xf32> to vector<16xf32>
          %mul3A_375 = vector.broadcast %squeeze3A_370 : f32 to vector<16xf32>
          %mul3A_376 = arith.mulf %get3A_374, %mul3A_375 : vector<16xf32>
          %swap3A_377 = arith.index_cast %add3A_368 : i32 to index
          %swap3A_378 = arith.constant 0 : index
          %swap3A_379 = tpu.vector_load %arg13[%swap3A_377, %swap3A_378] {strides = array<i32>} : memref<80x64xf32, #tpu.memory_space<vmem>>, vector<1x16xf32>,
          %swap3A_380 = vector.shape_cast %swap3A_379 : vector<1x16xf32> to vector<16xf32>
          %swap3A_381 = vector.shape_cast %mul3A_376 : vector<16xf32> to vector<1x16xf32>
          tpu.vector_store %arg13[%swap3A_377, %swap3A_378], %swap3A_381 {strides = array<i32>} : memref<80x64xf32, #tpu.memory_space<vmem>>, vector<1x16xf32>,
          %get3A_382 = arith.index_cast %add3A_368 : i32 to index
          %get3A_383 = arith.constant 16 : index
          %get3A_384 = tpu.vector_load %arg11[%get3A_382, %get3A_383] {strides = array<i32>} : memref<80x64xf32, #tpu.memory_space<vmem>>, vector<1x16xf32>,
          %get3A_385 = vector.shape_cast %get3A_384 : vector<1x16xf32> to vector<16xf32>
          %mul3A_386 = vector.broadcast %squeeze3A_370 : f32 to vector<16xf32>
          %mul3A_387 = arith.mulf %get3A_385, %mul3A_386 : vector<16xf32>
          %swap3A_388 = arith.index_cast %add3A_368 : i32 to index
          %swap3A_389 = arith.constant 16 : index
          %swap3A_390 = tpu.vector_load %arg13[%swap3A_388, %swap3A_389] {strides = array<i32>} : memref<80x64xf32, #tpu.memory_space<vmem>>, vector<1x16xf32>,
          %swap3A_391 = vector.shape_cast %swap3A_390 : vector<1x16xf32> to vector<16xf32>
          %swap3A_392 = vector.shape_cast %mul3A_387 : vector<16xf32> to vector<1x16xf32>
          tpu.vector_store %arg13[%swap3A_388, %swap3A_389], %swap3A_392 {strides = array<i32>} : memref<80x64xf32, #tpu.memory_space<vmem>>, vector<1x16xf32>,
          %get3A_393 = arith.index_cast %add3A_368 : i32 to index
          %get3A_394 = arith.constant 32 : index
          %get3A_395 = tpu.vector_load %arg11[%get3A_393, %get3A_394] {strides = array<i32>} : memref<80x64xf32, #tpu.memory_space<vmem>>, vector<1x16xf32>,
          %get3A_396 = vector.shape_cast %get3A_395 : vector<1x16xf32> to vector<16xf32>
          %mul3A_397 = vector.broadcast %squeeze3A_370 : f32 to vector<16xf32>
          %mul3A_398 = arith.mulf %get3A_396, %mul3A_397 : vector<16xf32>
          %swap3A_399 = arith.index_cast %add3A_368 : i32 to index
          %swap3A_400 = arith.constant 32 : index
          %swap3A_401 = tpu.vector_load %arg13[%swap3A_399, %swap3A_400] {strides = array<i32>} : memref<80x64xf32, #tpu.memory_space<vmem>>, vector<1x16xf32>,
          %swap3A_402 = vector.shape_cast %swap3A_401 : vector<1x16xf32> to vector<16xf32>
          %swap3A_403 = vector.shape_cast %mul3A_398 : vector<16xf32> to vector<1x16xf32>
          tpu.vector_store %arg13[%swap3A_399, %swap3A_400], %swap3A_403 {strides = array<i32>} : memref<80x64xf32, #tpu.memory_space<vmem>>, vector<1x16xf32>,
          %get3A_404 = arith.index_cast %add3A_368 : i32 to index
          %get3A_405 = arith.constant 48 : index
          %get3A_406 = tpu.vector_load %arg11[%get3A_404, %get3A_405] {strides = array<i32>} : memref<80x64xf32, #tpu.memory_space<vmem>>, vector<1x16xf32>,
          %get3A_407 = vector.shape_cast %get3A_406 : vector<1x16xf32> to vector<16xf32>
          %mul3A_408 = vector.broadcast %squeeze3A_370 : f32 to vector<16xf32>
          %mul3A_409 = arith.mulf %get3A_407, %mul3A_408 : vector<16xf32>
          %swap3A_410 = arith.index_cast %add3A_368 : i32 to index
          %swap3A_411 = arith.constant 48 : index
          %swap3A_412 = tpu.vector_load %arg13[%swap3A_410, %swap3A_411] {strides = array<i32>} : memref<80x64xf32, #tpu.memory_space<vmem>>, vector<1x16xf32>,
          %swap3A_413 = vector.shape_cast %swap3A_412 : vector<1x16xf32> to vector<16xf32>
          %swap3A_414 = vector.shape_cast %mul3A_409 : vector<16xf32> to vector<1x16xf32>
          tpu.vector_store %arg13[%swap3A_410, %swap3A_411], %swap3A_414 {strides = array<i32>} : memref<80x64xf32, #tpu.memory_space<vmem>>, vector<1x16xf32>,
          %mul3A_415 = arith.constant 16 : i32
          %mul3A_416 = arith.muli %scan3A_162, %mul3A_415 : i32
          %add3A_417 = arith.constant 5 : i32
          %add3A_418 = arith.addi %mul3A_416, %add3A_417 : i32
          %slice3A_419 = vector.extract_strided_slice %get3A_167 {offsets = [5], sizes = [1], strides = [1]} : vector<16xf32> to vector<1xf32>
          %squeeze3A_420 = vector.extract %slice3A_419[0] : f32 from vector<1xf32>
          %get3A_421 = arith.index_cast %add3A_418 : i32 to index
          %get3A_422 = arith.constant 0 : index
          %get3A_423 = tpu.vector_load %arg11[%get3A_421, %get3A_422] {strides = array<i32>} : memref<80x64xf32, #tpu.memory_space<vmem>>, vector<1x16xf32>,
          %get3A_424 = vector.shape_cast %get3A_423 : vector<1x16xf32> to vector<16xf32>
          %mul3A_425 = vector.broadcast %squeeze3A_420 : f32 to vector<16xf32>
          %mul3A_426 = arith.mulf %get3A_424, %mul3A_425 : vector<16xf32>
          %swap3A_427 = arith.index_cast %add3A_418 : i32 to index
          %swap3A_428 = arith.constant 0 : index
          %swap3A_429 = tpu.vector_load %arg13[%swap3A_427, %swap3A_428] {strides = array<i32>} : memref<80x64xf32, #tpu.memory_space<vmem>>, vector<1x16xf32>,
          %swap3A_430 = vector.shape_cast %swap3A_429 : vector<1x16xf32> to vector<16xf32>
          %swap3A_431 = vector.shape_cast %mul3A_426 : vector<16xf32> to vector<1x16xf32>
          tpu.vector_store %arg13[%swap3A_427, %swap3A_428], %swap3A_431 {strides = array<i32>} : memref<80x64xf32, #tpu.memory_space<vmem>>, vector<1x16xf32>,
          %get3A_432 = arith.index_cast %add3A_418 : i32 to index
          %get3A_433 = arith.constant 16 : index
          %get3A_434 = tpu.vector_load %arg11[%get3A_432, %get3A_433] {strides = array<i32>} : memref<80x64xf32, #tpu.memory_space<vmem>>, vector<1x16xf32>,
          %get3A_435 = vector.shape_cast %get3A_434 : vector<1x16xf32> to vector<16xf32>
          %mul3A_436 = vector.broadcast %squeeze3A_420 : f32 to vector<16xf32>
          %mul3A_437 = arith.mulf %get3A_435, %mul3A_436 : vector<16xf32>
          %swap3A_438 = arith.index_cast %add3A_418 : i32 to index
          %swap3A_439 = arith.constant 16 : index
          %swap3A_440 = tpu.vector_load %arg13[%swap3A_438, %swap3A_439] {strides = array<i32>} : memref<80x64xf32, #tpu.memory_space<vmem>>, vector<1x16xf32>,
          %swap3A_441 = vector.shape_cast %swap3A_440 : vector<1x16xf32> to vector<16xf32>
          %swap3A_442 = vector.shape_cast %mul3A_437 : vector<16xf32> to vector<1x16xf32>
          tpu.vector_store %arg13[%swap3A_438, %swap3A_439], %swap3A_442 {strides = array<i32>} : memref<80x64xf32, #tpu.memory_space<vmem>>, vector<1x16xf32>,
          %get3A_443 = arith.index_cast %add3A_418 : i32 to index
          %get3A_444 = arith.constant 32 : index
          %get3A_445 = tpu.vector_load %arg11[%get3A_443, %get3A_444] {strides = array<i32>} : memref<80x64xf32, #tpu.memory_space<vmem>>, vector<1x16xf32>,
          %get3A_446 = vector.shape_cast %get3A_445 : vector<1x16xf32> to vector<16xf32>
          %mul3A_447 = vector.broadcast %squeeze3A_420 : f32 to vector<16xf32>
          %mul3A_448 = arith.mulf %get3A_446, %mul3A_447 : vector<16xf32>
          %swap3A_449 = arith.index_cast %add3A_418 : i32 to index
          %swap3A_450 = arith.constant 32 : index
          %swap3A_451 = tpu.vector_load %arg13[%swap3A_449, %swap3A_450] {strides = array<i32>} : memref<80x64xf32, #tpu.memory_space<vmem>>, vector<1x16xf32>,
          %swap3A_452 = vector.shape_cast %swap3A_451 : vector<1x16xf32> to vector<16xf32>
          %swap3A_453 = vector.shape_cast %mul3A_448 : vector<16xf32> to vector<1x16xf32>
          tpu.vector_store %arg13[%swap3A_449, %swap3A_450], %swap3A_453 {strides = array<i32>} : memref<80x64xf32, #tpu.memory_space<vmem>>, vector<1x16xf32>,
          %get3A_454 = arith.index_cast %add3A_418 : i32 to index
          %get3A_455 = arith.constant 48 : index
          %get3A_456 = tpu.vector_load %arg11[%get3A_454, %get3A_455] {strides = array<i32>} : memref<80x64xf32, #tpu.memory_space<vmem>>, vector<1x16xf32>,
          %get3A_457 = vector.shape_cast %get3A_456 : vector<1x16xf32> to vector<16xf32>
          %mul3A_458 = vector.broadcast %squeeze3A_420 : f32 to vector<16xf32>
          %mul3A_459 = arith.mulf %get3A_457, %mul3A_458 : vector<16xf32>
          %swap3A_460 = arith.index_cast %add3A_418 : i32 to index
          %swap3A_461 = arith.constant 48 : index
          %swap3A_462 = tpu.vector_load %arg13[%swap3A_460, %swap3A_461] {strides = array<i32>} : memref<80x64xf32, #tpu.memory_space<vmem>>, vector<1x16xf32>,
          %swap3A_463 = vector.shape_cast %swap3A_462 : vector<1x16xf32> to vector<16xf32>
          %swap3A_464 = vector.shape_cast %mul3A_459 : vector<16xf32> to vector<1x16xf32>
          tpu.vector_store %arg13[%swap3A_460, %swap3A_461], %swap3A_464 {strides = array<i32>} : memref<80x64xf32, #tpu.memory_space<vmem>>, vector<1x16xf32>,
          %mul3A_465 = arith.constant 16 : i32
          %mul3A_466 = arith.muli %scan3A_162, %mul3A_465 : i32
          %add3A_467 = arith.constant 6 : i32
          %add3A_468 = arith.addi %mul3A_466, %add3A_467 : i32
          %slice3A_469 = vector.extract_strided_slice %get3A_167 {offsets = [6], sizes = [1], strides = [1]} : vector<16xf32> to vector<1xf32>
          %squeeze3A_470 = vector.extract %slice3A_469[0] : f32 from vector<1xf32>
          %get3A_471 = arith.index_cast %add3A_468 : i32 to index
          %get3A_472 = arith.constant 0 : index
          %get3A_473 = tpu.vector_load %arg11[%get3A_471, %get3A_472] {strides = array<i32>} : memref<80x64xf32, #tpu.memory_space<vmem>>, vector<1x16xf32>,
          %get3A_474 = vector.shape_cast %get3A_473 : vector<1x16xf32> to vector<16xf32>
          %mul3A_475 = vector.broadcast %squeeze3A_470 : f32 to vector<16xf32>
          %mul3A_476 = arith.mulf %get3A_474, %mul3A_475 : vector<16xf32>
          %swap3A_477 = arith.index_cast %add3A_468 : i32 to index
          %swap3A_478 = arith.constant 0 : index
          %swap3A_479 = tpu.vector_load %arg13[%swap3A_477, %swap3A_478] {strides = array<i32>} : memref<80x64xf32, #tpu.memory_space<vmem>>, vector<1x16xf32>,
          %swap3A_480 = vector.shape_cast %swap3A_479 : vector<1x16xf32> to vector<16xf32>
          %swap3A_481 = vector.shape_cast %mul3A_476 : vector<16xf32> to vector<1x16xf32>
          tpu.vector_store %arg13[%swap3A_477, %swap3A_478], %swap3A_481 {strides = array<i32>} : memref<80x64xf32, #tpu.memory_space<vmem>>, vector<1x16xf32>,
          %get3A_482 = arith.index_cast %add3A_468 : i32 to index
          %get3A_483 = arith.constant 16 : index
          %get3A_484 = tpu.vector_load %arg11[%get3A_482, %get3A_483] {strides = array<i32>} : memref<80x64xf32, #tpu.memory_space<vmem>>, vector<1x16xf32>,
          %get3A_485 = vector.shape_cast %get3A_484 : vector<1x16xf32> to vector<16xf32>
          %mul3A_486 = vector.broadcast %squeeze3A_470 : f32 to vector<16xf32>
          %mul3A_487 = arith.mulf %get3A_485, %mul3A_486 : vector<16xf32>
          %swap3A_488 = arith.index_cast %add3A_468 : i32 to index
          %swap3A_489 = arith.constant 16 : index
          %swap3A_490 = tpu.vector_load %arg13[%swap3A_488, %swap3A_489] {strides = array<i32>} : memref<80x64xf32, #tpu.memory_space<vmem>>, vector<1x16xf32>,
          %swap3A_491 = vector.shape_cast %swap3A_490 : vector<1x16xf32> to vector<16xf32>
          %swap3A_492 = vector.shape_cast %mul3A_487 : vector<16xf32> to vector<1x16xf32>
          tpu.vector_store %arg13[%swap3A_488, %swap3A_489], %swap3A_492 {strides = array<i32>} : memref<80x64xf32, #tpu.memory_space<vmem>>, vector<1x16xf32>,
          %get3A_493 = arith.index_cast %add3A_468 : i32 to index
          %get3A_494 = arith.constant 32 : index
          %get3A_495 = tpu.vector_load %arg11[%get3A_493, %get3A_494] {strides = array<i32>} : memref<80x64xf32, #tpu.memory_space<vmem>>, vector<1x16xf32>,
          %get3A_496 = vector.shape_cast %get3A_495 : vector<1x16xf32> to vector<16xf32>
          %mul3A_497 = vector.broadcast %squeeze3A_470 : f32 to vector<16xf32>
          %mul3A_498 = arith.mulf %get3A_496, %mul3A_497 : vector<16xf32>
          %swap3A_499 = arith.index_cast %add3A_468 : i32 to index
          %swap3A_500 = arith.constant 32 : index
          %swap3A_501 = tpu.vector_load %arg13[%swap3A_499, %swap3A_500] {strides = array<i32>} : memref<80x64xf32, #tpu.memory_space<vmem>>, vector<1x16xf32>,
          %swap3A_502 = vector.shape_cast %swap3A_501 : vector<1x16xf32> to vector<16xf32>
          %swap3A_503 = vector.shape_cast %mul3A_498 : vector<16xf32> to vector<1x16xf32>
          tpu.vector_store %arg13[%swap3A_499, %swap3A_500], %swap3A_503 {strides = array<i32>} : memref<80x64xf32, #tpu.memory_space<vmem>>, vector<1x16xf32>,
          %get3A_504 = arith.index_cast %add3A_468 : i32 to index
          %get3A_505 = arith.constant 48 : index
          %get3A_506 = tpu.vector_load %arg11[%get3A_504, %get3A_505] {strides = array<i32>} : memref<80x64xf32, #tpu.memory_space<vmem>>, vector<1x16xf32>,
          %get3A_507 = vector.shape_cast %get3A_506 : vector<1x16xf32> to vector<16xf32>
          %mul3A_508 = vector.broadcast %squeeze3A_470 : f32 to vector<16xf32>
          %mul3A_509 = arith.mulf %get3A_507, %mul3A_508 : vector<16xf32>
          %swap3A_510 = arith.index_cast %add3A_468 : i32 to index
          %swap3A_511 = arith.constant 48 : index
          %swap3A_512 = tpu.vector_load %arg13[%swap3A_510, %swap3A_511] {strides = array<i32>} : memref<80x64xf32, #tpu.memory_space<vmem>>, vector<1x16xf32>,
          %swap3A_513 = vector.shape_cast %swap3A_512 : vector<1x16xf32> to vector<16xf32>
          %swap3A_514 = vector.shape_cast %mul3A_509 : vector<16xf32> to vector<1x16xf32>
          tpu.vector_store %arg13[%swap3A_510, %swap3A_511], %swap3A_514 {strides = array<i32>} : memref<80x64xf32, #tpu.memory_space<vmem>>, vector<1x16xf32>,
          %mul3A_515 = arith.constant 16 : i32
          %mul3A_516 = arith.muli %scan3A_162, %mul3A_515 : i32
          %add3A_517 = arith.constant 7 : i32
          %add3A_518 = arith.addi %mul3A_516, %add3A_517 : i32
          %slice3A_519 = vector.extract_strided_slice %get3A_167 {offsets = [7], sizes = [1], strides = [1]} : vector<16xf32> to vector<1xf32>
          %squeeze3A_520 = vector.extract %slice3A_519[0] : f32 from vector<1xf32>
          %get3A_521 = arith.index_cast %add3A_518 : i32 to index
          %get3A_522 = arith.constant 0 : index
          %get3A_523 = tpu.vector_load %arg11[%get3A_521, %get3A_522] {strides = array<i32>} : memref<80x64xf32, #tpu.memory_space<vmem>>, vector<1x16xf32>,
          %get3A_524 = vector.shape_cast %get3A_523 : vector<1x16xf32> to vector<16xf32>
          %mul3A_525 = vector.broadcast %squeeze3A_520 : f32 to vector<16xf32>
          %mul3A_526 = arith.mulf %get3A_524, %mul3A_525 : vector<16xf32>
          %swap3A_527 = arith.index_cast %add3A_518 : i32 to index
          %swap3A_528 = arith.constant 0 : index
          %swap3A_529 = tpu.vector_load %arg13[%swap3A_527, %swap3A_528] {strides = array<i32>} : memref<80x64xf32, #tpu.memory_space<vmem>>, vector<1x16xf32>,
          %swap3A_530 = vector.shape_cast %swap3A_529 : vector<1x16xf32> to vector<16xf32>
          %swap3A_531 = vector.shape_cast %mul3A_526 : vector<16xf32> to vector<1x16xf32>
          tpu.vector_store %arg13[%swap3A_527, %swap3A_528], %swap3A_531 {strides = array<i32>} : memref<80x64xf32, #tpu.memory_space<vmem>>, vector<1x16xf32>,
          %get3A_532 = arith.index_cast %add3A_518 : i32 to index
          %get3A_533 = arith.constant 16 : index
          %get3A_534 = tpu.vector_load %arg11[%get3A_532, %get3A_533] {strides = array<i32>} : memref<80x64xf32, #tpu.memory_space<vmem>>, vector<1x16xf32>,
          %get3A_535 = vector.shape_cast %get3A_534 : vector<1x16xf32> to vector<16xf32>
          %mul3A_536 = vector.broadcast %squeeze3A_520 : f32 to vector<16xf32>
          %mul3A_537 = arith.mulf %get3A_535, %mul3A_536 : vector<16xf32>
          %swap3A_538 = arith.index_cast %add3A_518 : i32 to index
          %swap3A_539 = arith.constant 16 : index
          %swap3A_540 = tpu.vector_load %arg13[%swap3A_538, %swap3A_539] {strides = array<i32>} : memref<80x64xf32, #tpu.memory_space<vmem>>, vector<1x16xf32>,
          %swap3A_541 = vector.shape_cast %swap3A_540 : vector<1x16xf32> to vector<16xf32>
          %swap3A_542 = vector.shape_cast %mul3A_537 : vector<16xf32> to vector<1x16xf32>
          tpu.vector_store %arg13[%swap3A_538, %swap3A_539], %swap3A_542 {strides = array<i32>} : memref<80x64xf32, #tpu.memory_space<vmem>>, vector<1x16xf32>,
          %get3A_543 = arith.index_cast %add3A_518 : i32 to index
          %get3A_544 = arith.constant 32 : index
          %get3A_545 = tpu.vector_load %arg11[%get3A_543, %get3A_544] {strides = array<i32>} : memref<80x64xf32, #tpu.memory_space<vmem>>, vector<1x16xf32>,
          %get3A_546 = vector.shape_cast %get3A_545 : vector<1x16xf32> to vector<16xf32>
          %mul3A_547 = vector.broadcast %squeeze3A_520 : f32 to vector<16xf32>
          %mul3A_548 = arith.mulf %get3A_546, %mul3A_547 : vector<16xf32>
          %swap3A_549 = arith.index_cast %add3A_518 : i32 to index
          %swap3A_550 = arith.constant 32 : index
          %swap3A_551 = tpu.vector_load %arg13[%swap3A_549, %swap3A_550] {strides = array<i32>} : memref<80x64xf32, #tpu.memory_space<vmem>>, vector<1x16xf32>,
          %swap3A_552 = vector.shape_cast %swap3A_551 : vector<1x16xf32> to vector<16xf32>
          %swap3A_553 = vector.shape_cast %mul3A_548 : vector<16xf32> to vector<1x16xf32>
          tpu.vector_store %arg13[%swap3A_549, %swap3A_550], %swap3A_553 {strides = array<i32>} : memref<80x64xf32, #tpu.memory_space<vmem>>, vector<1x16xf32>,
          %get3A_554 = arith.index_cast %add3A_518 : i32 to index
          %get3A_555 = arith.constant 48 : index
          %get3A_556 = tpu.vector_load %arg11[%get3A_554, %get3A_555] {strides = array<i32>} : memref<80x64xf32, #tpu.memory_space<vmem>>, vector<1x16xf32>,
          %get3A_557 = vector.shape_cast %get3A_556 : vector<1x16xf32> to vector<16xf32>
          %mul3A_558 = vector.broadcast %squeeze3A_520 : f32 to vector<16xf32>
          %mul3A_559 = arith.mulf %get3A_557, %mul3A_558 : vector<16xf32>
          %swap3A_560 = arith.index_cast %add3A_518 : i32 to index
          %swap3A_561 = arith.constant 48 : index
          %swap3A_562 = tpu.vector_load %arg13[%swap3A_560, %swap3A_561] {strides = array<i32>} : memref<80x64xf32, #tpu.memory_space<vmem>>, vector<1x16xf32>,
          %swap3A_563 = vector.shape_cast %swap3A_562 : vector<1x16xf32> to vector<16xf32>
          %swap3A_564 = vector.shape_cast %mul3A_559 : vector<16xf32> to vector<1x16xf32>
          tpu.vector_store %arg13[%swap3A_560, %swap3A_561], %swap3A_564 {strides = array<i32>} : memref<80x64xf32, #tpu.memory_space<vmem>>, vector<1x16xf32>,
          %mul3A_565 = arith.constant 16 : i32
          %mul3A_566 = arith.muli %scan3A_162, %mul3A_565 : i32
          %add3A_567 = arith.constant 8 : i32
          %add3A_568 = arith.addi %mul3A_566, %add3A_567 : i32
          %slice3A_569 = vector.extract_strided_slice %get3A_167 {offsets = [8], sizes = [1], strides = [1]} : vector<16xf32> to vector<1xf32>
          %squeeze3A_570 = vector.extract %slice3A_569[0] : f32 from vector<1xf32>
          %get3A_571 = arith.index_cast %add3A_568 : i32 to index
          %get3A_572 = arith.constant 0 : index
          %get3A_573 = tpu.vector_load %arg11[%get3A_571, %get3A_572] {strides = array<i32>} : memref<80x64xf32, #tpu.memory_space<vmem>>, vector<1x16xf32>,
          %get3A_574 = vector.shape_cast %get3A_573 : vector<1x16xf32> to vector<16xf32>
          %mul3A_575 = vector.broadcast %squeeze3A_570 : f32 to vector<16xf32>
          %mul3A_576 = arith.mulf %get3A_574, %mul3A_575 : vector<16xf32>
          %swap3A_577 = arith.index_cast %add3A_568 : i32 to index
          %swap3A_578 = arith.constant 0 : index
          %swap3A_579 = tpu.vector_load %arg13[%swap3A_577, %swap3A_578] {strides = array<i32>} : memref<80x64xf32, #tpu.memory_space<vmem>>, vector<1x16xf32>,
          %swap3A_580 = vector.shape_cast %swap3A_579 : vector<1x16xf32> to vector<16xf32>
          %swap3A_581 = vector.shape_cast %mul3A_576 : vector<16xf32> to vector<1x16xf32>
          tpu.vector_store %arg13[%swap3A_577, %swap3A_578], %swap3A_581 {strides = array<i32>} : memref<80x64xf32, #tpu.memory_space<vmem>>, vector<1x16xf32>,
          %get3A_582 = arith.index_cast %add3A_568 : i32 to index
          %get3A_583 = arith.constant 16 : index
          %get3A_584 = tpu.vector_load %arg11[%get3A_582, %get3A_583] {strides = array<i32>} : memref<80x64xf32, #tpu.memory_space<vmem>>, vector<1x16xf32>,
          %get3A_585 = vector.shape_cast %get3A_584 : vector<1x16xf32> to vector<16xf32>
          %mul3A_586 = vector.broadcast %squeeze3A_570 : f32 to vector<16xf32>
          %mul3A_587 = arith.mulf %get3A_585, %mul3A_586 : vector<16xf32>
          %swap3A_588 = arith.index_cast %add3A_568 : i32 to index
          %swap3A_589 = arith.constant 16 : index
          %swap3A_590 = tpu.vector_load %arg13[%swap3A_588, %swap3A_589] {strides = array<i32>} : memref<80x64xf32, #tpu.memory_space<vmem>>, vector<1x16xf32>,
          %swap3A_591 = vector.shape_cast %swap3A_590 : vector<1x16xf32> to vector<16xf32>
          %swap3A_592 = vector.shape_cast %mul3A_587 : vector<16xf32> to vector<1x16xf32>
          tpu.vector_store %arg13[%swap3A_588, %swap3A_589], %swap3A_592 {strides = array<i32>} : memref<80x64xf32, #tpu.memory_space<vmem>>, vector<1x16xf32>,
          %get3A_593 = arith.index_cast %add3A_568 : i32 to index
          %get3A_594 = arith.constant 32 : index
          %get3A_595 = tpu.vector_load %arg11[%get3A_593, %get3A_594] {strides = array<i32>} : memref<80x64xf32, #tpu.memory_space<vmem>>, vector<1x16xf32>,
          %get3A_596 = vector.shape_cast %get3A_595 : vector<1x16xf32> to vector<16xf32>
          %mul3A_597 = vector.broadcast %squeeze3A_570 : f32 to vector<16xf32>
          %mul3A_598 = arith.mulf %get3A_596, %mul3A_597 : vector<16xf32>
          %swap3A_599 = arith.index_cast %add3A_568 : i32 to index
          %swap3A_600 = arith.constant 32 : index
          %swap3A_601 = tpu.vector_load %arg13[%swap3A_599, %swap3A_600] {strides = array<i32>} : memref<80x64xf32, #tpu.memory_space<vmem>>, vector<1x16xf32>,
          %swap3A_602 = vector.shape_cast %swap3A_601 : vector<1x16xf32> to vector<16xf32>
          %swap3A_603 = vector.shape_cast %mul3A_598 : vector<16xf32> to vector<1x16xf32>
          tpu.vector_store %arg13[%swap3A_599, %swap3A_600], %swap3A_603 {strides = array<i32>} : memref<80x64xf32, #tpu.memory_space<vmem>>, vector<1x16xf32>,
          %get3A_604 = arith.index_cast %add3A_568 : i32 to index
          %get3A_605 = arith.constant 48 : index
          %get3A_606 = tpu.vector_load %arg11[%get3A_604, %get3A_605] {strides = array<i32>} : memref<80x64xf32, #tpu.memory_space<vmem>>, vector<1x16xf32>,
          %get3A_607 = vector.shape_cast %get3A_606 : vector<1x16xf32> to vector<16xf32>
          %mul3A_608 = vector.broadcast %squeeze3A_570 : f32 to vector<16xf32>
          %mul3A_609 = arith.mulf %get3A_607, %mul3A_608 : vector<16xf32>
          %swap3A_610 = arith.index_cast %add3A_568 : i32 to index
          %swap3A_611 = arith.constant 48 : index
          %swap3A_612 = tpu.vector_load %arg13[%swap3A_610, %swap3A_611] {strides = array<i32>} : memref<80x64xf32, #tpu.memory_space<vmem>>, vector<1x16xf32>,
          %swap3A_613 = vector.shape_cast %swap3A_612 : vector<1x16xf32> to vector<16xf32>
          %swap3A_614 = vector.shape_cast %mul3A_609 : vector<16xf32> to vector<1x16xf32>
          tpu.vector_store %arg13[%swap3A_610, %swap3A_611], %swap3A_614 {strides = array<i32>} : memref<80x64xf32, #tpu.memory_space<vmem>>, vector<1x16xf32>,
          %mul3A_615 = arith.constant 16 : i32
          %mul3A_616 = arith.muli %scan3A_162, %mul3A_615 : i32
          %add3A_617 = arith.constant 9 : i32
          %add3A_618 = arith.addi %mul3A_616, %add3A_617 : i32
          %slice3A_619 = vector.extract_strided_slice %get3A_167 {offsets = [9], sizes = [1], strides = [1]} : vector<16xf32> to vector<1xf32>
          %squeeze3A_620 = vector.extract %slice3A_619[0] : f32 from vector<1xf32>
          %get3A_621 = arith.index_cast %add3A_618 : i32 to index
          %get3A_622 = arith.constant 0 : index
          %get3A_623 = tpu.vector_load %arg11[%get3A_621, %get3A_622] {strides = array<i32>} : memref<80x64xf32, #tpu.memory_space<vmem>>, vector<1x16xf32>,
          %get3A_624 = vector.shape_cast %get3A_623 : vector<1x16xf32> to vector<16xf32>
          %mul3A_625 = vector.broadcast %squeeze3A_620 : f32 to vector<16xf32>
          %mul3A_626 = arith.mulf %get3A_624, %mul3A_625 : vector<16xf32>
          %swap3A_627 = arith.index_cast %add3A_618 : i32 to index
          %swap3A_628 = arith.constant 0 : index
          %swap3A_629 = tpu.vector_load %arg13[%swap3A_627, %swap3A_628] {strides = array<i32>} : memref<80x64xf32, #tpu.memory_space<vmem>>, vector<1x16xf32>,
          %swap3A_630 = vector.shape_cast %swap3A_629 : vector<1x16xf32> to vector<16xf32>
          %swap3A_631 = vector.shape_cast %mul3A_626 : vector<16xf32> to vector<1x16xf32>
          tpu.vector_store %arg13[%swap3A_627, %swap3A_628], %swap3A_631 {strides = array<i32>} : memref<80x64xf32, #tpu.memory_space<vmem>>, vector<1x16xf32>,
          %get3A_632 = arith.index_cast %add3A_618 : i32 to index
          %get3A_633 = arith.constant 16 : index
          %get3A_634 = tpu.vector_load %arg11[%get3A_632, %get3A_633] {strides = array<i32>} : memref<80x64xf32, #tpu.memory_space<vmem>>, vector<1x16xf32>,
          %get3A_635 = vector.shape_cast %get3A_634 : vector<1x16xf32> to vector<16xf32>
          %mul3A_636 = vector.broadcast %squeeze3A_620 : f32 to vector<16xf32>
          %mul3A_637 = arith.mulf %get3A_635, %mul3A_636 : vector<16xf32>
          %swap3A_638 = arith.index_cast %add3A_618 : i32 to index
          %swap3A_639 = arith.constant 16 : index
          %swap3A_640 = tpu.vector_load %arg13[%swap3A_638, %swap3A_639] {strides = array<i32>} : memref<80x64xf32, #tpu.memory_space<vmem>>, vector<1x16xf32>,
          %swap3A_641 = vector.shape_cast %swap3A_640 : vector<1x16xf32> to vector<16xf32>
          %swap3A_642 = vector.shape_cast %mul3A_637 : vector<16xf32> to vector<1x16xf32>
          tpu.vector_store %arg13[%swap3A_638, %swap3A_639], %swap3A_642 {strides = array<i32>} : memref<80x64xf32, #tpu.memory_space<vmem>>, vector<1x16xf32>,
          %get3A_643 = arith.index_cast %add3A_618 : i32 to index
          %get3A_644 = arith.constant 32 : index
          %get3A_645 = tpu.vector_load %arg11[%get3A_643, %get3A_644] {strides = array<i32>} : memref<80x64xf32, #tpu.memory_space<vmem>>, vector<1x16xf32>,
          %get3A_646 = vector.shape_cast %get3A_645 : vector<1x16xf32> to vector<16xf32>
          %mul3A_647 = vector.broadcast %squeeze3A_620 : f32 to vector<16xf32>
          %mul3A_648 = arith.mulf %get3A_646, %mul3A_647 : vector<16xf32>
          %swap3A_649 = arith.index_cast %add3A_618 : i32 to index
          %swap3A_650 = arith.constant 32 : index
          %swap3A_651 = tpu.vector_load %arg13[%swap3A_649, %swap3A_650] {strides = array<i32>} : memref<80x64xf32, #tpu.memory_space<vmem>>, vector<1x16xf32>,
          %swap3A_652 = vector.shape_cast %swap3A_651 : vector<1x16xf32> to vector<16xf32>
          %swap3A_653 = vector.shape_cast %mul3A_648 : vector<16xf32> to vector<1x16xf32>
          tpu.vector_store %arg13[%swap3A_649, %swap3A_650], %swap3A_653 {strides = array<i32>} : memref<80x64xf32, #tpu.memory_space<vmem>>, vector<1x16xf32>,
          %get3A_654 = arith.index_cast %add3A_618 : i32 to index
          %get3A_655 = arith.constant 48 : index
          %get3A_656 = tpu.vector_load %arg11[%get3A_654, %get3A_655] {strides = array<i32>} : memref<80x64xf32, #tpu.memory_space<vmem>>, vector<1x16xf32>,
          %get3A_657 = vector.shape_cast %get3A_656 : vector<1x16xf32> to vector<16xf32>
          %mul3A_658 = vector.broadcast %squeeze3A_620 : f32 to vector<16xf32>
          %mul3A_659 = arith.mulf %get3A_657, %mul3A_658 : vector<16xf32>
          %swap3A_660 = arith.index_cast %add3A_618 : i32 to index
          %swap3A_661 = arith.constant 48 : index
          %swap3A_662 = tpu.vector_load %arg13[%swap3A_660, %swap3A_661] {strides = array<i32>} : memref<80x64xf32, #tpu.memory_space<vmem>>, vector<1x16xf32>,
          %swap3A_663 = vector.shape_cast %swap3A_662 : vector<1x16xf32> to vector<16xf32>
          %swap3A_664 = vector.shape_cast %mul3A_659 : vector<16xf32> to vector<1x16xf32>
          tpu.vector_store %arg13[%swap3A_660, %swap3A_661], %swap3A_664 {strides = array<i32>} : memref<80x64xf32, #tpu.memory_space<vmem>>, vector<1x16xf32>,
          %mul3A_665 = arith.constant 16 : i32
          %mul3A_666 = arith.muli %scan3A_162, %mul3A_665 : i32
          %add3A_667 = arith.constant 10 : i32
          %add3A_668 = arith.addi %mul3A_666, %add3A_667 : i32
          %slice3A_669 = vector.extract_strided_slice %get3A_167 {offsets = [10], sizes = [1], strides = [1]} : vector<16xf32> to vector<1xf32>
          %squeeze3A_670 = vector.extract %slice3A_669[0] : f32 from vector<1xf32>
          %get3A_671 = arith.index_cast %add3A_668 : i32 to index
          %get3A_672 = arith.constant 0 : index
          %get3A_673 = tpu.vector_load %arg11[%get3A_671, %get3A_672] {strides = array<i32>} : memref<80x64xf32, #tpu.memory_space<vmem>>, vector<1x16xf32>,
          %get3A_674 = vector.shape_cast %get3A_673 : vector<1x16xf32> to vector<16xf32>
          %mul3A_675 = vector.broadcast %squeeze3A_670 : f32 to vector<16xf32>
          %mul3A_676 = arith.mulf %get3A_674, %mul3A_675 : vector<16xf32>
          %swap3A_677 = arith.index_cast %add3A_668 : i32 to index
          %swap3A_678 = arith.constant 0 : index
          %swap3A_679 = tpu.vector_load %arg13[%swap3A_677, %swap3A_678] {strides = array<i32>} : memref<80x64xf32, #tpu.memory_space<vmem>>, vector<1x16xf32>,
          %swap3A_680 = vector.shape_cast %swap3A_679 : vector<1x16xf32> to vector<16xf32>
          %swap3A_681 = vector.shape_cast %mul3A_676 : vector<16xf32> to vector<1x16xf32>
          tpu.vector_store %arg13[%swap3A_677, %swap3A_678], %swap3A_681 {strides = array<i32>} : memref<80x64xf32, #tpu.memory_space<vmem>>, vector<1x16xf32>,
          %get3A_682 = arith.index_cast %add3A_668 : i32 to index
          %get3A_683 = arith.constant 16 : index
          %get3A_684 = tpu.vector_load %arg11[%get3A_682, %get3A_683] {strides = array<i32>} : memref<80x64xf32, #tpu.memory_space<vmem>>, vector<1x16xf32>,
          %get3A_685 = vector.shape_cast %get3A_684 : vector<1x16xf32> to vector<16xf32>
          %mul3A_686 = vector.broadcast %squeeze3A_670 : f32 to vector<16xf32>
          %mul3A_687 = arith.mulf %get3A_685, %mul3A_686 : vector<16xf32>
          %swap3A_688 = arith.index_cast %add3A_668 : i32 to index
          %swap3A_689 = arith.constant 16 : index
          %swap3A_690 = tpu.vector_load %arg13[%swap3A_688, %swap3A_689] {strides = array<i32>} : memref<80x64xf32, #tpu.memory_space<vmem>>, vector<1x16xf32>,
          %swap3A_691 = vector.shape_cast %swap3A_690 : vector<1x16xf32> to vector<16xf32>
          %swap3A_692 = vector.shape_cast %mul3A_687 : vector<16xf32> to vector<1x16xf32>
          tpu.vector_store %arg13[%swap3A_688, %swap3A_689], %swap3A_692 {strides = array<i32>} : memref<80x64xf32, #tpu.memory_space<vmem>>, vector<1x16xf32>,
          %get3A_693 = arith.index_cast %add3A_668 : i32 to index
          %get3A_694 = arith.constant 32 : index
          %get3A_695 = tpu.vector_load %arg11[%get3A_693, %get3A_694] {strides = array<i32>} : memref<80x64xf32, #tpu.memory_space<vmem>>, vector<1x16xf32>,
          %get3A_696 = vector.shape_cast %get3A_695 : vector<1x16xf32> to vector<16xf32>
          %mul3A_697 = vector.broadcast %squeeze3A_670 : f32 to vector<16xf32>
          %mul3A_698 = arith.mulf %get3A_696, %mul3A_697 : vector<16xf32>
          %swap3A_699 = arith.index_cast %add3A_668 : i32 to index
          %swap3A_700 = arith.constant 32 : index
          %swap3A_701 = tpu.vector_load %arg13[%swap3A_699, %swap3A_700] {strides = array<i32>} : memref<80x64xf32, #tpu.memory_space<vmem>>, vector<1x16xf32>,
          %swap3A_702 = vector.shape_cast %swap3A_701 : vector<1x16xf32> to vector<16xf32>
          %swap3A_703 = vector.shape_cast %mul3A_698 : vector<16xf32> to vector<1x16xf32>
          tpu.vector_store %arg13[%swap3A_699, %swap3A_700], %swap3A_703 {strides = array<i32>} : memref<80x64xf32, #tpu.memory_space<vmem>>, vector<1x16xf32>,
          %get3A_704 = arith.index_cast %add3A_668 : i32 to index
          %get3A_705 = arith.constant 48 : index
          %get3A_706 = tpu.vector_load %arg11[%get3A_704, %get3A_705] {strides = array<i32>} : memref<80x64xf32, #tpu.memory_space<vmem>>, vector<1x16xf32>,
          %get3A_707 = vector.shape_cast %get3A_706 : vector<1x16xf32> to vector<16xf32>
          %mul3A_708 = vector.broadcast %squeeze3A_670 : f32 to vector<16xf32>
          %mul3A_709 = arith.mulf %get3A_707, %mul3A_708 : vector<16xf32>
          %swap3A_710 = arith.index_cast %add3A_668 : i32 to index
          %swap3A_711 = arith.constant 48 : index
          %swap3A_712 = tpu.vector_load %arg13[%swap3A_710, %swap3A_711] {strides = array<i32>} : memref<80x64xf32, #tpu.memory_space<vmem>>, vector<1x16xf32>,
          %swap3A_713 = vector.shape_cast %swap3A_712 : vector<1x16xf32> to vector<16xf32>
          %swap3A_714 = vector.shape_cast %mul3A_709 : vector<16xf32> to vector<1x16xf32>
          tpu.vector_store %arg13[%swap3A_710, %swap3A_711], %swap3A_714 {strides = array<i32>} : memref<80x64xf32, #tpu.memory_space<vmem>>, vector<1x16xf32>,
          %mul3A_715 = arith.constant 16 : i32
          %mul3A_716 = arith.muli %scan3A_162, %mul3A_715 : i32
          %add3A_717 = arith.constant 11 : i32
          %add3A_718 = arith.addi %mul3A_716, %add3A_717 : i32
          %slice3A_719 = vector.extract_strided_slice %get3A_167 {offsets = [11], sizes = [1], strides = [1]} : vector<16xf32> to vector<1xf32>
          %squeeze3A_720 = vector.extract %slice3A_719[0] : f32 from vector<1xf32>
          %get3A_721 = arith.index_cast %add3A_718 : i32 to index
          %get3A_722 = arith.constant 0 : index
          %get3A_723 = tpu.vector_load %arg11[%get3A_721, %get3A_722] {strides = array<i32>} : memref<80x64xf32, #tpu.memory_space<vmem>>, vector<1x16xf32>,
          %get3A_724 = vector.shape_cast %get3A_723 : vector<1x16xf32> to vector<16xf32>
          %mul3A_725 = vector.broadcast %squeeze3A_720 : f32 to vector<16xf32>
          %mul3A_726 = arith.mulf %get3A_724, %mul3A_725 : vector<16xf32>
          %swap3A_727 = arith.index_cast %add3A_718 : i32 to index
          %swap3A_728 = arith.constant 0 : index
          %swap3A_729 = tpu.vector_load %arg13[%swap3A_727, %swap3A_728] {strides = array<i32>} : memref<80x64xf32, #tpu.memory_space<vmem>>, vector<1x16xf32>,
          %swap3A_730 = vector.shape_cast %swap3A_729 : vector<1x16xf32> to vector<16xf32>
          %swap3A_731 = vector.shape_cast %mul3A_726 : vector<16xf32> to vector<1x16xf32>
          tpu.vector_store %arg13[%swap3A_727, %swap3A_728], %swap3A_731 {strides = array<i32>} : memref<80x64xf32, #tpu.memory_space<vmem>>, vector<1x16xf32>,
          %get3A_732 = arith.index_cast %add3A_718 : i32 to index
          %get3A_733 = arith.constant 16 : index
          %get3A_734 = tpu.vector_load %arg11[%get3A_732, %get3A_733] {strides = array<i32>} : memref<80x64xf32, #tpu.memory_space<vmem>>, vector<1x16xf32>,
          %get3A_735 = vector.shape_cast %get3A_734 : vector<1x16xf32> to vector<16xf32>
          %mul3A_736 = vector.broadcast %squeeze3A_720 : f32 to vector<16xf32>
          %mul3A_737 = arith.mulf %get3A_735, %mul3A_736 : vector<16xf32>
          %swap3A_738 = arith.index_cast %add3A_718 : i32 to index
          %swap3A_739 = arith.constant 16 : index
          %swap3A_740 = tpu.vector_load %arg13[%swap3A_738, %swap3A_739] {strides = array<i32>} : memref<80x64xf32, #tpu.memory_space<vmem>>, vector<1x16xf32>,
          %swap3A_741 = vector.shape_cast %swap3A_740 : vector<1x16xf32> to vector<16xf32>
          %swap3A_742 = vector.shape_cast %mul3A_737 : vector<16xf32> to vector<1x16xf32>
          tpu.vector_store %arg13[%swap3A_738, %swap3A_739], %swap3A_742 {strides = array<i32>} : memref<80x64xf32, #tpu.memory_space<vmem>>, vector<1x16xf32>,
          %get3A_743 = arith.index_cast %add3A_718 : i32 to index
          %get3A_744 = arith.constant 32 : index
          %get3A_745 = tpu.vector_load %arg11[%get3A_743, %get3A_744] {strides = array<i32>} : memref<80x64xf32, #tpu.memory_space<vmem>>, vector<1x16xf32>,
          %get3A_746 = vector.shape_cast %get3A_745 : vector<1x16xf32> to vector<16xf32>
          %mul3A_747 = vector.broadcast %squeeze3A_720 : f32 to vector<16xf32>
          %mul3A_748 = arith.mulf %get3A_746, %mul3A_747 : vector<16xf32>
          %swap3A_749 = arith.index_cast %add3A_718 : i32 to index
          %swap3A_750 = arith.constant 32 : index
          %swap3A_751 = tpu.vector_load %arg13[%swap3A_749, %swap3A_750] {strides = array<i32>} : memref<80x64xf32, #tpu.memory_space<vmem>>, vector<1x16xf32>,
          %swap3A_752 = vector.shape_cast %swap3A_751 : vector<1x16xf32> to vector<16xf32>
          %swap3A_753 = vector.shape_cast %mul3A_748 : vector<16xf32> to vector<1x16xf32>
          tpu.vector_store %arg13[%swap3A_749, %swap3A_750], %swap3A_753 {strides = array<i32>} : memref<80x64xf32, #tpu.memory_space<vmem>>, vector<1x16xf32>,
          %get3A_754 = arith.index_cast %add3A_718 : i32 to index
          %get3A_755 = arith.constant 48 : index
          %get3A_756 = tpu.vector_load %arg11[%get3A_754, %get3A_755] {strides = array<i32>} : memref<80x64xf32, #tpu.memory_space<vmem>>, vector<1x16xf32>,
          %get3A_757 = vector.shape_cast %get3A_756 : vector<1x16xf32> to vector<16xf32>
          %mul3A_758 = vector.broadcast %squeeze3A_720 : f32 to vector<16xf32>
          %mul3A_759 = arith.mulf %get3A_757, %mul3A_758 : vector<16xf32>
          %swap3A_760 = arith.index_cast %add3A_718 : i32 to index
          %swap3A_761 = arith.constant 48 : index
          %swap3A_762 = tpu.vector_load %arg13[%swap3A_760, %swap3A_761] {strides = array<i32>} : memref<80x64xf32, #tpu.memory_space<vmem>>, vector<1x16xf32>,
          %swap3A_763 = vector.shape_cast %swap3A_762 : vector<1x16xf32> to vector<16xf32>
          %swap3A_764 = vector.shape_cast %mul3A_759 : vector<16xf32> to vector<1x16xf32>
          tpu.vector_store %arg13[%swap3A_760, %swap3A_761], %swap3A_764 {strides = array<i32>} : memref<80x64xf32, #tpu.memory_space<vmem>>, vector<1x16xf32>,
          %mul3A_765 = arith.constant 16 : i32
          %mul3A_766 = arith.muli %scan3A_162, %mul3A_765 : i32
          %add3A_767 = arith.constant 12 : i32
          %add3A_768 = arith.addi %mul3A_766, %add3A_767 : i32
          %slice3A_769 = vector.extract_strided_slice %get3A_167 {offsets = [12], sizes = [1], strides = [1]} : vector<16xf32> to vector<1xf32>
          %squeeze3A_770 = vector.extract %slice3A_769[0] : f32 from vector<1xf32>
          %get3A_771 = arith.index_cast %add3A_768 : i32 to index
          %get3A_772 = arith.constant 0 : index
          %get3A_773 = tpu.vector_load %arg11[%get3A_771, %get3A_772] {strides = array<i32>} : memref<80x64xf32, #tpu.memory_space<vmem>>, vector<1x16xf32>,
          %get3A_774 = vector.shape_cast %get3A_773 : vector<1x16xf32> to vector<16xf32>
          %mul3A_775 = vector.broadcast %squeeze3A_770 : f32 to vector<16xf32>
          %mul3A_776 = arith.mulf %get3A_774, %mul3A_775 : vector<16xf32>
          %swap3A_777 = arith.index_cast %add3A_768 : i32 to index
          %swap3A_778 = arith.constant 0 : index
          %swap3A_779 = tpu.vector_load %arg13[%swap3A_777, %swap3A_778] {strides = array<i32>} : memref<80x64xf32, #tpu.memory_space<vmem>>, vector<1x16xf32>,
          %swap3A_780 = vector.shape_cast %swap3A_779 : vector<1x16xf32> to vector<16xf32>
          %swap3A_781 = vector.shape_cast %mul3A_776 : vector<16xf32> to vector<1x16xf32>
          tpu.vector_store %arg13[%swap3A_777, %swap3A_778], %swap3A_781 {strides = array<i32>} : memref<80x64xf32, #tpu.memory_space<vmem>>, vector<1x16xf32>,
          %get3A_782 = arith.index_cast %add3A_768 : i32 to index
          %get3A_783 = arith.constant 16 : index
          %get3A_784 = tpu.vector_load %arg11[%get3A_782, %get3A_783] {strides = array<i32>} : memref<80x64xf32, #tpu.memory_space<vmem>>, vector<1x16xf32>,
          %get3A_785 = vector.shape_cast %get3A_784 : vector<1x16xf32> to vector<16xf32>
          %mul3A_786 = vector.broadcast %squeeze3A_770 : f32 to vector<16xf32>
          %mul3A_787 = arith.mulf %get3A_785, %mul3A_786 : vector<16xf32>
          %swap3A_788 = arith.index_cast %add3A_768 : i32 to index
          %swap3A_789 = arith.constant 16 : index
          %swap3A_790 = tpu.vector_load %arg13[%swap3A_788, %swap3A_789] {strides = array<i32>} : memref<80x64xf32, #tpu.memory_space<vmem>>, vector<1x16xf32>,
          %swap3A_791 = vector.shape_cast %swap3A_790 : vector<1x16xf32> to vector<16xf32>
          %swap3A_792 = vector.shape_cast %mul3A_787 : vector<16xf32> to vector<1x16xf32>
          tpu.vector_store %arg13[%swap3A_788, %swap3A_789], %swap3A_792 {strides = array<i32>} : memref<80x64xf32, #tpu.memory_space<vmem>>, vector<1x16xf32>,
          %get3A_793 = arith.index_cast %add3A_768 : i32 to index
          %get3A_794 = arith.constant 32 : index
          %get3A_795 = tpu.vector_load %arg11[%get3A_793, %get3A_794] {strides = array<i32>} : memref<80x64xf32, #tpu.memory_space<vmem>>, vector<1x16xf32>,
          %get3A_796 = vector.shape_cast %get3A_795 : vector<1x16xf32> to vector<16xf32>
          %mul3A_797 = vector.broadcast %squeeze3A_770 : f32 to vector<16xf32>
          %mul3A_798 = arith.mulf %get3A_796, %mul3A_797 : vector<16xf32>
          %swap3A_799 = arith.index_cast %add3A_768 : i32 to index
          %swap3A_800 = arith.constant 32 : index
          %swap3A_801 = tpu.vector_load %arg13[%swap3A_799, %swap3A_800] {strides = array<i32>} : memref<80x64xf32, #tpu.memory_space<vmem>>, vector<1x16xf32>,
          %swap3A_802 = vector.shape_cast %swap3A_801 : vector<1x16xf32> to vector<16xf32>
          %swap3A_803 = vector.shape_cast %mul3A_798 : vector<16xf32> to vector<1x16xf32>
          tpu.vector_store %arg13[%swap3A_799, %swap3A_800], %swap3A_803 {strides = array<i32>} : memref<80x64xf32, #tpu.memory_space<vmem>>, vector<1x16xf32>,
          %get3A_804 = arith.index_cast %add3A_768 : i32 to index
          %get3A_805 = arith.constant 48 : index
          %get3A_806 = tpu.vector_load %arg11[%get3A_804, %get3A_805] {strides = array<i32>} : memref<80x64xf32, #tpu.memory_space<vmem>>, vector<1x16xf32>,
          %get3A_807 = vector.shape_cast %get3A_806 : vector<1x16xf32> to vector<16xf32>
          %mul3A_808 = vector.broadcast %squeeze3A_770 : f32 to vector<16xf32>
          %mul3A_809 = arith.mulf %get3A_807, %mul3A_808 : vector<16xf32>
          %swap3A_810 = arith.index_cast %add3A_768 : i32 to index
          %swap3A_811 = arith.constant 48 : index
          %swap3A_812 = tpu.vector_load %arg13[%swap3A_810, %swap3A_811] {strides = array<i32>} : memref<80x64xf32, #tpu.memory_space<vmem>>, vector<1x16xf32>,
          %swap3A_813 = vector.shape_cast %swap3A_812 : vector<1x16xf32> to vector<16xf32>
          %swap3A_814 = vector.shape_cast %mul3A_809 : vector<16xf32> to vector<1x16xf32>
          tpu.vector_store %arg13[%swap3A_810, %swap3A_811], %swap3A_814 {strides = array<i32>} : memref<80x64xf32, #tpu.memory_space<vmem>>, vector<1x16xf32>,
          %mul3A_815 = arith.constant 16 : i32
          %mul3A_816 = arith.muli %scan3A_162, %mul3A_815 : i32
          %add3A_817 = arith.constant 13 : i32
          %add3A_818 = arith.addi %mul3A_816, %add3A_817 : i32
          %slice3A_819 = vector.extract_strided_slice %get3A_167 {offsets = [13], sizes = [1], strides = [1]} : vector<16xf32> to vector<1xf32>
          %squeeze3A_820 = vector.extract %slice3A_819[0] : f32 from vector<1xf32>
          %get3A_821 = arith.index_cast %add3A_818 : i32 to index
          %get3A_822 = arith.constant 0 : index
          %get3A_823 = tpu.vector_load %arg11[%get3A_821, %get3A_822] {strides = array<i32>} : memref<80x64xf32, #tpu.memory_space<vmem>>, vector<1x16xf32>,
          %get3A_824 = vector.shape_cast %get3A_823 : vector<1x16xf32> to vector<16xf32>
          %mul3A_825 = vector.broadcast %squeeze3A_820 : f32 to vector<16xf32>
          %mul3A_826 = arith.mulf %get3A_824, %mul3A_825 : vector<16xf32>
          %swap3A_827 = arith.index_cast %add3A_818 : i32 to index
          %swap3A_828 = arith.constant 0 : index
          %swap3A_829 = tpu.vector_load %arg13[%swap3A_827, %swap3A_828] {strides = array<i32>} : memref<80x64xf32, #tpu.memory_space<vmem>>, vector<1x16xf32>,
          %swap3A_830 = vector.shape_cast %swap3A_829 : vector<1x16xf32> to vector<16xf32>
          %swap3A_831 = vector.shape_cast %mul3A_826 : vector<16xf32> to vector<1x16xf32>
          tpu.vector_store %arg13[%swap3A_827, %swap3A_828], %swap3A_831 {strides = array<i32>} : memref<80x64xf32, #tpu.memory_space<vmem>>, vector<1x16xf32>,
          %get3A_832 = arith.index_cast %add3A_818 : i32 to index
          %get3A_833 = arith.constant 16 : index
          %get3A_834 = tpu.vector_load %arg11[%get3A_832, %get3A_833] {strides = array<i32>} : memref<80x64xf32, #tpu.memory_space<vmem>>, vector<1x16xf32>,
          %get3A_835 = vector.shape_cast %get3A_834 : vector<1x16xf32> to vector<16xf32>
          %mul3A_836 = vector.broadcast %squeeze3A_820 : f32 to vector<16xf32>
          %mul3A_837 = arith.mulf %get3A_835, %mul3A_836 : vector<16xf32>
          %swap3A_838 = arith.index_cast %add3A_818 : i32 to index
          %swap3A_839 = arith.constant 16 : index
          %swap3A_840 = tpu.vector_load %arg13[%swap3A_838, %swap3A_839] {strides = array<i32>} : memref<80x64xf32, #tpu.memory_space<vmem>>, vector<1x16xf32>,
          %swap3A_841 = vector.shape_cast %swap3A_840 : vector<1x16xf32> to vector<16xf32>
          %swap3A_842 = vector.shape_cast %mul3A_837 : vector<16xf32> to vector<1x16xf32>
          tpu.vector_store %arg13[%swap3A_838, %swap3A_839], %swap3A_842 {strides = array<i32>} : memref<80x64xf32, #tpu.memory_space<vmem>>, vector<1x16xf32>,
          %get3A_843 = arith.index_cast %add3A_818 : i32 to index
          %get3A_844 = arith.constant 32 : index
          %get3A_845 = tpu.vector_load %arg11[%get3A_843, %get3A_844] {strides = array<i32>} : memref<80x64xf32, #tpu.memory_space<vmem>>, vector<1x16xf32>,
          %get3A_846 = vector.shape_cast %get3A_845 : vector<1x16xf32> to vector<16xf32>
          %mul3A_847 = vector.broadcast %squeeze3A_820 : f32 to vector<16xf32>
          %mul3A_848 = arith.mulf %get3A_846, %mul3A_847 : vector<16xf32>
          %swap3A_849 = arith.index_cast %add3A_818 : i32 to index
          %swap3A_850 = arith.constant 32 : index
          %swap3A_851 = tpu.vector_load %arg13[%swap3A_849, %swap3A_850] {strides = array<i32>} : memref<80x64xf32, #tpu.memory_space<vmem>>, vector<1x16xf32>,
          %swap3A_852 = vector.shape_cast %swap3A_851 : vector<1x16xf32> to vector<16xf32>
          %swap3A_853 = vector.shape_cast %mul3A_848 : vector<16xf32> to vector<1x16xf32>
          tpu.vector_store %arg13[%swap3A_849, %swap3A_850], %swap3A_853 {strides = array<i32>} : memref<80x64xf32, #tpu.memory_space<vmem>>, vector<1x16xf32>,
          %get3A_854 = arith.index_cast %add3A_818 : i32 to index
          %get3A_855 = arith.constant 48 : index
          %get3A_856 = tpu.vector_load %arg11[%get3A_854, %get3A_855] {strides = array<i32>} : memref<80x64xf32, #tpu.memory_space<vmem>>, vector<1x16xf32>,
          %get3A_857 = vector.shape_cast %get3A_856 : vector<1x16xf32> to vector<16xf32>
          %mul3A_858 = vector.broadcast %squeeze3A_820 : f32 to vector<16xf32>
          %mul3A_859 = arith.mulf %get3A_857, %mul3A_858 : vector<16xf32>
          %swap3A_860 = arith.index_cast %add3A_818 : i32 to index
          %swap3A_861 = arith.constant 48 : index
          %swap3A_862 = tpu.vector_load %arg13[%swap3A_860, %swap3A_861] {strides = array<i32>} : memref<80x64xf32, #tpu.memory_space<vmem>>, vector<1x16xf32>,
          %swap3A_863 = vector.shape_cast %swap3A_862 : vector<1x16xf32> to vector<16xf32>
          %swap3A_864 = vector.shape_cast %mul3A_859 : vector<16xf32> to vector<1x16xf32>
          tpu.vector_store %arg13[%swap3A_860, %swap3A_861], %swap3A_864 {strides = array<i32>} : memref<80x64xf32, #tpu.memory_space<vmem>>, vector<1x16xf32>,
          %mul3A_865 = arith.constant 16 : i32
          %mul3A_866 = arith.muli %scan3A_162, %mul3A_865 : i32
          %add3A_867 = arith.constant 14 : i32
          %add3A_868 = arith.addi %mul3A_866, %add3A_867 : i32
          %slice3A_869 = vector.extract_strided_slice %get3A_167 {offsets = [14], sizes = [1], strides = [1]} : vector<16xf32> to vector<1xf32>
          %squeeze3A_870 = vector.extract %slice3A_869[0] : f32 from vector<1xf32>
          %get3A_871 = arith.index_cast %add3A_868 : i32 to index
          %get3A_872 = arith.constant 0 : index
          %get3A_873 = tpu.vector_load %arg11[%get3A_871, %get3A_872] {strides = array<i32>} : memref<80x64xf32, #tpu.memory_space<vmem>>, vector<1x16xf32>,
          %get3A_874 = vector.shape_cast %get3A_873 : vector<1x16xf32> to vector<16xf32>
          %mul3A_875 = vector.broadcast %squeeze3A_870 : f32 to vector<16xf32>
          %mul3A_876 = arith.mulf %get3A_874, %mul3A_875 : vector<16xf32>
          %swap3A_877 = arith.index_cast %add3A_868 : i32 to index
          %swap3A_878 = arith.constant 0 : index
          %swap3A_879 = tpu.vector_load %arg13[%swap3A_877, %swap3A_878] {strides = array<i32>} : memref<80x64xf32, #tpu.memory_space<vmem>>, vector<1x16xf32>,
          %swap3A_880 = vector.shape_cast %swap3A_879 : vector<1x16xf32> to vector<16xf32>
          %swap3A_881 = vector.shape_cast %mul3A_876 : vector<16xf32> to vector<1x16xf32>
          tpu.vector_store %arg13[%swap3A_877, %swap3A_878], %swap3A_881 {strides = array<i32>} : memref<80x64xf32, #tpu.memory_space<vmem>>, vector<1x16xf32>,
          %get3A_882 = arith.index_cast %add3A_868 : i32 to index
          %get3A_883 = arith.constant 16 : index
          %get3A_884 = tpu.vector_load %arg11[%get3A_882, %get3A_883] {strides = array<i32>} : memref<80x64xf32, #tpu.memory_space<vmem>>, vector<1x16xf32>,
          %get3A_885 = vector.shape_cast %get3A_884 : vector<1x16xf32> to vector<16xf32>
          %mul3A_886 = vector.broadcast %squeeze3A_870 : f32 to vector<16xf32>
          %mul3A_887 = arith.mulf %get3A_885, %mul3A_886 : vector<16xf32>
          %swap3A_888 = arith.index_cast %add3A_868 : i32 to index
          %swap3A_889 = arith.constant 16 : index
          %swap3A_890 = tpu.vector_load %arg13[%swap3A_888, %swap3A_889] {strides = array<i32>} : memref<80x64xf32, #tpu.memory_space<vmem>>, vector<1x16xf32>,
          %swap3A_891 = vector.shape_cast %swap3A_890 : vector<1x16xf32> to vector<16xf32>
          %swap3A_892 = vector.shape_cast %mul3A_887 : vector<16xf32> to vector<1x16xf32>
          tpu.vector_store %arg13[%swap3A_888, %swap3A_889], %swap3A_892 {strides = array<i32>} : memref<80x64xf32, #tpu.memory_space<vmem>>, vector<1x16xf32>,
          %get3A_893 = arith.index_cast %add3A_868 : i32 to index
          %get3A_894 = arith.constant 32 : index
          %get3A_895 = tpu.vector_load %arg11[%get3A_893, %get3A_894] {strides = array<i32>} : memref<80x64xf32, #tpu.memory_space<vmem>>, vector<1x16xf32>,
          %get3A_896 = vector.shape_cast %get3A_895 : vector<1x16xf32> to vector<16xf32>
          %mul3A_897 = vector.broadcast %squeeze3A_870 : f32 to vector<16xf32>
          %mul3A_898 = arith.mulf %get3A_896, %mul3A_897 : vector<16xf32>
          %swap3A_899 = arith.index_cast %add3A_868 : i32 to index
          %swap3A_900 = arith.constant 32 : index
          %swap3A_901 = tpu.vector_load %arg13[%swap3A_899, %swap3A_900] {strides = array<i32>} : memref<80x64xf32, #tpu.memory_space<vmem>>, vector<1x16xf32>,
          %swap3A_902 = vector.shape_cast %swap3A_901 : vector<1x16xf32> to vector<16xf32>
          %swap3A_903 = vector.shape_cast %mul3A_898 : vector<16xf32> to vector<1x16xf32>
          tpu.vector_store %arg13[%swap3A_899, %swap3A_900], %swap3A_903 {strides = array<i32>} : memref<80x64xf32, #tpu.memory_space<vmem>>, vector<1x16xf32>,
          %get3A_904 = arith.index_cast %add3A_868 : i32 to index
          %get3A_905 = arith.constant 48 : index
          %get3A_906 = tpu.vector_load %arg11[%get3A_904, %get3A_905] {strides = array<i32>} : memref<80x64xf32, #tpu.memory_space<vmem>>, vector<1x16xf32>,
          %get3A_907 = vector.shape_cast %get3A_906 : vector<1x16xf32> to vector<16xf32>
          %mul3A_908 = vector.broadcast %squeeze3A_870 : f32 to vector<16xf32>
          %mul3A_909 = arith.mulf %get3A_907, %mul3A_908 : vector<16xf32>
          %swap3A_910 = arith.index_cast %add3A_868 : i32 to index
          %swap3A_911 = arith.constant 48 : index
          %swap3A_912 = tpu.vector_load %arg13[%swap3A_910, %swap3A_911] {strides = array<i32>} : memref<80x64xf32, #tpu.memory_space<vmem>>, vector<1x16xf32>,
          %swap3A_913 = vector.shape_cast %swap3A_912 : vector<1x16xf32> to vector<16xf32>
          %swap3A_914 = vector.shape_cast %mul3A_909 : vector<16xf32> to vector<1x16xf32>
          tpu.vector_store %arg13[%swap3A_910, %swap3A_911], %swap3A_914 {strides = array<i32>} : memref<80x64xf32, #tpu.memory_space<vmem>>, vector<1x16xf32>,
          %mul3A_915 = arith.constant 16 : i32
          %mul3A_916 = arith.muli %scan3A_162, %mul3A_915 : i32
          %add3A_917 = arith.constant 15 : i32
          %add3A_918 = arith.addi %mul3A_916, %add3A_917 : i32
          %slice3A_919 = vector.extract_strided_slice %get3A_167 {offsets = [15], sizes = [1], strides = [1]} : vector<16xf32> to vector<1xf32>
          %squeeze3A_920 = vector.extract %slice3A_919[0] : f32 from vector<1xf32>
          %get3A_921 = arith.index_cast %add3A_918 : i32 to index
          %get3A_922 = arith.constant 0 : index
          %get3A_923 = tpu.vector_load %arg11[%get3A_921, %get3A_922] {strides = array<i32>} : memref<80x64xf32, #tpu.memory_space<vmem>>, vector<1x16xf32>,
          %get3A_924 = vector.shape_cast %get3A_923 : vector<1x16xf32> to vector<16xf32>
          %mul3A_925 = vector.broadcast %squeeze3A_920 : f32 to vector<16xf32>
          %mul3A_926 = arith.mulf %get3A_924, %mul3A_925 : vector<16xf32>
          %swap3A_927 = arith.index_cast %add3A_918 : i32 to index
          %swap3A_928 = arith.constant 0 : index
          %swap3A_929 = tpu.vector_load %arg13[%swap3A_927, %swap3A_928] {strides = array<i32>} : memref<80x64xf32, #tpu.memory_space<vmem>>, vector<1x16xf32>,
          %swap3A_930 = vector.shape_cast %swap3A_929 : vector<1x16xf32> to vector<16xf32>
          %swap3A_931 = vector.shape_cast %mul3A_926 : vector<16xf32> to vector<1x16xf32>
          tpu.vector_store %arg13[%swap3A_927, %swap3A_928], %swap3A_931 {strides = array<i32>} : memref<80x64xf32, #tpu.memory_space<vmem>>, vector<1x16xf32>,
          %get3A_932 = arith.index_cast %add3A_918 : i32 to index
          %get3A_933 = arith.constant 16 : index
          %get3A_934 = tpu.vector_load %arg11[%get3A_932, %get3A_933] {strides = array<i32>} : memref<80x64xf32, #tpu.memory_space<vmem>>, vector<1x16xf32>,
          %get3A_935 = vector.shape_cast %get3A_934 : vector<1x16xf32> to vector<16xf32>
          %mul3A_936 = vector.broadcast %squeeze3A_920 : f32 to vector<16xf32>
          %mul3A_937 = arith.mulf %get3A_935, %mul3A_936 : vector<16xf32>
          %swap3A_938 = arith.index_cast %add3A_918 : i32 to index
          %swap3A_939 = arith.constant 16 : index
          %swap3A_940 = tpu.vector_load %arg13[%swap3A_938, %swap3A_939] {strides = array<i32>} : memref<80x64xf32, #tpu.memory_space<vmem>>, vector<1x16xf32>,
          %swap3A_941 = vector.shape_cast %swap3A_940 : vector<1x16xf32> to vector<16xf32>
          %swap3A_942 = vector.shape_cast %mul3A_937 : vector<16xf32> to vector<1x16xf32>
          tpu.vector_store %arg13[%swap3A_938, %swap3A_939], %swap3A_942 {strides = array<i32>} : memref<80x64xf32, #tpu.memory_space<vmem>>, vector<1x16xf32>,
          %get3A_943 = arith.index_cast %add3A_918 : i32 to index
          %get3A_944 = arith.constant 32 : index
          %get3A_945 = tpu.vector_load %arg11[%get3A_943, %get3A_944] {strides = array<i32>} : memref<80x64xf32, #tpu.memory_space<vmem>>, vector<1x16xf32>,
          %get3A_946 = vector.shape_cast %get3A_945 : vector<1x16xf32> to vector<16xf32>
          %mul3A_947 = vector.broadcast %squeeze3A_920 : f32 to vector<16xf32>
          %mul3A_948 = arith.mulf %get3A_946, %mul3A_947 : vector<16xf32>
          %swap3A_949 = arith.index_cast %add3A_918 : i32 to index
          %swap3A_950 = arith.constant 32 : index
          %swap3A_951 = tpu.vector_load %arg13[%swap3A_949, %swap3A_950] {strides = array<i32>} : memref<80x64xf32, #tpu.memory_space<vmem>>, vector<1x16xf32>,
          %swap3A_952 = vector.shape_cast %swap3A_951 : vector<1x16xf32> to vector<16xf32>
          %swap3A_953 = vector.shape_cast %mul3A_948 : vector<16xf32> to vector<1x16xf32>
          tpu.vector_store %arg13[%swap3A_949, %swap3A_950], %swap3A_953 {strides = array<i32>} : memref<80x64xf32, #tpu.memory_space<vmem>>, vector<1x16xf32>,
          %get3A_954 = arith.index_cast %add3A_918 : i32 to index
          %get3A_955 = arith.constant 48 : index
          %get3A_956 = tpu.vector_load %arg11[%get3A_954, %get3A_955] {strides = array<i32>} : memref<80x64xf32, #tpu.memory_space<vmem>>, vector<1x16xf32>,
          %get3A_957 = vector.shape_cast %get3A_956 : vector<1x16xf32> to vector<16xf32>
          %mul3A_958 = vector.broadcast %squeeze3A_920 : f32 to vector<16xf32>
          %mul3A_959 = arith.mulf %get3A_957, %mul3A_958 : vector<16xf32>
          %swap3A_960 = arith.index_cast %add3A_918 : i32 to index
          %swap3A_961 = arith.constant 48 : index
          %swap3A_962 = tpu.vector_load %arg13[%swap3A_960, %swap3A_961] {strides = array<i32>} : memref<80x64xf32, #tpu.memory_space<vmem>>, vector<1x16xf32>,
          %swap3A_963 = vector.shape_cast %swap3A_962 : vector<1x16xf32> to vector<16xf32>
          %swap3A_964 = vector.shape_cast %mul3A_959 : vector<16xf32> to vector<1x16xf32>
          tpu.vector_store %arg13[%swap3A_960, %swap3A_961], %swap3A_964 {strides = array<i32>} : memref<80x64xf32, #tpu.memory_space<vmem>>, vector<1x16xf32>,
        }
        %scan3A_119 = arith.constant 5 : i32
        %lt3A = arith.constant 124 : i32
        %lt3A_120 = arith.cmpi slt, %scan3A_100, %lt3A : i32
        %convert_element_type3A_121 = arith.extui %lt3A_120 : i1 to i32
        %cond3A_122 = arith.constant 0 : i32
        %cond3A_123 = arith.cmpi ne, %convert_element_type3A_121, %cond3A_122 : i32
        scf.if %cond3A_123 {
          %add3A_162 = arith.constant 2 : i32
          %add3A_163 = arith.addi %add3A_103, %add3A_162 : i32
          %dma_start3A_164 = arith.constant 0 : i32
          %dma_start3A_165 = tpu.memref_slice %arg8[%add3A_163, %dma_start3A_164] : memref<250x80xi32, #tpu.memory_space<vmem>> -> memref<1x80xi32, #tpu.memory_space<vmem>>
          %dma_start3A_166 = tpu.memref_squeeze %dma_start3A_165 : memref<1x80xi32, #tpu.memory_space<vmem>> -> memref<80xi32, #tpu.memory_space<vmem>>
          %dma_start3A_167 = arith.constant 0 : i32
          %dma_start3A_168 = arith.constant 0 : i32
          %dma_start3A_169 = tpu.memref_slice %arg3[%dma_start3A_167, %dma_start3A_168] : memref<10000x64xf32, #tpu.memory_space<hbm>> -> memref<10000x64xf32, #tpu.memory_space<hbm>>
          tpu.enqueue_indirect_dma source(%dma_start3A_169 : memref<10000x64xf32, #tpu.memory_space<hbm>>) target(%arg11 : memref<80x64xf32, #tpu.memory_space<vmem>>) offsets(%dma_start3A_166 : memref<80xi32, #tpu.memory_space<vmem>>) semaphore(%arg16 : memref<!tpu.dma_semaphore, #tpu.memory_space<semaphore_mem>>)
        } else {
        }
        %dma_start3A_124 = arith.constant 0 : i32
        %dma_start3A_125 = tpu.memref_slice %arg9[%add3A_103, %dma_start3A_124] : memref<250x80xi32, #tpu.memory_space<vmem>> -> memref<1x80xi32, #tpu.memory_space<vmem>>
        %dma_start3A_126 = tpu.memref_squeeze %dma_start3A_125 : memref<1x80xi32, #tpu.memory_space<vmem>> -> memref<80xi32, #tpu.memory_space<vmem>>
        %dma_start3A_127 = arith.constant 0 : i32
        %dma_start3A_128 = arith.constant 0 : i32
        %dma_start3A_129 = tpu.memref_slice %arg15[%dma_start3A_127, %dma_start3A_128] : memref<10240x64xf32, #tpu.memory_space<vmem_shared>> -> memref<10240x64xf32, #tpu.memory_space<vmem_shared>>
        tpu.enqueue_indirect_dma source(%arg13 : memref<80x64xf32, #tpu.memory_space<vmem>>) target(%dma_start3A_129 : memref<10240x64xf32, #tpu.memory_space<vmem_shared>>) offsets(%dma_start3A_126 : memref<80xi32, #tpu.memory_space<vmem>>) semaphore(%arg18 : memref<!tpu.dma_semaphore, #tpu.memory_space<semaphore_mem>>) {add = true}
        %mul3A_130 = arith.constant 2 : i32
        %mul3A_131 = arith.muli %mul3A_130, %scan3A_100 : i32
        %add3A_132 = arith.constant 1 : i32
        %add3A_133 = arith.addi %mul3A_131, %add3A_132 : i32
        %dma_wait3A_134 = arith.constant 0 : i32
        %dma_wait3A_135 = tpu.memref_slice %arg8[%add3A_133, %dma_wait3A_134] : memref<250x80xi32, #tpu.memory_space<vmem>> -> memref<1x80xi32, #tpu.memory_space<vmem>>
        %dma_wait3A_136 = tpu.memref_squeeze %dma_wait3A_135 : memref<1x80xi32, #tpu.memory_space<vmem>> -> memref<80xi32, #tpu.memory_space<vmem>>
        %dma_wait3A_137 = arith.constant 0 : i32
        %dma_wait3A_138 = arith.constant 0 : i32
        %dma_wait3A_139 = tpu.memref_slice %arg3[%dma_wait3A_137, %dma_wait3A_138] : memref<10000x64xf32, #tpu.memory_space<hbm>> -> memref<10000x64xf32, #tpu.memory_space<hbm>>
        tpu.wait_indirect_dma semaphore(%arg17 : memref<!tpu.dma_semaphore, #tpu.memory_space<semaphore_mem>>) src(%dma_wait3A_139 : memref<10000x64xf32, #tpu.memory_space<hbm>>) dst(%arg12 : memref<80x64xf32, #tpu.memory_space<vmem>>)
        %ge3A_140 = arith.constant 1 : i32
        %ge3A_141 = arith.cmpi sge, %scan3A_100, %ge3A_140 : i32
        %convert_element_type3A_142 = arith.extui %ge3A_141 : i1 to i32
        %cond3A_143 = arith.constant 0 : i32
        %cond3A_144 = arith.cmpi ne, %convert_element_type3A_142, %cond3A_143 : i32
        scf.if %cond3A_144 {
          %dma_wait3A_162 = arith.constant 0 : i32
          %dma_wait3A_163 = arith.constant 0 : i32
          %dma_wait3A_164 = tpu.memref_slice %arg9[%dma_wait3A_162, %dma_wait3A_163] : memref<250x80xi32, #tpu.memory_space<vmem>> -> memref<1x80xi32, #tpu.memory_space<vmem>>
          %dma_wait3A_165 = tpu.memref_squeeze %dma_wait3A_164 : memref<1x80xi32, #tpu.memory_space<vmem>> -> memref<80xi32, #tpu.memory_space<vmem>>
          %dma_wait3A_166 = arith.constant 0 : i32
          %dma_wait3A_167 = arith.constant 0 : i32
          %dma_wait3A_168 = tpu.memref_slice %arg15[%dma_wait3A_166, %dma_wait3A_167] : memref<10240x64xf32, #tpu.memory_space<vmem_shared>> -> memref<10240x64xf32, #tpu.memory_space<vmem_shared>>
          tpu.wait_indirect_dma semaphore(%arg19 : memref<!tpu.dma_semaphore, #tpu.memory_space<semaphore_mem>>) src(%arg14 : memref<80x64xf32, #tpu.memory_space<vmem>>) dst(%dma_wait3A_168 : memref<10240x64xf32, #tpu.memory_space<vmem_shared>>)
        } else {
        }
        %scan3A_145 = arith.constant 0 : i32
        %scan3A_146 = arith.constant 0 : i32
        %scan3A_147 = arith.constant 5 : i32
        %scan3A_148 = arith.addi %scan3A_146, %scan3A_147 : i32
        %scan3A_149 = arith.constant 1 : i32
        scf.for %scan3A_162 = %scan3A_146 to %scan3A_148 step %scan3A_149  : i32 {
          %mul3A_163 = arith.constant 16 : i32
          %mul3A_164 = arith.muli %scan3A_162, %mul3A_163 : i32
          %get3A = arith.index_cast %add3A_133 : i32 to index
          %get3A_165 = arith.index_cast %mul3A_164 : i32 to index
          %get3A_166 = tpu.vector_load %arg10[%get3A, %get3A_165] {strides = array<i32>} : memref<250x80xf32, #tpu.memory_space<vmem>>, vector<1x16xf32>,
          %get3A_167 = vector.shape_cast %get3A_166 : vector<1x16xf32> to vector<16xf32>
          %mul3A_168 = arith.constant 16 : i32
          %mul3A_169 = arith.muli %scan3A_162, %mul3A_168 : i32
          %add3A_170 = arith.constant 0 : i32
          %add3A_171 = arith.addi %mul3A_169, %add3A_170 : i32
          %slice3A = vector.extract_strided_slice %get3A_167 {offsets = [0], sizes = [1], strides = [1]} : vector<16xf32> to vector<1xf32>
          %squeeze3A = vector.extract %slice3A[0] : f32 from vector<1xf32>
          %get3A_172 = arith.index_cast %add3A_171 : i32 to index
          %get3A_173 = arith.constant 0 : index
          %get3A_174 = tpu.vector_load %arg12[%get3A_172, %get3A_173] {strides = array<i32>} : memref<80x64xf32, #tpu.memory_space<vmem>>, vector<1x16xf32>,
          %get3A_175 = vector.shape_cast %get3A_174 : vector<1x16xf32> to vector<16xf32>
          %mul3A_176 = vector.broadcast %squeeze3A : f32 to vector<16xf32>
          %mul3A_177 = arith.mulf %get3A_175, %mul3A_176 : vector<16xf32>
          %swap3A = arith.index_cast %add3A_171 : i32 to index
          %swap3A_178 = arith.constant 0 : index
          %swap3A_179 = tpu.vector_load %arg14[%swap3A, %swap3A_178] {strides = array<i32>} : memref<80x64xf32, #tpu.memory_space<vmem>>, vector<1x16xf32>,
          %swap3A_180 = vector.shape_cast %swap3A_179 : vector<1x16xf32> to vector<16xf32>
          %swap3A_181 = vector.shape_cast %mul3A_177 : vector<16xf32> to vector<1x16xf32>
          tpu.vector_store %arg14[%swap3A, %swap3A_178], %swap3A_181 {strides = array<i32>} : memref<80x64xf32, #tpu.memory_space<vmem>>, vector<1x16xf32>,
          %get3A_182 = arith.index_cast %add3A_171 : i32 to index
          %get3A_183 = arith.constant 16 : index
          %get3A_184 = tpu.vector_load %arg12[%get3A_182, %get3A_183] {strides = array<i32>} : memref<80x64xf32, #tpu.memory_space<vmem>>, vector<1x16xf32>,
          %get3A_185 = vector.shape_cast %get3A_184 : vector<1x16xf32> to vector<16xf32>
          %mul3A_186 = vector.broadcast %squeeze3A : f32 to vector<16xf32>
          %mul3A_187 = arith.mulf %get3A_185, %mul3A_186 : vector<16xf32>
          %swap3A_188 = arith.index_cast %add3A_171 : i32 to index
          %swap3A_189 = arith.constant 16 : index
          %swap3A_190 = tpu.vector_load %arg14[%swap3A_188, %swap3A_189] {strides = array<i32>} : memref<80x64xf32, #tpu.memory_space<vmem>>, vector<1x16xf32>,
          %swap3A_191 = vector.shape_cast %swap3A_190 : vector<1x16xf32> to vector<16xf32>
          %swap3A_192 = vector.shape_cast %mul3A_187 : vector<16xf32> to vector<1x16xf32>
          tpu.vector_store %arg14[%swap3A_188, %swap3A_189], %swap3A_192 {strides = array<i32>} : memref<80x64xf32, #tpu.memory_space<vmem>>, vector<1x16xf32>,
          %get3A_193 = arith.index_cast %add3A_171 : i32 to index
          %get3A_194 = arith.constant 32 : index
          %get3A_195 = tpu.vector_load %arg12[%get3A_193, %get3A_194] {strides = array<i32>} : memref<80x64xf32, #tpu.memory_space<vmem>>, vector<1x16xf32>,
          %get3A_196 = vector.shape_cast %get3A_195 : vector<1x16xf32> to vector<16xf32>
          %mul3A_197 = vector.broadcast %squeeze3A : f32 to vector<16xf32>
          %mul3A_198 = arith.mulf %get3A_196, %mul3A_197 : vector<16xf32>
          %swap3A_199 = arith.index_cast %add3A_171 : i32 to index
          %swap3A_200 = arith.constant 32 : index
          %swap3A_201 = tpu.vector_load %arg14[%swap3A_199, %swap3A_200] {strides = array<i32>} : memref<80x64xf32, #tpu.memory_space<vmem>>, vector<1x16xf32>,
          %swap3A_202 = vector.shape_cast %swap3A_201 : vector<1x16xf32> to vector<16xf32>
          %swap3A_203 = vector.shape_cast %mul3A_198 : vector<16xf32> to vector<1x16xf32>
          tpu.vector_store %arg14[%swap3A_199, %swap3A_200], %swap3A_203 {strides = array<i32>} : memref<80x64xf32, #tpu.memory_space<vmem>>, vector<1x16xf32>,
          %get3A_204 = arith.index_cast %add3A_171 : i32 to index
          %get3A_205 = arith.constant 48 : index
          %get3A_206 = tpu.vector_load %arg12[%get3A_204, %get3A_205] {strides = array<i32>} : memref<80x64xf32, #tpu.memory_space<vmem>>, vector<1x16xf32>,
          %get3A_207 = vector.shape_cast %get3A_206 : vector<1x16xf32> to vector<16xf32>
          %mul3A_208 = vector.broadcast %squeeze3A : f32 to vector<16xf32>
          %mul3A_209 = arith.mulf %get3A_207, %mul3A_208 : vector<16xf32>
          %swap3A_210 = arith.index_cast %add3A_171 : i32 to index
          %swap3A_211 = arith.constant 48 : index
          %swap3A_212 = tpu.vector_load %arg14[%swap3A_210, %swap3A_211] {strides = array<i32>} : memref<80x64xf32, #tpu.memory_space<vmem>>, vector<1x16xf32>,
          %swap3A_213 = vector.shape_cast %swap3A_212 : vector<1x16xf32> to vector<16xf32>
          %swap3A_214 = vector.shape_cast %mul3A_209 : vector<16xf32> to vector<1x16xf32>
          tpu.vector_store %arg14[%swap3A_210, %swap3A_211], %swap3A_214 {strides = array<i32>} : memref<80x64xf32, #tpu.memory_space<vmem>>, vector<1x16xf32>,
          %mul3A_215 = arith.constant 16 : i32
          %mul3A_216 = arith.muli %scan3A_162, %mul3A_215 : i32
          %add3A_217 = arith.constant 1 : i32
          %add3A_218 = arith.addi %mul3A_216, %add3A_217 : i32
          %slice3A_219 = vector.extract_strided_slice %get3A_167 {offsets = [1], sizes = [1], strides = [1]} : vector<16xf32> to vector<1xf32>
          %squeeze3A_220 = vector.extract %slice3A_219[0] : f32 from vector<1xf32>
          %get3A_221 = arith.index_cast %add3A_218 : i32 to index
          %get3A_222 = arith.constant 0 : index
          %get3A_223 = tpu.vector_load %arg12[%get3A_221, %get3A_222] {strides = array<i32>} : memref<80x64xf32, #tpu.memory_space<vmem>>, vector<1x16xf32>,
          %get3A_224 = vector.shape_cast %get3A_223 : vector<1x16xf32> to vector<16xf32>
          %mul3A_225 = vector.broadcast %squeeze3A_220 : f32 to vector<16xf32>
          %mul3A_226 = arith.mulf %get3A_224, %mul3A_225 : vector<16xf32>
          %swap3A_227 = arith.index_cast %add3A_218 : i32 to index
          %swap3A_228 = arith.constant 0 : index
          %swap3A_229 = tpu.vector_load %arg14[%swap3A_227, %swap3A_228] {strides = array<i32>} : memref<80x64xf32, #tpu.memory_space<vmem>>, vector<1x16xf32>,
          %swap3A_230 = vector.shape_cast %swap3A_229 : vector<1x16xf32> to vector<16xf32>
          %swap3A_231 = vector.shape_cast %mul3A_226 : vector<16xf32> to vector<1x16xf32>
          tpu.vector_store %arg14[%swap3A_227, %swap3A_228], %swap3A_231 {strides = array<i32>} : memref<80x64xf32, #tpu.memory_space<vmem>>, vector<1x16xf32>,
          %get3A_232 = arith.index_cast %add3A_218 : i32 to index
          %get3A_233 = arith.constant 16 : index
          %get3A_234 = tpu.vector_load %arg12[%get3A_232, %get3A_233] {strides = array<i32>} : memref<80x64xf32, #tpu.memory_space<vmem>>, vector<1x16xf32>,
          %get3A_235 = vector.shape_cast %get3A_234 : vector<1x16xf32> to vector<16xf32>
          %mul3A_236 = vector.broadcast %squeeze3A_220 : f32 to vector<16xf32>
          %mul3A_237 = arith.mulf %get3A_235, %mul3A_236 : vector<16xf32>
          %swap3A_238 = arith.index_cast %add3A_218 : i32 to index
          %swap3A_239 = arith.constant 16 : index
          %swap3A_240 = tpu.vector_load %arg14[%swap3A_238, %swap3A_239] {strides = array<i32>} : memref<80x64xf32, #tpu.memory_space<vmem>>, vector<1x16xf32>,
          %swap3A_241 = vector.shape_cast %swap3A_240 : vector<1x16xf32> to vector<16xf32>
          %swap3A_242 = vector.shape_cast %mul3A_237 : vector<16xf32> to vector<1x16xf32>
          tpu.vector_store %arg14[%swap3A_238, %swap3A_239], %swap3A_242 {strides = array<i32>} : memref<80x64xf32, #tpu.memory_space<vmem>>, vector<1x16xf32>,
          %get3A_243 = arith.index_cast %add3A_218 : i32 to index
          %get3A_244 = arith.constant 32 : index
          %get3A_245 = tpu.vector_load %arg12[%get3A_243, %get3A_244] {strides = array<i32>} : memref<80x64xf32, #tpu.memory_space<vmem>>, vector<1x16xf32>,
          %get3A_246 = vector.shape_cast %get3A_245 : vector<1x16xf32> to vector<16xf32>
          %mul3A_247 = vector.broadcast %squeeze3A_220 : f32 to vector<16xf32>
          %mul3A_248 = arith.mulf %get3A_246, %mul3A_247 : vector<16xf32>
          %swap3A_249 = arith.index_cast %add3A_218 : i32 to index
          %swap3A_250 = arith.constant 32 : index
          %swap3A_251 = tpu.vector_load %arg14[%swap3A_249, %swap3A_250] {strides = array<i32>} : memref<80x64xf32, #tpu.memory_space<vmem>>, vector<1x16xf32>,
          %swap3A_252 = vector.shape_cast %swap3A_251 : vector<1x16xf32> to vector<16xf32>
          %swap3A_253 = vector.shape_cast %mul3A_248 : vector<16xf32> to vector<1x16xf32>
          tpu.vector_store %arg14[%swap3A_249, %swap3A_250], %swap3A_253 {strides = array<i32>} : memref<80x64xf32, #tpu.memory_space<vmem>>, vector<1x16xf32>,
          %get3A_254 = arith.index_cast %add3A_218 : i32 to index
          %get3A_255 = arith.constant 48 : index
          %get3A_256 = tpu.vector_load %arg12[%get3A_254, %get3A_255] {strides = array<i32>} : memref<80x64xf32, #tpu.memory_space<vmem>>, vector<1x16xf32>,
          %get3A_257 = vector.shape_cast %get3A_256 : vector<1x16xf32> to vector<16xf32>
          %mul3A_258 = vector.broadcast %squeeze3A_220 : f32 to vector<16xf32>
          %mul3A_259 = arith.mulf %get3A_257, %mul3A_258 : vector<16xf32>
          %swap3A_260 = arith.index_cast %add3A_218 : i32 to index
          %swap3A_261 = arith.constant 48 : index
          %swap3A_262 = tpu.vector_load %arg14[%swap3A_260, %swap3A_261] {strides = array<i32>} : memref<80x64xf32, #tpu.memory_space<vmem>>, vector<1x16xf32>,
          %swap3A_263 = vector.shape_cast %swap3A_262 : vector<1x16xf32> to vector<16xf32>
          %swap3A_264 = vector.shape_cast %mul3A_259 : vector<16xf32> to vector<1x16xf32>
          tpu.vector_store %arg14[%swap3A_260, %swap3A_261], %swap3A_264 {strides = array<i32>} : memref<80x64xf32, #tpu.memory_space<vmem>>, vector<1x16xf32>,
          %mul3A_265 = arith.constant 16 : i32
          %mul3A_266 = arith.muli %scan3A_162, %mul3A_265 : i32
          %add3A_267 = arith.constant 2 : i32
          %add3A_268 = arith.addi %mul3A_266, %add3A_267 : i32
          %slice3A_269 = vector.extract_strided_slice %get3A_167 {offsets = [2], sizes = [1], strides = [1]} : vector<16xf32> to vector<1xf32>
          %squeeze3A_270 = vector.extract %slice3A_269[0] : f32 from vector<1xf32>
          %get3A_271 = arith.index_cast %add3A_268 : i32 to index
          %get3A_272 = arith.constant 0 : index
          %get3A_273 = tpu.vector_load %arg12[%get3A_271, %get3A_272] {strides = array<i32>} : memref<80x64xf32, #tpu.memory_space<vmem>>, vector<1x16xf32>,
          %get3A_274 = vector.shape_cast %get3A_273 : vector<1x16xf32> to vector<16xf32>
          %mul3A_275 = vector.broadcast %squeeze3A_270 : f32 to vector<16xf32>
          %mul3A_276 = arith.mulf %get3A_274, %mul3A_275 : vector<16xf32>
          %swap3A_277 = arith.index_cast %add3A_268 : i32 to index
          %swap3A_278 = arith.constant 0 : index
          %swap3A_279 = tpu.vector_load %arg14[%swap3A_277, %swap3A_278] {strides = array<i32>} : memref<80x64xf32, #tpu.memory_space<vmem>>, vector<1x16xf32>,
          %swap3A_280 = vector.shape_cast %swap3A_279 : vector<1x16xf32> to vector<16xf32>
          %swap3A_281 = vector.shape_cast %mul3A_276 : vector<16xf32> to vector<1x16xf32>
          tpu.vector_store %arg14[%swap3A_277, %swap3A_278], %swap3A_281 {strides = array<i32>} : memref<80x64xf32, #tpu.memory_space<vmem>>, vector<1x16xf32>,
          %get3A_282 = arith.index_cast %add3A_268 : i32 to index
          %get3A_283 = arith.constant 16 : index
          %get3A_284 = tpu.vector_load %arg12[%get3A_282, %get3A_283] {strides = array<i32>} : memref<80x64xf32, #tpu.memory_space<vmem>>, vector<1x16xf32>,
          %get3A_285 = vector.shape_cast %get3A_284 : vector<1x16xf32> to vector<16xf32>
          %mul3A_286 = vector.broadcast %squeeze3A_270 : f32 to vector<16xf32>
          %mul3A_287 = arith.mulf %get3A_285, %mul3A_286 : vector<16xf32>
          %swap3A_288 = arith.index_cast %add3A_268 : i32 to index
          %swap3A_289 = arith.constant 16 : index
          %swap3A_290 = tpu.vector_load %arg14[%swap3A_288, %swap3A_289] {strides = array<i32>} : memref<80x64xf32, #tpu.memory_space<vmem>>, vector<1x16xf32>,
          %swap3A_291 = vector.shape_cast %swap3A_290 : vector<1x16xf32> to vector<16xf32>
          %swap3A_292 = vector.shape_cast %mul3A_287 : vector<16xf32> to vector<1x16xf32>
          tpu.vector_store %arg14[%swap3A_288, %swap3A_289], %swap3A_292 {strides = array<i32>} : memref<80x64xf32, #tpu.memory_space<vmem>>, vector<1x16xf32>,
          %get3A_293 = arith.index_cast %add3A_268 : i32 to index
          %get3A_294 = arith.constant 32 : index
          %get3A_295 = tpu.vector_load %arg12[%get3A_293, %get3A_294] {strides = array<i32>} : memref<80x64xf32, #tpu.memory_space<vmem>>, vector<1x16xf32>,
          %get3A_296 = vector.shape_cast %get3A_295 : vector<1x16xf32> to vector<16xf32>
          %mul3A_297 = vector.broadcast %squeeze3A_270 : f32 to vector<16xf32>
          %mul3A_298 = arith.mulf %get3A_296, %mul3A_297 : vector<16xf32>
          %swap3A_299 = arith.index_cast %add3A_268 : i32 to index
          %swap3A_300 = arith.constant 32 : index
          %swap3A_301 = tpu.vector_load %arg14[%swap3A_299, %swap3A_300] {strides = array<i32>} : memref<80x64xf32, #tpu.memory_space<vmem>>, vector<1x16xf32>,
          %swap3A_302 = vector.shape_cast %swap3A_301 : vector<1x16xf32> to vector<16xf32>
          %swap3A_303 = vector.shape_cast %mul3A_298 : vector<16xf32> to vector<1x16xf32>
          tpu.vector_store %arg14[%swap3A_299, %swap3A_300], %swap3A_303 {strides = array<i32>} : memref<80x64xf32, #tpu.memory_space<vmem>>, vector<1x16xf32>,
          %get3A_304 = arith.index_cast %add3A_268 : i32 to index
          %get3A_305 = arith.constant 48 : index
          %get3A_306 = tpu.vector_load %arg12[%get3A_304, %get3A_305] {strides = array<i32>} : memref<80x64xf32, #tpu.memory_space<vmem>>, vector<1x16xf32>,
          %get3A_307 = vector.shape_cast %get3A_306 : vector<1x16xf32> to vector<16xf32>
          %mul3A_308 = vector.broadcast %squeeze3A_270 : f32 to vector<16xf32>
          %mul3A_309 = arith.mulf %get3A_307, %mul3A_308 : vector<16xf32>
          %swap3A_310 = arith.index_cast %add3A_268 : i32 to index
          %swap3A_311 = arith.constant 48 : index
          %swap3A_312 = tpu.vector_load %arg14[%swap3A_310, %swap3A_311] {strides = array<i32>} : memref<80x64xf32, #tpu.memory_space<vmem>>, vector<1x16xf32>,
          %swap3A_313 = vector.shape_cast %swap3A_312 : vector<1x16xf32> to vector<16xf32>
          %swap3A_314 = vector.shape_cast %mul3A_309 : vector<16xf32> to vector<1x16xf32>
          tpu.vector_store %arg14[%swap3A_310, %swap3A_311], %swap3A_314 {strides = array<i32>} : memref<80x64xf32, #tpu.memory_space<vmem>>, vector<1x16xf32>,
          %mul3A_315 = arith.constant 16 : i32
          %mul3A_316 = arith.muli %scan3A_162, %mul3A_315 : i32
          %add3A_317 = arith.constant 3 : i32
          %add3A_318 = arith.addi %mul3A_316, %add3A_317 : i32
          %slice3A_319 = vector.extract_strided_slice %get3A_167 {offsets = [3], sizes = [1], strides = [1]} : vector<16xf32> to vector<1xf32>
          %squeeze3A_320 = vector.extract %slice3A_319[0] : f32 from vector<1xf32>
          %get3A_321 = arith.index_cast %add3A_318 : i32 to index
          %get3A_322 = arith.constant 0 : index
          %get3A_323 = tpu.vector_load %arg12[%get3A_321, %get3A_322] {strides = array<i32>} : memref<80x64xf32, #tpu.memory_space<vmem>>, vector<1x16xf32>,
          %get3A_324 = vector.shape_cast %get3A_323 : vector<1x16xf32> to vector<16xf32>
          %mul3A_325 = vector.broadcast %squeeze3A_320 : f32 to vector<16xf32>
          %mul3A_326 = arith.mulf %get3A_324, %mul3A_325 : vector<16xf32>
          %swap3A_327 = arith.index_cast %add3A_318 : i32 to index
          %swap3A_328 = arith.constant 0 : index
          %swap3A_329 = tpu.vector_load %arg14[%swap3A_327, %swap3A_328] {strides = array<i32>} : memref<80x64xf32, #tpu.memory_space<vmem>>, vector<1x16xf32>,
          %swap3A_330 = vector.shape_cast %swap3A_329 : vector<1x16xf32> to vector<16xf32>
          %swap3A_331 = vector.shape_cast %mul3A_326 : vector<16xf32> to vector<1x16xf32>
          tpu.vector_store %arg14[%swap3A_327, %swap3A_328], %swap3A_331 {strides = array<i32>} : memref<80x64xf32, #tpu.memory_space<vmem>>, vector<1x16xf32>,
          %get3A_332 = arith.index_cast %add3A_318 : i32 to index
          %get3A_333 = arith.constant 16 : index
          %get3A_334 = tpu.vector_load %arg12[%get3A_332, %get3A_333] {strides = array<i32>} : memref<80x64xf32, #tpu.memory_space<vmem>>, vector<1x16xf32>,
          %get3A_335 = vector.shape_cast %get3A_334 : vector<1x16xf32> to vector<16xf32>
          %mul3A_336 = vector.broadcast %squeeze3A_320 : f32 to vector<16xf32>
          %mul3A_337 = arith.mulf %get3A_335, %mul3A_336 : vector<16xf32>
          %swap3A_338 = arith.index_cast %add3A_318 : i32 to index
          %swap3A_339 = arith.constant 16 : index
          %swap3A_340 = tpu.vector_load %arg14[%swap3A_338, %swap3A_339] {strides = array<i32>} : memref<80x64xf32, #tpu.memory_space<vmem>>, vector<1x16xf32>,
          %swap3A_341 = vector.shape_cast %swap3A_340 : vector<1x16xf32> to vector<16xf32>
          %swap3A_342 = vector.shape_cast %mul3A_337 : vector<16xf32> to vector<1x16xf32>
          tpu.vector_store %arg14[%swap3A_338, %swap3A_339], %swap3A_342 {strides = array<i32>} : memref<80x64xf32, #tpu.memory_space<vmem>>, vector<1x16xf32>,
          %get3A_343 = arith.index_cast %add3A_318 : i32 to index
          %get3A_344 = arith.constant 32 : index
          %get3A_345 = tpu.vector_load %arg12[%get3A_343, %get3A_344] {strides = array<i32>} : memref<80x64xf32, #tpu.memory_space<vmem>>, vector<1x16xf32>,
          %get3A_346 = vector.shape_cast %get3A_345 : vector<1x16xf32> to vector<16xf32>
          %mul3A_347 = vector.broadcast %squeeze3A_320 : f32 to vector<16xf32>
          %mul3A_348 = arith.mulf %get3A_346, %mul3A_347 : vector<16xf32>
          %swap3A_349 = arith.index_cast %add3A_318 : i32 to index
          %swap3A_350 = arith.constant 32 : index
          %swap3A_351 = tpu.vector_load %arg14[%swap3A_349, %swap3A_350] {strides = array<i32>} : memref<80x64xf32, #tpu.memory_space<vmem>>, vector<1x16xf32>,
          %swap3A_352 = vector.shape_cast %swap3A_351 : vector<1x16xf32> to vector<16xf32>
          %swap3A_353 = vector.shape_cast %mul3A_348 : vector<16xf32> to vector<1x16xf32>
          tpu.vector_store %arg14[%swap3A_349, %swap3A_350], %swap3A_353 {strides = array<i32>} : memref<80x64xf32, #tpu.memory_space<vmem>>, vector<1x16xf32>,
          %get3A_354 = arith.index_cast %add3A_318 : i32 to index
          %get3A_355 = arith.constant 48 : index
          %get3A_356 = tpu.vector_load %arg12[%get3A_354, %get3A_355] {strides = array<i32>} : memref<80x64xf32, #tpu.memory_space<vmem>>, vector<1x16xf32>,
          %get3A_357 = vector.shape_cast %get3A_356 : vector<1x16xf32> to vector<16xf32>
          %mul3A_358 = vector.broadcast %squeeze3A_320 : f32 to vector<16xf32>
          %mul3A_359 = arith.mulf %get3A_357, %mul3A_358 : vector<16xf32>
          %swap3A_360 = arith.index_cast %add3A_318 : i32 to index
          %swap3A_361 = arith.constant 48 : index
          %swap3A_362 = tpu.vector_load %arg14[%swap3A_360, %swap3A_361] {strides = array<i32>} : memref<80x64xf32, #tpu.memory_space<vmem>>, vector<1x16xf32>,
          %swap3A_363 = vector.shape_cast %swap3A_362 : vector<1x16xf32> to vector<16xf32>
          %swap3A_364 = vector.shape_cast %mul3A_359 : vector<16xf32> to vector<1x16xf32>
          tpu.vector_store %arg14[%swap3A_360, %swap3A_361], %swap3A_364 {strides = array<i32>} : memref<80x64xf32, #tpu.memory_space<vmem>>, vector<1x16xf32>,
          %mul3A_365 = arith.constant 16 : i32
          %mul3A_366 = arith.muli %scan3A_162, %mul3A_365 : i32
          %add3A_367 = arith.constant 4 : i32
          %add3A_368 = arith.addi %mul3A_366, %add3A_367 : i32
          %slice3A_369 = vector.extract_strided_slice %get3A_167 {offsets = [4], sizes = [1], strides = [1]} : vector<16xf32> to vector<1xf32>
          %squeeze3A_370 = vector.extract %slice3A_369[0] : f32 from vector<1xf32>
          %get3A_371 = arith.index_cast %add3A_368 : i32 to index
          %get3A_372 = arith.constant 0 : index
          %get3A_373 = tpu.vector_load %arg12[%get3A_371, %get3A_372] {strides = array<i32>} : memref<80x64xf32, #tpu.memory_space<vmem>>, vector<1x16xf32>,
          %get3A_374 = vector.shape_cast %get3A_373 : vector<1x16xf32> to vector<16xf32>
          %mul3A_375 = vector.broadcast %squeeze3A_370 : f32 to vector<16xf32>
          %mul3A_376 = arith.mulf %get3A_374, %mul3A_375 : vector<16xf32>
          %swap3A_377 = arith.index_cast %add3A_368 : i32 to index
          %swap3A_378 = arith.constant 0 : index
          %swap3A_379 = tpu.vector_load %arg14[%swap3A_377, %swap3A_378] {strides = array<i32>} : memref<80x64xf32, #tpu.memory_space<vmem>>, vector<1x16xf32>,
          %swap3A_380 = vector.shape_cast %swap3A_379 : vector<1x16xf32> to vector<16xf32>
          %swap3A_381 = vector.shape_cast %mul3A_376 : vector<16xf32> to vector<1x16xf32>
          tpu.vector_store %arg14[%swap3A_377, %swap3A_378], %swap3A_381 {strides = array<i32>} : memref<80x64xf32, #tpu.memory_space<vmem>>, vector<1x16xf32>,
          %get3A_382 = arith.index_cast %add3A_368 : i32 to index
          %get3A_383 = arith.constant 16 : index
          %get3A_384 = tpu.vector_load %arg12[%get3A_382, %get3A_383] {strides = array<i32>} : memref<80x64xf32, #tpu.memory_space<vmem>>, vector<1x16xf32>,
          %get3A_385 = vector.shape_cast %get3A_384 : vector<1x16xf32> to vector<16xf32>
          %mul3A_386 = vector.broadcast %squeeze3A_370 : f32 to vector<16xf32>
          %mul3A_387 = arith.mulf %get3A_385, %mul3A_386 : vector<16xf32>
          %swap3A_388 = arith.index_cast %add3A_368 : i32 to index
          %swap3A_389 = arith.constant 16 : index
          %swap3A_390 = tpu.vector_load %arg14[%swap3A_388, %swap3A_389] {strides = array<i32>} : memref<80x64xf32, #tpu.memory_space<vmem>>, vector<1x16xf32>,
          %swap3A_391 = vector.shape_cast %swap3A_390 : vector<1x16xf32> to vector<16xf32>
          %swap3A_392 = vector.shape_cast %mul3A_387 : vector<16xf32> to vector<1x16xf32>
          tpu.vector_store %arg14[%swap3A_388, %swap3A_389], %swap3A_392 {strides = array<i32>} : memref<80x64xf32, #tpu.memory_space<vmem>>, vector<1x16xf32>,
          %get3A_393 = arith.index_cast %add3A_368 : i32 to index
          %get3A_394 = arith.constant 32 : index
          %get3A_395 = tpu.vector_load %arg12[%get3A_393, %get3A_394] {strides = array<i32>} : memref<80x64xf32, #tpu.memory_space<vmem>>, vector<1x16xf32>,
          %get3A_396 = vector.shape_cast %get3A_395 : vector<1x16xf32> to vector<16xf32>
          %mul3A_397 = vector.broadcast %squeeze3A_370 : f32 to vector<16xf32>
          %mul3A_398 = arith.mulf %get3A_396, %mul3A_397 : vector<16xf32>
          %swap3A_399 = arith.index_cast %add3A_368 : i32 to index
          %swap3A_400 = arith.constant 32 : index
          %swap3A_401 = tpu.vector_load %arg14[%swap3A_399, %swap3A_400] {strides = array<i32>} : memref<80x64xf32, #tpu.memory_space<vmem>>, vector<1x16xf32>,
          %swap3A_402 = vector.shape_cast %swap3A_401 : vector<1x16xf32> to vector<16xf32>
          %swap3A_403 = vector.shape_cast %mul3A_398 : vector<16xf32> to vector<1x16xf32>
          tpu.vector_store %arg14[%swap3A_399, %swap3A_400], %swap3A_403 {strides = array<i32>} : memref<80x64xf32, #tpu.memory_space<vmem>>, vector<1x16xf32>,
          %get3A_404 = arith.index_cast %add3A_368 : i32 to index
          %get3A_405 = arith.constant 48 : index
          %get3A_406 = tpu.vector_load %arg12[%get3A_404, %get3A_405] {strides = array<i32>} : memref<80x64xf32, #tpu.memory_space<vmem>>, vector<1x16xf32>,
          %get3A_407 = vector.shape_cast %get3A_406 : vector<1x16xf32> to vector<16xf32>
          %mul3A_408 = vector.broadcast %squeeze3A_370 : f32 to vector<16xf32>
          %mul3A_409 = arith.mulf %get3A_407, %mul3A_408 : vector<16xf32>
          %swap3A_410 = arith.index_cast %add3A_368 : i32 to index
          %swap3A_411 = arith.constant 48 : index
          %swap3A_412 = tpu.vector_load %arg14[%swap3A_410, %swap3A_411] {strides = array<i32>} : memref<80x64xf32, #tpu.memory_space<vmem>>, vector<1x16xf32>,
          %swap3A_413 = vector.shape_cast %swap3A_412 : vector<1x16xf32> to vector<16xf32>
          %swap3A_414 = vector.shape_cast %mul3A_409 : vector<16xf32> to vector<1x16xf32>
          tpu.vector_store %arg14[%swap3A_410, %swap3A_411], %swap3A_414 {strides = array<i32>} : memref<80x64xf32, #tpu.memory_space<vmem>>, vector<1x16xf32>,
          %mul3A_415 = arith.constant 16 : i32
          %mul3A_416 = arith.muli %scan3A_162, %mul3A_415 : i32
          %add3A_417 = arith.constant 5 : i32
          %add3A_418 = arith.addi %mul3A_416, %add3A_417 : i32
          %slice3A_419 = vector.extract_strided_slice %get3A_167 {offsets = [5], sizes = [1], strides = [1]} : vector<16xf32> to vector<1xf32>
          %squeeze3A_420 = vector.extract %slice3A_419[0] : f32 from vector<1xf32>
          %get3A_421 = arith.index_cast %add3A_418 : i32 to index
          %get3A_422 = arith.constant 0 : index
          %get3A_423 = tpu.vector_load %arg12[%get3A_421, %get3A_422] {strides = array<i32>} : memref<80x64xf32, #tpu.memory_space<vmem>>, vector<1x16xf32>,
          %get3A_424 = vector.shape_cast %get3A_423 : vector<1x16xf32> to vector<16xf32>
          %mul3A_425 = vector.broadcast %squeeze3A_420 : f32 to vector<16xf32>
          %mul3A_426 = arith.mulf %get3A_424, %mul3A_425 : vector<16xf32>
          %swap3A_427 = arith.index_cast %add3A_418 : i32 to index
          %swap3A_428 = arith.constant 0 : index
          %swap3A_429 = tpu.vector_load %arg14[%swap3A_427, %swap3A_428] {strides = array<i32>} : memref<80x64xf32, #tpu.memory_space<vmem>>, vector<1x16xf32>,
          %swap3A_430 = vector.shape_cast %swap3A_429 : vector<1x16xf32> to vector<16xf32>
          %swap3A_431 = vector.shape_cast %mul3A_426 : vector<16xf32> to vector<1x16xf32>
          tpu.vector_store %arg14[%swap3A_427, %swap3A_428], %swap3A_431 {strides = array<i32>} : memref<80x64xf32, #tpu.memory_space<vmem>>, vector<1x16xf32>,
          %get3A_432 = arith.index_cast %add3A_418 : i32 to index
          %get3A_433 = arith.constant 16 : index
          %get3A_434 = tpu.vector_load %arg12[%get3A_432, %get3A_433] {strides = array<i32>} : memref<80x64xf32, #tpu.memory_space<vmem>>, vector<1x16xf32>,
          %get3A_435 = vector.shape_cast %get3A_434 : vector<1x16xf32> to vector<16xf32>
          %mul3A_436 = vector.broadcast %squeeze3A_420 : f32 to vector<16xf32>
          %mul3A_437 = arith.mulf %get3A_435, %mul3A_436 : vector<16xf32>
          %swap3A_438 = arith.index_cast %add3A_418 : i32 to index
          %swap3A_439 = arith.constant 16 : index
          %swap3A_440 = tpu.vector_load %arg14[%swap3A_438, %swap3A_439] {strides = array<i32>} : memref<80x64xf32, #tpu.memory_space<vmem>>, vector<1x16xf32>,
          %swap3A_441 = vector.shape_cast %swap3A_440 : vector<1x16xf32> to vector<16xf32>
          %swap3A_442 = vector.shape_cast %mul3A_437 : vector<16xf32> to vector<1x16xf32>
          tpu.vector_store %arg14[%swap3A_438, %swap3A_439], %swap3A_442 {strides = array<i32>} : memref<80x64xf32, #tpu.memory_space<vmem>>, vector<1x16xf32>,
          %get3A_443 = arith.index_cast %add3A_418 : i32 to index
          %get3A_444 = arith.constant 32 : index
          %get3A_445 = tpu.vector_load %arg12[%get3A_443, %get3A_444] {strides = array<i32>} : memref<80x64xf32, #tpu.memory_space<vmem>>, vector<1x16xf32>,
          %get3A_446 = vector.shape_cast %get3A_445 : vector<1x16xf32> to vector<16xf32>
          %mul3A_447 = vector.broadcast %squeeze3A_420 : f32 to vector<16xf32>
          %mul3A_448 = arith.mulf %get3A_446, %mul3A_447 : vector<16xf32>
          %swap3A_449 = arith.index_cast %add3A_418 : i32 to index
          %swap3A_450 = arith.constant 32 : index
          %swap3A_451 = tpu.vector_load %arg14[%swap3A_449, %swap3A_450] {strides = array<i32>} : memref<80x64xf32, #tpu.memory_space<vmem>>, vector<1x16xf32>,
          %swap3A_452 = vector.shape_cast %swap3A_451 : vector<1x16xf32> to vector<16xf32>
          %swap3A_453 = vector.shape_cast %mul3A_448 : vector<16xf32> to vector<1x16xf32>
          tpu.vector_store %arg14[%swap3A_449, %swap3A_450], %swap3A_453 {strides = array<i32>} : memref<80x64xf32, #tpu.memory_space<vmem>>, vector<1x16xf32>,
          %get3A_454 = arith.index_cast %add3A_418 : i32 to index
          %get3A_455 = arith.constant 48 : index
          %get3A_456 = tpu.vector_load %arg12[%get3A_454, %get3A_455] {strides = array<i32>} : memref<80x64xf32, #tpu.memory_space<vmem>>, vector<1x16xf32>,
          %get3A_457 = vector.shape_cast %get3A_456 : vector<1x16xf32> to vector<16xf32>
          %mul3A_458 = vector.broadcast %squeeze3A_420 : f32 to vector<16xf32>
          %mul3A_459 = arith.mulf %get3A_457, %mul3A_458 : vector<16xf32>
          %swap3A_460 = arith.index_cast %add3A_418 : i32 to index
          %swap3A_461 = arith.constant 48 : index
          %swap3A_462 = tpu.vector_load %arg14[%swap3A_460, %swap3A_461] {strides = array<i32>} : memref<80x64xf32, #tpu.memory_space<vmem>>, vector<1x16xf32>,
          %swap3A_463 = vector.shape_cast %swap3A_462 : vector<1x16xf32> to vector<16xf32>
          %swap3A_464 = vector.shape_cast %mul3A_459 : vector<16xf32> to vector<1x16xf32>
          tpu.vector_store %arg14[%swap3A_460, %swap3A_461], %swap3A_464 {strides = array<i32>} : memref<80x64xf32, #tpu.memory_space<vmem>>, vector<1x16xf32>,
          %mul3A_465 = arith.constant 16 : i32
          %mul3A_466 = arith.muli %scan3A_162, %mul3A_465 : i32
          %add3A_467 = arith.constant 6 : i32
          %add3A_468 = arith.addi %mul3A_466, %add3A_467 : i32
          %slice3A_469 = vector.extract_strided_slice %get3A_167 {offsets = [6], sizes = [1], strides = [1]} : vector<16xf32> to vector<1xf32>
          %squeeze3A_470 = vector.extract %slice3A_469[0] : f32 from vector<1xf32>
          %get3A_471 = arith.index_cast %add3A_468 : i32 to index
          %get3A_472 = arith.constant 0 : index
          %get3A_473 = tpu.vector_load %arg12[%get3A_471, %get3A_472] {strides = array<i32>} : memref<80x64xf32, #tpu.memory_space<vmem>>, vector<1x16xf32>,
          %get3A_474 = vector.shape_cast %get3A_473 : vector<1x16xf32> to vector<16xf32>
          %mul3A_475 = vector.broadcast %squeeze3A_470 : f32 to vector<16xf32>
          %mul3A_476 = arith.mulf %get3A_474, %mul3A_475 : vector<16xf32>
          %swap3A_477 = arith.index_cast %add3A_468 : i32 to index
          %swap3A_478 = arith.constant 0 : index
          %swap3A_479 = tpu.vector_load %arg14[%swap3A_477, %swap3A_478] {strides = array<i32>} : memref<80x64xf32, #tpu.memory_space<vmem>>, vector<1x16xf32>,
          %swap3A_480 = vector.shape_cast %swap3A_479 : vector<1x16xf32> to vector<16xf32>
          %swap3A_481 = vector.shape_cast %mul3A_476 : vector<16xf32> to vector<1x16xf32>
          tpu.vector_store %arg14[%swap3A_477, %swap3A_478], %swap3A_481 {strides = array<i32>} : memref<80x64xf32, #tpu.memory_space<vmem>>, vector<1x16xf32>,
          %get3A_482 = arith.index_cast %add3A_468 : i32 to index
          %get3A_483 = arith.constant 16 : index
          %get3A_484 = tpu.vector_load %arg12[%get3A_482, %get3A_483] {strides = array<i32>} : memref<80x64xf32, #tpu.memory_space<vmem>>, vector<1x16xf32>,
          %get3A_485 = vector.shape_cast %get3A_484 : vector<1x16xf32> to vector<16xf32>
          %mul3A_486 = vector.broadcast %squeeze3A_470 : f32 to vector<16xf32>
          %mul3A_487 = arith.mulf %get3A_485, %mul3A_486 : vector<16xf32>
          %swap3A_488 = arith.index_cast %add3A_468 : i32 to index
          %swap3A_489 = arith.constant 16 : index
          %swap3A_490 = tpu.vector_load %arg14[%swap3A_488, %swap3A_489] {strides = array<i32>} : memref<80x64xf32, #tpu.memory_space<vmem>>, vector<1x16xf32>,
          %swap3A_491 = vector.shape_cast %swap3A_490 : vector<1x16xf32> to vector<16xf32>
          %swap3A_492 = vector.shape_cast %mul3A_487 : vector<16xf32> to vector<1x16xf32>
          tpu.vector_store %arg14[%swap3A_488, %swap3A_489], %swap3A_492 {strides = array<i32>} : memref<80x64xf32, #tpu.memory_space<vmem>>, vector<1x16xf32>,
          %get3A_493 = arith.index_cast %add3A_468 : i32 to index
          %get3A_494 = arith.constant 32 : index
          %get3A_495 = tpu.vector_load %arg12[%get3A_493, %get3A_494] {strides = array<i32>} : memref<80x64xf32, #tpu.memory_space<vmem>>, vector<1x16xf32>,
          %get3A_496 = vector.shape_cast %get3A_495 : vector<1x16xf32> to vector<16xf32>
          %mul3A_497 = vector.broadcast %squeeze3A_470 : f32 to vector<16xf32>
          %mul3A_498 = arith.mulf %get3A_496, %mul3A_497 : vector<16xf32>
          %swap3A_499 = arith.index_cast %add3A_468 : i32 to index
          %swap3A_500 = arith.constant 32 : index
          %swap3A_501 = tpu.vector_load %arg14[%swap3A_499, %swap3A_500] {strides = array<i32>} : memref<80x64xf32, #tpu.memory_space<vmem>>, vector<1x16xf32>,
          %swap3A_502 = vector.shape_cast %swap3A_501 : vector<1x16xf32> to vector<16xf32>
          %swap3A_503 = vector.shape_cast %mul3A_498 : vector<16xf32> to vector<1x16xf32>
          tpu.vector_store %arg14[%swap3A_499, %swap3A_500], %swap3A_503 {strides = array<i32>} : memref<80x64xf32, #tpu.memory_space<vmem>>, vector<1x16xf32>,
          %get3A_504 = arith.index_cast %add3A_468 : i32 to index
          %get3A_505 = arith.constant 48 : index
          %get3A_506 = tpu.vector_load %arg12[%get3A_504, %get3A_505] {strides = array<i32>} : memref<80x64xf32, #tpu.memory_space<vmem>>, vector<1x16xf32>,
          %get3A_507 = vector.shape_cast %get3A_506 : vector<1x16xf32> to vector<16xf32>
          %mul3A_508 = vector.broadcast %squeeze3A_470 : f32 to vector<16xf32>
          %mul3A_509 = arith.mulf %get3A_507, %mul3A_508 : vector<16xf32>
          %swap3A_510 = arith.index_cast %add3A_468 : i32 to index
          %swap3A_511 = arith.constant 48 : index
          %swap3A_512 = tpu.vector_load %arg14[%swap3A_510, %swap3A_511] {strides = array<i32>} : memref<80x64xf32, #tpu.memory_space<vmem>>, vector<1x16xf32>,
          %swap3A_513 = vector.shape_cast %swap3A_512 : vector<1x16xf32> to vector<16xf32>
          %swap3A_514 = vector.shape_cast %mul3A_509 : vector<16xf32> to vector<1x16xf32>
          tpu.vector_store %arg14[%swap3A_510, %swap3A_511], %swap3A_514 {strides = array<i32>} : memref<80x64xf32, #tpu.memory_space<vmem>>, vector<1x16xf32>,
          %mul3A_515 = arith.constant 16 : i32
          %mul3A_516 = arith.muli %scan3A_162, %mul3A_515 : i32
          %add3A_517 = arith.constant 7 : i32
          %add3A_518 = arith.addi %mul3A_516, %add3A_517 : i32
          %slice3A_519 = vector.extract_strided_slice %get3A_167 {offsets = [7], sizes = [1], strides = [1]} : vector<16xf32> to vector<1xf32>
          %squeeze3A_520 = vector.extract %slice3A_519[0] : f32 from vector<1xf32>
          %get3A_521 = arith.index_cast %add3A_518 : i32 to index
          %get3A_522 = arith.constant 0 : index
          %get3A_523 = tpu.vector_load %arg12[%get3A_521, %get3A_522] {strides = array<i32>} : memref<80x64xf32, #tpu.memory_space<vmem>>, vector<1x16xf32>,
          %get3A_524 = vector.shape_cast %get3A_523 : vector<1x16xf32> to vector<16xf32>
          %mul3A_525 = vector.broadcast %squeeze3A_520 : f32 to vector<16xf32>
          %mul3A_526 = arith.mulf %get3A_524, %mul3A_525 : vector<16xf32>
          %swap3A_527 = arith.index_cast %add3A_518 : i32 to index
          %swap3A_528 = arith.constant 0 : index
          %swap3A_529 = tpu.vector_load %arg14[%swap3A_527, %swap3A_528] {strides = array<i32>} : memref<80x64xf32, #tpu.memory_space<vmem>>, vector<1x16xf32>,
          %swap3A_530 = vector.shape_cast %swap3A_529 : vector<1x16xf32> to vector<16xf32>
          %swap3A_531 = vector.shape_cast %mul3A_526 : vector<16xf32> to vector<1x16xf32>
          tpu.vector_store %arg14[%swap3A_527, %swap3A_528], %swap3A_531 {strides = array<i32>} : memref<80x64xf32, #tpu.memory_space<vmem>>, vector<1x16xf32>,
          %get3A_532 = arith.index_cast %add3A_518 : i32 to index
          %get3A_533 = arith.constant 16 : index
          %get3A_534 = tpu.vector_load %arg12[%get3A_532, %get3A_533] {strides = array<i32>} : memref<80x64xf32, #tpu.memory_space<vmem>>, vector<1x16xf32>,
          %get3A_535 = vector.shape_cast %get3A_534 : vector<1x16xf32> to vector<16xf32>
          %mul3A_536 = vector.broadcast %squeeze3A_520 : f32 to vector<16xf32>
          %mul3A_537 = arith.mulf %get3A_535, %mul3A_536 : vector<16xf32>
          %swap3A_538 = arith.index_cast %add3A_518 : i32 to index
          %swap3A_539 = arith.constant 16 : index
          %swap3A_540 = tpu.vector_load %arg14[%swap3A_538, %swap3A_539] {strides = array<i32>} : memref<80x64xf32, #tpu.memory_space<vmem>>, vector<1x16xf32>,
          %swap3A_541 = vector.shape_cast %swap3A_540 : vector<1x16xf32> to vector<16xf32>
          %swap3A_542 = vector.shape_cast %mul3A_537 : vector<16xf32> to vector<1x16xf32>
          tpu.vector_store %arg14[%swap3A_538, %swap3A_539], %swap3A_542 {strides = array<i32>} : memref<80x64xf32, #tpu.memory_space<vmem>>, vector<1x16xf32>,
          %get3A_543 = arith.index_cast %add3A_518 : i32 to index
          %get3A_544 = arith.constant 32 : index
          %get3A_545 = tpu.vector_load %arg12[%get3A_543, %get3A_544] {strides = array<i32>} : memref<80x64xf32, #tpu.memory_space<vmem>>, vector<1x16xf32>,
          %get3A_546 = vector.shape_cast %get3A_545 : vector<1x16xf32> to vector<16xf32>
          %mul3A_547 = vector.broadcast %squeeze3A_520 : f32 to vector<16xf32>
          %mul3A_548 = arith.mulf %get3A_546, %mul3A_547 : vector<16xf32>
          %swap3A_549 = arith.index_cast %add3A_518 : i32 to index
          %swap3A_550 = arith.constant 32 : index
          %swap3A_551 = tpu.vector_load %arg14[%swap3A_549, %swap3A_550] {strides = array<i32>} : memref<80x64xf32, #tpu.memory_space<vmem>>, vector<1x16xf32>,
          %swap3A_552 = vector.shape_cast %swap3A_551 : vector<1x16xf32> to vector<16xf32>
          %swap3A_553 = vector.shape_cast %mul3A_548 : vector<16xf32> to vector<1x16xf32>
          tpu.vector_store %arg14[%swap3A_549, %swap3A_550], %swap3A_553 {strides = array<i32>} : memref<80x64xf32, #tpu.memory_space<vmem>>, vector<1x16xf32>,
          %get3A_554 = arith.index_cast %add3A_518 : i32 to index
          %get3A_555 = arith.constant 48 : index
          %get3A_556 = tpu.vector_load %arg12[%get3A_554, %get3A_555] {strides = array<i32>} : memref<80x64xf32, #tpu.memory_space<vmem>>, vector<1x16xf32>,
          %get3A_557 = vector.shape_cast %get3A_556 : vector<1x16xf32> to vector<16xf32>
          %mul3A_558 = vector.broadcast %squeeze3A_520 : f32 to vector<16xf32>
          %mul3A_559 = arith.mulf %get3A_557, %mul3A_558 : vector<16xf32>
          %swap3A_560 = arith.index_cast %add3A_518 : i32 to index
          %swap3A_561 = arith.constant 48 : index
          %swap3A_562 = tpu.vector_load %arg14[%swap3A_560, %swap3A_561] {strides = array<i32>} : memref<80x64xf32, #tpu.memory_space<vmem>>, vector<1x16xf32>,
          %swap3A_563 = vector.shape_cast %swap3A_562 : vector<1x16xf32> to vector<16xf32>
          %swap3A_564 = vector.shape_cast %mul3A_559 : vector<16xf32> to vector<1x16xf32>
          tpu.vector_store %arg14[%swap3A_560, %swap3A_561], %swap3A_564 {strides = array<i32>} : memref<80x64xf32, #tpu.memory_space<vmem>>, vector<1x16xf32>,
          %mul3A_565 = arith.constant 16 : i32
          %mul3A_566 = arith.muli %scan3A_162, %mul3A_565 : i32
          %add3A_567 = arith.constant 8 : i32
          %add3A_568 = arith.addi %mul3A_566, %add3A_567 : i32
          %slice3A_569 = vector.extract_strided_slice %get3A_167 {offsets = [8], sizes = [1], strides = [1]} : vector<16xf32> to vector<1xf32>
          %squeeze3A_570 = vector.extract %slice3A_569[0] : f32 from vector<1xf32>
          %get3A_571 = arith.index_cast %add3A_568 : i32 to index
          %get3A_572 = arith.constant 0 : index
          %get3A_573 = tpu.vector_load %arg12[%get3A_571, %get3A_572] {strides = array<i32>} : memref<80x64xf32, #tpu.memory_space<vmem>>, vector<1x16xf32>,
          %get3A_574 = vector.shape_cast %get3A_573 : vector<1x16xf32> to vector<16xf32>
          %mul3A_575 = vector.broadcast %squeeze3A_570 : f32 to vector<16xf32>
          %mul3A_576 = arith.mulf %get3A_574, %mul3A_575 : vector<16xf32>
          %swap3A_577 = arith.index_cast %add3A_568 : i32 to index
          %swap3A_578 = arith.constant 0 : index
          %swap3A_579 = tpu.vector_load %arg14[%swap3A_577, %swap3A_578] {strides = array<i32>} : memref<80x64xf32, #tpu.memory_space<vmem>>, vector<1x16xf32>,
          %swap3A_580 = vector.shape_cast %swap3A_579 : vector<1x16xf32> to vector<16xf32>
          %swap3A_581 = vector.shape_cast %mul3A_576 : vector<16xf32> to vector<1x16xf32>
          tpu.vector_store %arg14[%swap3A_577, %swap3A_578], %swap3A_581 {strides = array<i32>} : memref<80x64xf32, #tpu.memory_space<vmem>>, vector<1x16xf32>,
          %get3A_582 = arith.index_cast %add3A_568 : i32 to index
          %get3A_583 = arith.constant 16 : index
          %get3A_584 = tpu.vector_load %arg12[%get3A_582, %get3A_583] {strides = array<i32>} : memref<80x64xf32, #tpu.memory_space<vmem>>, vector<1x16xf32>,
          %get3A_585 = vector.shape_cast %get3A_584 : vector<1x16xf32> to vector<16xf32>
          %mul3A_586 = vector.broadcast %squeeze3A_570 : f32 to vector<16xf32>
          %mul3A_587 = arith.mulf %get3A_585, %mul3A_586 : vector<16xf32>
          %swap3A_588 = arith.index_cast %add3A_568 : i32 to index
          %swap3A_589 = arith.constant 16 : index
          %swap3A_590 = tpu.vector_load %arg14[%swap3A_588, %swap3A_589] {strides = array<i32>} : memref<80x64xf32, #tpu.memory_space<vmem>>, vector<1x16xf32>,
          %swap3A_591 = vector.shape_cast %swap3A_590 : vector<1x16xf32> to vector<16xf32>
          %swap3A_592 = vector.shape_cast %mul3A_587 : vector<16xf32> to vector<1x16xf32>
          tpu.vector_store %arg14[%swap3A_588, %swap3A_589], %swap3A_592 {strides = array<i32>} : memref<80x64xf32, #tpu.memory_space<vmem>>, vector<1x16xf32>,
          %get3A_593 = arith.index_cast %add3A_568 : i32 to index
          %get3A_594 = arith.constant 32 : index
          %get3A_595 = tpu.vector_load %arg12[%get3A_593, %get3A_594] {strides = array<i32>} : memref<80x64xf32, #tpu.memory_space<vmem>>, vector<1x16xf32>,
          %get3A_596 = vector.shape_cast %get3A_595 : vector<1x16xf32> to vector<16xf32>
          %mul3A_597 = vector.broadcast %squeeze3A_570 : f32 to vector<16xf32>
          %mul3A_598 = arith.mulf %get3A_596, %mul3A_597 : vector<16xf32>
          %swap3A_599 = arith.index_cast %add3A_568 : i32 to index
          %swap3A_600 = arith.constant 32 : index
          %swap3A_601 = tpu.vector_load %arg14[%swap3A_599, %swap3A_600] {strides = array<i32>} : memref<80x64xf32, #tpu.memory_space<vmem>>, vector<1x16xf32>,
          %swap3A_602 = vector.shape_cast %swap3A_601 : vector<1x16xf32> to vector<16xf32>
          %swap3A_603 = vector.shape_cast %mul3A_598 : vector<16xf32> to vector<1x16xf32>
          tpu.vector_store %arg14[%swap3A_599, %swap3A_600], %swap3A_603 {strides = array<i32>} : memref<80x64xf32, #tpu.memory_space<vmem>>, vector<1x16xf32>,
          %get3A_604 = arith.index_cast %add3A_568 : i32 to index
          %get3A_605 = arith.constant 48 : index
          %get3A_606 = tpu.vector_load %arg12[%get3A_604, %get3A_605] {strides = array<i32>} : memref<80x64xf32, #tpu.memory_space<vmem>>, vector<1x16xf32>,
          %get3A_607 = vector.shape_cast %get3A_606 : vector<1x16xf32> to vector<16xf32>
          %mul3A_608 = vector.broadcast %squeeze3A_570 : f32 to vector<16xf32>
          %mul3A_609 = arith.mulf %get3A_607, %mul3A_608 : vector<16xf32>
          %swap3A_610 = arith.index_cast %add3A_568 : i32 to index
          %swap3A_611 = arith.constant 48 : index
          %swap3A_612 = tpu.vector_load %arg14[%swap3A_610, %swap3A_611] {strides = array<i32>} : memref<80x64xf32, #tpu.memory_space<vmem>>, vector<1x16xf32>,
          %swap3A_613 = vector.shape_cast %swap3A_612 : vector<1x16xf32> to vector<16xf32>
          %swap3A_614 = vector.shape_cast %mul3A_609 : vector<16xf32> to vector<1x16xf32>
          tpu.vector_store %arg14[%swap3A_610, %swap3A_611], %swap3A_614 {strides = array<i32>} : memref<80x64xf32, #tpu.memory_space<vmem>>, vector<1x16xf32>,
          %mul3A_615 = arith.constant 16 : i32
          %mul3A_616 = arith.muli %scan3A_162, %mul3A_615 : i32
          %add3A_617 = arith.constant 9 : i32
          %add3A_618 = arith.addi %mul3A_616, %add3A_617 : i32
          %slice3A_619 = vector.extract_strided_slice %get3A_167 {offsets = [9], sizes = [1], strides = [1]} : vector<16xf32> to vector<1xf32>
          %squeeze3A_620 = vector.extract %slice3A_619[0] : f32 from vector<1xf32>
          %get3A_621 = arith.index_cast %add3A_618 : i32 to index
          %get3A_622 = arith.constant 0 : index
          %get3A_623 = tpu.vector_load %arg12[%get3A_621, %get3A_622] {strides = array<i32>} : memref<80x64xf32, #tpu.memory_space<vmem>>, vector<1x16xf32>,
          %get3A_624 = vector.shape_cast %get3A_623 : vector<1x16xf32> to vector<16xf32>
          %mul3A_625 = vector.broadcast %squeeze3A_620 : f32 to vector<16xf32>
          %mul3A_626 = arith.mulf %get3A_624, %mul3A_625 : vector<16xf32>
          %swap3A_627 = arith.index_cast %add3A_618 : i32 to index
          %swap3A_628 = arith.constant 0 : index
          %swap3A_629 = tpu.vector_load %arg14[%swap3A_627, %swap3A_628] {strides = array<i32>} : memref<80x64xf32, #tpu.memory_space<vmem>>, vector<1x16xf32>,
          %swap3A_630 = vector.shape_cast %swap3A_629 : vector<1x16xf32> to vector<16xf32>
          %swap3A_631 = vector.shape_cast %mul3A_626 : vector<16xf32> to vector<1x16xf32>
          tpu.vector_store %arg14[%swap3A_627, %swap3A_628], %swap3A_631 {strides = array<i32>} : memref<80x64xf32, #tpu.memory_space<vmem>>, vector<1x16xf32>,
          %get3A_632 = arith.index_cast %add3A_618 : i32 to index
          %get3A_633 = arith.constant 16 : index
          %get3A_634 = tpu.vector_load %arg12[%get3A_632, %get3A_633] {strides = array<i32>} : memref<80x64xf32, #tpu.memory_space<vmem>>, vector<1x16xf32>,
          %get3A_635 = vector.shape_cast %get3A_634 : vector<1x16xf32> to vector<16xf32>
          %mul3A_636 = vector.broadcast %squeeze3A_620 : f32 to vector<16xf32>
          %mul3A_637 = arith.mulf %get3A_635, %mul3A_636 : vector<16xf32>
          %swap3A_638 = arith.index_cast %add3A_618 : i32 to index
          %swap3A_639 = arith.constant 16 : index
          %swap3A_640 = tpu.vector_load %arg14[%swap3A_638, %swap3A_639] {strides = array<i32>} : memref<80x64xf32, #tpu.memory_space<vmem>>, vector<1x16xf32>,
          %swap3A_641 = vector.shape_cast %swap3A_640 : vector<1x16xf32> to vector<16xf32>
          %swap3A_642 = vector.shape_cast %mul3A_637 : vector<16xf32> to vector<1x16xf32>
          tpu.vector_store %arg14[%swap3A_638, %swap3A_639], %swap3A_642 {strides = array<i32>} : memref<80x64xf32, #tpu.memory_space<vmem>>, vector<1x16xf32>,
          %get3A_643 = arith.index_cast %add3A_618 : i32 to index
          %get3A_644 = arith.constant 32 : index
          %get3A_645 = tpu.vector_load %arg12[%get3A_643, %get3A_644] {strides = array<i32>} : memref<80x64xf32, #tpu.memory_space<vmem>>, vector<1x16xf32>,
          %get3A_646 = vector.shape_cast %get3A_645 : vector<1x16xf32> to vector<16xf32>
          %mul3A_647 = vector.broadcast %squeeze3A_620 : f32 to vector<16xf32>
          %mul3A_648 = arith.mulf %get3A_646, %mul3A_647 : vector<16xf32>
          %swap3A_649 = arith.index_cast %add3A_618 : i32 to index
          %swap3A_650 = arith.constant 32 : index
          %swap3A_651 = tpu.vector_load %arg14[%swap3A_649, %swap3A_650] {strides = array<i32>} : memref<80x64xf32, #tpu.memory_space<vmem>>, vector<1x16xf32>,
          %swap3A_652 = vector.shape_cast %swap3A_651 : vector<1x16xf32> to vector<16xf32>
          %swap3A_653 = vector.shape_cast %mul3A_648 : vector<16xf32> to vector<1x16xf32>
          tpu.vector_store %arg14[%swap3A_649, %swap3A_650], %swap3A_653 {strides = array<i32>} : memref<80x64xf32, #tpu.memory_space<vmem>>, vector<1x16xf32>,
          %get3A_654 = arith.index_cast %add3A_618 : i32 to index
          %get3A_655 = arith.constant 48 : index
          %get3A_656 = tpu.vector_load %arg12[%get3A_654, %get3A_655] {strides = array<i32>} : memref<80x64xf32, #tpu.memory_space<vmem>>, vector<1x16xf32>,
          %get3A_657 = vector.shape_cast %get3A_656 : vector<1x16xf32> to vector<16xf32>
          %mul3A_658 = vector.broadcast %squeeze3A_620 : f32 to vector<16xf32>
          %mul3A_659 = arith.mulf %get3A_657, %mul3A_658 : vector<16xf32>
          %swap3A_660 = arith.index_cast %add3A_618 : i32 to index
          %swap3A_661 = arith.constant 48 : index
          %swap3A_662 = tpu.vector_load %arg14[%swap3A_660, %swap3A_661] {strides = array<i32>} : memref<80x64xf32, #tpu.memory_space<vmem>>, vector<1x16xf32>,
          %swap3A_663 = vector.shape_cast %swap3A_662 : vector<1x16xf32> to vector<16xf32>
          %swap3A_664 = vector.shape_cast %mul3A_659 : vector<16xf32> to vector<1x16xf32>
          tpu.vector_store %arg14[%swap3A_660, %swap3A_661], %swap3A_664 {strides = array<i32>} : memref<80x64xf32, #tpu.memory_space<vmem>>, vector<1x16xf32>,
          %mul3A_665 = arith.constant 16 : i32
          %mul3A_666 = arith.muli %scan3A_162, %mul3A_665 : i32
          %add3A_667 = arith.constant 10 : i32
          %add3A_668 = arith.addi %mul3A_666, %add3A_667 : i32
          %slice3A_669 = vector.extract_strided_slice %get3A_167 {offsets = [10], sizes = [1], strides = [1]} : vector<16xf32> to vector<1xf32>
          %squeeze3A_670 = vector.extract %slice3A_669[0] : f32 from vector<1xf32>
          %get3A_671 = arith.index_cast %add3A_668 : i32 to index
          %get3A_672 = arith.constant 0 : index
          %get3A_673 = tpu.vector_load %arg12[%get3A_671, %get3A_672] {strides = array<i32>} : memref<80x64xf32, #tpu.memory_space<vmem>>, vector<1x16xf32>,
          %get3A_674 = vector.shape_cast %get3A_673 : vector<1x16xf32> to vector<16xf32>
          %mul3A_675 = vector.broadcast %squeeze3A_670 : f32 to vector<16xf32>
          %mul3A_676 = arith.mulf %get3A_674, %mul3A_675 : vector<16xf32>
          %swap3A_677 = arith.index_cast %add3A_668 : i32 to index
          %swap3A_678 = arith.constant 0 : index
          %swap3A_679 = tpu.vector_load %arg14[%swap3A_677, %swap3A_678] {strides = array<i32>} : memref<80x64xf32, #tpu.memory_space<vmem>>, vector<1x16xf32>,
          %swap3A_680 = vector.shape_cast %swap3A_679 : vector<1x16xf32> to vector<16xf32>
          %swap3A_681 = vector.shape_cast %mul3A_676 : vector<16xf32> to vector<1x16xf32>
          tpu.vector_store %arg14[%swap3A_677, %swap3A_678], %swap3A_681 {strides = array<i32>} : memref<80x64xf32, #tpu.memory_space<vmem>>, vector<1x16xf32>,
          %get3A_682 = arith.index_cast %add3A_668 : i32 to index
          %get3A_683 = arith.constant 16 : index
          %get3A_684 = tpu.vector_load %arg12[%get3A_682, %get3A_683] {strides = array<i32>} : memref<80x64xf32, #tpu.memory_space<vmem>>, vector<1x16xf32>,
          %get3A_685 = vector.shape_cast %get3A_684 : vector<1x16xf32> to vector<16xf32>
          %mul3A_686 = vector.broadcast %squeeze3A_670 : f32 to vector<16xf32>
          %mul3A_687 = arith.mulf %get3A_685, %mul3A_686 : vector<16xf32>
          %swap3A_688 = arith.index_cast %add3A_668 : i32 to index
          %swap3A_689 = arith.constant 16 : index
          %swap3A_690 = tpu.vector_load %arg14[%swap3A_688, %swap3A_689] {strides = array<i32>} : memref<80x64xf32, #tpu.memory_space<vmem>>, vector<1x16xf32>,
          %swap3A_691 = vector.shape_cast %swap3A_690 : vector<1x16xf32> to vector<16xf32>
          %swap3A_692 = vector.shape_cast %mul3A_687 : vector<16xf32> to vector<1x16xf32>
          tpu.vector_store %arg14[%swap3A_688, %swap3A_689], %swap3A_692 {strides = array<i32>} : memref<80x64xf32, #tpu.memory_space<vmem>>, vector<1x16xf32>,
          %get3A_693 = arith.index_cast %add3A_668 : i32 to index
          %get3A_694 = arith.constant 32 : index
          %get3A_695 = tpu.vector_load %arg12[%get3A_693, %get3A_694] {strides = array<i32>} : memref<80x64xf32, #tpu.memory_space<vmem>>, vector<1x16xf32>,
          %get3A_696 = vector.shape_cast %get3A_695 : vector<1x16xf32> to vector<16xf32>
          %mul3A_697 = vector.broadcast %squeeze3A_670 : f32 to vector<16xf32>
          %mul3A_698 = arith.mulf %get3A_696, %mul3A_697 : vector<16xf32>
          %swap3A_699 = arith.index_cast %add3A_668 : i32 to index
          %swap3A_700 = arith.constant 32 : index
          %swap3A_701 = tpu.vector_load %arg14[%swap3A_699, %swap3A_700] {strides = array<i32>} : memref<80x64xf32, #tpu.memory_space<vmem>>, vector<1x16xf32>,
          %swap3A_702 = vector.shape_cast %swap3A_701 : vector<1x16xf32> to vector<16xf32>
          %swap3A_703 = vector.shape_cast %mul3A_698 : vector<16xf32> to vector<1x16xf32>
          tpu.vector_store %arg14[%swap3A_699, %swap3A_700], %swap3A_703 {strides = array<i32>} : memref<80x64xf32, #tpu.memory_space<vmem>>, vector<1x16xf32>,
          %get3A_704 = arith.index_cast %add3A_668 : i32 to index
          %get3A_705 = arith.constant 48 : index
          %get3A_706 = tpu.vector_load %arg12[%get3A_704, %get3A_705] {strides = array<i32>} : memref<80x64xf32, #tpu.memory_space<vmem>>, vector<1x16xf32>,
          %get3A_707 = vector.shape_cast %get3A_706 : vector<1x16xf32> to vector<16xf32>
          %mul3A_708 = vector.broadcast %squeeze3A_670 : f32 to vector<16xf32>
          %mul3A_709 = arith.mulf %get3A_707, %mul3A_708 : vector<16xf32>
          %swap3A_710 = arith.index_cast %add3A_668 : i32 to index
          %swap3A_711 = arith.constant 48 : index
          %swap3A_712 = tpu.vector_load %arg14[%swap3A_710, %swap3A_711] {strides = array<i32>} : memref<80x64xf32, #tpu.memory_space<vmem>>, vector<1x16xf32>,
          %swap3A_713 = vector.shape_cast %swap3A_712 : vector<1x16xf32> to vector<16xf32>
          %swap3A_714 = vector.shape_cast %mul3A_709 : vector<16xf32> to vector<1x16xf32>
          tpu.vector_store %arg14[%swap3A_710, %swap3A_711], %swap3A_714 {strides = array<i32>} : memref<80x64xf32, #tpu.memory_space<vmem>>, vector<1x16xf32>,
          %mul3A_715 = arith.constant 16 : i32
          %mul3A_716 = arith.muli %scan3A_162, %mul3A_715 : i32
          %add3A_717 = arith.constant 11 : i32
          %add3A_718 = arith.addi %mul3A_716, %add3A_717 : i32
          %slice3A_719 = vector.extract_strided_slice %get3A_167 {offsets = [11], sizes = [1], strides = [1]} : vector<16xf32> to vector<1xf32>
          %squeeze3A_720 = vector.extract %slice3A_719[0] : f32 from vector<1xf32>
          %get3A_721 = arith.index_cast %add3A_718 : i32 to index
          %get3A_722 = arith.constant 0 : index
          %get3A_723 = tpu.vector_load %arg12[%get3A_721, %get3A_722] {strides = array<i32>} : memref<80x64xf32, #tpu.memory_space<vmem>>, vector<1x16xf32>,
          %get3A_724 = vector.shape_cast %get3A_723 : vector<1x16xf32> to vector<16xf32>
          %mul3A_725 = vector.broadcast %squeeze3A_720 : f32 to vector<16xf32>
          %mul3A_726 = arith.mulf %get3A_724, %mul3A_725 : vector<16xf32>
          %swap3A_727 = arith.index_cast %add3A_718 : i32 to index
          %swap3A_728 = arith.constant 0 : index
          %swap3A_729 = tpu.vector_load %arg14[%swap3A_727, %swap3A_728] {strides = array<i32>} : memref<80x64xf32, #tpu.memory_space<vmem>>, vector<1x16xf32>,
          %swap3A_730 = vector.shape_cast %swap3A_729 : vector<1x16xf32> to vector<16xf32>
          %swap3A_731 = vector.shape_cast %mul3A_726 : vector<16xf32> to vector<1x16xf32>
          tpu.vector_store %arg14[%swap3A_727, %swap3A_728], %swap3A_731 {strides = array<i32>} : memref<80x64xf32, #tpu.memory_space<vmem>>, vector<1x16xf32>,
          %get3A_732 = arith.index_cast %add3A_718 : i32 to index
          %get3A_733 = arith.constant 16 : index
          %get3A_734 = tpu.vector_load %arg12[%get3A_732, %get3A_733] {strides = array<i32>} : memref<80x64xf32, #tpu.memory_space<vmem>>, vector<1x16xf32>,
          %get3A_735 = vector.shape_cast %get3A_734 : vector<1x16xf32> to vector<16xf32>
          %mul3A_736 = vector.broadcast %squeeze3A_720 : f32 to vector<16xf32>
          %mul3A_737 = arith.mulf %get3A_735, %mul3A_736 : vector<16xf32>
          %swap3A_738 = arith.index_cast %add3A_718 : i32 to index
          %swap3A_739 = arith.constant 16 : index
          %swap3A_740 = tpu.vector_load %arg14[%swap3A_738, %swap3A_739] {strides = array<i32>} : memref<80x64xf32, #tpu.memory_space<vmem>>, vector<1x16xf32>,
          %swap3A_741 = vector.shape_cast %swap3A_740 : vector<1x16xf32> to vector<16xf32>
          %swap3A_742 = vector.shape_cast %mul3A_737 : vector<16xf32> to vector<1x16xf32>
          tpu.vector_store %arg14[%swap3A_738, %swap3A_739], %swap3A_742 {strides = array<i32>} : memref<80x64xf32, #tpu.memory_space<vmem>>, vector<1x16xf32>,
          %get3A_743 = arith.index_cast %add3A_718 : i32 to index
          %get3A_744 = arith.constant 32 : index
          %get3A_745 = tpu.vector_load %arg12[%get3A_743, %get3A_744] {strides = array<i32>} : memref<80x64xf32, #tpu.memory_space<vmem>>, vector<1x16xf32>,
          %get3A_746 = vector.shape_cast %get3A_745 : vector<1x16xf32> to vector<16xf32>
          %mul3A_747 = vector.broadcast %squeeze3A_720 : f32 to vector<16xf32>
          %mul3A_748 = arith.mulf %get3A_746, %mul3A_747 : vector<16xf32>
          %swap3A_749 = arith.index_cast %add3A_718 : i32 to index
          %swap3A_750 = arith.constant 32 : index
          %swap3A_751 = tpu.vector_load %arg14[%swap3A_749, %swap3A_750] {strides = array<i32>} : memref<80x64xf32, #tpu.memory_space<vmem>>, vector<1x16xf32>,
          %swap3A_752 = vector.shape_cast %swap3A_751 : vector<1x16xf32> to vector<16xf32>
          %swap3A_753 = vector.shape_cast %mul3A_748 : vector<16xf32> to vector<1x16xf32>
          tpu.vector_store %arg14[%swap3A_749, %swap3A_750], %swap3A_753 {strides = array<i32>} : memref<80x64xf32, #tpu.memory_space<vmem>>, vector<1x16xf32>,
          %get3A_754 = arith.index_cast %add3A_718 : i32 to index
          %get3A_755 = arith.constant 48 : index
          %get3A_756 = tpu.vector_load %arg12[%get3A_754, %get3A_755] {strides = array<i32>} : memref<80x64xf32, #tpu.memory_space<vmem>>, vector<1x16xf32>,
          %get3A_757 = vector.shape_cast %get3A_756 : vector<1x16xf32> to vector<16xf32>
          %mul3A_758 = vector.broadcast %squeeze3A_720 : f32 to vector<16xf32>
          %mul3A_759 = arith.mulf %get3A_757, %mul3A_758 : vector<16xf32>
          %swap3A_760 = arith.index_cast %add3A_718 : i32 to index
          %swap3A_761 = arith.constant 48 : index
          %swap3A_762 = tpu.vector_load %arg14[%swap3A_760, %swap3A_761] {strides = array<i32>} : memref<80x64xf32, #tpu.memory_space<vmem>>, vector<1x16xf32>,
          %swap3A_763 = vector.shape_cast %swap3A_762 : vector<1x16xf32> to vector<16xf32>
          %swap3A_764 = vector.shape_cast %mul3A_759 : vector<16xf32> to vector<1x16xf32>
          tpu.vector_store %arg14[%swap3A_760, %swap3A_761], %swap3A_764 {strides = array<i32>} : memref<80x64xf32, #tpu.memory_space<vmem>>, vector<1x16xf32>,
          %mul3A_765 = arith.constant 16 : i32
          %mul3A_766 = arith.muli %scan3A_162, %mul3A_765 : i32
          %add3A_767 = arith.constant 12 : i32
          %add3A_768 = arith.addi %mul3A_766, %add3A_767 : i32
          %slice3A_769 = vector.extract_strided_slice %get3A_167 {offsets = [12], sizes = [1], strides = [1]} : vector<16xf32> to vector<1xf32>
          %squeeze3A_770 = vector.extract %slice3A_769[0] : f32 from vector<1xf32>
          %get3A_771 = arith.index_cast %add3A_768 : i32 to index
          %get3A_772 = arith.constant 0 : index
          %get3A_773 = tpu.vector_load %arg12[%get3A_771, %get3A_772] {strides = array<i32>} : memref<80x64xf32, #tpu.memory_space<vmem>>, vector<1x16xf32>,
          %get3A_774 = vector.shape_cast %get3A_773 : vector<1x16xf32> to vector<16xf32>
          %mul3A_775 = vector.broadcast %squeeze3A_770 : f32 to vector<16xf32>
          %mul3A_776 = arith.mulf %get3A_774, %mul3A_775 : vector<16xf32>
          %swap3A_777 = arith.index_cast %add3A_768 : i32 to index
          %swap3A_778 = arith.constant 0 : index
          %swap3A_779 = tpu.vector_load %arg14[%swap3A_777, %swap3A_778] {strides = array<i32>} : memref<80x64xf32, #tpu.memory_space<vmem>>, vector<1x16xf32>,
          %swap3A_780 = vector.shape_cast %swap3A_779 : vector<1x16xf32> to vector<16xf32>
          %swap3A_781 = vector.shape_cast %mul3A_776 : vector<16xf32> to vector<1x16xf32>
          tpu.vector_store %arg14[%swap3A_777, %swap3A_778], %swap3A_781 {strides = array<i32>} : memref<80x64xf32, #tpu.memory_space<vmem>>, vector<1x16xf32>,
          %get3A_782 = arith.index_cast %add3A_768 : i32 to index
          %get3A_783 = arith.constant 16 : index
          %get3A_784 = tpu.vector_load %arg12[%get3A_782, %get3A_783] {strides = array<i32>} : memref<80x64xf32, #tpu.memory_space<vmem>>, vector<1x16xf32>,
          %get3A_785 = vector.shape_cast %get3A_784 : vector<1x16xf32> to vector<16xf32>
          %mul3A_786 = vector.broadcast %squeeze3A_770 : f32 to vector<16xf32>
          %mul3A_787 = arith.mulf %get3A_785, %mul3A_786 : vector<16xf32>
          %swap3A_788 = arith.index_cast %add3A_768 : i32 to index
          %swap3A_789 = arith.constant 16 : index
          %swap3A_790 = tpu.vector_load %arg14[%swap3A_788, %swap3A_789] {strides = array<i32>} : memref<80x64xf32, #tpu.memory_space<vmem>>, vector<1x16xf32>,
          %swap3A_791 = vector.shape_cast %swap3A_790 : vector<1x16xf32> to vector<16xf32>
          %swap3A_792 = vector.shape_cast %mul3A_787 : vector<16xf32> to vector<1x16xf32>
          tpu.vector_store %arg14[%swap3A_788, %swap3A_789], %swap3A_792 {strides = array<i32>} : memref<80x64xf32, #tpu.memory_space<vmem>>, vector<1x16xf32>,
          %get3A_793 = arith.index_cast %add3A_768 : i32 to index
          %get3A_794 = arith.constant 32 : index
          %get3A_795 = tpu.vector_load %arg12[%get3A_793, %get3A_794] {strides = array<i32>} : memref<80x64xf32, #tpu.memory_space<vmem>>, vector<1x16xf32>,
          %get3A_796 = vector.shape_cast %get3A_795 : vector<1x16xf32> to vector<16xf32>
          %mul3A_797 = vector.broadcast %squeeze3A_770 : f32 to vector<16xf32>
          %mul3A_798 = arith.mulf %get3A_796, %mul3A_797 : vector<16xf32>
          %swap3A_799 = arith.index_cast %add3A_768 : i32 to index
          %swap3A_800 = arith.constant 32 : index
          %swap3A_801 = tpu.vector_load %arg14[%swap3A_799, %swap3A_800] {strides = array<i32>} : memref<80x64xf32, #tpu.memory_space<vmem>>, vector<1x16xf32>,
          %swap3A_802 = vector.shape_cast %swap3A_801 : vector<1x16xf32> to vector<16xf32>
          %swap3A_803 = vector.shape_cast %mul3A_798 : vector<16xf32> to vector<1x16xf32>
          tpu.vector_store %arg14[%swap3A_799, %swap3A_800], %swap3A_803 {strides = array<i32>} : memref<80x64xf32, #tpu.memory_space<vmem>>, vector<1x16xf32>,
          %get3A_804 = arith.index_cast %add3A_768 : i32 to index
          %get3A_805 = arith.constant 48 : index
          %get3A_806 = tpu.vector_load %arg12[%get3A_804, %get3A_805] {strides = array<i32>} : memref<80x64xf32, #tpu.memory_space<vmem>>, vector<1x16xf32>,
          %get3A_807 = vector.shape_cast %get3A_806 : vector<1x16xf32> to vector<16xf32>
          %mul3A_808 = vector.broadcast %squeeze3A_770 : f32 to vector<16xf32>
          %mul3A_809 = arith.mulf %get3A_807, %mul3A_808 : vector<16xf32>
          %swap3A_810 = arith.index_cast %add3A_768 : i32 to index
          %swap3A_811 = arith.constant 48 : index
          %swap3A_812 = tpu.vector_load %arg14[%swap3A_810, %swap3A_811] {strides = array<i32>} : memref<80x64xf32, #tpu.memory_space<vmem>>, vector<1x16xf32>,
          %swap3A_813 = vector.shape_cast %swap3A_812 : vector<1x16xf32> to vector<16xf32>
          %swap3A_814 = vector.shape_cast %mul3A_809 : vector<16xf32> to vector<1x16xf32>
          tpu.vector_store %arg14[%swap3A_810, %swap3A_811], %swap3A_814 {strides = array<i32>} : memref<80x64xf32, #tpu.memory_space<vmem>>, vector<1x16xf32>,
          %mul3A_815 = arith.constant 16 : i32
          %mul3A_816 = arith.muli %scan3A_162, %mul3A_815 : i32
          %add3A_817 = arith.constant 13 : i32
          %add3A_818 = arith.addi %mul3A_816, %add3A_817 : i32
          %slice3A_819 = vector.extract_strided_slice %get3A_167 {offsets = [13], sizes = [1], strides = [1]} : vector<16xf32> to vector<1xf32>
          %squeeze3A_820 = vector.extract %slice3A_819[0] : f32 from vector<1xf32>
          %get3A_821 = arith.index_cast %add3A_818 : i32 to index
          %get3A_822 = arith.constant 0 : index
          %get3A_823 = tpu.vector_load %arg12[%get3A_821, %get3A_822] {strides = array<i32>} : memref<80x64xf32, #tpu.memory_space<vmem>>, vector<1x16xf32>,
          %get3A_824 = vector.shape_cast %get3A_823 : vector<1x16xf32> to vector<16xf32>
          %mul3A_825 = vector.broadcast %squeeze3A_820 : f32 to vector<16xf32>
          %mul3A_826 = arith.mulf %get3A_824, %mul3A_825 : vector<16xf32>
          %swap3A_827 = arith.index_cast %add3A_818 : i32 to index
          %swap3A_828 = arith.constant 0 : index
          %swap3A_829 = tpu.vector_load %arg14[%swap3A_827, %swap3A_828] {strides = array<i32>} : memref<80x64xf32, #tpu.memory_space<vmem>>, vector<1x16xf32>,
          %swap3A_830 = vector.shape_cast %swap3A_829 : vector<1x16xf32> to vector<16xf32>
          %swap3A_831 = vector.shape_cast %mul3A_826 : vector<16xf32> to vector<1x16xf32>
          tpu.vector_store %arg14[%swap3A_827, %swap3A_828], %swap3A_831 {strides = array<i32>} : memref<80x64xf32, #tpu.memory_space<vmem>>, vector<1x16xf32>,
          %get3A_832 = arith.index_cast %add3A_818 : i32 to index
          %get3A_833 = arith.constant 16 : index
          %get3A_834 = tpu.vector_load %arg12[%get3A_832, %get3A_833] {strides = array<i32>} : memref<80x64xf32, #tpu.memory_space<vmem>>, vector<1x16xf32>,
          %get3A_835 = vector.shape_cast %get3A_834 : vector<1x16xf32> to vector<16xf32>
          %mul3A_836 = vector.broadcast %squeeze3A_820 : f32 to vector<16xf32>
          %mul3A_837 = arith.mulf %get3A_835, %mul3A_836 : vector<16xf32>
          %swap3A_838 = arith.index_cast %add3A_818 : i32 to index
          %swap3A_839 = arith.constant 16 : index
          %swap3A_840 = tpu.vector_load %arg14[%swap3A_838, %swap3A_839] {strides = array<i32>} : memref<80x64xf32, #tpu.memory_space<vmem>>, vector<1x16xf32>,
          %swap3A_841 = vector.shape_cast %swap3A_840 : vector<1x16xf32> to vector<16xf32>
          %swap3A_842 = vector.shape_cast %mul3A_837 : vector<16xf32> to vector<1x16xf32>
          tpu.vector_store %arg14[%swap3A_838, %swap3A_839], %swap3A_842 {strides = array<i32>} : memref<80x64xf32, #tpu.memory_space<vmem>>, vector<1x16xf32>,
          %get3A_843 = arith.index_cast %add3A_818 : i32 to index
          %get3A_844 = arith.constant 32 : index
          %get3A_845 = tpu.vector_load %arg12[%get3A_843, %get3A_844] {strides = array<i32>} : memref<80x64xf32, #tpu.memory_space<vmem>>, vector<1x16xf32>,
          %get3A_846 = vector.shape_cast %get3A_845 : vector<1x16xf32> to vector<16xf32>
          %mul3A_847 = vector.broadcast %squeeze3A_820 : f32 to vector<16xf32>
          %mul3A_848 = arith.mulf %get3A_846, %mul3A_847 : vector<16xf32>
          %swap3A_849 = arith.index_cast %add3A_818 : i32 to index
          %swap3A_850 = arith.constant 32 : index
          %swap3A_851 = tpu.vector_load %arg14[%swap3A_849, %swap3A_850] {strides = array<i32>} : memref<80x64xf32, #tpu.memory_space<vmem>>, vector<1x16xf32>,
          %swap3A_852 = vector.shape_cast %swap3A_851 : vector<1x16xf32> to vector<16xf32>
          %swap3A_853 = vector.shape_cast %mul3A_848 : vector<16xf32> to vector<1x16xf32>
          tpu.vector_store %arg14[%swap3A_849, %swap3A_850], %swap3A_853 {strides = array<i32>} : memref<80x64xf32, #tpu.memory_space<vmem>>, vector<1x16xf32>,
          %get3A_854 = arith.index_cast %add3A_818 : i32 to index
          %get3A_855 = arith.constant 48 : index
          %get3A_856 = tpu.vector_load %arg12[%get3A_854, %get3A_855] {strides = array<i32>} : memref<80x64xf32, #tpu.memory_space<vmem>>, vector<1x16xf32>,
          %get3A_857 = vector.shape_cast %get3A_856 : vector<1x16xf32> to vector<16xf32>
          %mul3A_858 = vector.broadcast %squeeze3A_820 : f32 to vector<16xf32>
          %mul3A_859 = arith.mulf %get3A_857, %mul3A_858 : vector<16xf32>
          %swap3A_860 = arith.index_cast %add3A_818 : i32 to index
          %swap3A_861 = arith.constant 48 : index
          %swap3A_862 = tpu.vector_load %arg14[%swap3A_860, %swap3A_861] {strides = array<i32>} : memref<80x64xf32, #tpu.memory_space<vmem>>, vector<1x16xf32>,
          %swap3A_863 = vector.shape_cast %swap3A_862 : vector<1x16xf32> to vector<16xf32>
          %swap3A_864 = vector.shape_cast %mul3A_859 : vector<16xf32> to vector<1x16xf32>
          tpu.vector_store %arg14[%swap3A_860, %swap3A_861], %swap3A_864 {strides = array<i32>} : memref<80x64xf32, #tpu.memory_space<vmem>>, vector<1x16xf32>,
          %mul3A_865 = arith.constant 16 : i32
          %mul3A_866 = arith.muli %scan3A_162, %mul3A_865 : i32
          %add3A_867 = arith.constant 14 : i32
          %add3A_868 = arith.addi %mul3A_866, %add3A_867 : i32
          %slice3A_869 = vector.extract_strided_slice %get3A_167 {offsets = [14], sizes = [1], strides = [1]} : vector<16xf32> to vector<1xf32>
          %squeeze3A_870 = vector.extract %slice3A_869[0] : f32 from vector<1xf32>
          %get3A_871 = arith.index_cast %add3A_868 : i32 to index
          %get3A_872 = arith.constant 0 : index
          %get3A_873 = tpu.vector_load %arg12[%get3A_871, %get3A_872] {strides = array<i32>} : memref<80x64xf32, #tpu.memory_space<vmem>>, vector<1x16xf32>,
          %get3A_874 = vector.shape_cast %get3A_873 : vector<1x16xf32> to vector<16xf32>
          %mul3A_875 = vector.broadcast %squeeze3A_870 : f32 to vector<16xf32>
          %mul3A_876 = arith.mulf %get3A_874, %mul3A_875 : vector<16xf32>
          %swap3A_877 = arith.index_cast %add3A_868 : i32 to index
          %swap3A_878 = arith.constant 0 : index
          %swap3A_879 = tpu.vector_load %arg14[%swap3A_877, %swap3A_878] {strides = array<i32>} : memref<80x64xf32, #tpu.memory_space<vmem>>, vector<1x16xf32>,
          %swap3A_880 = vector.shape_cast %swap3A_879 : vector<1x16xf32> to vector<16xf32>
          %swap3A_881 = vector.shape_cast %mul3A_876 : vector<16xf32> to vector<1x16xf32>
          tpu.vector_store %arg14[%swap3A_877, %swap3A_878], %swap3A_881 {strides = array<i32>} : memref<80x64xf32, #tpu.memory_space<vmem>>, vector<1x16xf32>,
          %get3A_882 = arith.index_cast %add3A_868 : i32 to index
          %get3A_883 = arith.constant 16 : index
          %get3A_884 = tpu.vector_load %arg12[%get3A_882, %get3A_883] {strides = array<i32>} : memref<80x64xf32, #tpu.memory_space<vmem>>, vector<1x16xf32>,
          %get3A_885 = vector.shape_cast %get3A_884 : vector<1x16xf32> to vector<16xf32>
          %mul3A_886 = vector.broadcast %squeeze3A_870 : f32 to vector<16xf32>
          %mul3A_887 = arith.mulf %get3A_885, %mul3A_886 : vector<16xf32>
          %swap3A_888 = arith.index_cast %add3A_868 : i32 to index
          %swap3A_889 = arith.constant 16 : index
          %swap3A_890 = tpu.vector_load %arg14[%swap3A_888, %swap3A_889] {strides = array<i32>} : memref<80x64xf32, #tpu.memory_space<vmem>>, vector<1x16xf32>,
          %swap3A_891 = vector.shape_cast %swap3A_890 : vector<1x16xf32> to vector<16xf32>
          %swap3A_892 = vector.shape_cast %mul3A_887 : vector<16xf32> to vector<1x16xf32>
          tpu.vector_store %arg14[%swap3A_888, %swap3A_889], %swap3A_892 {strides = array<i32>} : memref<80x64xf32, #tpu.memory_space<vmem>>, vector<1x16xf32>,
          %get3A_893 = arith.index_cast %add3A_868 : i32 to index
          %get3A_894 = arith.constant 32 : index
          %get3A_895 = tpu.vector_load %arg12[%get3A_893, %get3A_894] {strides = array<i32>} : memref<80x64xf32, #tpu.memory_space<vmem>>, vector<1x16xf32>,
          %get3A_896 = vector.shape_cast %get3A_895 : vector<1x16xf32> to vector<16xf32>
          %mul3A_897 = vector.broadcast %squeeze3A_870 : f32 to vector<16xf32>
          %mul3A_898 = arith.mulf %get3A_896, %mul3A_897 : vector<16xf32>
          %swap3A_899 = arith.index_cast %add3A_868 : i32 to index
          %swap3A_900 = arith.constant 32 : index
          %swap3A_901 = tpu.vector_load %arg14[%swap3A_899, %swap3A_900] {strides = array<i32>} : memref<80x64xf32, #tpu.memory_space<vmem>>, vector<1x16xf32>,
          %swap3A_902 = vector.shape_cast %swap3A_901 : vector<1x16xf32> to vector<16xf32>
          %swap3A_903 = vector.shape_cast %mul3A_898 : vector<16xf32> to vector<1x16xf32>
          tpu.vector_store %arg14[%swap3A_899, %swap3A_900], %swap3A_903 {strides = array<i32>} : memref<80x64xf32, #tpu.memory_space<vmem>>, vector<1x16xf32>,
          %get3A_904 = arith.index_cast %add3A_868 : i32 to index
          %get3A_905 = arith.constant 48 : index
          %get3A_906 = tpu.vector_load %arg12[%get3A_904, %get3A_905] {strides = array<i32>} : memref<80x64xf32, #tpu.memory_space<vmem>>, vector<1x16xf32>,
          %get3A_907 = vector.shape_cast %get3A_906 : vector<1x16xf32> to vector<16xf32>
          %mul3A_908 = vector.broadcast %squeeze3A_870 : f32 to vector<16xf32>
          %mul3A_909 = arith.mulf %get3A_907, %mul3A_908 : vector<16xf32>
          %swap3A_910 = arith.index_cast %add3A_868 : i32 to index
          %swap3A_911 = arith.constant 48 : index
          %swap3A_912 = tpu.vector_load %arg14[%swap3A_910, %swap3A_911] {strides = array<i32>} : memref<80x64xf32, #tpu.memory_space<vmem>>, vector<1x16xf32>,
          %swap3A_913 = vector.shape_cast %swap3A_912 : vector<1x16xf32> to vector<16xf32>
          %swap3A_914 = vector.shape_cast %mul3A_909 : vector<16xf32> to vector<1x16xf32>
          tpu.vector_store %arg14[%swap3A_910, %swap3A_911], %swap3A_914 {strides = array<i32>} : memref<80x64xf32, #tpu.memory_space<vmem>>, vector<1x16xf32>,
          %mul3A_915 = arith.constant 16 : i32
          %mul3A_916 = arith.muli %scan3A_162, %mul3A_915 : i32
          %add3A_917 = arith.constant 15 : i32
          %add3A_918 = arith.addi %mul3A_916, %add3A_917 : i32
          %slice3A_919 = vector.extract_strided_slice %get3A_167 {offsets = [15], sizes = [1], strides = [1]} : vector<16xf32> to vector<1xf32>
          %squeeze3A_920 = vector.extract %slice3A_919[0] : f32 from vector<1xf32>
          %get3A_921 = arith.index_cast %add3A_918 : i32 to index
          %get3A_922 = arith.constant 0 : index
          %get3A_923 = tpu.vector_load %arg12[%get3A_921, %get3A_922] {strides = array<i32>} : memref<80x64xf32, #tpu.memory_space<vmem>>, vector<1x16xf32>,
          %get3A_924 = vector.shape_cast %get3A_923 : vector<1x16xf32> to vector<16xf32>
          %mul3A_925 = vector.broadcast %squeeze3A_920 : f32 to vector<16xf32>
          %mul3A_926 = arith.mulf %get3A_924, %mul3A_925 : vector<16xf32>
          %swap3A_927 = arith.index_cast %add3A_918 : i32 to index
          %swap3A_928 = arith.constant 0 : index
          %swap3A_929 = tpu.vector_load %arg14[%swap3A_927, %swap3A_928] {strides = array<i32>} : memref<80x64xf32, #tpu.memory_space<vmem>>, vector<1x16xf32>,
          %swap3A_930 = vector.shape_cast %swap3A_929 : vector<1x16xf32> to vector<16xf32>
          %swap3A_931 = vector.shape_cast %mul3A_926 : vector<16xf32> to vector<1x16xf32>
          tpu.vector_store %arg14[%swap3A_927, %swap3A_928], %swap3A_931 {strides = array<i32>} : memref<80x64xf32, #tpu.memory_space<vmem>>, vector<1x16xf32>,
          %get3A_932 = arith.index_cast %add3A_918 : i32 to index
          %get3A_933 = arith.constant 16 : index
          %get3A_934 = tpu.vector_load %arg12[%get3A_932, %get3A_933] {strides = array<i32>} : memref<80x64xf32, #tpu.memory_space<vmem>>, vector<1x16xf32>,
          %get3A_935 = vector.shape_cast %get3A_934 : vector<1x16xf32> to vector<16xf32>
          %mul3A_936 = vector.broadcast %squeeze3A_920 : f32 to vector<16xf32>
          %mul3A_937 = arith.mulf %get3A_935, %mul3A_936 : vector<16xf32>
          %swap3A_938 = arith.index_cast %add3A_918 : i32 to index
          %swap3A_939 = arith.constant 16 : index
          %swap3A_940 = tpu.vector_load %arg14[%swap3A_938, %swap3A_939] {strides = array<i32>} : memref<80x64xf32, #tpu.memory_space<vmem>>, vector<1x16xf32>,
          %swap3A_941 = vector.shape_cast %swap3A_940 : vector<1x16xf32> to vector<16xf32>
          %swap3A_942 = vector.shape_cast %mul3A_937 : vector<16xf32> to vector<1x16xf32>
          tpu.vector_store %arg14[%swap3A_938, %swap3A_939], %swap3A_942 {strides = array<i32>} : memref<80x64xf32, #tpu.memory_space<vmem>>, vector<1x16xf32>,
          %get3A_943 = arith.index_cast %add3A_918 : i32 to index
          %get3A_944 = arith.constant 32 : index
          %get3A_945 = tpu.vector_load %arg12[%get3A_943, %get3A_944] {strides = array<i32>} : memref<80x64xf32, #tpu.memory_space<vmem>>, vector<1x16xf32>,
          %get3A_946 = vector.shape_cast %get3A_945 : vector<1x16xf32> to vector<16xf32>
          %mul3A_947 = vector.broadcast %squeeze3A_920 : f32 to vector<16xf32>
          %mul3A_948 = arith.mulf %get3A_946, %mul3A_947 : vector<16xf32>
          %swap3A_949 = arith.index_cast %add3A_918 : i32 to index
          %swap3A_950 = arith.constant 32 : index
          %swap3A_951 = tpu.vector_load %arg14[%swap3A_949, %swap3A_950] {strides = array<i32>} : memref<80x64xf32, #tpu.memory_space<vmem>>, vector<1x16xf32>,
          %swap3A_952 = vector.shape_cast %swap3A_951 : vector<1x16xf32> to vector<16xf32>
          %swap3A_953 = vector.shape_cast %mul3A_948 : vector<16xf32> to vector<1x16xf32>
          tpu.vector_store %arg14[%swap3A_949, %swap3A_950], %swap3A_953 {strides = array<i32>} : memref<80x64xf32, #tpu.memory_space<vmem>>, vector<1x16xf32>,
          %get3A_954 = arith.index_cast %add3A_918 : i32 to index
          %get3A_955 = arith.constant 48 : index
          %get3A_956 = tpu.vector_load %arg12[%get3A_954, %get3A_955] {strides = array<i32>} : memref<80x64xf32, #tpu.memory_space<vmem>>, vector<1x16xf32>,
          %get3A_957 = vector.shape_cast %get3A_956 : vector<1x16xf32> to vector<16xf32>
          %mul3A_958 = vector.broadcast %squeeze3A_920 : f32 to vector<16xf32>
          %mul3A_959 = arith.mulf %get3A_957, %mul3A_958 : vector<16xf32>
          %swap3A_960 = arith.index_cast %add3A_918 : i32 to index
          %swap3A_961 = arith.constant 48 : index
          %swap3A_962 = tpu.vector_load %arg14[%swap3A_960, %swap3A_961] {strides = array<i32>} : memref<80x64xf32, #tpu.memory_space<vmem>>, vector<1x16xf32>,
          %swap3A_963 = vector.shape_cast %swap3A_962 : vector<1x16xf32> to vector<16xf32>
          %swap3A_964 = vector.shape_cast %mul3A_959 : vector<16xf32> to vector<1x16xf32>
          tpu.vector_store %arg14[%swap3A_960, %swap3A_961], %swap3A_964 {strides = array<i32>} : memref<80x64xf32, #tpu.memory_space<vmem>>, vector<1x16xf32>,
        }
        %scan3A_150 = arith.constant 5 : i32
        %lt3A_151 = arith.constant 124 : i32
        %lt3A_152 = arith.cmpi slt, %scan3A_100, %lt3A_151 : i32
        %convert_element_type3A_153 = arith.extui %lt3A_152 : i1 to i32
        %cond3A_154 = arith.constant 0 : i32
        %cond3A_155 = arith.cmpi ne, %convert_element_type3A_153, %cond3A_154 : i32
        scf.if %cond3A_155 {
          %add3A_162 = arith.constant 2 : i32
          %add3A_163 = arith.addi %add3A_133, %add3A_162 : i32
          %dma_start3A_164 = arith.constant 0 : i32
          %dma_start3A_165 = tpu.memref_slice %arg8[%add3A_163, %dma_start3A_164] : memref<250x80xi32, #tpu.memory_space<vmem>> -> memref<1x80xi32, #tpu.memory_space<vmem>>
          %dma_start3A_166 = tpu.memref_squeeze %dma_start3A_165 : memref<1x80xi32, #tpu.memory_space<vmem>> -> memref<80xi32, #tpu.memory_space<vmem>>
          %dma_start3A_167 = arith.constant 0 : i32
          %dma_start3A_168 = arith.constant 0 : i32
          %dma_start3A_169 = tpu.memref_slice %arg3[%dma_start3A_167, %dma_start3A_168] : memref<10000x64xf32, #tpu.memory_space<hbm>> -> memref<10000x64xf32, #tpu.memory_space<hbm>>
          tpu.enqueue_indirect_dma source(%dma_start3A_169 : memref<10000x64xf32, #tpu.memory_space<hbm>>) target(%arg12 : memref<80x64xf32, #tpu.memory_space<vmem>>) offsets(%dma_start3A_166 : memref<80xi32, #tpu.memory_space<vmem>>) semaphore(%arg17 : memref<!tpu.dma_semaphore, #tpu.memory_space<semaphore_mem>>)
        } else {
        }
        %dma_start3A_156 = arith.constant 0 : i32
        %dma_start3A_157 = tpu.memref_slice %arg9[%add3A_133, %dma_start3A_156] : memref<250x80xi32, #tpu.memory_space<vmem>> -> memref<1x80xi32, #tpu.memory_space<vmem>>
        %dma_start3A_158 = tpu.memref_squeeze %dma_start3A_157 : memref<1x80xi32, #tpu.memory_space<vmem>> -> memref<80xi32, #tpu.memory_space<vmem>>
        %dma_start3A_159 = arith.constant 0 : i32
        %dma_start3A_160 = arith.constant 0 : i32
        %dma_start3A_161 = tpu.memref_slice %arg15[%dma_start3A_159, %dma_start3A_160] : memref<10240x64xf32, #tpu.memory_space<vmem_shared>> -> memref<10240x64xf32, #tpu.memory_space<vmem_shared>>
        tpu.enqueue_indirect_dma source(%arg14 : memref<80x64xf32, #tpu.memory_space<vmem>>) target(%dma_start3A_161 : memref<10240x64xf32, #tpu.memory_space<vmem_shared>>) offsets(%dma_start3A_158 : memref<80xi32, #tpu.memory_space<vmem>>) semaphore(%arg19 : memref<!tpu.dma_semaphore, #tpu.memory_space<semaphore_mem>>) {add = true}
      }
      %scan3A_85 = arith.constant 125 : i32
      %dma_wait3A_86 = arith.constant 0 : i32
      %dma_wait3A_87 = arith.constant 0 : i32
      %dma_wait3A_88 = tpu.memref_slice %arg9[%dma_wait3A_86, %dma_wait3A_87] : memref<250x80xi32, #tpu.memory_space<vmem>> -> memref<1x80xi32, #tpu.memory_space<vmem>>
      %dma_wait3A_89 = tpu.memref_squeeze %dma_wait3A_88 : memref<1x80xi32, #tpu.memory_space<vmem>> -> memref<80xi32, #tpu.memory_space<vmem>>
      %dma_wait3A_90 = arith.constant 0 : i32
      %dma_wait3A_91 = arith.constant 0 : i32
      %dma_wait3A_92 = tpu.memref_slice %arg15[%dma_wait3A_90, %dma_wait3A_91] : memref<10240x64xf32, #tpu.memory_space<vmem_shared>> -> memref<10240x64xf32, #tpu.memory_space<vmem_shared>>
      tpu.wait_indirect_dma semaphore(%arg18 : memref<!tpu.dma_semaphore, #tpu.memory_space<semaphore_mem>>) src(%arg13 : memref<80x64xf32, #tpu.memory_space<vmem>>) dst(%dma_wait3A_92 : memref<10240x64xf32, #tpu.memory_space<vmem_shared>>)
      %dma_wait3A_93 = arith.constant 0 : i32
      %dma_wait3A_94 = arith.constant 0 : i32
      %dma_wait3A_95 = tpu.memref_slice %arg9[%dma_wait3A_93, %dma_wait3A_94] : memref<250x80xi32, #tpu.memory_space<vmem>> -> memref<1x80xi32, #tpu.memory_space<vmem>>
      %dma_wait3A_96 = tpu.memref_squeeze %dma_wait3A_95 : memref<1x80xi32, #tpu.memory_space<vmem>> -> memref<80xi32, #tpu.memory_space<vmem>>
      %dma_wait3A_97 = arith.constant 0 : i32
      %dma_wait3A_98 = arith.constant 0 : i32
      %dma_wait3A_99 = tpu.memref_slice %arg15[%dma_wait3A_97, %dma_wait3A_98] : memref<10240x64xf32, #tpu.memory_space<vmem_shared>> -> memref<10240x64xf32, #tpu.memory_space<vmem_shared>>
      tpu.wait_indirect_dma semaphore(%arg19 : memref<!tpu.dma_semaphore, #tpu.memory_space<semaphore_mem>>) src(%arg14 : memref<80x64xf32, #tpu.memory_space<vmem>>) dst(%dma_wait3A_99 : memref<10240x64xf32, #tpu.memory_space<vmem_shared>>)
    } else {
    }
    %barrier3A_62 = arith.constant 0 : index
    tpu.barrier barrier_id(%barrier3A_62)
    %mul3A_63 = arith.constant 640 : i32
    %mul3A_64 = arith.muli %arg1, %mul3A_63 : i32
    %mul3A_65 = arith.constant 640 : i32
    %mul3A_66 = arith.muli %arg1, %mul3A_65 : i32
    "tpu.region"() ({
      %run_scoped3A = tpu.sem_alloc : memref<!tpu.dma_semaphore, #tpu.memory_space<semaphore_mem>>
      %dma_start3A_67 = arith.constant 0 : i32
      %dma_start3A_68 = tpu.memref_slice %arg7[%arg0, %mul3A_66, %dma_start3A_67] : memref<2x10240x64xf32, #tpu.memory_space<hbm>> -> memref<1x640x64xf32, #tpu.memory_space<hbm>>
      %dma_start3A_69 = tpu.memref_squeeze %dma_start3A_68 : memref<1x640x64xf32, #tpu.memory_space<hbm>> -> memref<640x64xf32, #tpu.memory_space<hbm>>
      %dma_start3A_70 = arith.constant 0 : i32
      %dma_start3A_71 = tpu.memref_slice %arg15[%mul3A_64, %dma_start3A_70] : memref<10240x64xf32, #tpu.memory_space<vmem_shared>> -> memref<640x64xf32, #tpu.memory_space<vmem_shared>>
      tpu.enqueue_dma source(%dma_start3A_71 : memref<640x64xf32, #tpu.memory_space<vmem_shared>>) target(%dma_start3A_69 : memref<640x64xf32, #tpu.memory_space<hbm>>) target_semaphore(%run_scoped3A : memref<!tpu.dma_semaphore, #tpu.memory_space<semaphore_mem>>)
      %dma_wait3A_72 = arith.constant 0 : i32
      %dma_wait3A_73 = tpu.memref_slice %arg7[%arg0, %mul3A_66, %dma_wait3A_72] : memref<2x10240x64xf32, #tpu.memory_space<hbm>> -> memref<1x640x64xf32, #tpu.memory_space<hbm>>
      %dma_wait3A_74 = tpu.memref_squeeze %dma_wait3A_73 : memref<1x640x64xf32, #tpu.memory_space<hbm>> -> memref<640x64xf32, #tpu.memory_space<hbm>>
      %dma_wait3A_75 = arith.constant 0 : i32
      %dma_wait3A_76 = tpu.memref_slice %arg15[%mul3A_64, %dma_wait3A_75] : memref<10240x64xf32, #tpu.memory_space<vmem_shared>> -> memref<640x64xf32, #tpu.memory_space<vmem_shared>>
      tpu.wait_dma2 semaphore(%run_scoped3A : memref<!tpu.dma_semaphore, #tpu.memory_space<semaphore_mem>>) src(%dma_wait3A_76 : memref<640x64xf32, #tpu.memory_space<vmem_shared>>) dst(%dma_wait3A_74 : memref<640x64xf32, #tpu.memory_space<hbm>>)
      tpu.yield
    }) : () -> ()
    return
  }
}

module attributes {stable_mosaic.version = 14 : i64} {
  func.func @_mm_body(%arg0: i32, %arg1: memref<1x1000x64xf32, #tpu.memory_space<vmem>>, %arg2: memref<1x1000x64xf32, #tpu.memory_space<vmem>>, %arg3: memref<128x128xf32, #tpu.memory_space<vmem>>, %arg4: memref<1000x128xf32, #tpu.memory_space<vmem>>) attributes {dimension_semantics = [#tpu.dimension_semantics<arbitrary>], iteration_bounds = array<i64: 10>, scalar_prefetch = 0 : i64, scratch_operands = 0 : i64, tpu.core_type = #tpu.core_type<tc>, window_params = [{transform_indices = @transform_0, window_bounds = array<i64: 1, 1000, 64>}, {transform_indices = @transform_1, window_bounds = array<i64: 1, 1000, 64>}, {pipeline_mode = #tpu.pipeline_mode<synchronous>, transform_indices = @transform_2, window_bounds = array<i64: 128, 128>}, {transform_indices = @transform_3, window_bounds = array<i64: 1000, 128>}]} {
    %get3A = arith.constant 0 : index
    %get3A_0 = arith.constant 0 : index
    %get3A_1 = arith.constant 0 : index
    %get3A_2 = vector.load %arg1[%get3A, %get3A_0, %get3A_1] : memref<1x1000x64xf32, #tpu.memory_space<vmem>>, vector<1x1000x64xf32>
    %get3A_3 = vector.shape_cast %get3A_2 : vector<1x1000x64xf32> to vector<1000x64xf32>
    %get3A_4 = arith.constant 0 : index
    %get3A_5 = arith.constant 0 : index
    %get3A_6 = vector.load %arg3[%get3A_4, %get3A_5] : memref<128x128xf32, #tpu.memory_space<vmem>>, vector<64x128xf32>
    %dot_general3A = arith.constant dense<0.000000e+00> : vector<1000x128xf32>
    %dot_general3A_7 = tpu.matmul %get3A_3, %get3A_6, %dot_general3A {dimension_numbers = #tpu.dot_dimension_numbers<[1], [0], [0], [1], [0, 0, 1, 1], [], []>, transpose_lhs_hint = false} : vector<1000x64xf32>, vector<64x128xf32>, vector<1000x128xf32> -> vector<1000x128xf32>
    %get3A_8 = arith.constant 0 : index
    %get3A_9 = arith.constant 0 : index
    %get3A_10 = arith.constant 0 : index
    %get3A_11 = vector.load %arg2[%get3A_8, %get3A_9, %get3A_10] : memref<1x1000x64xf32, #tpu.memory_space<vmem>>, vector<1x1000x64xf32>
    %get3A_12 = vector.shape_cast %get3A_11 : vector<1x1000x64xf32> to vector<1000x64xf32>
    %get3A_13 = arith.constant 64 : index
    %get3A_14 = arith.constant 0 : index
    %get3A_15 = vector.load %arg3[%get3A_13, %get3A_14] : memref<128x128xf32, #tpu.memory_space<vmem>>, vector<64x128xf32>
    %dot_general3A_16 = arith.constant dense<0.000000e+00> : vector<1000x128xf32>
    %dot_general3A_17 = tpu.matmul %get3A_12, %get3A_15, %dot_general3A_16 {dimension_numbers = #tpu.dot_dimension_numbers<[1], [0], [0], [1], [0, 0, 1, 1], [], []>, transpose_lhs_hint = false} : vector<1000x64xf32>, vector<64x128xf32>, vector<1000x128xf32> -> vector<1000x128xf32>
    %add3A = arith.addf %dot_general3A_7, %dot_general3A_17 : vector<1000x128xf32>
    %swap3A = arith.constant 0 : index
    %swap3A_18 = arith.constant 0 : index
    %swap3A_19 = vector.load %arg4[%swap3A, %swap3A_18] : memref<1000x128xf32, #tpu.memory_space<vmem>>, vector<1000x128xf32>
    tpu.vector_store %arg4[%swap3A, %swap3A_18], %add3A {strides = array<i32>} : memref<1000x128xf32, #tpu.memory_space<vmem>>, vector<1000x128xf32>,
    return
  }
  func.func @transform_0(%arg0: i32) -> (i32, i32, i32) {
    %c0_i32 = arith.constant 0 : i32
    %c0_i32_0 = arith.constant 0 : i32
    %c0_i32_1 = arith.constant 0 : i32
    return %c0_i32, %arg0, %c0_i32_0 : i32, i32, i32
  }
  func.func @transform_1(%arg0: i32) -> (i32, i32, i32) {
    %c1_i32 = arith.constant 1 : i32
    %c0_i32 = arith.constant 0 : i32
    %c0_i32_0 = arith.constant 0 : i32
    return %c1_i32, %arg0, %c0_i32 : i32, i32, i32
  }
  func.func @transform_2(%arg0: i32) -> (i32, i32) {
    %c0_i32 = arith.constant 0 : i32
    %c0_i32_0 = arith.constant 0 : i32
    %c0_i32_1 = arith.constant 0 : i32
    return %c0_i32, %c0_i32_0 : i32, i32
  }
  func.func @transform_3(%arg0: i32) -> (i32, i32) {
    %c0_i32 = arith.constant 0 : i32
    %c0_i32_0 = arith.constant 0 : i32
    return %arg0, %c0_i32 : i32, i32
  }
}

</mosaic_0001>

<sc_bundles>
// kernel: kernel.4.cloned.1.call-start
scs
__scs_entry_jumppad:
0x0: {  	(pc) =	sbr.rel $0x88, $3  }
0x1: {  	(tag) =	ssettag $0x0;
	lr =	simm.s32 $0x1  }
0x2: {  	[smem:$0x3F9D] =	sst lr;
	_ =	strace $0xD0000000  }
0x3: {  	_ = 	snop  }
0x4: {  	_ = 	snop  }
0x5: {  	_ = 	snop  }
0x6: {  	_ = 	snop  }
0x7: {  	_ = 	snop  }
__scs_overlays_trampoline_lowered:
0x8: {  	[smem:$0x3FAC] =	sst s0  }
0x9: {  	[smem:$0x3FAD] =	sst s1  }
0xa: {  	[smem:$0x3FAE] =	sst s2  }
0xb: {  	[smem:$0x3FAF] =	sst s3  }
0xc: {  	[smem:$0x3FB0] =	sst s4  }
0xd: {  	[smem:$0x3FB1] =	sst s5  }
0xe: {  	[smem:$0x3FB2] =	sst s6  }
0xf: {  	[smem:$0x3FB3] =	sst s7  }
0x10: {  	[smem:$0x3FB4] =	sst s8  }
0x11: {  	[smem:$0x3FB5] =	sst s9;
	s0 =	simm.s32 @!p0 $0x0  }
0x12: {  	s1 =	sld [smem:$0x3F9B];
	s0 =	simm.s32 @p0 $0x1  }
0x13: {  	[smem:$0x3FB6] =	sst s0;
	s0 =	simm.s32 @!p1 $0x0  }
0x14: {  	s2 =	sld [smem:$0x3F9A];
	s0 =	simm.s32 @p1 $0x1  }
0x15: {  	[smem:$0x3FB7] =	sst s0;
	s0 =	simm.s32 @!p2 $0x0  }
0x16: {  	s3 =	sld [smem:$0x3FDB];
	s0 =	simm.s32 @p2 $0x1  }
0x17: {  	s4 =	simm.s32 $0x1BF5;
	[smem:$0x3FB9] =	sst s0  }
0x18: {  	s0 =	sld [smem:$0x3F9C];
	_ =	swait.ge [sflag:s4], $0x0  }
0x19: {  	s7 =	sld [smem:$0x3F9D]  }
0x1a: {  	s8 =	sadd.s32 $0xFFFFE003, lr  }
0x1b: {  	s9 =	sadd.s32 $0xFFFFFEF7, lr;
	s5 =	simm.s32 $0xFFFFFFFF;
	p2 =	slt.u32 s8, $0xFFFFF086  }
0x1c: {  	p1 =	slt.u32 s9, $0xF7A;
	s5 =	simm.s32 @!p2 $0x0  }
0x1d: {  	s5 =	simm.s32 @p1 $0x1;
	p0 =	seq.s32 s7, s2  }
0x1e: {  	s7 =	smul.u32 @!p0 $0xF7A, s2;
	p2 =	seq.s32 @!p0 s5, $0x0  }
0x1f: {  	s9 =	smul.u32 $0xF7A, s1;
	s8 =	simm.s32 @!p0 $0x1BF5;
	p2 =	por !p2, p0  }
0x20: {  	[sflag:s8] =	ssyncset.s32 @!p0 $0xFFFFF086;
	s6 =	sadd.s32 @!p0 s3, s7;
	s7 =	simm.s32 @!p0 $0x108  }
0x21: {  	s3 =	sadd.s32 s3, s9;
	s6 =	sadd.s32 @!p0 $0x88, s6;
	s7 =	simm.s32 @p2 $0x1082  }
0x22: {  	[simem:s7], [sflag:s8] =	dma.local @!p0 [hbm:s6], $0xF7A  }
0x23: {  	s9 =	sor.u32 $0xD0000000, s2;
	s6 =	simm.s32 $0x108;
	_ =	swait.ge @!p0 [sflag:s8], $0x0  }
0x24: {  	s3 =	sadd.s32 $0x88, s3;
	s6 =	simm.s32 @!p1 $0x1082;
	[sflag:s4] =	ssyncset.s32 $0xFFFFF086  }
0x25: {  	[simem:s6], [sflag:s4] =	dma.local [hbm:s3], $0xF7A  }
0x26: {  	[smem:$0x3F9D] =	sst s1;
	(tag) =	ssettag s2;
	_ =	strace s9  }
0x27: {  	s1 =	sld [smem:$0x3FAD]  }
0x28: {  	s2 =	sld [smem:$0x3FAE]  }
0x29: {  	s4 =	sld [smem:$0x3FB0]  }
0x2a: {  	p0 =	seq.s32 s5, $0x0;
	s5 =	sld [smem:$0x3FB1]  }
0x2b: {  	s6 =	sld [smem:$0x3FB2]  }
0x2c: {  	s7 =	sld [smem:$0x3FB3]  }
0x2d: {  	s3 =	simm.s32 $0x108;
	s8 =	sld [smem:$0x3FB4]  }
0x2e: {  	s3 =	simm.s32 @!p0 $0x1082;
	s9 =	sld [smem:$0x3FB5]  }
0x2f: {  	lr =	sadd.s32 s0, s3;
	s0 =	sld [smem:$0x3FAC]  }
0x30: {  	s3 =	sld [smem:$0x3FAF]  }
0x31: {  	[smem:$0x3FB8] =	sst s10  }
0x32: {  	s10 =	sld [smem:$0x3FB6];
	_ =	sdelay $0x3  }
0x33: {  	p0 =	seq.s32 s10, $0x1;
	s10 =	sld [smem:$0x3FB8];
	_ =	sdelay $0x3  }
0x34: {  	[smem:$0x3FB8] =	sst s10  }
0x35: {  	s10 =	sld [smem:$0x3FB7];
	_ =	sdelay $0x3  }
0x36: {  	p1 =	seq.s32 s10, $0x1;
	s10 =	sld [smem:$0x3FB8];
	_ =	sdelay $0x3  }
0x37: {  	[smem:$0x3FB8] =	sst s10  }
0x38: {  	s10 =	sld [smem:$0x3FB9]  }
0x39: {  	_ = 	snop;
	(pc) =	sbr.ind lr, $3  }
0x3a: {  	_ = 	snop  }
0x3b: {  	_ = 	snop  }
0x3c: {  	p2 =	seq.s32 s10, $0x1;
	s10 =	sld [smem:$0x3FB8]  }
0x3d: {  	_ =	shalt  }
0x3e: {  	_ =	shalt  }
0x3f: {  	_ =	shalt  }
0x40: {  	_ =	shalt  }
0x41: {  	_ =	shalt  }
0x42: {  	_ =	shalt  }
0x43: {  	_ =	shalt  }
0x44: {  	_ =	shalt  }
0x45: {  	_ =	shalt  }
0x46: {  	_ =	shalt  }
0x47: {  	_ =	shalt  }
0x48: {  	_ =	shalt  }
0x49: {  	_ =	shalt  }
0x4a: {  	_ =	shalt  }
0x4b: {  	_ =	shalt  }
0x4c: {  	_ =	shalt  }
0x4d: {  	_ =	shalt  }
0x4e: {  	_ =	shalt  }
0x4f: {  	_ =	shalt  }
0x50: {  	_ =	shalt  }
0x51: {  	_ =	shalt  }
0x52: {  	_ =	shalt  }
0x53: {  	_ =	shalt  }
0x54: {  	_ =	shalt  }
0x55: {  	_ =	shalt  }
0x56: {  	_ =	shalt  }
0x57: {  	_ =	shalt  }
0x58: {  	_ =	shalt  }
0x59: {  	_ =	shalt  }
0x5a: {  	_ =	shalt  }
0x5b: {  	_ =	shalt  }
0x5c: {  	_ =	shalt  }
0x5d: {  	_ =	shalt  }
0x5e: {  	_ =	shalt  }
0x5f: {  	_ =	shalt  }
0x60: {  	_ =	shalt  }
0x61: {  	_ =	shalt  }
0x62: {  	_ =	shalt  }
0x63: {  	_ =	shalt  }
0x64: {  	_ =	shalt  }
0x65: {  	_ =	shalt  }
0x66: {  	_ =	shalt  }
0x67: {  	_ =	shalt  }
0x68: {  	_ =	shalt  }
0x69: {  	_ =	shalt  }
0x6a: {  	_ =	shalt  }
0x6b: {  	_ =	shalt  }
0x6c: {  	_ =	shalt  }
0x6d: {  	_ =	shalt  }
0x6e: {  	_ =	shalt  }
0x6f: {  	_ =	shalt  }
0x70: {  	_ =	shalt  }
0x71: {  	_ =	shalt  }
0x72: {  	_ =	shalt  }
0x73: {  	_ =	shalt  }
0x74: {  	_ =	shalt  }
0x75: {  	_ =	shalt  }
0x76: {  	_ =	shalt  }
0x77: {  	_ =	shalt  }
0x78: {  	_ =	shalt  }
0x79: {  	_ =	shalt  }
0x7a: {  	_ =	shalt  }
0x7b: {  	_ =	shalt  }
0x7c: {  	_ =	shalt  }
0x7d: {  	_ =	shalt  }
0x7e: {  	_ =	shalt  }
0x7f: {  	_ =	shalt  }
0x80: {  	_ =	shalt  }
0x81: {  	_ =	shalt  }
0x82: {  	_ =	shalt  }
0x83: {  	_ =	shalt  }
0x84: {  	_ =	shalt  }
0x85: {  	_ =	shalt  }
0x86: {  	_ =	shalt  }
0x87: {  	_ =	shalt  }
.Lfunc_end0:
.L_simem_size_0:
called_computation_lowered:
.L_overlay_start_0:
0x88: {  	s2 =	sld [smem:$0x3FD9]  }
0x89: {  	s3 =	sld [smem:$0x3FFE];
	_ =	sdelay $0x1  }
0x8a: {  	s1 =	srdreg.scid  }
0x8b: {  	s0 =	sand.u32 $0x1, s1  }
0x8c: {  	s17 =	sshll.u32 s0, $0xA;
	s2 =	sadd.s32 s3, s2  }
0x8d: {  	s2 =	sadd.s32 s2, s17  }
0x8e: {  	[smem:$0x3FC4] =	sst s2  }
0x8f: {  	_ = 	snop  }
0x90: {  	s2 =	sld [smem:$0x3FC7]  }
0x91: {  	s18 =	sld [smem:$0x3FD0];
	(tm) =	ssettm $0x1  }
0x92: {  	s4 =	sld [smem:$0x3FFB];
	_ =	sdelay $0x3  }
0x93: {  	_ =	strace s4  }
0x94: {  	s4 =	sld [smem:$0x3FFC];
	_ =	sdelay $0x3  }
0x95: {  	_ =	strace s4  }
0x96: {  	s4 =	sld [smem:$0x3FFD];
	_ =	sdelay $0x3  }
0x97: {  	_ =	strace s4  }
0x98: {  	_ =	strace $0x8FFFFFFF  }
0x99: {  	s19 =	sld [smem:$0x3FDB];
	_ =	sdelay $0x1  }
0x9a: {  	s5 =	simm.s32 $_scs_section_size  }
0x9b: {  	s6 =	simm.s32 $_size__tile_overlayer_lowered;
	s7 =	simm.s32 $_tile_overlayer_lowered  }
0x9c: {  	s22 =	simm.s32 $0x1BFF;
	s21 =	sshll.u32 s7, $0x1;
	s4 =	sadd.s32 s5, s19  }
0x9d: {  	s8 =	simm.s32 $0x0;
	s20 =	sshll.u32 s6, $0x1;
	s6 =	sadd.s32 s21, s4  }
0x9e: {  	[timem:s8], [sflag:s22] =	dma.local [hbm:s6], s20  }
0x9f: {  	_ =	swait.ge [sflag:s22], s20  }
0xa0: {  	s5 =	ssub.s32 $0x0, s20;
	[sflag:s22] =	ssyncset.done $0x0  }
0xa1: {  	[sflag:s22] =	ssyncadd.s32 s5;
	_ =	sdelay $0x1  }
0xa2: {  	s23 =	simm.s32 $0x1B8B  }
0xa3: {  	_ =	swait.ge [sflag:s23], $0x1  }
0xa4: {  	[sflag:s23] =	ssyncset.done $0x0  }
0xa5: {  	s25 =	simm.s32 $0x1B8E;
	s24 =	sld [smem:$0x3FFE];
	[sflag:s23] =	ssyncadd.s32 $0xFFFFFFFF  }
0xa6: {  	s26 =	simm.s32 $execute0_lowered;
	[smem:$0x3FD2] =	sst s25  }
0xa7: {  	s6 =	sshll.u32 s26, $0x1;
	_ =	strace $0x80000046;
	[dreg:$0x1] =	wrdreg $0xFFFFFFFF  }
0xa8: {  	s28 =	simm.s32 $_size_execute0_lowered;
	s4 =	sadd.s32 s4, s6;
	[dreg:$0x0] =	wrdreg $0x0  }
0xa9: {  	s6 =	sshll.u32 s28, $0x1;
	[dreg:$0x2] =	wrdreg s4  }
0xaa: {  	[dreg:$0x3] =	wrdreg s6  }
0xab: {  	[dreg:$0x4] =	wrdreg $0xC0  }
0xac: {  	_ =	task [dreg:s8], $0x5FFFF  }
0xad: {  	[dreg:$0x1] =	wrdreg $0xFFFFFFFF  }
0xae: {  	[dreg:$0x0] =	wrdreg $0x60  }
0xaf: {  	[dreg:$0x2] =	wrdreg s18  }
0xb0: {  	[dreg:$0x3] =	wrdreg s24  }
0xb1: {  	[dreg:$0x4] =	wrdreg s2  }
0xb2: {  	[dreg:$0x5] =	wrdreg $0x13A600  }
0xb3: {  	[dreg:$0x6] =	wrdreg $0x9  }
0xb4: {  	_ =	task.clear_ibuf [dreg:s8], $0x7FFFF;
	_ =	strace $0x90000046  }
0xb5: {  	s29 =	simm.s32 $0x9;
	_ =	strace $0x80000048  }
0xb6: {  	_ =	swait.ge [sflag:s29], $0x1  }
0xb7: {  	[sflag:s29] =	ssyncadd.s32 $0xFFFFFFFF  }
0xb8: {  	_ =	strace $0x90000048  }
0xb9: {  	_ =	sfence  }
0xba: {  	s30 =	sld [smem:$0x0];
	_ =	sdelay $0x2  }
0xbb: {  	s31 =	sshll.u32 s1, $0xD;
	s1 =	sshrl.u32 s1, $0x2  }
0xbc: {  	s3 =	sand.u32 $0x4000, s31;
	s1 =	sadd.s32 s1, s30  }
0xbd: {  	s0 =	sor.u32 s3, s0;
	s1 =	sshll.u32 s1, $0x11  }
0xbe: {  	s0 =	sor.u32 s1, s0  }
0xbf: {  	s0 =	sadd.s32 $0x8F2B, s0  }
0xc0: {  	[sflag:s0] =	ssyncadd.remote.s32 $0x1  }
0xc1: {  	_ =	sfence.sel $0xFFFF  }
0xc2: {  	[dreg:$0x0] =	wrdreg $0xFFFFFFFF;
	(pc) =	sbr.abs _section_cstart, $3  }
0xc3: {  	[dreg:$0x1] =	wrdreg $0xFFFFFFFF  }
0xc4: {  	_ =	task.clear_ibuf [dreg:s8], $0x2FFFF;
	_ =	strace $0x9FFFFFFF  }
0xc5: {  	(tm) =	ssettm $0x7FFFFFFF  }
tec
execute0_lowered:
.L_overlay_start_1:
0x0: {  	(tag) =	ssettag $0x1  }
0x1: {  	s1 =	rddreg [dreg:$0x0]  }
0x2: {  	s0 =	rddreg [dreg:$0x1]  }
0x3: {  	s2 =	rddreg [dreg:$0x2]  }
0x4: {  	s3 =	rddreg [dreg:$0x3]  }
0x5: {  	s11 =	stileid.u32;
	s5 =	srdreg.scid  }
0x6: {  	s4 =	simm.s32 $0x0;
	s17 =	simm.s32 $0x1;
	s18 =	simm.s32 $0x2  }
0x7: {  	s19 =	simm.s32 $0x3;
	s20 =	simm.s32 $0x4;
	s21 =	simm.s32 $0x50  }
0x8: {  	s23 =	simm.s32 $0xFE60;
	s24 =	simm.s32 $0x11260;
	s25 =	simm.s32 $0x12660  }
0x9: {  	s26 =	simm.s32 $0x5;
	s28 =	simm.s32 $0x0;
	s6 =	smul.u32 $0x4E20, s11  }
0xa: {  	s12 =	sand.u32 $0x1, s5;
	s7 =	smul.u32 $0xA000, s11;
	[smem:$0x7FF] =	sst s4  }
0xb: {  	s5 =	sadd.s32 $0x14400, s0;
	s13 =	sadd.s32 $0x27E00, s0;
	s8 =	smul.u32 $0xA0000, s12  }
0xc: {  	_ =	strace $0x80000047;
	s9 =	ssub.s32 $0x2, s12;
	[dreg:$0x5] =	wrdreg s13  }
0xd: {  	p0 =	seq.s32 s12, $0x1;
	s6 =	sshrl.u32 s6, $0x3;
	s30 =	sshrl.u32 s9, $0x1  }
.Ltmp0:
0xe: {  	s14 =	sadd.s32 s7, s3;
	s8 =	sadd.s32 s7, s8;
	(pc) =	sbr.rel .LBB2_1-.Ltmp0, $4  }
0xf: {  	s10 =	sadd.s32 s6, s0;
	s31 =	ssub.s32 s9, s30;
	s7 =	sshll.u32 s11, $0x6  }
0x10: {  	s11 =	sadd.s32 s2, s6;
	s14 =	sshrl.u32 s14, $0x3;
	s8 =	sshrl.u32 s8, $0x3  }
0x11: {  	s9 =	sadd.s32 $0xA00, s10;
	s10 =	sadd.s32 $0xA640, s10;
	s0 =	sadd.s32 s8, s0  }
0x12: {  	s13 =	smax.u32 s31, $0x1;
	s8 =	sor.u32 $0x1C01, s7;
	s12 =	sadd.s32 $0x29200, s0  }
.LBB2_16:
0x13: {  	s0 =	sshra.s32 s0, $0x2  }
0x14: {  	s0 =	sadd.s32 $0x4E20, s0  }
0x15: {  	[spmem:s3] =	stream.indirect.scatter.add.f32 [tilespmem:s25], [sflag:$0x4], $0x40, s0, s21, $0xb8;
	[tilespmem:$0x1DA60] =	vst v63  }
0x16: {  	_ =	swait.ge [sflag:s19], $0x1400  }
0x17: {  	[sflag:s19] =	ssyncset.done $0x0  }
0x18: {  	[sflag:s19] =	ssyncadd.s32 $0xFFFFEC00  }
0x19: {  	_ =	swait.ge [sflag:s20], $0x1400  }
0x1a: {  	s28 =	sadd.s32 $0x1, s28;
	[sflag:s20] =	ssyncset.done $0x0  }
0x1b: {  	p1 =	sne.s32 s28, s13;
	[sflag:s20] =	ssyncadd.s32 $0xFFFFEC00  }
.Ltmp1:
0x1c: {  	s31 =	sor.u32 $0x1C05, s7;
	[bflag:$0x0] =	sbarrier.arrive $0xFFFF;
	(pc) =	sbr.rel @!p1 .LBB2_17-.Ltmp1, $4  }
0x1d: {  	[hbm:s12], [sflag:s31] =	dma.local [spmem:s14], $0x1400  }
0x1e: {  	_ =	swait.ge [sflag:s26], $0x1400  }
0x1f: {  	[sflag:s26] =	ssyncset.done $0x0  }
0x20: {  	[sflag:s26] =	ssyncadd.s32 $0xFFFFEC00  }
.LBB2_1:
0x21: {  	s0 =	rddreg [dreg:$0x5]  }
0x22: {  	[spmem:s14], [sflag:s8] =	dma.local [hbm:s0], $0x1400  }
0x23: {  	[tilespmem:s4], [sflag:$0x2] =	stream.linear.gather [hbm4b:s9+s4], $0x4E20, $0x38;
	[tilespmem:$0x1DA60] =	vst v63  }
0x24: {  	s30 =	simm.s32 $0x4E20  }
0x25: {  	[tilespmem:s30], [sflag:$0x3] =	stream.linear.gather [hbm4b:s10+s4], $0x4E20, $0x38;
	[tilespmem:$0x1DA60] =	vst v63  }
0x26: {  	s31 =	simm.s32 $0x9C40  }
0x27: {  	[tilespmem:s31], [sflag:$0x4] =	stream.linear.gather [hbm4b:s11+s4], $0x4E20, $0x38;
	[tilespmem:$0x1DA60] =	vst v63  }
0x28: {  	_ =	swait.ge [sflag:s17], $0x1400  }
0x29: {  	[sflag:s17] =	ssyncset.done $0x0  }
0x2a: {  	[sflag:s17] =	ssyncadd.s32 $0xFFFFEC00  }
0x2b: {  	_ =	swait.ge [sflag:s18], $0x4E20  }
0x2c: {  	[sflag:s18] =	ssyncset.done $0x0  }
0x2d: {  	[sflag:s18] =	ssyncadd.s32 $0xFFFFB1E0  }
0x2e: {  	_ =	swait.ge [sflag:s19], $0x4E20  }
0x2f: {  	[sflag:s19] =	ssyncset.done $0x0  }
0x30: {  	[sflag:s19] =	ssyncadd.s32 $0xFFFFB1E0  }
.Ltmp2:
0x31: {  	_ =	swait.ge [sflag:s20], $0x4E20;
	(pc) =	sbr.rel @!p0 .LBB2_2-.Ltmp2, $4  }
0x32: {  	[sflag:s20] =	ssyncset.done $0x0  }
0x33: {  	[sflag:s20] =	ssyncadd.s32 $0xFFFFB1E0  }
0x34: {  	[bflag:$0x0] =	sbarrier.arrive $0xFFFF  }
0x35: {  	s29 =	simm.s32 $0x0;
	s0 =	simm.s32 $0xEA60  }
0x36: {  	[tilespmem:s0], [sflag:$0x1] =	stream.indirect.gather [hbm4b:s5+s21], $0x40, s29, s21, $0xb8;
	[tilespmem:$0x1DA60] =	vst v63  }
0x37: {  	s30 =	simm.s32 $0x9C40;
	s31 =	simm.s32 $0x9C90  }
0x38: {  	[tilespmem:s23], [sflag:$0x2] =	stream.indirect.gather [hbm4b:s5+s21], $0x40, s21, s21, $0xb8;
	[tilespmem:$0x1DA60] =	vst v63  }
.LBB2_10:
0x39: {  	_ =	swait.ge [sflag:s17], $0x1400  }
0x3a: {  	p1 =	seq.s32 s29, $0x0;
	[sflag:s17] =	ssyncset.done $0x0  }
0x3b: {  	s0 =	simm.s32 @!p1 $0x3;
	[sflag:s17] =	ssyncadd.s32 $0xFFFFEC00  }
0x3c: {  	_ =	swait.ge @!p1 [sflag:s0], $0x1400  }
0x3d: {  	[sflag:s0] =	ssyncset.done @!p1 $0x0  }
0x3e: {  	s2 =	simm.s32 $0x3F0;
	[sflag:s0] =	ssyncadd.s32 @!p1 $0xFFFFEC00  }
0x3f: {  	v24 =	vld [tilespmem:s2+$0xE670]  }
0x40: {  	v25 =	vld [tilespmem:s2+$0xE680]  }
0x41: {  	v23 =	vld [tilespmem:s2+$0xE690]  }
0x42: {  	v22 =	vld [tilespmem:s2+$0xE6A0]  }
0x43: {  	v20 =	vld [tilespmem:s2+$0xE6B0]  }
0x44: {  	v21 =	vld [tilespmem:s2+$0xE6C0]  }
0x45: {  	v19 =	vld [tilespmem:s2+$0xE6D0]  }
0x46: {  	v18 =	vld [tilespmem:s2+$0xE6E0]  }
0x47: {  	v16 =	vld [tilespmem:s2+$0xE6F0]  }
0x48: {  	v17 =	vld [tilespmem:s2+$0xE700]  }
0x49: {  	v15 =	vld [tilespmem:s2+$0xE710]  }
0x4a: {  	v14 =	vld [tilespmem:s2+$0xE720]  }
0x4b: {  	v12 =	vld [tilespmem:s2+$0xE730]  }
0x4c: {  	v13 =	vld [tilespmem:s2+$0xE740]  }
0x4d: {  	v10 =	vld [tilespmem:s2+$0xE750]  }
0x4e: {  	v11 =	vld [tilespmem:s2+$0xE760]  }
0x4f: {  	v8 =	vld [tilespmem:s2+$0xE770]  }
0x50: {  	v9 =	vld [tilespmem:s2+$0xE780]  }
0x51: {  	v7 =	vld [tilespmem:s2+$0xE790]  }
0x52: {  	v6 =	vld [tilespmem:s2+$0xE7A0]  }
0x53: {  	v4 =	vld [tilespmem:s2+$0xE7B0]  }
0x54: {  	v5 =	vld [tilespmem:s2+$0xE7C0]  }
0x55: {  	v3 =	vld [tilespmem:s2+$0xE7D0]  }
0x56: {  	v2 =	vld [tilespmem:s2+$0xE7E0]  }
0x57: {  	v1 =	vld [tilespmem:s2+$0xE7F0]  }
0x58: {  	s15 =	simm.s32 $0x1FC0;
	s16 =	smov.u32 s30;
	s0 =	smul.u32 $0x280, s29;
	v0 =	vld [tilespmem:s30+$0x0]  }
.LBB2_11:
0x59: {  	p2 =	sne.s32 s15, $0x4FC0;
	v26 =	vld [tilespmem:s2+$0xE800]  }
0x5a: {  	v27 =	vld [tilespmem:s2+$0xE810]  }
0x5b: {  	v28 =	vld [tilespmem:s2+$0xE820]  }
0x5c: {  	v29 =	vld [tilespmem:s2+$0xE830]  }
0x5d: {  	v30 =	vbroadcast v0, $0x0;
	v31 =	vbroadcast v0, $0x1;
	v32 =	vld [tilespmem:s2+$0xE840]  }
0x5e: {  	v33 =	vbroadcast v0, $0x2;
	v34 =	vbroadcast v0, $0x3;
	v35 =	vld [tilespmem:s2+$0xE850]  }
0x5f: {  	v24 =	vmul.f32 v30, v24;
	v25 =	vmul.f32 v25, v30;
	v36 =	vld [tilespmem:s2+$0xE860]  }
0x60: {  	v23 =	vmul.f32 v23, v30;
	v22 =	vmul.f32 v22, v30;
	v30 =	vld [tilespmem:s2+$0xE870]  }
0x61: {  	v20 =	vmul.f32 v20, v31;
	v21 =	vmul.f32 v21, v31;
	[tilespmem:s2+$0x10E70] =	vst v24;
	v24 =	vld [tilespmem:s2+$0xE880]  }
0x62: {  	v19 =	vmul.f32 v19, v31;
	v18 =	vmul.f32 v18, v31;
	[tilespmem:s2+$0x10E80] =	vst v25;
	v25 =	vld [tilespmem:s2+$0xE890]  }
0x63: {  	v16 =	vmul.f32 v16, v33;
	v17 =	vmul.f32 v17, v33;
	[tilespmem:s2+$0x10E90] =	vst v23;
	v23 =	vld [tilespmem:s2+$0xE8A0]  }
0x64: {  	v15 =	vmul.f32 v15, v33;
	v14 =	vmul.f32 v14, v33;
	[tilespmem:s2+$0x10EA0] =	vst v22;
	v22 =	vld [tilespmem:s2+$0xE8B0]  }
0x65: {  	v12 =	vmul.f32 v12, v34;
	v13 =	vmul.f32 v13, v34;
	[tilespmem:s2+$0x10EB0] =	vst v20;
	v20 =	vld [tilespmem:s2+$0xE8C0]  }
0x66: {  	v10 =	vmul.f32 v10, v34;
	v11 =	vmul.f32 v11, v34;
	[tilespmem:s2+$0x10EC0] =	vst v21;
	v21 =	vld [tilespmem:s2+$0xE8D0]  }
0x67: {  	v31 =	vbroadcast v0, $0x5;
	[tilespmem:s2+$0x10ED0] =	vst v19;
	v19 =	vbroadcast v0, $0x4;
	v33 =	vld [tilespmem:s2+$0xE8E0]  }
0x68: {  	v34 =	vbroadcast v0, $0x7;
	[tilespmem:s2+$0x10EE0] =	vst v18;
	v18 =	vbroadcast v0, $0x6;
	v37 =	vld [tilespmem:s2+$0xE8F0]  }
0x69: {  	[tilespmem:s2+$0x10EF0] =	vst v16;
	v8 =	vmul.f32 v8, v19;
	v9 =	vmul.f32 v9, v19;
	v16 =	vld [tilespmem:s2+$0xE900]  }
0x6a: {  	v7 =	vmul.f32 v7, v19;
	v6 =	vmul.f32 v6, v19;
	[tilespmem:s2+$0x10F00] =	vst v17;
	v17 =	vld [tilespmem:s2+$0xE910]  }
0x6b: {  	v4 =	vmul.f32 v4, v31;
	v5 =	vmul.f32 v5, v31;
	[tilespmem:s2+$0x10F10] =	vst v15;
	v15 =	vld [tilespmem:s2+$0xE920]  }
0x6c: {  	v3 =	vmul.f32 v3, v31;
	v2 =	vmul.f32 v2, v31;
	[tilespmem:s2+$0x10F20] =	vst v14;
	v14 =	vld [tilespmem:s2+$0xE930]  }
0x6d: {  	v1 =	vmul.f32 v1, v18;
	[tilespmem:s2+$0x10F30] =	vst v12;
	v12 =	vmul.f32 v26, v18;
	v19 =	vld [tilespmem:s2+$0xE940]  }
0x6e: {  	[tilespmem:s2+$0x10F40] =	vst v13;
	v13 =	vmul.f32 v27, v18;
	v18 =	vmul.f32 v28, v18;
	v26 =	vld [tilespmem:s2+$0xE950]  }
0x6f: {  	v27 =	vmul.f32 v32, v34;
	[tilespmem:s2+$0x10F50] =	vst v10;
	v10 =	vmul.f32 v29, v34;
	v28 =	vld [tilespmem:s2+$0xE960]  }
0x70: {  	v29 =	vmul.f32 v36, v34;
	[tilespmem:s2+$0x10F60] =	vst v11;
	v11 =	vmul.f32 v35, v34;
	v31 =	vld [tilespmem:s2+$0xE970]  }
0x71: {  	v32 =	vbroadcast v0, $0x9;
	[tilespmem:s2+$0x10F70] =	vst v8;
	v8 =	vbroadcast v0, $0x8;
	v34 =	vld [tilespmem:s2+$0xE980]  }
0x72: {  	v35 =	vbroadcast v0, $0xB;
	[tilespmem:s2+$0x10F80] =	vst v9;
	v9 =	vbroadcast v0, $0xA;
	v36 =	vld [tilespmem:s2+$0xE990]  }
0x73: {  	[tilespmem:s2+$0x10F90] =	vst v7;
	v7 =	vmul.f32 v30, v8;
	v24 =	vmul.f32 v24, v8;
	v30 =	vld [tilespmem:s2+$0xE9A0]  }
0x74: {  	[tilespmem:s2+$0x10FA0] =	vst v6;
	v6 =	vmul.f32 v25, v8;
	v8 =	vmul.f32 v23, v8;
	v23 =	vld [tilespmem:s2+$0xE9B0]  }
0x75: {  	v20 =	vmul.f32 v20, v32;
	[tilespmem:s2+$0x10FB0] =	vst v4;
	v4 =	vmul.f32 v22, v32;
	v22 =	vld [tilespmem:s2+$0xE9C0]  }
0x76: {  	[tilespmem:s2+$0x10FC0] =	vst v5;
	v5 =	vmul.f32 v21, v32;
	v21 =	vmul.f32 v33, v32;
	v25 =	vld [tilespmem:s2+$0xE9D0]  }
0x77: {  	v16 =	vmul.f32 v16, v9;
	[tilespmem:s2+$0x10FD0] =	vst v3;
	v3 =	vmul.f32 v37, v9;
	v32 =	vld [tilespmem:s2+$0xE9E0]  }
0x78: {  	[tilespmem:s2+$0x10FE0] =	vst v2;
	v2 =	vmul.f32 v17, v9;
	v9 =	vmul.f32 v15, v9;
	v15 =	vld [tilespmem:s2+$0xE9F0]  }
0x79: {  	[tilespmem:s2+$0x10FF0] =	vst v1;
	v1 =	vmul.f32 v14, v35;
	v14 =	vmul.f32 v19, v35;
	v17 =	vld [tilespmem:s2+$0xEA00]  }
0x7a: {  	[tilespmem:s2+$0x11000] =	vst v12;
	v12 =	vmul.f32 v26, v35;
	v26 =	vmul.f32 v28, v35;
	v19 =	vld [tilespmem:s2+$0xEA10]  }
0x7b: {  	v28 =	vbroadcast v0, $0xD;
	[tilespmem:s2+$0x11010] =	vst v13;
	v13 =	vbroadcast v0, $0xC;
	v33 =	vld [tilespmem:s2+$0xEA20]  }
0x7c: {  	[tilespmem:s2+$0x11020] =	vst v18;
	v18 =	vbroadcast v0, $0xE;
	v35 =	vld [tilespmem:s2+$0xEA30];
	v0 =	vbroadcast v0, $0xF  }
0x7d: {  	[tilespmem:s2+$0x11030] =	vst v10;
	v10 =	vmul.f32 v31, v13;
	v31 =	vmul.f32 v34, v13;
	v34 =	vld [tilespmem:s2+$0xEA40]  }
0x7e: {  	[tilespmem:s2+$0x11040] =	vst v27;
	v27 =	vmul.f32 v36, v13;
	v13 =	vmul.f32 v30, v13;
	v30 =	vld [tilespmem:s2+$0xEA50]  }
0x7f: {  	v36 =	vmul.f32 v22, v28;
	[tilespmem:s2+$0x11050] =	vst v11;
	v11 =	vmul.f32 v23, v28;
	v22 =	vld [tilespmem:s2+$0xEA60]  }
0x80: {  	[tilespmem:s2+$0x11060] =	vst v29;
	v29 =	vmul.f32 v25, v28;
	v28 =	vmul.f32 v32, v28  }
0x81: {  	v32 =	vmul.f32 v17, v18;
	[tilespmem:s2+$0x11070] =	vst v7;
	v7 =	vmul.f32 v15, v18  }
0x82: {  	v37 =	vmul.f32 v19, v18;
	v33 =	vmul.f32 v33, v18;
	[tilespmem:s2+$0x11080] =	vst v24  }
0x83: {  	v35 =	vmul.f32 v35, v0;
	v34 =	vmul.f32 v34, v0;
	[tilespmem:s2+$0x11090] =	vst v6  }
0x84: {  	v30 =	vmul.f32 v30, v0;
	[tilespmem:s2+$0x110A0] =	vst v8;
	v0 =	vmul.f32 v22, v0  }
0x85: {  	[tilespmem:s2+$0x110B0] =	vst v4  }
0x86: {  	[tilespmem:s2+$0x110C0] =	vst v20  }
0x87: {  	s6 =	sshra.s32 s15, $0x2;
	[tilespmem:s2+$0x110D0] =	vst v5  }
0x88: {  	v24 =	vld [tilespmem:s6+$0xE670];
	[tilespmem:s2+$0x110E0] =	vst v21  }
0x89: {  	v25 =	vld [tilespmem:s6+$0xE680];
	[tilespmem:s2+$0x110F0] =	vst v3  }
0x8a: {  	v23 =	vld [tilespmem:s6+$0xE690];
	[tilespmem:s2+$0x11100] =	vst v16  }
0x8b: {  	v22 =	vld [tilespmem:s6+$0xE6A0];
	[tilespmem:s2+$0x11110] =	vst v2  }
0x8c: {  	v20 =	vld [tilespmem:s6+$0xE6B0];
	[tilespmem:s2+$0x11120] =	vst v9  }
0x8d: {  	v21 =	vld [tilespmem:s6+$0xE6C0];
	[tilespmem:s2+$0x11130] =	vst v1  }
0x8e: {  	v19 =	vld [tilespmem:s6+$0xE6D0];
	[tilespmem:s2+$0x11140] =	vst v14  }
0x8f: {  	v18 =	vld [tilespmem:s6+$0xE6E0];
	[tilespmem:s2+$0x11150] =	vst v12  }
0x90: {  	v16 =	vld [tilespmem:s6+$0xE6F0];
	[tilespmem:s2+$0x11160] =	vst v26  }
0x91: {  	v17 =	vld [tilespmem:s6+$0xE700];
	[tilespmem:s2+$0x11170] =	vst v10  }
0x92: {  	v15 =	vld [tilespmem:s6+$0xE710];
	[tilespmem:s2+$0x11180] =	vst v31  }
0x93: {  	v14 =	vld [tilespmem:s6+$0xE720];
	[tilespmem:s2+$0x11190] =	vst v27  }
0x94: {  	v12 =	vld [tilespmem:s6+$0xE730];
	[tilespmem:s2+$0x111A0] =	vst v13  }
0x95: {  	v13 =	vld [tilespmem:s6+$0xE740];
	[tilespmem:s2+$0x111B0] =	vst v11  }
0x96: {  	v10 =	vld [tilespmem:s6+$0xE750];
	[tilespmem:s2+$0x111C0] =	vst v36  }
0x97: {  	v11 =	vld [tilespmem:s6+$0xE760];
	[tilespmem:s2+$0x111D0] =	vst v29  }
0x98: {  	v8 =	vld [tilespmem:s6+$0xE770];
	[tilespmem:s2+$0x111E0] =	vst v28  }
0x99: {  	v9 =	vld [tilespmem:s6+$0xE780];
	[tilespmem:s2+$0x111F0] =	vst v7  }
0x9a: {  	v7 =	vld [tilespmem:s6+$0xE790];
	[tilespmem:s2+$0x11200] =	vst v32  }
0x9b: {  	v6 =	vld [tilespmem:s6+$0xE7A0];
	[tilespmem:s2+$0x11210] =	vst v37  }
0x9c: {  	v4 =	vld [tilespmem:s6+$0xE7B0];
	[tilespmem:s2+$0x11220] =	vst v33  }
.Ltmp3:
0x9d: {  	v5 =	vld [tilespmem:s6+$0xE7C0];
	[tilespmem:s2+$0x11230] =	vst v35;
	(pc) =	sbr.rel @p2 .LBB2_11-.Ltmp3, $4  }
0x9e: {  	v3 =	vld [tilespmem:s6+$0xE7D0];
	[tilespmem:s2+$0x11240] =	vst v34  }
0x9f: {  	v2 =	vld [tilespmem:s6+$0xE7E0];
	[tilespmem:s2+$0x11250] =	vst v30  }
0xa0: {  	s16 =	sadd.s32 $0x10, s16;
	v1 =	vld [tilespmem:s6+$0xE7F0];
	[tilespmem:s2+$0x11260] =	vst v0;
	s2 =	smov.u32 s6  }
0xa1: {  	s15 =	sadd.s32 $0x1000, s15;
	v0 =	vld [tilespmem:s16+$0x0]  }
0xa2: {  	_ =	sdelay $0x3  }
0xa3: {  	v30 =	vbroadcast v0, $0x0;
	_ =	sdelay $0x1  }
0xa4: {  	v24 =	vmul.f32 v30, v24  }
0xa5: {  	v25 =	vmul.f32 v25, v30  }
0xa6: {  	v35 =	vbroadcast v0, $0x1;
	v23 =	vmul.f32 v23, v30;
	[tilespmem:s2+$0x10E70] =	vst v24  }
0xa7: {  	v22 =	vmul.f32 v22, v30;
	[tilespmem:s2+$0x10E80] =	vst v25  }
0xa8: {  	v20 =	vmul.f32 v20, v35;
	[tilespmem:s2+$0x10E90] =	vst v23  }
0xa9: {  	v21 =	vmul.f32 v21, v35;
	[tilespmem:s2+$0x10EA0] =	vst v22  }
0xaa: {  	v49 =	vbroadcast v0, $0x2;
	v19 =	vmul.f32 v19, v35;
	[tilespmem:s2+$0x10EB0] =	vst v20  }
0xab: {  	v18 =	vmul.f32 v18, v35;
	[tilespmem:s2+$0x10EC0] =	vst v21  }
0xac: {  	v16 =	vmul.f32 v16, v49;
	[tilespmem:s2+$0x10ED0] =	vst v19  }
0xad: {  	v17 =	vmul.f32 v17, v49;
	[tilespmem:s2+$0x10EE0] =	vst v18  }
0xae: {  	v50 =	vbroadcast v0, $0x3;
	v15 =	vmul.f32 v15, v49;
	[tilespmem:s2+$0x10EF0] =	vst v16  }
0xaf: {  	v14 =	vmul.f32 v14, v49;
	[tilespmem:s2+$0x10F00] =	vst v17  }
0xb0: {  	v12 =	vmul.f32 v12, v50;
	[tilespmem:s2+$0x10F10] =	vst v15  }
0xb1: {  	v13 =	vmul.f32 v13, v50;
	[tilespmem:s2+$0x10F20] =	vst v14  }
0xb2: {  	v51 =	vbroadcast v0, $0x4;
	v10 =	vmul.f32 v10, v50;
	[tilespmem:s2+$0x10F30] =	vst v12  }
0xb3: {  	v11 =	vmul.f32 v11, v50;
	[tilespmem:s2+$0x10F40] =	vst v13  }
0xb4: {  	v8 =	vmul.f32 v8, v51;
	[tilespmem:s2+$0x10F50] =	vst v10  }
0xb5: {  	v9 =	vmul.f32 v9, v51;
	[tilespmem:s2+$0x10F60] =	vst v11  }
0xb6: {  	v52 =	vbroadcast v0, $0x5;
	v7 =	vmul.f32 v7, v51;
	[tilespmem:s2+$0x10F70] =	vst v8  }
0xb7: {  	v6 =	vmul.f32 v6, v51;
	[tilespmem:s2+$0x10F80] =	vst v9  }
0xb8: {  	v26 =	vld [tilespmem:s2+$0xE800];
	v4 =	vmul.f32 v4, v52;
	[tilespmem:s2+$0x10F90] =	vst v7  }
0xb9: {  	v27 =	vld [tilespmem:s2+$0xE810];
	v5 =	vmul.f32 v5, v52;
	[tilespmem:s2+$0x10FA0] =	vst v6  }
0xba: {  	v28 =	vld [tilespmem:s2+$0xE820];
	v53 =	vbroadcast v0, $0x6;
	v3 =	vmul.f32 v3, v52;
	[tilespmem:s2+$0x10FB0] =	vst v4  }
0xbb: {  	v29 =	vld [tilespmem:s2+$0xE830];
	v2 =	vmul.f32 v2, v52;
	[tilespmem:s2+$0x10FC0] =	vst v5  }
0xbc: {  	v31 =	vld [tilespmem:s2+$0xE840];
	v1 =	vmul.f32 v1, v53;
	[tilespmem:s2+$0x10FD0] =	vst v3  }
0xbd: {  	v32 =	vld [tilespmem:s2+$0xE850];
	v26 =	vmul.f32 v26, v53;
	[tilespmem:s2+$0x10FE0] =	vst v2  }
0xbe: {  	v33 =	vld [tilespmem:s2+$0xE860];
	v54 =	vbroadcast v0, $0x7;
	v27 =	vmul.f32 v27, v53;
	[tilespmem:s2+$0x10FF0] =	vst v1  }
0xbf: {  	v34 =	vld [tilespmem:s2+$0xE870];
	v28 =	vmul.f32 v28, v53;
	[tilespmem:s2+$0x11000] =	vst v26  }
0xc0: {  	v29 =	vmul.f32 v29, v54;
	v24 =	vld [tilespmem:s2+$0xE880];
	[tilespmem:s2+$0x11010] =	vst v27  }
0xc1: {  	v56 =	vmul.f32 v31, v54;
	v25 =	vld [tilespmem:s2+$0xE890];
	[tilespmem:s2+$0x11020] =	vst v28  }
0xc2: {  	v59 =	vbroadcast v0, $0x8;
	v58 =	vmul.f32 v32, v54;
	v23 =	vld [tilespmem:s2+$0xE8A0];
	[tilespmem:s2+$0x11030] =	vst v29  }
0xc3: {  	v33 =	vmul.f32 v33, v54;
	v22 =	vld [tilespmem:s2+$0xE8B0];
	[tilespmem:s2+$0x11040] =	vst v56  }
0xc4: {  	v61 =	vmul.f32 v34, v59;
	v20 =	vld [tilespmem:s2+$0xE8C0];
	[tilespmem:s2+$0x11050] =	vst v58  }
0xc5: {  	v21 =	vld [tilespmem:s2+$0xE8D0];
	[tilespmem:s2+$0x11060] =	vst v33;
	v24 =	vmul.f32 v24, v59  }
0xc6: {  	v63 =	vbroadcast v0, $0x9;
	v19 =	vld [tilespmem:s2+$0xE8E0];
	[tilespmem:s2+$0x11070] =	vst v61;
	v25 =	vmul.f32 v25, v59  }
0xc7: {  	v18 =	vld [tilespmem:s2+$0xE8F0];
	v23 =	vmul.f32 v23, v59;
	[tilespmem:s2+$0x11080] =	vst v24  }
0xc8: {  	v16 =	vld [tilespmem:s2+$0xE900];
	v22 =	vmul.f32 v22, v63;
	[tilespmem:s2+$0x11090] =	vst v25  }
0xc9: {  	v17 =	vld [tilespmem:s2+$0xE910];
	v20 =	vmul.f32 v20, v63;
	[tilespmem:s2+$0x110A0] =	vst v23  }
0xca: {  	v15 =	vld [tilespmem:s2+$0xE920];
	v21 =	vmul.f32 v21, v63;
	v23 =	vbroadcast v0, $0xA;
	[tilespmem:s2+$0x110B0] =	vst v22  }
0xcb: {  	v14 =	vld [tilespmem:s2+$0xE930];
	v19 =	vmul.f32 v19, v63;
	[tilespmem:s2+$0x110C0] =	vst v20  }
0xcc: {  	v12 =	vld [tilespmem:s2+$0xE940];
	[tilespmem:s2+$0x110D0] =	vst v21;
	v18 =	vmul.f32 v18, v23  }
0xcd: {  	v13 =	vld [tilespmem:s2+$0xE950];
	[tilespmem:s2+$0x110E0] =	vst v19;
	v16 =	vmul.f32 v16, v23  }
0xce: {  	v10 =	vld [tilespmem:s2+$0xE960];
	v19 =	vbroadcast v0, $0xB;
	v17 =	vmul.f32 v17, v23;
	[tilespmem:s2+$0x110F0] =	vst v18  }
0xcf: {  	v11 =	vld [tilespmem:s2+$0xE970];
	v15 =	vmul.f32 v15, v23;
	[tilespmem:s2+$0x11100] =	vst v16  }
0xd0: {  	v8 =	vld [tilespmem:s2+$0xE980];
	v14 =	vmul.f32 v14, v19;
	[tilespmem:s2+$0x11110] =	vst v17  }
0xd1: {  	v9 =	vld [tilespmem:s2+$0xE990];
	v12 =	vmul.f32 v12, v19;
	[tilespmem:s2+$0x11120] =	vst v15  }
0xd2: {  	v7 =	vld [tilespmem:s2+$0xE9A0];
	v13 =	vmul.f32 v13, v19;
	v15 =	vbroadcast v0, $0xC;
	[tilespmem:s2+$0x11130] =	vst v14  }
0xd3: {  	v6 =	vld [tilespmem:s2+$0xE9B0];
	v10 =	vmul.f32 v10, v19;
	[tilespmem:s2+$0x11140] =	vst v12  }
0xd4: {  	v4 =	vld [tilespmem:s2+$0xE9C0];
	[tilespmem:s2+$0x11150] =	vst v13;
	v11 =	vmul.f32 v11, v15  }
0xd5: {  	v5 =	vld [tilespmem:s2+$0xE9D0];
	[tilespmem:s2+$0x11160] =	vst v10;
	v8 =	vmul.f32 v8, v15  }
0xd6: {  	v3 =	vld [tilespmem:s2+$0xE9E0];
	v10 =	vbroadcast v0, $0xD;
	v9 =	vmul.f32 v9, v15;
	[tilespmem:s2+$0x11170] =	vst v11  }
0xd7: {  	v2 =	vld [tilespmem:s2+$0xE9F0];
	v7 =	vmul.f32 v7, v15;
	[tilespmem:s2+$0x11180] =	vst v8  }
0xd8: {  	v1 =	vld [tilespmem:s2+$0xEA00];
	v6 =	vmul.f32 v6, v10;
	[tilespmem:s2+$0x11190] =	vst v9  }
0xd9: {  	v26 =	vld [tilespmem:s2+$0xEA10];
	v4 =	vmul.f32 v4, v10;
	[tilespmem:s2+$0x111A0] =	vst v7  }
0xda: {  	v27 =	vld [tilespmem:s2+$0xEA20];
	v5 =	vmul.f32 v5, v10;
	v7 =	vbroadcast v0, $0xE;
	[tilespmem:s2+$0x111B0] =	vst v6  }
0xdb: {  	v55 =	vld [tilespmem:s2+$0xEA30];
	v3 =	vmul.f32 v3, v10;
	[tilespmem:s2+$0x111C0] =	vst v4  }
0xdc: {  	v57 =	vld [tilespmem:s2+$0xEA40];
	[tilespmem:s2+$0x111D0] =	vst v5;
	v2 =	vmul.f32 v2, v7  }
0xdd: {  	v60 =	vld [tilespmem:s2+$0xEA50];
	[tilespmem:s2+$0x111E0] =	vst v3;
	v1 =	vmul.f32 v1, v7  }
0xde: {  	v62 =	vld [tilespmem:s2+$0xEA60];
	v0 =	vbroadcast v0, $0xF;
	v3 =	vmul.f32 v26, v7;
	[tilespmem:s2+$0x111F0] =	vst v2  }
0xdf: {  	v2 =	vmul.f32 v27, v7;
	[tilespmem:s2+$0x11200] =	vst v1  }
0xe0: {  	v1 =	vmul.f32 v55, v0;
	[tilespmem:s2+$0x11210] =	vst v3  }
0xe1: {  	v3 =	vmul.f32 v57, v0;
	[tilespmem:s2+$0x11220] =	vst v2  }
0xe2: {  	v2 =	vmul.f32 v60, v0;
	[tilespmem:s2+$0x11230] =	vst v1  }
0xe3: {  	p2 =	seq.s32 s29, $0x7C;
	v0 =	vmul.f32 v62, v0;
	[tilespmem:s2+$0x11240] =	vst v3  }
0xe4: {  	s6 =	sshra.s32 @!p2 s0, $0x2;
	[tilespmem:s2+$0x11250] =	vst v2  }
0xe5: {  	s15 =	simm.s32 @!p2 $0xEA60;
	[tilespmem:s2+$0x11260] =	vst v0;
	s2 =	sadd.s32 @!p2 $0xA0, s6;
	s6 =	simm.s32 @!p2 $0x50  }
0xe6: {  	[tilespmem:s15], [sflag:$0x1] =	stream.indirect.gather @!p2 [hbm4b:s5+s6], $0x40, s2, s6, $0xb8;
	[tilespmem:$0x1DA60] =	vst v63  }
0xe7: {  	s2 =	sshra.s32 s0, $0x2  }
0xe8: {  	s22 =	sadd.s32 $0x4E20, s2  }
0xe9: {  	[spmem:s3] =	stream.indirect.scatter.add.f32 [tilespmem:s24], [sflag:$0x3], $0x40, s22, s21, $0xb8;
	[tilespmem:$0x1DA60] =	vst v63  }
0xea: {  	_ =	swait.ge [sflag:s18], $0x1400  }
0xeb: {  	[sflag:s18] =	ssyncset.done $0x0  }
0xec: {  	s6 =	simm.s32 @!p1 $0x4;
	[sflag:s18] =	ssyncadd.s32 $0xFFFFEC00  }
0xed: {  	_ =	swait.ge @!p1 [sflag:s6], $0x1400  }
0xee: {  	[sflag:s6] =	ssyncset.done @!p1 $0x0  }
0xef: {  	s15 =	simm.s32 $0x3F0;
	[sflag:s6] =	ssyncadd.s32 @!p1 $0xFFFFEC00  }
0xf0: {  	v24 =	vld [tilespmem:s15+$0xFA70]  }
0xf1: {  	v25 =	vld [tilespmem:s15+$0xFA80]  }
0xf2: {  	v23 =	vld [tilespmem:s15+$0xFA90]  }
0xf3: {  	v22 =	vld [tilespmem:s15+$0xFAA0]  }
0xf4: {  	v20 =	vld [tilespmem:s15+$0xFAB0]  }
0xf5: {  	v21 =	vld [tilespmem:s15+$0xFAC0]  }
0xf6: {  	v19 =	vld [tilespmem:s15+$0xFAD0]  }
0xf7: {  	v18 =	vld [tilespmem:s15+$0xFAE0]  }
0xf8: {  	v16 =	vld [tilespmem:s15+$0xFAF0]  }
0xf9: {  	v17 =	vld [tilespmem:s15+$0xFB00]  }
0xfa: {  	v15 =	vld [tilespmem:s15+$0xFB10]  }
0xfb: {  	v14 =	vld [tilespmem:s15+$0xFB20]  }
0xfc: {  	v12 =	vld [tilespmem:s15+$0xFB30]  }
0xfd: {  	v13 =	vld [tilespmem:s15+$0xFB40]  }
0xfe: {  	v10 =	vld [tilespmem:s15+$0xFB50]  }
0xff: {  	v11 =	vld [tilespmem:s15+$0xFB60]  }
0x100: {  	v8 =	vld [tilespmem:s15+$0xFB70]  }
0x101: {  	v9 =	vld [tilespmem:s15+$0xFB80]  }
0x102: {  	v7 =	vld [tilespmem:s15+$0xFB90]  }
0x103: {  	v6 =	vld [tilespmem:s15+$0xFBA0]  }
0x104: {  	v4 =	vld [tilespmem:s15+$0xFBB0]  }
0x105: {  	v5 =	vld [tilespmem:s15+$0xFBC0]  }
0x106: {  	v3 =	vld [tilespmem:s15+$0xFBD0]  }
0x107: {  	v2 =	vld [tilespmem:s15+$0xFBE0]  }
0x108: {  	v1 =	vld [tilespmem:s15+$0xFBF0]  }
0x109: {  	s16 =	simm.s32 $0x1FC0;
	s0 =	sadd.s32 $0x140, s0;
	s22 =	smov.u32 s31;
	v0 =	vld [tilespmem:s31+$0x0]  }
.LBB2_13:
0x10a: {  	p1 =	sne.s32 s16, $0x4FC0;
	v26 =	vld [tilespmem:s15+$0xFC00]  }
0x10b: {  	v27 =	vld [tilespmem:s15+$0xFC10]  }
0x10c: {  	v28 =	vld [tilespmem:s15+$0xFC20]  }
0x10d: {  	v29 =	vld [tilespmem:s15+$0xFC30]  }
0x10e: {  	v30 =	vbroadcast v0, $0x0;
	v31 =	vbroadcast v0, $0x1;
	v32 =	vld [tilespmem:s15+$0xFC40]  }
0x10f: {  	v33 =	vbroadcast v0, $0x2;
	v34 =	vbroadcast v0, $0x3;
	v35 =	vld [tilespmem:s15+$0xFC50]  }
0x110: {  	v24 =	vmul.f32 v30, v24;
	v25 =	vmul.f32 v25, v30;
	v36 =	vld [tilespmem:s15+$0xFC60]  }
0x111: {  	v23 =	vmul.f32 v23, v30;
	v22 =	vmul.f32 v22, v30;
	v30 =	vld [tilespmem:s15+$0xFC70]  }
0x112: {  	v20 =	vmul.f32 v20, v31;
	v21 =	vmul.f32 v21, v31;
	[tilespmem:s15+$0x12270] =	vst v24;
	v24 =	vld [tilespmem:s15+$0xFC80]  }
0x113: {  	v19 =	vmul.f32 v19, v31;
	v18 =	vmul.f32 v18, v31;
	[tilespmem:s15+$0x12280] =	vst v25;
	v25 =	vld [tilespmem:s15+$0xFC90]  }
0x114: {  	v16 =	vmul.f32 v16, v33;
	v17 =	vmul.f32 v17, v33;
	[tilespmem:s15+$0x12290] =	vst v23;
	v23 =	vld [tilespmem:s15+$0xFCA0]  }
0x115: {  	v15 =	vmul.f32 v15, v33;
	v14 =	vmul.f32 v14, v33;
	[tilespmem:s15+$0x122A0] =	vst v22;
	v22 =	vld [tilespmem:s15+$0xFCB0]  }
0x116: {  	v12 =	vmul.f32 v12, v34;
	v13 =	vmul.f32 v13, v34;
	[tilespmem:s15+$0x122B0] =	vst v20;
	v20 =	vld [tilespmem:s15+$0xFCC0]  }
0x117: {  	v10 =	vmul.f32 v10, v34;
	v11 =	vmul.f32 v11, v34;
	[tilespmem:s15+$0x122C0] =	vst v21;
	v21 =	vld [tilespmem:s15+$0xFCD0]  }
0x118: {  	v31 =	vbroadcast v0, $0x5;
	[tilespmem:s15+$0x122D0] =	vst v19;
	v19 =	vbroadcast v0, $0x4;
	v33 =	vld [tilespmem:s15+$0xFCE0]  }
0x119: {  	v34 =	vbroadcast v0, $0x7;
	[tilespmem:s15+$0x122E0] =	vst v18;
	v18 =	vbroadcast v0, $0x6;
	v37 =	vld [tilespmem:s15+$0xFCF0]  }
0x11a: {  	[tilespmem:s15+$0x122F0] =	vst v16;
	v8 =	vmul.f32 v8, v19;
	v9 =	vmul.f32 v9, v19;
	v16 =	vld [tilespmem:s15+$0xFD00]  }
0x11b: {  	v7 =	vmul.f32 v7, v19;
	v6 =	vmul.f32 v6, v19;
	[tilespmem:s15+$0x12300] =	vst v17;
	v17 =	vld [tilespmem:s15+$0xFD10]  }
0x11c: {  	v4 =	vmul.f32 v4, v31;
	v5 =	vmul.f32 v5, v31;
	[tilespmem:s15+$0x12310] =	vst v15;
	v15 =	vld [tilespmem:s15+$0xFD20]  }
0x11d: {  	v3 =	vmul.f32 v3, v31;
	v2 =	vmul.f32 v2, v31;
	[tilespmem:s15+$0x12320] =	vst v14;
	v14 =	vld [tilespmem:s15+$0xFD30]  }
0x11e: {  	v1 =	vmul.f32 v1, v18;
	[tilespmem:s15+$0x12330] =	vst v12;
	v12 =	vmul.f32 v26, v18;
	v19 =	vld [tilespmem:s15+$0xFD40]  }
0x11f: {  	[tilespmem:s15+$0x12340] =	vst v13;
	v13 =	vmul.f32 v27, v18;
	v18 =	vmul.f32 v28, v18;
	v26 =	vld [tilespmem:s15+$0xFD50]  }
0x120: {  	v27 =	vmul.f32 v32, v34;
	[tilespmem:s15+$0x12350] =	vst v10;
	v10 =	vmul.f32 v29, v34;
	v28 =	vld [tilespmem:s15+$0xFD60]  }
0x121: {  	v29 =	vmul.f32 v36, v34;
	[tilespmem:s15+$0x12360] =	vst v11;
	v11 =	vmul.f32 v35, v34;
	v31 =	vld [tilespmem:s15+$0xFD70]  }
0x122: {  	v32 =	vbroadcast v0, $0x9;
	[tilespmem:s15+$0x12370] =	vst v8;
	v8 =	vbroadcast v0, $0x8;
	v34 =	vld [tilespmem:s15+$0xFD80]  }
0x123: {  	v35 =	vbroadcast v0, $0xB;
	[tilespmem:s15+$0x12380] =	vst v9;
	v9 =	vbroadcast v0, $0xA;
	v36 =	vld [tilespmem:s15+$0xFD90]  }
0x124: {  	[tilespmem:s15+$0x12390] =	vst v7;
	v7 =	vmul.f32 v30, v8;
	v24 =	vmul.f32 v24, v8;
	v30 =	vld [tilespmem:s15+$0xFDA0]  }
0x125: {  	[tilespmem:s15+$0x123A0] =	vst v6;
	v6 =	vmul.f32 v25, v8;
	v8 =	vmul.f32 v23, v8;
	v23 =	vld [tilespmem:s15+$0xFDB0]  }
0x126: {  	v20 =	vmul.f32 v20, v32;
	[tilespmem:s15+$0x123B0] =	vst v4;
	v4 =	vmul.f32 v22, v32;
	v22 =	vld [tilespmem:s15+$0xFDC0]  }
0x127: {  	[tilespmem:s15+$0x123C0] =	vst v5;
	v5 =	vmul.f32 v21, v32;
	v21 =	vmul.f32 v33, v32;
	v25 =	vld [tilespmem:s15+$0xFDD0]  }
0x128: {  	v16 =	vmul.f32 v16, v9;
	[tilespmem:s15+$0x123D0] =	vst v3;
	v3 =	vmul.f32 v37, v9;
	v32 =	vld [tilespmem:s15+$0xFDE0]  }
0x129: {  	[tilespmem:s15+$0x123E0] =	vst v2;
	v2 =	vmul.f32 v17, v9;
	v9 =	vmul.f32 v15, v9;
	v15 =	vld [tilespmem:s15+$0xFDF0]  }
0x12a: {  	[tilespmem:s15+$0x123F0] =	vst v1;
	v1 =	vmul.f32 v14, v35;
	v14 =	vmul.f32 v19, v35;
	v17 =	vld [tilespmem:s15+$0xFE00]  }
0x12b: {  	[tilespmem:s15+$0x12400] =	vst v12;
	v12 =	vmul.f32 v26, v35;
	v26 =	vmul.f32 v28, v35;
	v19 =	vld [tilespmem:s15+$0xFE10]  }
0x12c: {  	v28 =	vbroadcast v0, $0xD;
	[tilespmem:s15+$0x12410] =	vst v13;
	v13 =	vbroadcast v0, $0xC;
	v33 =	vld [tilespmem:s15+$0xFE20]  }
0x12d: {  	[tilespmem:s15+$0x12420] =	vst v18;
	v18 =	vbroadcast v0, $0xE;
	v35 =	vld [tilespmem:s15+$0xFE30];
	v0 =	vbroadcast v0, $0xF  }
0x12e: {  	[tilespmem:s15+$0x12430] =	vst v10;
	v10 =	vmul.f32 v31, v13;
	v31 =	vmul.f32 v34, v13;
	v34 =	vld [tilespmem:s15+$0xFE40]  }
0x12f: {  	[tilespmem:s15+$0x12440] =	vst v27;
	v27 =	vmul.f32 v36, v13;
	v13 =	vmul.f32 v30, v13;
	v30 =	vld [tilespmem:s15+$0xFE50]  }
0x130: {  	v36 =	vmul.f32 v22, v28;
	[tilespmem:s15+$0x12450] =	vst v11;
	v11 =	vmul.f32 v23, v28;
	v22 =	vld [tilespmem:s15+$0xFE60]  }
0x131: {  	[tilespmem:s15+$0x12460] =	vst v29;
	v29 =	vmul.f32 v25, v28;
	v28 =	vmul.f32 v32, v28  }
0x132: {  	v32 =	vmul.f32 v17, v18;
	[tilespmem:s15+$0x12470] =	vst v7;
	v7 =	vmul.f32 v15, v18  }
0x133: {  	v37 =	vmul.f32 v19, v18;
	v33 =	vmul.f32 v33, v18;
	[tilespmem:s15+$0x12480] =	vst v24  }
0x134: {  	v35 =	vmul.f32 v35, v0;
	v34 =	vmul.f32 v34, v0;
	[tilespmem:s15+$0x12490] =	vst v6  }
0x135: {  	v30 =	vmul.f32 v30, v0;
	[tilespmem:s15+$0x124A0] =	vst v8;
	v0 =	vmul.f32 v22, v0  }
0x136: {  	[tilespmem:s15+$0x124B0] =	vst v4  }
0x137: {  	[tilespmem:s15+$0x124C0] =	vst v20  }
0x138: {  	s6 =	sshra.s32 s16, $0x2;
	[tilespmem:s15+$0x124D0] =	vst v5  }
0x139: {  	v24 =	vld [tilespmem:s6+$0xFA70];
	[tilespmem:s15+$0x124E0] =	vst v21  }
0x13a: {  	v25 =	vld [tilespmem:s6+$0xFA80];
	[tilespmem:s15+$0x124F0] =	vst v3  }
0x13b: {  	v23 =	vld [tilespmem:s6+$0xFA90];
	[tilespmem:s15+$0x12500] =	vst v16  }
0x13c: {  	v22 =	vld [tilespmem:s6+$0xFAA0];
	[tilespmem:s15+$0x12510] =	vst v2  }
0x13d: {  	v20 =	vld [tilespmem:s6+$0xFAB0];
	[tilespmem:s15+$0x12520] =	vst v9  }
0x13e: {  	v21 =	vld [tilespmem:s6+$0xFAC0];
	[tilespmem:s15+$0x12530] =	vst v1  }
0x13f: {  	v19 =	vld [tilespmem:s6+$0xFAD0];
	[tilespmem:s15+$0x12540] =	vst v14  }
0x140: {  	v18 =	vld [tilespmem:s6+$0xFAE0];
	[tilespmem:s15+$0x12550] =	vst v12  }
0x141: {  	v16 =	vld [tilespmem:s6+$0xFAF0];
	[tilespmem:s15+$0x12560] =	vst v26  }
0x142: {  	v17 =	vld [tilespmem:s6+$0xFB00];
	[tilespmem:s15+$0x12570] =	vst v10  }
0x143: {  	v15 =	vld [tilespmem:s6+$0xFB10];
	[tilespmem:s15+$0x12580] =	vst v31  }
0x144: {  	v14 =	vld [tilespmem:s6+$0xFB20];
	[tilespmem:s15+$0x12590] =	vst v27  }
0x145: {  	v12 =	vld [tilespmem:s6+$0xFB30];
	[tilespmem:s15+$0x125A0] =	vst v13  }
0x146: {  	v13 =	vld [tilespmem:s6+$0xFB40];
	[tilespmem:s15+$0x125B0] =	vst v11  }
0x147: {  	v10 =	vld [tilespmem:s6+$0xFB50];
	[tilespmem:s15+$0x125C0] =	vst v36  }
0x148: {  	v11 =	vld [tilespmem:s6+$0xFB60];
	[tilespmem:s15+$0x125D0] =	vst v29  }
0x149: {  	v8 =	vld [tilespmem:s6+$0xFB70];
	[tilespmem:s15+$0x125E0] =	vst v28  }
0x14a: {  	v9 =	vld [tilespmem:s6+$0xFB80];
	[tilespmem:s15+$0x125F0] =	vst v7  }
0x14b: {  	v7 =	vld [tilespmem:s6+$0xFB90];
	[tilespmem:s15+$0x12600] =	vst v32  }
0x14c: {  	v6 =	vld [tilespmem:s6+$0xFBA0];
	[tilespmem:s15+$0x12610] =	vst v37  }
0x14d: {  	v4 =	vld [tilespmem:s6+$0xFBB0];
	[tilespmem:s15+$0x12620] =	vst v33  }
.Ltmp4:
0x14e: {  	v5 =	vld [tilespmem:s6+$0xFBC0];
	[tilespmem:s15+$0x12630] =	vst v35;
	(pc) =	sbr.rel @p1 .LBB2_13-.Ltmp4, $4  }
0x14f: {  	v3 =	vld [tilespmem:s6+$0xFBD0];
	[tilespmem:s15+$0x12640] =	vst v34  }
0x150: {  	v2 =	vld [tilespmem:s6+$0xFBE0];
	[tilespmem:s15+$0x12650] =	vst v30  }
0x151: {  	s22 =	sadd.s32 $0x10, s22;
	v1 =	vld [tilespmem:s6+$0xFBF0];
	[tilespmem:s15+$0x12660] =	vst v0;
	s15 =	smov.u32 s6  }
0x152: {  	s16 =	sadd.s32 $0x1000, s16;
	v0 =	vld [tilespmem:s22+$0x0]  }
0x153: {  	_ =	sdelay $0x3  }
0x154: {  	v30 =	vbroadcast v0, $0x0;
	_ =	sdelay $0x1  }
0x155: {  	v24 =	vmul.f32 v30, v24  }
0x156: {  	v25 =	vmul.f32 v25, v30  }
0x157: {  	v35 =	vbroadcast v0, $0x1;
	v23 =	vmul.f32 v23, v30;
	[tilespmem:s15+$0x12270] =	vst v24  }
0x158: {  	v22 =	vmul.f32 v22, v30;
	[tilespmem:s15+$0x12280] =	vst v25  }
0x159: {  	v20 =	vmul.f32 v20, v35;
	[tilespmem:s15+$0x12290] =	vst v23  }
0x15a: {  	v21 =	vmul.f32 v21, v35;
	[tilespmem:s15+$0x122A0] =	vst v22  }
0x15b: {  	v53 =	vbroadcast v0, $0x2;
	v19 =	vmul.f32 v19, v35;
	[tilespmem:s15+$0x122B0] =	vst v20  }
0x15c: {  	v18 =	vmul.f32 v18, v35;
	[tilespmem:s15+$0x122C0] =	vst v21  }
0x15d: {  	v16 =	vmul.f32 v16, v53;
	[tilespmem:s15+$0x122D0] =	vst v19  }
0x15e: {  	v17 =	vmul.f32 v17, v53;
	[tilespmem:s15+$0x122E0] =	vst v18  }
0x15f: {  	v54 =	vbroadcast v0, $0x3;
	v15 =	vmul.f32 v15, v53;
	[tilespmem:s15+$0x122F0] =	vst v16  }
0x160: {  	v14 =	vmul.f32 v14, v53;
	[tilespmem:s15+$0x12300] =	vst v17  }
0x161: {  	v12 =	vmul.f32 v12, v54;
	[tilespmem:s15+$0x12310] =	vst v15  }
0x162: {  	v13 =	vmul.f32 v13, v54;
	[tilespmem:s15+$0x12320] =	vst v14  }
0x163: {  	v55 =	vbroadcast v0, $0x4;
	v10 =	vmul.f32 v10, v54;
	[tilespmem:s15+$0x12330] =	vst v12  }
0x164: {  	v11 =	vmul.f32 v11, v54;
	[tilespmem:s15+$0x12340] =	vst v13  }
0x165: {  	v8 =	vmul.f32 v8, v55;
	[tilespmem:s15+$0x12350] =	vst v10  }
0x166: {  	v9 =	vmul.f32 v9, v55;
	[tilespmem:s15+$0x12360] =	vst v11  }
0x167: {  	v60 =	vbroadcast v0, $0x5;
	v7 =	vmul.f32 v7, v55;
	[tilespmem:s15+$0x12370] =	vst v8  }
0x168: {  	v6 =	vmul.f32 v6, v55;
	[tilespmem:s15+$0x12380] =	vst v9  }
0x169: {  	v26 =	vld [tilespmem:s15+$0xFC00];
	v4 =	vmul.f32 v4, v60;
	[tilespmem:s15+$0x12390] =	vst v7  }
0x16a: {  	v27 =	vld [tilespmem:s15+$0xFC10];
	v5 =	vmul.f32 v5, v60;
	[tilespmem:s15+$0x123A0] =	vst v6  }
0x16b: {  	v28 =	vld [tilespmem:s15+$0xFC20];
	v37 =	vbroadcast v0, $0x6;
	v3 =	vmul.f32 v3, v60;
	[tilespmem:s15+$0x123B0] =	vst v4  }
0x16c: {  	v29 =	vld [tilespmem:s15+$0xFC30];
	v2 =	vmul.f32 v2, v60;
	[tilespmem:s15+$0x123C0] =	vst v5  }
0x16d: {  	v31 =	vld [tilespmem:s15+$0xFC40];
	v1 =	vmul.f32 v1, v37;
	[tilespmem:s15+$0x123D0] =	vst v3  }
0x16e: {  	v32 =	vld [tilespmem:s15+$0xFC50];
	v26 =	vmul.f32 v26, v37;
	[tilespmem:s15+$0x123E0] =	vst v2  }
0x16f: {  	v33 =	vld [tilespmem:s15+$0xFC60];
	v42 =	vbroadcast v0, $0x7;
	v27 =	vmul.f32 v27, v37;
	[tilespmem:s15+$0x123F0] =	vst v1  }
0x170: {  	v34 =	vld [tilespmem:s15+$0xFC70];
	v28 =	vmul.f32 v28, v37;
	[tilespmem:s15+$0x12400] =	vst v26  }
0x171: {  	v52 =	vld [tilespmem:s15+$0xFC80];
	v29 =	vmul.f32 v29, v42;
	[tilespmem:s15+$0x12410] =	vst v27  }
0x172: {  	v56 =	vld [tilespmem:s15+$0xFD60];
	v45 =	vmul.f32 v31, v42;
	[tilespmem:s15+$0x12420] =	vst v28  }
0x173: {  	v57 =	vld [tilespmem:s15+$0xFD70];
	v48 =	vbroadcast v0, $0x8;
	v47 =	vmul.f32 v32, v42;
	[tilespmem:s15+$0x12430] =	vst v29  }
0x174: {  	v58 =	vld [tilespmem:s15+$0xFD80];
	v33 =	vmul.f32 v33, v42;
	[tilespmem:s15+$0x12440] =	vst v45  }
0x175: {  	v59 =	vld [tilespmem:s15+$0xFD90];
	v50 =	vmul.f32 v34, v48;
	v54 =	vbroadcast v0, $0xB;
	[tilespmem:s15+$0x12450] =	vst v47  }
0x176: {  	v61 =	vld [tilespmem:s15+$0xFDA0];
	v55 =	vbroadcast v0, $0xC;
	v24 =	vmul.f32 v52, v48;
	[tilespmem:s15+$0x12460] =	vst v33  }
0x177: {  	v62 =	vld [tilespmem:s15+$0xFDB0];
	[tilespmem:s15+$0x12470] =	vst v50;
	v10 =	vmul.f32 v56, v54  }
0x178: {  	v63 =	vld [tilespmem:s15+$0xFDC0];
	v11 =	vmul.f32 v57, v55;
	[tilespmem:s15+$0x12480] =	vst v24  }
0x179: {  	v36 =	vld [tilespmem:s15+$0xFDD0];
	v8 =	vmul.f32 v58, v55;
	[tilespmem:s15+$0x12560] =	vst v10  }
0x17a: {  	v38 =	vld [tilespmem:s15+$0xFDE0];
	v56 =	vbroadcast v0, $0xD;
	v9 =	vmul.f32 v59, v55;
	[tilespmem:s15+$0x12570] =	vst v11  }
0x17b: {  	v39 =	vld [tilespmem:s15+$0xFDF0];
	v7 =	vmul.f32 v61, v55;
	[tilespmem:s15+$0x12580] =	vst v8  }
0x17c: {  	v40 =	vld [tilespmem:s15+$0xFE00];
	v6 =	vmul.f32 v62, v56;
	[tilespmem:s15+$0x12590] =	vst v9  }
0x17d: {  	v41 =	vld [tilespmem:s15+$0xFE10];
	v4 =	vmul.f32 v63, v56;
	[tilespmem:s15+$0x125A0] =	vst v7  }
0x17e: {  	v43 =	vld [tilespmem:s15+$0xFE20];
	v57 =	vbroadcast v0, $0xE;
	v5 =	vmul.f32 v36, v56;
	[tilespmem:s15+$0x125B0] =	vst v6  }
0x17f: {  	v44 =	vld [tilespmem:s15+$0xFE30];
	v3 =	vmul.f32 v38, v56;
	[tilespmem:s15+$0x125C0] =	vst v4  }
0x180: {  	v46 =	vld [tilespmem:s15+$0xFE40];
	v2 =	vmul.f32 v39, v57;
	[tilespmem:s15+$0x125D0] =	vst v5  }
0x181: {  	v49 =	vld [tilespmem:s15+$0xFE50];
	v1 =	vmul.f32 v40, v57;
	[tilespmem:s15+$0x125E0] =	vst v3  }
0x182: {  	v51 =	vld [tilespmem:s15+$0xFE60];
	v58 =	vbroadcast v0, $0xF;
	v59 =	vmul.f32 v41, v57;
	[tilespmem:s15+$0x125F0] =	vst v2  }
0x183: {  	v25 =	vld [tilespmem:s15+$0xFC90];
	v60 =	vmul.f32 v43, v57;
	[tilespmem:s15+$0x12600] =	vst v1  }
0x184: {  	v23 =	vld [tilespmem:s15+$0xFCA0];
	v61 =	vmul.f32 v44, v58;
	[tilespmem:s15+$0x12610] =	vst v59  }
0x185: {  	v22 =	vld [tilespmem:s15+$0xFCB0];
	v62 =	vmul.f32 v46, v58;
	[tilespmem:s15+$0x12620] =	vst v60  }
0x186: {  	v53 =	vbroadcast v0, $0xA;
	v20 =	vld [tilespmem:s15+$0xFCC0];
	v63 =	vmul.f32 v49, v58;
	[tilespmem:s15+$0x12630] =	vst v61  }
0x187: {  	v21 =	vld [tilespmem:s15+$0xFCD0];
	v52 =	vbroadcast v0, $0x9;
	v0 =	vmul.f32 v51, v58;
	[tilespmem:s15+$0x12640] =	vst v62  }
0x188: {  	v19 =	vld [tilespmem:s15+$0xFCE0];
	[tilespmem:s15+$0x12650] =	vst v63;
	v25 =	vmul.f32 v25, v48  }
0x189: {  	v18 =	vld [tilespmem:s15+$0xFCF0];
	[tilespmem:s15+$0x12660] =	vst v0;
	v23 =	vmul.f32 v23, v48  }
0x18a: {  	v16 =	vld [tilespmem:s15+$0xFD00];
	v22 =	vmul.f32 v22, v52;
	[tilespmem:s15+$0x12490] =	vst v25  }
0x18b: {  	v17 =	vld [tilespmem:s15+$0xFD10];
	v20 =	vmul.f32 v20, v52;
	[tilespmem:s15+$0x124A0] =	vst v23  }
0x18c: {  	v15 =	vld [tilespmem:s15+$0xFD20];
	v21 =	vmul.f32 v21, v52;
	[tilespmem:s15+$0x124B0] =	vst v22  }
0x18d: {  	v14 =	vld [tilespmem:s15+$0xFD30];
	v19 =	vmul.f32 v19, v52;
	[tilespmem:s15+$0x124C0] =	vst v20  }
0x18e: {  	v12 =	vld [tilespmem:s15+$0xFD40];
	v18 =	vmul.f32 v18, v53;
	[tilespmem:s15+$0x124D0] =	vst v21  }
0x18f: {  	v13 =	vld [tilespmem:s15+$0xFD50];
	v16 =	vmul.f32 v16, v53;
	[tilespmem:s15+$0x124E0] =	vst v19  }
0x190: {  	v17 =	vmul.f32 v17, v53;
	[tilespmem:s15+$0x124F0] =	vst v18  }
0x191: {  	v15 =	vmul.f32 v15, v53;
	[tilespmem:s15+$0x12500] =	vst v16  }
.Ltmp5:
0x192: {  	v14 =	vmul.f32 v14, v54;
	[tilespmem:s15+$0x12510] =	vst v17;
	(pc) =	sbr.rel @p2 .LBB2_16-.Ltmp5, $4  }
0x193: {  	v12 =	vmul.f32 v12, v54;
	[tilespmem:s15+$0x12520] =	vst v15  }
0x194: {  	v13 =	vmul.f32 v13, v54;
	[tilespmem:s15+$0x12530] =	vst v14  }
0x195: {  	[tilespmem:s15+$0x12540] =	vst v12  }
0x196: {  	[tilespmem:s15+$0x12550] =	vst v13  }
.Ltmp6:
0x197: {  	(pc) =	sbr.rel .LBB2_10-.Ltmp6, $4  }
0x198: {  	s2 =	sadd.s32 $0xF0, s2;
	s0 =	sshra.s32 s0, $0x2;
	s29 =	sadd.s32 $0x1, s29  }
0x199: {  	[tilespmem:s23], [sflag:$0x2] =	stream.indirect.gather [hbm4b:s5+s21], $0x40, s2, s21, $0xb8;
	[tilespmem:$0x1DA60] =	vst v63  }
0x19a: {  	s30 =	sadd.s32 $0xA0, s30;
	s31 =	sadd.s32 $0xA0, s31;
	s0 =	sadd.s32 $0x4E20, s0  }
0x19b: {  	[spmem:s3] =	stream.indirect.scatter.add.f32 [tilespmem:s25], [sflag:$0x4], $0x40, s0, s21, $0xb8;
	[tilespmem:$0x1DA60] =	vst v63  }
.LBB2_2:
0x19c: {  	[tilespmem:s0], [sflag:$0x1] =	stream.indirect.gather [hbm4b:s1+s21], $0x40, s29, s21, $0xb8;
	[tilespmem:$0x1DA60] =	vst v63  }
0x19d: {  	s30 =	simm.s32 $0x9C40;
	s22 =	simm.s32 $0x9C90  }
0x19e: {  	[tilespmem:s23], [sflag:$0x2] =	stream.indirect.gather [hbm4b:s1+s21], $0x40, s21, s21, $0xb8;
	[tilespmem:$0x1DA60] =	vst v63  }
.LBB2_3:
0x19f: {  	_ =	swait.ge [sflag:s17], $0x1400  }
0x1a0: {  	p1 =	seq.s32 s29, $0x0;
	[sflag:s17] =	ssyncset.done $0x0  }
0x1a1: {  	s0 =	simm.s32 @!p1 $0x3;
	[sflag:s17] =	ssyncadd.s32 $0xFFFFEC00  }
0x1a2: {  	_ =	swait.ge @!p1 [sflag:s0], $0x1400  }
0x1a3: {  	[sflag:s0] =	ssyncset.done @!p1 $0x0  }
0x1a4: {  	s2 =	simm.s32 $0x3F0;
	[sflag:s0] =	ssyncadd.s32 @!p1 $0xFFFFEC00  }
0x1a5: {  	v24 =	vld [tilespmem:s2+$0xE670]  }
0x1a6: {  	v25 =	vld [tilespmem:s2+$0xE680]  }
0x1a7: {  	v23 =	vld [tilespmem:s2+$0xE690]  }
0x1a8: {  	v22 =	vld [tilespmem:s2+$0xE6A0]  }
0x1a9: {  	v20 =	vld [tilespmem:s2+$0xE6B0]  }
0x1aa: {  	v21 =	vld [tilespmem:s2+$0xE6C0]  }
0x1ab: {  	v19 =	vld [tilespmem:s2+$0xE6D0]  }
0x1ac: {  	v18 =	vld [tilespmem:s2+$0xE6E0]  }
0x1ad: {  	v16 =	vld [tilespmem:s2+$0xE6F0]  }
0x1ae: {  	v17 =	vld [tilespmem:s2+$0xE700]  }
0x1af: {  	v15 =	vld [tilespmem:s2+$0xE710]  }
0x1b0: {  	v14 =	vld [tilespmem:s2+$0xE720]  }
0x1b1: {  	v12 =	vld [tilespmem:s2+$0xE730]  }
0x1b2: {  	v13 =	vld [tilespmem:s2+$0xE740]  }
0x1b3: {  	v10 =	vld [tilespmem:s2+$0xE750]  }
0x1b4: {  	v11 =	vld [tilespmem:s2+$0xE760]  }
0x1b5: {  	v8 =	vld [tilespmem:s2+$0xE770]  }
0x1b6: {  	v9 =	vld [tilespmem:s2+$0xE780]  }
0x1b7: {  	v7 =	vld [tilespmem:s2+$0xE790]  }
0x1b8: {  	v6 =	vld [tilespmem:s2+$0xE7A0]  }
0x1b9: {  	v4 =	vld [tilespmem:s2+$0xE7B0]  }
0x1ba: {  	v5 =	vld [tilespmem:s2+$0xE7C0]  }
0x1bb: {  	v3 =	vld [tilespmem:s2+$0xE7D0]  }
0x1bc: {  	v2 =	vld [tilespmem:s2+$0xE7E0]  }
0x1bd: {  	v1 =	vld [tilespmem:s2+$0xE7F0]  }
0x1be: {  	s15 =	simm.s32 $0x1FC0;
	s16 =	smov.u32 s30;
	s0 =	smul.u32 $0x280, s29;
	v0 =	vld [tilespmem:s30+$0x0]  }
.LBB2_4:
0x1bf: {  	p2 =	sne.s32 s15, $0x4FC0;
	v26 =	vld [tilespmem:s2+$0xE800]  }
0x1c0: {  	v27 =	vld [tilespmem:s2+$0xE810]  }
0x1c1: {  	v28 =	vld [tilespmem:s2+$0xE820]  }
0x1c2: {  	v29 =	vld [tilespmem:s2+$0xE830]  }
0x1c3: {  	v30 =	vbroadcast v0, $0x0;
	v31 =	vbroadcast v0, $0x1;
	v32 =	vld [tilespmem:s2+$0xE840]  }
0x1c4: {  	v33 =	vbroadcast v0, $0x2;
	v34 =	vbroadcast v0, $0x3;
	v35 =	vld [tilespmem:s2+$0xE850]  }
0x1c5: {  	v24 =	vmul.f32 v30, v24;
	v25 =	vmul.f32 v25, v30;
	v36 =	vld [tilespmem:s2+$0xE860]  }
0x1c6: {  	v23 =	vmul.f32 v23, v30;
	v22 =	vmul.f32 v22, v30;
	v30 =	vld [tilespmem:s2+$0xE870]  }
0x1c7: {  	v20 =	vmul.f32 v20, v31;
	v21 =	vmul.f32 v21, v31;
	[tilespmem:s2+$0x10E70] =	vst v24;
	v24 =	vld [tilespmem:s2+$0xE880]  }
0x1c8: {  	v19 =	vmul.f32 v19, v31;
	v18 =	vmul.f32 v18, v31;
	[tilespmem:s2+$0x10E80] =	vst v25;
	v25 =	vld [tilespmem:s2+$0xE890]  }
0x1c9: {  	v16 =	vmul.f32 v16, v33;
	v17 =	vmul.f32 v17, v33;
	[tilespmem:s2+$0x10E90] =	vst v23;
	v23 =	vld [tilespmem:s2+$0xE8A0]  }
0x1ca: {  	v15 =	vmul.f32 v15, v33;
	v14 =	vmul.f32 v14, v33;
	[tilespmem:s2+$0x10EA0] =	vst v22;
	v22 =	vld [tilespmem:s2+$0xE8B0]  }
0x1cb: {  	v12 =	vmul.f32 v12, v34;
	v13 =	vmul.f32 v13, v34;
	[tilespmem:s2+$0x10EB0] =	vst v20;
	v20 =	vld [tilespmem:s2+$0xE8C0]  }
0x1cc: {  	v10 =	vmul.f32 v10, v34;
	v11 =	vmul.f32 v11, v34;
	[tilespmem:s2+$0x10EC0] =	vst v21;
	v21 =	vld [tilespmem:s2+$0xE8D0]  }
0x1cd: {  	v31 =	vbroadcast v0, $0x5;
	[tilespmem:s2+$0x10ED0] =	vst v19;
	v19 =	vbroadcast v0, $0x4;
	v33 =	vld [tilespmem:s2+$0xE8E0]  }
0x1ce: {  	v34 =	vbroadcast v0, $0x7;
	[tilespmem:s2+$0x10EE0] =	vst v18;
	v18 =	vbroadcast v0, $0x6;
	v37 =	vld [tilespmem:s2+$0xE8F0]  }
0x1cf: {  	[tilespmem:s2+$0x10EF0] =	vst v16;
	v8 =	vmul.f32 v8, v19;
	v9 =	vmul.f32 v9, v19;
	v16 =	vld [tilespmem:s2+$0xE900]  }
0x1d0: {  	v7 =	vmul.f32 v7, v19;
	v6 =	vmul.f32 v6, v19;
	[tilespmem:s2+$0x10F00] =	vst v17;
	v17 =	vld [tilespmem:s2+$0xE910]  }
0x1d1: {  	v4 =	vmul.f32 v4, v31;
	v5 =	vmul.f32 v5, v31;
	[tilespmem:s2+$0x10F10] =	vst v15;
	v15 =	vld [tilespmem:s2+$0xE920]  }
0x1d2: {  	v3 =	vmul.f32 v3, v31;
	v2 =	vmul.f32 v2, v31;
	[tilespmem:s2+$0x10F20] =	vst v14;
	v14 =	vld [tilespmem:s2+$0xE930]  }
0x1d3: {  	v1 =	vmul.f32 v1, v18;
	[tilespmem:s2+$0x10F30] =	vst v12;
	v12 =	vmul.f32 v26, v18;
	v19 =	vld [tilespmem:s2+$0xE940]  }
0x1d4: {  	[tilespmem:s2+$0x10F40] =	vst v13;
	v13 =	vmul.f32 v27, v18;
	v18 =	vmul.f32 v28, v18;
	v26 =	vld [tilespmem:s2+$0xE950]  }
0x1d5: {  	v27 =	vmul.f32 v32, v34;
	[tilespmem:s2+$0x10F50] =	vst v10;
	v10 =	vmul.f32 v29, v34;
	v28 =	vld [tilespmem:s2+$0xE960]  }
0x1d6: {  	v29 =	vmul.f32 v36, v34;
	[tilespmem:s2+$0x10F60] =	vst v11;
	v11 =	vmul.f32 v35, v34;
	v31 =	vld [tilespmem:s2+$0xE970]  }
0x1d7: {  	v32 =	vbroadcast v0, $0x9;
	[tilespmem:s2+$0x10F70] =	vst v8;
	v8 =	vbroadcast v0, $0x8;
	v34 =	vld [tilespmem:s2+$0xE980]  }
0x1d8: {  	v35 =	vbroadcast v0, $0xB;
	[tilespmem:s2+$0x10F80] =	vst v9;
	v9 =	vbroadcast v0, $0xA;
	v36 =	vld [tilespmem:s2+$0xE990]  }
0x1d9: {  	[tilespmem:s2+$0x10F90] =	vst v7;
	v7 =	vmul.f32 v30, v8;
	v24 =	vmul.f32 v24, v8;
	v30 =	vld [tilespmem:s2+$0xE9A0]  }
0x1da: {  	[tilespmem:s2+$0x10FA0] =	vst v6;
	v6 =	vmul.f32 v25, v8;
	v8 =	vmul.f32 v23, v8;
	v23 =	vld [tilespmem:s2+$0xE9B0]  }
0x1db: {  	v20 =	vmul.f32 v20, v32;
	[tilespmem:s2+$0x10FB0] =	vst v4;
	v4 =	vmul.f32 v22, v32;
	v22 =	vld [tilespmem:s2+$0xE9C0]  }
0x1dc: {  	[tilespmem:s2+$0x10FC0] =	vst v5;
	v5 =	vmul.f32 v21, v32;
	v21 =	vmul.f32 v33, v32;
	v25 =	vld [tilespmem:s2+$0xE9D0]  }
0x1dd: {  	v16 =	vmul.f32 v16, v9;
	[tilespmem:s2+$0x10FD0] =	vst v3;
	v3 =	vmul.f32 v37, v9;
	v32 =	vld [tilespmem:s2+$0xE9E0]  }
0x1de: {  	[tilespmem:s2+$0x10FE0] =	vst v2;
	v2 =	vmul.f32 v17, v9;
	v9 =	vmul.f32 v15, v9;
	v15 =	vld [tilespmem:s2+$0xE9F0]  }
0x1df: {  	[tilespmem:s2+$0x10FF0] =	vst v1;
	v1 =	vmul.f32 v14, v35;
	v14 =	vmul.f32 v19, v35;
	v17 =	vld [tilespmem:s2+$0xEA00]  }
0x1e0: {  	[tilespmem:s2+$0x11000] =	vst v12;
	v12 =	vmul.f32 v26, v35;
	v26 =	vmul.f32 v28, v35;
	v19 =	vld [tilespmem:s2+$0xEA10]  }
0x1e1: {  	v28 =	vbroadcast v0, $0xD;
	[tilespmem:s2+$0x11010] =	vst v13;
	v13 =	vbroadcast v0, $0xC;
	v33 =	vld [tilespmem:s2+$0xEA20]  }
0x1e2: {  	[tilespmem:s2+$0x11020] =	vst v18;
	v18 =	vbroadcast v0, $0xE;
	v35 =	vld [tilespmem:s2+$0xEA30];
	v0 =	vbroadcast v0, $0xF  }
0x1e3: {  	[tilespmem:s2+$0x11030] =	vst v10;
	v10 =	vmul.f32 v31, v13;
	v31 =	vmul.f32 v34, v13;
	v34 =	vld [tilespmem:s2+$0xEA40]  }
0x1e4: {  	[tilespmem:s2+$0x11040] =	vst v27;
	v27 =	vmul.f32 v36, v13;
	v13 =	vmul.f32 v30, v13;
	v30 =	vld [tilespmem:s2+$0xEA50]  }
0x1e5: {  	v36 =	vmul.f32 v22, v28;
	[tilespmem:s2+$0x11050] =	vst v11;
	v11 =	vmul.f32 v23, v28;
	v22 =	vld [tilespmem:s2+$0xEA60]  }
0x1e6: {  	[tilespmem:s2+$0x11060] =	vst v29;
	v29 =	vmul.f32 v25, v28;
	v28 =	vmul.f32 v32, v28  }
0x1e7: {  	v32 =	vmul.f32 v17, v18;
	[tilespmem:s2+$0x11070] =	vst v7;
	v7 =	vmul.f32 v15, v18  }
0x1e8: {  	v37 =	vmul.f32 v19, v18;
	v33 =	vmul.f32 v33, v18;
	[tilespmem:s2+$0x11080] =	vst v24  }
0x1e9: {  	v35 =	vmul.f32 v35, v0;
	v34 =	vmul.f32 v34, v0;
	[tilespmem:s2+$0x11090] =	vst v6  }
0x1ea: {  	v30 =	vmul.f32 v30, v0;
	[tilespmem:s2+$0x110A0] =	vst v8;
	v0 =	vmul.f32 v22, v0  }
0x1eb: {  	[tilespmem:s2+$0x110B0] =	vst v4  }
0x1ec: {  	[tilespmem:s2+$0x110C0] =	vst v20  }
0x1ed: {  	s31 =	sshra.s32 s15, $0x2;
	[tilespmem:s2+$0x110D0] =	vst v5  }
0x1ee: {  	v24 =	vld [tilespmem:s31+$0xE670];
	[tilespmem:s2+$0x110E0] =	vst v21  }
0x1ef: {  	v25 =	vld [tilespmem:s31+$0xE680];
	[tilespmem:s2+$0x110F0] =	vst v3  }
0x1f0: {  	v23 =	vld [tilespmem:s31+$0xE690];
	[tilespmem:s2+$0x11100] =	vst v16  }
0x1f1: {  	v22 =	vld [tilespmem:s31+$0xE6A0];
	[tilespmem:s2+$0x11110] =	vst v2  }
0x1f2: {  	v20 =	vld [tilespmem:s31+$0xE6B0];
	[tilespmem:s2+$0x11120] =	vst v9  }
0x1f3: {  	v21 =	vld [tilespmem:s31+$0xE6C0];
	[tilespmem:s2+$0x11130] =	vst v1  }
0x1f4: {  	v19 =	vld [tilespmem:s31+$0xE6D0];
	[tilespmem:s2+$0x11140] =	vst v14  }
0x1f5: {  	v18 =	vld [tilespmem:s31+$0xE6E0];
	[tilespmem:s2+$0x11150] =	vst v12  }
0x1f6: {  	v16 =	vld [tilespmem:s31+$0xE6F0];
	[tilespmem:s2+$0x11160] =	vst v26  }
0x1f7: {  	v17 =	vld [tilespmem:s31+$0xE700];
	[tilespmem:s2+$0x11170] =	vst v10  }
0x1f8: {  	v15 =	vld [tilespmem:s31+$0xE710];
	[tilespmem:s2+$0x11180] =	vst v31  }
0x1f9: {  	v14 =	vld [tilespmem:s31+$0xE720];
	[tilespmem:s2+$0x11190] =	vst v27  }
0x1fa: {  	v12 =	vld [tilespmem:s31+$0xE730];
	[tilespmem:s2+$0x111A0] =	vst v13  }
0x1fb: {  	v13 =	vld [tilespmem:s31+$0xE740];
	[tilespmem:s2+$0x111B0] =	vst v11  }
0x1fc: {  	v10 =	vld [tilespmem:s31+$0xE750];
	[tilespmem:s2+$0x111C0] =	vst v36  }
0x1fd: {  	v11 =	vld [tilespmem:s31+$0xE760];
	[tilespmem:s2+$0x111D0] =	vst v29  }
0x1fe: {  	v8 =	vld [tilespmem:s31+$0xE770];
	[tilespmem:s2+$0x111E0] =	vst v28  }
0x1ff: {  	v9 =	vld [tilespmem:s31+$0xE780];
	[tilespmem:s2+$0x111F0] =	vst v7  }
0x200: {  	v7 =	vld [tilespmem:s31+$0xE790];
	[tilespmem:s2+$0x11200] =	vst v32  }
0x201: {  	v6 =	vld [tilespmem:s31+$0xE7A0];
	[tilespmem:s2+$0x11210] =	vst v37  }
0x202: {  	v4 =	vld [tilespmem:s31+$0xE7B0];
	[tilespmem:s2+$0x11220] =	vst v33  }
.Ltmp7:
0x203: {  	v5 =	vld [tilespmem:s31+$0xE7C0];
	[tilespmem:s2+$0x11230] =	vst v35;
	(pc) =	sbr.rel @p2 .LBB2_4-.Ltmp7, $4  }
0x204: {  	v3 =	vld [tilespmem:s31+$0xE7D0];
	[tilespmem:s2+$0x11240] =	vst v34  }
0x205: {  	v2 =	vld [tilespmem:s31+$0xE7E0];
	[tilespmem:s2+$0x11250] =	vst v30  }
0x206: {  	s16 =	sadd.s32 $0x10, s16;
	v1 =	vld [tilespmem:s31+$0xE7F0];
	[tilespmem:s2+$0x11260] =	vst v0;
	s2 =	smov.u32 s31  }
0x207: {  	s15 =	sadd.s32 $0x1000, s15;
	v0 =	vld [tilespmem:s16+$0x0]  }
0x208: {  	_ =	sdelay $0x3  }
0x209: {  	v30 =	vbroadcast v0, $0x0;
	_ =	sdelay $0x1  }
0x20a: {  	v24 =	vmul.f32 v30, v24  }
0x20b: {  	v25 =	vmul.f32 v25, v30  }
0x20c: {  	v35 =	vbroadcast v0, $0x1;
	v23 =	vmul.f32 v23, v30;
	[tilespmem:s2+$0x10E70] =	vst v24  }
0x20d: {  	v22 =	vmul.f32 v22, v30;
	[tilespmem:s2+$0x10E80] =	vst v25  }
0x20e: {  	v20 =	vmul.f32 v20, v35;
	[tilespmem:s2+$0x10E90] =	vst v23  }
0x20f: {  	v21 =	vmul.f32 v21, v35;
	[tilespmem:s2+$0x10EA0] =	vst v22  }
0x210: {  	v49 =	vbroadcast v0, $0x2;
	v19 =	vmul.f32 v19, v35;
	[tilespmem:s2+$0x10EB0] =	vst v20  }
0x211: {  	v18 =	vmul.f32 v18, v35;
	[tilespmem:s2+$0x10EC0] =	vst v21  }
0x212: {  	v16 =	vmul.f32 v16, v49;
	[tilespmem:s2+$0x10ED0] =	vst v19  }
0x213: {  	v17 =	vmul.f32 v17, v49;
	[tilespmem:s2+$0x10EE0] =	vst v18  }
0x214: {  	v50 =	vbroadcast v0, $0x3;
	v15 =	vmul.f32 v15, v49;
	[tilespmem:s2+$0x10EF0] =	vst v16  }
0x215: {  	v14 =	vmul.f32 v14, v49;
	[tilespmem:s2+$0x10F00] =	vst v17  }
0x216: {  	v12 =	vmul.f32 v12, v50;
	[tilespmem:s2+$0x10F10] =	vst v15  }
0x217: {  	v13 =	vmul.f32 v13, v50;
	[tilespmem:s2+$0x10F20] =	vst v14  }
0x218: {  	v51 =	vbroadcast v0, $0x4;
	v10 =	vmul.f32 v10, v50;
	[tilespmem:s2+$0x10F30] =	vst v12  }
0x219: {  	v11 =	vmul.f32 v11, v50;
	[tilespmem:s2+$0x10F40] =	vst v13  }
0x21a: {  	v8 =	vmul.f32 v8, v51;
	[tilespmem:s2+$0x10F50] =	vst v10  }
0x21b: {  	v9 =	vmul.f32 v9, v51;
	[tilespmem:s2+$0x10F60] =	vst v11  }
0x21c: {  	v52 =	vbroadcast v0, $0x5;
	v7 =	vmul.f32 v7, v51;
	[tilespmem:s2+$0x10F70] =	vst v8  }
0x21d: {  	v6 =	vmul.f32 v6, v51;
	[tilespmem:s2+$0x10F80] =	vst v9  }
0x21e: {  	v26 =	vld [tilespmem:s2+$0xE800];
	v4 =	vmul.f32 v4, v52;
	[tilespmem:s2+$0x10F90] =	vst v7  }
0x21f: {  	v27 =	vld [tilespmem:s2+$0xE810];
	v5 =	vmul.f32 v5, v52;
	[tilespmem:s2+$0x10FA0] =	vst v6  }
0x220: {  	v28 =	vld [tilespmem:s2+$0xE820];
	v53 =	vbroadcast v0, $0x6;
	v3 =	vmul.f32 v3, v52;
	[tilespmem:s2+$0x10FB0] =	vst v4  }
0x221: {  	v29 =	vld [tilespmem:s2+$0xE830];
	v2 =	vmul.f32 v2, v52;
	[tilespmem:s2+$0x10FC0] =	vst v5  }
0x222: {  	v31 =	vld [tilespmem:s2+$0xE840];
	v1 =	vmul.f32 v1, v53;
	[tilespmem:s2+$0x10FD0] =	vst v3  }
0x223: {  	v32 =	vld [tilespmem:s2+$0xE850];
	v26 =	vmul.f32 v26, v53;
	[tilespmem:s2+$0x10FE0] =	vst v2  }
0x224: {  	v33 =	vld [tilespmem:s2+$0xE860];
	v54 =	vbroadcast v0, $0x7;
	v27 =	vmul.f32 v27, v53;
	[tilespmem:s2+$0x10FF0] =	vst v1  }
0x225: {  	v34 =	vld [tilespmem:s2+$0xE870];
	v28 =	vmul.f32 v28, v53;
	[tilespmem:s2+$0x11000] =	vst v26  }
0x226: {  	v29 =	vmul.f32 v29, v54;
	v24 =	vld [tilespmem:s2+$0xE880];
	[tilespmem:s2+$0x11010] =	vst v27  }
0x227: {  	v56 =	vmul.f32 v31, v54;
	v25 =	vld [tilespmem:s2+$0xE890];
	[tilespmem:s2+$0x11020] =	vst v28  }
0x228: {  	v59 =	vbroadcast v0, $0x8;
	v58 =	vmul.f32 v32, v54;
	v23 =	vld [tilespmem:s2+$0xE8A0];
	[tilespmem:s2+$0x11030] =	vst v29  }
0x229: {  	v33 =	vmul.f32 v33, v54;
	v22 =	vld [tilespmem:s2+$0xE8B0];
	[tilespmem:s2+$0x11040] =	vst v56  }
0x22a: {  	v61 =	vmul.f32 v34, v59;
	v20 =	vld [tilespmem:s2+$0xE8C0];
	[tilespmem:s2+$0x11050] =	vst v58  }
0x22b: {  	v21 =	vld [tilespmem:s2+$0xE8D0];
	[tilespmem:s2+$0x11060] =	vst v33;
	v24 =	vmul.f32 v24, v59  }
0x22c: {  	v63 =	vbroadcast v0, $0x9;
	v19 =	vld [tilespmem:s2+$0xE8E0];
	[tilespmem:s2+$0x11070] =	vst v61;
	v25 =	vmul.f32 v25, v59  }
0x22d: {  	v18 =	vld [tilespmem:s2+$0xE8F0];
	v23 =	vmul.f32 v23, v59;
	[tilespmem:s2+$0x11080] =	vst v24  }
0x22e: {  	v16 =	vld [tilespmem:s2+$0xE900];
	v22 =	vmul.f32 v22, v63;
	[tilespmem:s2+$0x11090] =	vst v25  }
0x22f: {  	v17 =	vld [tilespmem:s2+$0xE910];
	v20 =	vmul.f32 v20, v63;
	[tilespmem:s2+$0x110A0] =	vst v23  }
0x230: {  	v15 =	vld [tilespmem:s2+$0xE920];
	v21 =	vmul.f32 v21, v63;
	v23 =	vbroadcast v0, $0xA;
	[tilespmem:s2+$0x110B0] =	vst v22  }
0x231: {  	v14 =	vld [tilespmem:s2+$0xE930];
	v19 =	vmul.f32 v19, v63;
	[tilespmem:s2+$0x110C0] =	vst v20  }
0x232: {  	v12 =	vld [tilespmem:s2+$0xE940];
	[tilespmem:s2+$0x110D0] =	vst v21;
	v18 =	vmul.f32 v18, v23  }
0x233: {  	v13 =	vld [tilespmem:s2+$0xE950];
	[tilespmem:s2+$0x110E0] =	vst v19;
	v16 =	vmul.f32 v16, v23  }
0x234: {  	v10 =	vld [tilespmem:s2+$0xE960];
	v19 =	vbroadcast v0, $0xB;
	v17 =	vmul.f32 v17, v23;
	[tilespmem:s2+$0x110F0] =	vst v18  }
0x235: {  	v11 =	vld [tilespmem:s2+$0xE970];
	v15 =	vmul.f32 v15, v23;
	[tilespmem:s2+$0x11100] =	vst v16  }
0x236: {  	v8 =	vld [tilespmem:s2+$0xE980];
	v14 =	vmul.f32 v14, v19;
	[tilespmem:s2+$0x11110] =	vst v17  }
0x237: {  	v9 =	vld [tilespmem:s2+$0xE990];
	v12 =	vmul.f32 v12, v19;
	[tilespmem:s2+$0x11120] =	vst v15  }
0x238: {  	v7 =	vld [tilespmem:s2+$0xE9A0];
	v13 =	vmul.f32 v13, v19;
	v15 =	vbroadcast v0, $0xC;
	[tilespmem:s2+$0x11130] =	vst v14  }
0x239: {  	v6 =	vld [tilespmem:s2+$0xE9B0];
	v10 =	vmul.f32 v10, v19;
	[tilespmem:s2+$0x11140] =	vst v12  }
0x23a: {  	v4 =	vld [tilespmem:s2+$0xE9C0];
	[tilespmem:s2+$0x11150] =	vst v13;
	v11 =	vmul.f32 v11, v15  }
0x23b: {  	v5 =	vld [tilespmem:s2+$0xE9D0];
	[tilespmem:s2+$0x11160] =	vst v10;
	v8 =	vmul.f32 v8, v15  }
0x23c: {  	v3 =	vld [tilespmem:s2+$0xE9E0];
	v10 =	vbroadcast v0, $0xD;
	v9 =	vmul.f32 v9, v15;
	[tilespmem:s2+$0x11170] =	vst v11  }
0x23d: {  	v2 =	vld [tilespmem:s2+$0xE9F0];
	v7 =	vmul.f32 v7, v15;
	[tilespmem:s2+$0x11180] =	vst v8  }
0x23e: {  	v1 =	vld [tilespmem:s2+$0xEA00];
	v6 =	vmul.f32 v6, v10;
	[tilespmem:s2+$0x11190] =	vst v9  }
0x23f: {  	v26 =	vld [tilespmem:s2+$0xEA10];
	v4 =	vmul.f32 v4, v10;
	[tilespmem:s2+$0x111A0] =	vst v7  }
0x240: {  	v27 =	vld [tilespmem:s2+$0xEA20];
	v5 =	vmul.f32 v5, v10;
	v7 =	vbroadcast v0, $0xE;
	[tilespmem:s2+$0x111B0] =	vst v6  }
0x241: {  	v55 =	vld [tilespmem:s2+$0xEA30];
	v3 =	vmul.f32 v3, v10;
	[tilespmem:s2+$0x111C0] =	vst v4  }
0x242: {  	v57 =	vld [tilespmem:s2+$0xEA40];
	[tilespmem:s2+$0x111D0] =	vst v5;
	v2 =	vmul.f32 v2, v7  }
0x243: {  	v60 =	vld [tilespmem:s2+$0xEA50];
	[tilespmem:s2+$0x111E0] =	vst v3;
	v1 =	vmul.f32 v1, v7  }
0x244: {  	v62 =	vld [tilespmem:s2+$0xEA60];
	v0 =	vbroadcast v0, $0xF;
	v3 =	vmul.f32 v26, v7;
	[tilespmem:s2+$0x111F0] =	vst v2  }
0x245: {  	v2 =	vmul.f32 v27, v7;
	[tilespmem:s2+$0x11200] =	vst v1  }
0x246: {  	v1 =	vmul.f32 v55, v0;
	[tilespmem:s2+$0x11210] =	vst v3  }
0x247: {  	v3 =	vmul.f32 v57, v0;
	[tilespmem:s2+$0x11220] =	vst v2  }
0x248: {  	v2 =	vmul.f32 v60, v0;
	[tilespmem:s2+$0x11230] =	vst v1  }
0x249: {  	p2 =	seq.s32 s29, $0x7C;
	v0 =	vmul.f32 v62, v0;
	[tilespmem:s2+$0x11240] =	vst v3  }
0x24a: {  	s6 =	sshra.s32 @!p2 s0, $0x2;
	[tilespmem:s2+$0x11250] =	vst v2  }
0x24b: {  	s15 =	simm.s32 @!p2 $0xEA60;
	[tilespmem:s2+$0x11260] =	vst v0;
	s2 =	sadd.s32 @!p2 $0xA0, s6;
	s6 =	simm.s32 @!p2 $0x50  }
0x24c: {  	[tilespmem:s15], [sflag:$0x1] =	stream.indirect.gather @!p2 [hbm4b:s1+s6], $0x40, s2, s6, $0xb8;
	[tilespmem:$0x1DA60] =	vst v63  }
0x24d: {  	s2 =	sshra.s32 s0, $0x2  }
0x24e: {  	s16 =	sadd.s32 $0x4E20, s2  }
0x24f: {  	[spmem:s3] =	stream.indirect.scatter.add.f32 [tilespmem:s24], [sflag:$0x3], $0x40, s16, s21, $0xb8;
	[tilespmem:$0x1DA60] =	vst v63  }
0x250: {  	_ =	swait.ge [sflag:s18], $0x1400  }
0x251: {  	[sflag:s18] =	ssyncset.done $0x0  }
0x252: {  	s6 =	simm.s32 @!p1 $0x4;
	[sflag:s18] =	ssyncadd.s32 $0xFFFFEC00  }
0x253: {  	_ =	swait.ge @!p1 [sflag:s6], $0x1400  }
0x254: {  	[sflag:s6] =	ssyncset.done @!p1 $0x0  }
0x255: {  	s15 =	simm.s32 $0x3F0;
	[sflag:s6] =	ssyncadd.s32 @!p1 $0xFFFFEC00  }
0x256: {  	v24 =	vld [tilespmem:s15+$0xFA70]  }
0x257: {  	v25 =	vld [tilespmem:s15+$0xFA80]  }
0x258: {  	v23 =	vld [tilespmem:s15+$0xFA90]  }
0x259: {  	v22 =	vld [tilespmem:s15+$0xFAA0]  }
0x25a: {  	v20 =	vld [tilespmem:s15+$0xFAB0]  }
0x25b: {  	v21 =	vld [tilespmem:s15+$0xFAC0]  }
0x25c: {  	v19 =	vld [tilespmem:s15+$0xFAD0]  }
0x25d: {  	v18 =	vld [tilespmem:s15+$0xFAE0]  }
0x25e: {  	v16 =	vld [tilespmem:s15+$0xFAF0]  }
0x25f: {  	v17 =	vld [tilespmem:s15+$0xFB00]  }
0x260: {  	v15 =	vld [tilespmem:s15+$0xFB10]  }
0x261: {  	v14 =	vld [tilespmem:s15+$0xFB20]  }
0x262: {  	v12 =	vld [tilespmem:s15+$0xFB30]  }
0x263: {  	v13 =	vld [tilespmem:s15+$0xFB40]  }
0x264: {  	v10 =	vld [tilespmem:s15+$0xFB50]  }
0x265: {  	v11 =	vld [tilespmem:s15+$0xFB60]  }
0x266: {  	v8 =	vld [tilespmem:s15+$0xFB70]  }
0x267: {  	v9 =	vld [tilespmem:s15+$0xFB80]  }
0x268: {  	v7 =	vld [tilespmem:s15+$0xFB90]  }
0x269: {  	v6 =	vld [tilespmem:s15+$0xFBA0]  }
0x26a: {  	v4 =	vld [tilespmem:s15+$0xFBB0]  }
0x26b: {  	v5 =	vld [tilespmem:s15+$0xFBC0]  }
0x26c: {  	v3 =	vld [tilespmem:s15+$0xFBD0]  }
0x26d: {  	v2 =	vld [tilespmem:s15+$0xFBE0]  }
0x26e: {  	v1 =	vld [tilespmem:s15+$0xFBF0]  }
0x26f: {  	s31 =	smov.u32 s22;
	s0 =	sadd.s32 $0x140, s0;
	s16 =	simm.s32 $0x1FC0;
	v0 =	vld [tilespmem:s22+$0x0]  }
.LBB2_6:
0x270: {  	p1 =	sne.s32 s16, $0x4FC0;
	v26 =	vld [tilespmem:s15+$0xFC00]  }
0x271: {  	v27 =	vld [tilespmem:s15+$0xFC10]  }
0x272: {  	v28 =	vld [tilespmem:s15+$0xFC20]  }
0x273: {  	v29 =	vld [tilespmem:s15+$0xFC30]  }
0x274: {  	v30 =	vbroadcast v0, $0x0;
	v31 =	vbroadcast v0, $0x1;
	v32 =	vld [tilespmem:s15+$0xFC40]  }
0x275: {  	v33 =	vbroadcast v0, $0x2;
	v34 =	vbroadcast v0, $0x3;
	v35 =	vld [tilespmem:s15+$0xFC50]  }
0x276: {  	v24 =	vmul.f32 v30, v24;
	v25 =	vmul.f32 v25, v30;
	v36 =	vld [tilespmem:s15+$0xFC60]  }
0x277: {  	v23 =	vmul.f32 v23, v30;
	v22 =	vmul.f32 v22, v30;
	v30 =	vld [tilespmem:s15+$0xFC70]  }
0x278: {  	v20 =	vmul.f32 v20, v31;
	v21 =	vmul.f32 v21, v31;
	[tilespmem:s15+$0x12270] =	vst v24;
	v24 =	vld [tilespmem:s15+$0xFC80]  }
0x279: {  	v19 =	vmul.f32 v19, v31;
	v18 =	vmul.f32 v18, v31;
	[tilespmem:s15+$0x12280] =	vst v25;
	v25 =	vld [tilespmem:s15+$0xFC90]  }
0x27a: {  	v16 =	vmul.f32 v16, v33;
	v17 =	vmul.f32 v17, v33;
	[tilespmem:s15+$0x12290] =	vst v23;
	v23 =	vld [tilespmem:s15+$0xFCA0]  }
0x27b: {  	v15 =	vmul.f32 v15, v33;
	v14 =	vmul.f32 v14, v33;
	[tilespmem:s15+$0x122A0] =	vst v22;
	v22 =	vld [tilespmem:s15+$0xFCB0]  }
0x27c: {  	v12 =	vmul.f32 v12, v34;
	v13 =	vmul.f32 v13, v34;
	[tilespmem:s15+$0x122B0] =	vst v20;
	v20 =	vld [tilespmem:s15+$0xFCC0]  }
0x27d: {  	v10 =	vmul.f32 v10, v34;
	v11 =	vmul.f32 v11, v34;
	[tilespmem:s15+$0x122C0] =	vst v21;
	v21 =	vld [tilespmem:s15+$0xFCD0]  }
0x27e: {  	v31 =	vbroadcast v0, $0x5;
	[tilespmem:s15+$0x122D0] =	vst v19;
	v19 =	vbroadcast v0, $0x4;
	v33 =	vld [tilespmem:s15+$0xFCE0]  }
0x27f: {  	v34 =	vbroadcast v0, $0x7;
	[tilespmem:s15+$0x122E0] =	vst v18;
	v18 =	vbroadcast v0, $0x6;
	v37 =	vld [tilespmem:s15+$0xFCF0]  }
0x280: {  	[tilespmem:s15+$0x122F0] =	vst v16;
	v8 =	vmul.f32 v8, v19;
	v9 =	vmul.f32 v9, v19;
	v16 =	vld [tilespmem:s15+$0xFD00]  }
0x281: {  	v7 =	vmul.f32 v7, v19;
	v6 =	vmul.f32 v6, v19;
	[tilespmem:s15+$0x12300] =	vst v17;
	v17 =	vld [tilespmem:s15+$0xFD10]  }
0x282: {  	v4 =	vmul.f32 v4, v31;
	v5 =	vmul.f32 v5, v31;
	[tilespmem:s15+$0x12310] =	vst v15;
	v15 =	vld [tilespmem:s15+$0xFD20]  }
0x283: {  	v3 =	vmul.f32 v3, v31;
	v2 =	vmul.f32 v2, v31;
	[tilespmem:s15+$0x12320] =	vst v14;
	v14 =	vld [tilespmem:s15+$0xFD30]  }
0x284: {  	v1 =	vmul.f32 v1, v18;
	[tilespmem:s15+$0x12330] =	vst v12;
	v12 =	vmul.f32 v26, v18;
	v19 =	vld [tilespmem:s15+$0xFD40]  }
0x285: {  	[tilespmem:s15+$0x12340] =	vst v13;
	v13 =	vmul.f32 v27, v18;
	v18 =	vmul.f32 v28, v18;
	v26 =	vld [tilespmem:s15+$0xFD50]  }
0x286: {  	v27 =	vmul.f32 v32, v34;
	[tilespmem:s15+$0x12350] =	vst v10;
	v10 =	vmul.f32 v29, v34;
	v28 =	vld [tilespmem:s15+$0xFD60]  }
0x287: {  	v29 =	vmul.f32 v36, v34;
	[tilespmem:s15+$0x12360] =	vst v11;
	v11 =	vmul.f32 v35, v34;
	v31 =	vld [tilespmem:s15+$0xFD70]  }
0x288: {  	v32 =	vbroadcast v0, $0x9;
	[tilespmem:s15+$0x12370] =	vst v8;
	v8 =	vbroadcast v0, $0x8;
	v34 =	vld [tilespmem:s15+$0xFD80]  }
0x289: {  	v35 =	vbroadcast v0, $0xB;
	[tilespmem:s15+$0x12380] =	vst v9;
	v9 =	vbroadcast v0, $0xA;
	v36 =	vld [tilespmem:s15+$0xFD90]  }
0x28a: {  	[tilespmem:s15+$0x12390] =	vst v7;
	v7 =	vmul.f32 v30, v8;
	v24 =	vmul.f32 v24, v8;
	v30 =	vld [tilespmem:s15+$0xFDA0]  }
0x28b: {  	[tilespmem:s15+$0x123A0] =	vst v6;
	v6 =	vmul.f32 v25, v8;
	v8 =	vmul.f32 v23, v8;
	v23 =	vld [tilespmem:s15+$0xFDB0]  }
0x28c: {  	v20 =	vmul.f32 v20, v32;
	[tilespmem:s15+$0x123B0] =	vst v4;
	v4 =	vmul.f32 v22, v32;
	v22 =	vld [tilespmem:s15+$0xFDC0]  }
0x28d: {  	[tilespmem:s15+$0x123C0] =	vst v5;
	v5 =	vmul.f32 v21, v32;
	v21 =	vmul.f32 v33, v32;
	v25 =	vld [tilespmem:s15+$0xFDD0]  }
0x28e: {  	v16 =	vmul.f32 v16, v9;
	[tilespmem:s15+$0x123D0] =	vst v3;
	v3 =	vmul.f32 v37, v9;
	v32 =	vld [tilespmem:s15+$0xFDE0]  }
0x28f: {  	[tilespmem:s15+$0x123E0] =	vst v2;
	v2 =	vmul.f32 v17, v9;
	v9 =	vmul.f32 v15, v9;
	v15 =	vld [tilespmem:s15+$0xFDF0]  }
0x290: {  	[tilespmem:s15+$0x123F0] =	vst v1;
	v1 =	vmul.f32 v14, v35;
	v14 =	vmul.f32 v19, v35;
	v17 =	vld [tilespmem:s15+$0xFE00]  }
0x291: {  	[tilespmem:s15+$0x12400] =	vst v12;
	v12 =	vmul.f32 v26, v35;
	v26 =	vmul.f32 v28, v35;
	v19 =	vld [tilespmem:s15+$0xFE10]  }
0x292: {  	v28 =	vbroadcast v0, $0xD;
	[tilespmem:s15+$0x12410] =	vst v13;
	v13 =	vbroadcast v0, $0xC;
	v33 =	vld [tilespmem:s15+$0xFE20]  }
0x293: {  	[tilespmem:s15+$0x12420] =	vst v18;
	v18 =	vbroadcast v0, $0xE;
	v35 =	vld [tilespmem:s15+$0xFE30];
	v0 =	vbroadcast v0, $0xF  }
0x294: {  	[tilespmem:s15+$0x12430] =	vst v10;
	v10 =	vmul.f32 v31, v13;
	v31 =	vmul.f32 v34, v13;
	v34 =	vld [tilespmem:s15+$0xFE40]  }
0x295: {  	[tilespmem:s15+$0x12440] =	vst v27;
	v27 =	vmul.f32 v36, v13;
	v13 =	vmul.f32 v30, v13;
	v30 =	vld [tilespmem:s15+$0xFE50]  }
0x296: {  	v36 =	vmul.f32 v22, v28;
	[tilespmem:s15+$0x12450] =	vst v11;
	v11 =	vmul.f32 v23, v28;
	v22 =	vld [tilespmem:s15+$0xFE60]  }
0x297: {  	[tilespmem:s15+$0x12460] =	vst v29;
	v29 =	vmul.f32 v25, v28;
	v28 =	vmul.f32 v32, v28  }
0x298: {  	v32 =	vmul.f32 v17, v18;
	[tilespmem:s15+$0x12470] =	vst v7;
	v7 =	vmul.f32 v15, v18  }
0x299: {  	v37 =	vmul.f32 v19, v18;
	v33 =	vmul.f32 v33, v18;
	[tilespmem:s15+$0x12480] =	vst v24  }
0x29a: {  	v35 =	vmul.f32 v35, v0;
	v34 =	vmul.f32 v34, v0;
	[tilespmem:s15+$0x12490] =	vst v6  }
0x29b: {  	v30 =	vmul.f32 v30, v0;
	[tilespmem:s15+$0x124A0] =	vst v8;
	v0 =	vmul.f32 v22, v0  }
0x29c: {  	[tilespmem:s15+$0x124B0] =	vst v4  }
0x29d: {  	[tilespmem:s15+$0x124C0] =	vst v20  }
0x29e: {  	s6 =	sshra.s32 s16, $0x2;
	[tilespmem:s15+$0x124D0] =	vst v5  }
0x29f: {  	v24 =	vld [tilespmem:s6+$0xFA70];
	[tilespmem:s15+$0x124E0] =	vst v21  }
0x2a0: {  	v25 =	vld [tilespmem:s6+$0xFA80];
	[tilespmem:s15+$0x124F0] =	vst v3  }
0x2a1: {  	v23 =	vld [tilespmem:s6+$0xFA90];
	[tilespmem:s15+$0x12500] =	vst v16  }
0x2a2: {  	v22 =	vld [tilespmem:s6+$0xFAA0];
	[tilespmem:s15+$0x12510] =	vst v2  }
0x2a3: {  	v20 =	vld [tilespmem:s6+$0xFAB0];
	[tilespmem:s15+$0x12520] =	vst v9  }
0x2a4: {  	v21 =	vld [tilespmem:s6+$0xFAC0];
	[tilespmem:s15+$0x12530] =	vst v1  }
0x2a5: {  	v19 =	vld [tilespmem:s6+$0xFAD0];
	[tilespmem:s15+$0x12540] =	vst v14  }
0x2a6: {  	v18 =	vld [tilespmem:s6+$0xFAE0];
	[tilespmem:s15+$0x12550] =	vst v12  }
0x2a7: {  	v16 =	vld [tilespmem:s6+$0xFAF0];
	[tilespmem:s15+$0x12560] =	vst v26  }
0x2a8: {  	v17 =	vld [tilespmem:s6+$0xFB00];
	[tilespmem:s15+$0x12570] =	vst v10  }
0x2a9: {  	v15 =	vld [tilespmem:s6+$0xFB10];
	[tilespmem:s15+$0x12580] =	vst v31  }
0x2aa: {  	v14 =	vld [tilespmem:s6+$0xFB20];
	[tilespmem:s15+$0x12590] =	vst v27  }
0x2ab: {  	v12 =	vld [tilespmem:s6+$0xFB30];
	[tilespmem:s15+$0x125A0] =	vst v13  }
0x2ac: {  	v13 =	vld [tilespmem:s6+$0xFB40];
	[tilespmem:s15+$0x125B0] =	vst v11  }
0x2ad: {  	v10 =	vld [tilespmem:s6+$0xFB50];
	[tilespmem:s15+$0x125C0] =	vst v36  }
0x2ae: {  	v11 =	vld [tilespmem:s6+$0xFB60];
	[tilespmem:s15+$0x125D0] =	vst v29  }
0x2af: {  	v8 =	vld [tilespmem:s6+$0xFB70];
	[tilespmem:s15+$0x125E0] =	vst v28  }
0x2b0: {  	v9 =	vld [tilespmem:s6+$0xFB80];
	[tilespmem:s15+$0x125F0] =	vst v7  }
0x2b1: {  	v7 =	vld [tilespmem:s6+$0xFB90];
	[tilespmem:s15+$0x12600] =	vst v32  }
0x2b2: {  	v6 =	vld [tilespmem:s6+$0xFBA0];
	[tilespmem:s15+$0x12610] =	vst v37  }
0x2b3: {  	v4 =	vld [tilespmem:s6+$0xFBB0];
	[tilespmem:s15+$0x12620] =	vst v33  }
.Ltmp8:
0x2b4: {  	v5 =	vld [tilespmem:s6+$0xFBC0];
	[tilespmem:s15+$0x12630] =	vst v35;
	(pc) =	sbr.rel @p1 .LBB2_6-.Ltmp8, $4  }
0x2b5: {  	v3 =	vld [tilespmem:s6+$0xFBD0];
	[tilespmem:s15+$0x12640] =	vst v34  }
0x2b6: {  	v2 =	vld [tilespmem:s6+$0xFBE0];
	[tilespmem:s15+$0x12650] =	vst v30  }
0x2b7: {  	s31 =	sadd.s32 $0x10, s31;
	v1 =	vld [tilespmem:s6+$0xFBF0];
	[tilespmem:s15+$0x12660] =	vst v0;
	s15 =	smov.u32 s6  }
0x2b8: {  	s16 =	sadd.s32 $0x1000, s16;
	v0 =	vld [tilespmem:s31+$0x0]  }
0x2b9: {  	_ =	sdelay $0x3  }
0x2ba: {  	v30 =	vbroadcast v0, $0x0;
	_ =	sdelay $0x1  }
0x2bb: {  	v24 =	vmul.f32 v30, v24  }
0x2bc: {  	v25 =	vmul.f32 v25, v30  }
0x2bd: {  	v35 =	vbroadcast v0, $0x1;
	v23 =	vmul.f32 v23, v30;
	[tilespmem:s15+$0x12270] =	vst v24  }
0x2be: {  	v22 =	vmul.f32 v22, v30;
	[tilespmem:s15+$0x12280] =	vst v25  }
0x2bf: {  	v20 =	vmul.f32 v20, v35;
	[tilespmem:s15+$0x12290] =	vst v23  }
0x2c0: {  	v21 =	vmul.f32 v21, v35;
	[tilespmem:s15+$0x122A0] =	vst v22  }
0x2c1: {  	v53 =	vbroadcast v0, $0x2;
	v19 =	vmul.f32 v19, v35;
	[tilespmem:s15+$0x122B0] =	vst v20  }
0x2c2: {  	v18 =	vmul.f32 v18, v35;
	[tilespmem:s15+$0x122C0] =	vst v21  }
0x2c3: {  	v16 =	vmul.f32 v16, v53;
	[tilespmem:s15+$0x122D0] =	vst v19  }
0x2c4: {  	v17 =	vmul.f32 v17, v53;
	[tilespmem:s15+$0x122E0] =	vst v18  }
0x2c5: {  	v54 =	vbroadcast v0, $0x3;
	v15 =	vmul.f32 v15, v53;
	[tilespmem:s15+$0x122F0] =	vst v16  }
0x2c6: {  	v14 =	vmul.f32 v14, v53;
	[tilespmem:s15+$0x12300] =	vst v17  }
0x2c7: {  	v12 =	vmul.f32 v12, v54;
	[tilespmem:s15+$0x12310] =	vst v15  }
0x2c8: {  	v13 =	vmul.f32 v13, v54;
	[tilespmem:s15+$0x12320] =	vst v14  }
0x2c9: {  	v55 =	vbroadcast v0, $0x4;
	v10 =	vmul.f32 v10, v54;
	[tilespmem:s15+$0x12330] =	vst v12  }
0x2ca: {  	v11 =	vmul.f32 v11, v54;
	[tilespmem:s15+$0x12340] =	vst v13  }
0x2cb: {  	v8 =	vmul.f32 v8, v55;
	[tilespmem:s15+$0x12350] =	vst v10  }
0x2cc: {  	v9 =	vmul.f32 v9, v55;
	[tilespmem:s15+$0x12360] =	vst v11  }
0x2cd: {  	v60 =	vbroadcast v0, $0x5;
	v7 =	vmul.f32 v7, v55;
	[tilespmem:s15+$0x12370] =	vst v8  }
0x2ce: {  	v6 =	vmul.f32 v6, v55;
	[tilespmem:s15+$0x12380] =	vst v9  }
0x2cf: {  	v26 =	vld [tilespmem:s15+$0xFC00];
	v4 =	vmul.f32 v4, v60;
	[tilespmem:s15+$0x12390] =	vst v7  }
0x2d0: {  	v27 =	vld [tilespmem:s15+$0xFC10];
	v5 =	vmul.f32 v5, v60;
	[tilespmem:s15+$0x123A0] =	vst v6  }
0x2d1: {  	v28 =	vld [tilespmem:s15+$0xFC20];
	v37 =	vbroadcast v0, $0x6;
	v3 =	vmul.f32 v3, v60;
	[tilespmem:s15+$0x123B0] =	vst v4  }
0x2d2: {  	v29 =	vld [tilespmem:s15+$0xFC30];
	v2 =	vmul.f32 v2, v60;
	[tilespmem:s15+$0x123C0] =	vst v5  }
0x2d3: {  	v31 =	vld [tilespmem:s15+$0xFC40];
	v1 =	vmul.f32 v1, v37;
	[tilespmem:s15+$0x123D0] =	vst v3  }
0x2d4: {  	v32 =	vld [tilespmem:s15+$0xFC50];
	v26 =	vmul.f32 v26, v37;
	[tilespmem:s15+$0x123E0] =	vst v2  }
0x2d5: {  	v33 =	vld [tilespmem:s15+$0xFC60];
	v42 =	vbroadcast v0, $0x7;
	v27 =	vmul.f32 v27, v37;
	[tilespmem:s15+$0x123F0] =	vst v1  }
0x2d6: {  	v34 =	vld [tilespmem:s15+$0xFC70];
	v28 =	vmul.f32 v28, v37;
	[tilespmem:s15+$0x12400] =	vst v26  }
0x2d7: {  	v52 =	vld [tilespmem:s15+$0xFC80];
	v29 =	vmul.f32 v29, v42;
	[tilespmem:s15+$0x12410] =	vst v27  }
0x2d8: {  	v56 =	vld [tilespmem:s15+$0xFD60];
	v45 =	vmul.f32 v31, v42;
	[tilespmem:s15+$0x12420] =	vst v28  }
0x2d9: {  	v57 =	vld [tilespmem:s15+$0xFD70];
	v48 =	vbroadcast v0, $0x8;
	v47 =	vmul.f32 v32, v42;
	[tilespmem:s15+$0x12430] =	vst v29  }
0x2da: {  	v58 =	vld [tilespmem:s15+$0xFD80];
	v33 =	vmul.f32 v33, v42;
	[tilespmem:s15+$0x12440] =	vst v45  }
0x2db: {  	v59 =	vld [tilespmem:s15+$0xFD90];
	v50 =	vmul.f32 v34, v48;
	v54 =	vbroadcast v0, $0xB;
	[tilespmem:s15+$0x12450] =	vst v47  }
0x2dc: {  	v61 =	vld [tilespmem:s15+$0xFDA0];
	v55 =	vbroadcast v0, $0xC;
	v24 =	vmul.f32 v52, v48;
	[tilespmem:s15+$0x12460] =	vst v33  }
0x2dd: {  	v62 =	vld [tilespmem:s15+$0xFDB0];
	[tilespmem:s15+$0x12470] =	vst v50;
	v10 =	vmul.f32 v56, v54  }
0x2de: {  	v63 =	vld [tilespmem:s15+$0xFDC0];
	v11 =	vmul.f32 v57, v55;
	[tilespmem:s15+$0x12480] =	vst v24  }
0x2df: {  	v36 =	vld [tilespmem:s15+$0xFDD0];
	v8 =	vmul.f32 v58, v55;
	[tilespmem:s15+$0x12560] =	vst v10  }
0x2e0: {  	v38 =	vld [tilespmem:s15+$0xFDE0];
	v56 =	vbroadcast v0, $0xD;
	v9 =	vmul.f32 v59, v55;
	[tilespmem:s15+$0x12570] =	vst v11  }
0x2e1: {  	v39 =	vld [tilespmem:s15+$0xFDF0];
	v7 =	vmul.f32 v61, v55;
	[tilespmem:s15+$0x12580] =	vst v8  }
0x2e2: {  	v40 =	vld [tilespmem:s15+$0xFE00];
	v6 =	vmul.f32 v62, v56;
	[tilespmem:s15+$0x12590] =	vst v9  }
0x2e3: {  	v41 =	vld [tilespmem:s15+$0xFE10];
	v4 =	vmul.f32 v63, v56;
	[tilespmem:s15+$0x125A0] =	vst v7  }
0x2e4: {  	v43 =	vld [tilespmem:s15+$0xFE20];
	v57 =	vbroadcast v0, $0xE;
	v5 =	vmul.f32 v36, v56;
	[tilespmem:s15+$0x125B0] =	vst v6  }
0x2e5: {  	v44 =	vld [tilespmem:s15+$0xFE30];
	v3 =	vmul.f32 v38, v56;
	[tilespmem:s15+$0x125C0] =	vst v4  }
0x2e6: {  	v46 =	vld [tilespmem:s15+$0xFE40];
	v2 =	vmul.f32 v39, v57;
	[tilespmem:s15+$0x125D0] =	vst v5  }
0x2e7: {  	v49 =	vld [tilespmem:s15+$0xFE50];
	v1 =	vmul.f32 v40, v57;
	[tilespmem:s15+$0x125E0] =	vst v3  }
0x2e8: {  	v51 =	vld [tilespmem:s15+$0xFE60];
	v58 =	vbroadcast v0, $0xF;
	v59 =	vmul.f32 v41, v57;
	[tilespmem:s15+$0x125F0] =	vst v2  }
0x2e9: {  	v25 =	vld [tilespmem:s15+$0xFC90];
	v60 =	vmul.f32 v43, v57;
	[tilespmem:s15+$0x12600] =	vst v1  }
0x2ea: {  	v23 =	vld [tilespmem:s15+$0xFCA0];
	v61 =	vmul.f32 v44, v58;
	[tilespmem:s15+$0x12610] =	vst v59  }
0x2eb: {  	v22 =	vld [tilespmem:s15+$0xFCB0];
	v62 =	vmul.f32 v46, v58;
	[tilespmem:s15+$0x12620] =	vst v60  }
0x2ec: {  	v53 =	vbroadcast v0, $0xA;
	v20 =	vld [tilespmem:s15+$0xFCC0];
	v63 =	vmul.f32 v49, v58;
	[tilespmem:s15+$0x12630] =	vst v61  }
0x2ed: {  	v21 =	vld [tilespmem:s15+$0xFCD0];
	v52 =	vbroadcast v0, $0x9;
	v0 =	vmul.f32 v51, v58;
	[tilespmem:s15+$0x12640] =	vst v62  }
0x2ee: {  	v19 =	vld [tilespmem:s15+$0xFCE0];
	[tilespmem:s15+$0x12650] =	vst v63;
	v25 =	vmul.f32 v25, v48  }
0x2ef: {  	v18 =	vld [tilespmem:s15+$0xFCF0];
	[tilespmem:s15+$0x12660] =	vst v0;
	v23 =	vmul.f32 v23, v48  }
0x2f0: {  	v16 =	vld [tilespmem:s15+$0xFD00];
	v22 =	vmul.f32 v22, v52;
	[tilespmem:s15+$0x12490] =	vst v25  }
0x2f1: {  	v17 =	vld [tilespmem:s15+$0xFD10];
	v20 =	vmul.f32 v20, v52;
	[tilespmem:s15+$0x124A0] =	vst v23  }
0x2f2: {  	v15 =	vld [tilespmem:s15+$0xFD20];
	v21 =	vmul.f32 v21, v52;
	[tilespmem:s15+$0x124B0] =	vst v22  }
0x2f3: {  	v14 =	vld [tilespmem:s15+$0xFD30];
	v19 =	vmul.f32 v19, v52;
	[tilespmem:s15+$0x124C0] =	vst v20  }
0x2f4: {  	v12 =	vld [tilespmem:s15+$0xFD40];
	v18 =	vmul.f32 v18, v53;
	[tilespmem:s15+$0x124D0] =	vst v21  }
0x2f5: {  	v13 =	vld [tilespmem:s15+$0xFD50];
	v16 =	vmul.f32 v16, v53;
	[tilespmem:s15+$0x124E0] =	vst v19  }
0x2f6: {  	v17 =	vmul.f32 v17, v53;
	[tilespmem:s15+$0x124F0] =	vst v18  }
0x2f7: {  	v15 =	vmul.f32 v15, v53;
	[tilespmem:s15+$0x12500] =	vst v16  }
.Ltmp9:
0x2f8: {  	v14 =	vmul.f32 v14, v54;
	[tilespmem:s15+$0x12510] =	vst v17;
	(pc) =	sbr.rel @p2 .LBB2_16-.Ltmp9, $4  }
0x2f9: {  	v12 =	vmul.f32 v12, v54;
	[tilespmem:s15+$0x12520] =	vst v15  }
0x2fa: {  	v13 =	vmul.f32 v13, v54;
	[tilespmem:s15+$0x12530] =	vst v14  }
0x2fb: {  	[tilespmem:s15+$0x12540] =	vst v12  }
0x2fc: {  	[tilespmem:s15+$0x12550] =	vst v13  }
.Ltmp10:
0x2fd: {  	(pc) =	sbr.rel .LBB2_3-.Ltmp10, $4  }
0x2fe: {  	s2 =	sadd.s32 $0xF0, s2;
	s0 =	sshra.s32 s0, $0x2;
	s29 =	sadd.s32 $0x1, s29  }
0x2ff: {  	[tilespmem:s23], [sflag:$0x2] =	stream.indirect.gather [hbm4b:s1+s21], $0x40, s2, s21, $0xb8;
	[tilespmem:$0x1DA60] =	vst v63  }
0x300: {  	s30 =	sadd.s32 $0xA0, s30;
	s22 =	sadd.s32 $0xA0, s22;
	s0 =	sadd.s32 $0x4E20, s0  }
0x301: {  	[spmem:s3] =	stream.indirect.scatter.add.f32 [tilespmem:s25], [sflag:$0x4], $0x40, s0, s21, $0xb8;
	[tilespmem:$0x1DA60] =	vst v63  }
.LBB2_17:
0x302: {  	_ =	sfence.sel $0x180000  }
0x303: {  	[bflag:$0x0] =	sbarrier.arrive $0xFFFF  }
0x304: {  	_ =	strace $0x90000047  }
0x305: {  	s0 =	stileid.u32;
	[bflag:$0x2] =	sbarrier.arrive $0xFFFF  }
0x306: {  	p0 =	sne.s32 s0, $0x0;
	s0 =	rddreg [dreg:$0x4]  }
0x307: {  	s0 =	sadd.s32 @!p0 $0x100000, s0  }
0x308: {  	[sflag:s0] =	ssyncadd.tile.s32 @!p0 $0x1;
	_ =	shalt  }
.Lfunc_end2:
_tile_overlayer_lowered:
.L_overlay_start_2:
0x309: {  	(tag) =	ssettag $0x2  }
0x30a: {  	s0 =	rddreg [dreg:$0x0];
	s2 =	stileid.u32  }
0x30b: {  	s1 =	rddreg [dreg:$0x1];
	p0 =	sne.s32 s2, $0x0  }
0x30c: {  	s3 =	rddreg [dreg:$0x2];
	[bflag:$0x3] =	sbarrier.arrive $0xFFFF;
	s2 =	simm.s32 @!p0 $0x1C05  }
0x30d: {  	[timem:s3], [sflag:s2] =	dma.local @!p0 [hbm:s0], s1  }
0x30e: {  	s0 =	simm.s32 @!p0 $0x5  }
0x30f: {  	_ =	swait.ge @!p0 [sflag:s0], s1  }
0x310: {  	s1 =	ssub.s32 @!p0 $0x0, s1;
	[sflag:s0] =	ssyncset.done @!p0 $0x0  }
0x311: {  	[sflag:s0] =	ssyncadd.s32 @!p0 s1  }
0x312: {  	[bflag:$0x3] =	sbarrier.arrive $0xFFFF  }
0x313: {  	_ =	shalt  }

</sc_bundles>
